<compile_context>
chip_gen: v7x
topology: tpu7x:2x2x1
jax: 0.10.2.dev20260603
libtpu: 0.0.44.dev20260713+nightly
codegen_flags: <defaults>
</compile_context>

<pallas_src>
import functools

import jax
import jax.numpy as jnp
from jax import lax
from jax.experimental import pallas as pl
from jax.experimental.pallas import tpu as pltpu
from jax.experimental.pallas import tpu_sc as plsc

N = 10000
D = 128
K = 5000
TILE = 128
NT = (N + TILE - 1) // TILE
NP = NT * TILE
K8 = 5008

NC = 2
NS = 16
NW = NC * NS
GROUP = 4
NG = K // GROUP
CHUNKS = K8 // 16
STAGE = NP // 4


def _rank_kernel(scol_ref, srows_ref, rank_ref):
    i = pl.program_id(0)
    si = scol_ref[...]
    acc = jnp.zeros((TILE, TILE), jnp.float32)
    for j in range(NT):
        sj = srows_ref[j]
        acc = acc + (sj > si).astype(jnp.float32)

    def eq_body(j, a):
        sj = srows_ref[pl.ds(j, 1)].reshape(1, TILE)
        return a + (sj == si).astype(jnp.float32)
    acc = lax.fori_loop(0, i, eq_body, acc)

    sd = srows_ref[pl.ds(i, 1)].reshape(1, TILE)
    lt = (lax.broadcasted_iota(jnp.int32, (TILE, TILE), 1)
          < lax.broadcasted_iota(jnp.int32, (TILE, TILE), 0))
    acc = acc + jnp.where(lt & (sd == si), 1.0, 0.0)
    rank_ref[...] = jnp.sum(acc, axis=1, keepdims=True).astype(jnp.int32)


def _ranks(scores_pad):
    scol = scores_pad.reshape(NP, 1)
    srows = scores_pad.reshape(NT, 1, TILE)
    rank2d = pl.pallas_call(
        _rank_kernel,
        grid=(NT,),
        in_specs=[
            pl.BlockSpec((TILE, 1), lambda i: (i, 0)),
            pl.BlockSpec((NT, 1, TILE), lambda i: (0, 0, 0)),
        ],
        out_specs=pl.BlockSpec((TILE, 1), lambda i: (i, 0)),
        out_shape=jax.ShapeDtypeStruct((NP, 1), jnp.int32),
    )(scol, srows)
    return rank2d.reshape(NP)


def _sc_body(g_hbm, h_hbm, rank_hbm, score_hbm,
             ung_hbm, newh_hbm, idx_hbm,
             rank_st, score_st, idx_v, idxg_v, vals_v,
             rows_a, rows_b, out_v, h_a, h_b, nh_v,
             sga, sgb, sha, shb, semo):
    wid = lax.axis_index("s") * NC + lax.axis_index("c")
    lanes = lax.iota(jnp.int32, 16)

    for st in range(NP // STAGE):
        pltpu.sync_copy(rank_hbm.at[pl.ds(st * STAGE, STAGE)], rank_st)
        pltpu.sync_copy(score_hbm.at[pl.ds(st * STAGE, STAGE)], score_st)

        @pl.loop(0, STAGE // 16)
        def _(c, st=st):
            r16 = rank_st[pl.ds(c * 16, 16)]
            s16 = score_st[pl.ds(c * 16, 16)]
            gidx = lanes + (st * STAGE + c * 16)
            m = r16 < K
            plsc.store_scatter(idx_v, [r16], gidx, mask=m)
            plsc.store_scatter(vals_v, [r16], s16, mask=m)
            t16 = r16 + jnp.bitwise_and(r16, jnp.int32(-4))
            plsc.store_scatter(idxg_v, [t16], gidx, mask=m)

    tail = idx_v[pl.ds(K8 - 16, 16)]
    idx_v[pl.ds(K8 - 16, 16)] = jnp.where(lanes < 8, tail, 0)

    @pl.when(wid == 0)
    def _():
        pltpu.sync_copy(idx_v.at[pl.ds(0, K)], idx_hbm)

    npair_tot = NG // 2
    p0 = wid * (npair_tot // NW) + jnp.minimum(wid, npair_tot % NW)
    npw = npair_tot // NW + jnp.where(wid < npair_tot % NW, 1, 0)
    base_g = 2 * p0
    bufs = ((rows_a, h_a, sga, sha), (rows_b, h_b, sgb, shb))

    def start_fetch(gg, rows_v, h_v, sg, sh):
        gg = jnp.minimum(gg, NG - 1)
        rid16 = idxg_v[pl.ds(8 * gg, 16)]
        for r in range(GROUP):
            pltpu.async_copy(g_hbm.at[pl.ds(rid16[r], 1), :],
                             rows_v.at[pl.ds(r, 1), :], sg)
        pltpu.async_copy(h_hbm.at[idxg_v.at[pl.ds(8 * gg, GROUP)]], h_v, sh)

    def wait_fetch(gg, rows_v, h_v, sg, sh):
        gg = jnp.minimum(gg, NG - 1)
        for r in range(GROUP):
            pltpu.make_async_copy(g_hbm.at[pl.ds(0, 1), :],
                                  rows_v.at[pl.ds(r, 1), :], sg).wait()
        pltpu.make_async_copy(h_hbm.at[idxg_v.at[pl.ds(8 * gg, GROUP)]],
                              h_v, sh).wait()

    def wait_out():
        pltpu.make_async_copy(out_v, ung_hbm.at[pl.ds(0, GROUP), :],
                              semo).wait()
        pltpu.make_async_copy(nh_v, newh_hbm.at[pl.ds(0, GROUP), :],
                              semo).wait()

    start_fetch(base_g, *bufs[0])

    @pl.loop(0, npw)
    def _(p):
        for b in range(2):
            gg = base_g + 2 * p + b
            rows_v, h_v, sg, sh = bufs[b]
            wait_fetch(gg, rows_v, h_v, sg, sh)
            start_fetch(gg + 1, *bufs[1 - b])

            @pl.when(gg > base_g)
            def _():
                wait_out()

            @plsc.parallel_loop(0, CHUNKS - 1, unroll=8)
            def _(c):
                cols16 = idx_v[pl.ds(c * 16, 16)]
                for r in range(GROUP):
                    r16 = jnp.full((16,), r, jnp.int32)
                    v16 = plsc.load_gather(rows_v, [r16, cols16])
                    out_v[r, pl.ds(c * 16, 16)] = v16

            colsT = idx_v[pl.ds((CHUNKS - 1) * 16, 16)]
            mT = lanes < (K - (CHUNKS - 1) * 16)
            tgtT = jnp.minimum(lanes + (CHUNKS - 1) * 16, K - 1)
            for r in range(GROUP):
                r16 = jnp.full((16,), r, jnp.int32)
                vT = plsc.load_gather(rows_v, [r16, colsT])
                plsc.store_scatter(out_v, [r16, tgtT], vT, mask=mT)

            for r in range(GROUP):
                a = GROUP * gg + r
                a16 = jnp.full((16,), a, jnp.int32)
                plsc.addupdate_scatter(out_v,
                                       [jnp.full((16,), r, jnp.int32), a16],
                                       jnp.ones((16,), jnp.float32),
                                       mask=lanes == 0)
                vals16 = plsc.load_gather(vals_v, [a16])
                for cb in range(D // 16):
                    nh_v[r, pl.ds(cb * 16, 16)] = (
                        h_v[r, pl.ds(cb * 16, 16)] * vals16)

            pltpu.async_copy(out_v, ung_hbm.at[pl.ds(GROUP * gg, GROUP), :],
                             semo)
            pltpu.async_copy(nh_v, newh_hbm.at[pl.ds(GROUP * gg, GROUP), :],
                             semo)

    wait_fetch(base_g + 2 * npw, *bufs[0])
    wait_out()


def _sc_call(g, h, rank, scores_pad):
    mesh = plsc.VectorSubcoreMesh(core_axis_name="c", subcore_axis_name="s")
    return pl.kernel(
        _sc_body,
        out_type=[
            jax.ShapeDtypeStruct((K, K), jnp.float32),
            jax.ShapeDtypeStruct((K, D), jnp.float32),
            jax.ShapeDtypeStruct((K,), jnp.int32),
        ],
        mesh=mesh,
        scratch_types=[
            pltpu.VMEM((STAGE,), jnp.int32),
            pltpu.VMEM((STAGE,), jnp.float32),
            pltpu.VMEM((K8,), jnp.int32),
            pltpu.VMEM((2 * K8,), jnp.int32),
            pltpu.VMEM((K8,), jnp.float32),
            pltpu.VMEM((GROUP, N), jnp.float32),
            pltpu.VMEM((GROUP, N), jnp.float32),
            pltpu.VMEM((GROUP, K), jnp.float32),
            pltpu.VMEM((GROUP, D), jnp.float32),
            pltpu.VMEM((GROUP, D), jnp.float32),
            pltpu.VMEM((GROUP, D), jnp.float32),
            pltpu.SemaphoreType.DMA,
            pltpu.SemaphoreType.DMA,
            pltpu.SemaphoreType.DMA,
            pltpu.SemaphoreType.DMA,
            pltpu.SemaphoreType.DMA,
        ],
        compiler_params=pltpu.CompilerParams(needs_layout_passes=False,
                                             use_tc_tiling_on_sc=True),
    )(g, h, rank, scores_pad)


def kernel(g, h, W, b):
    weights = (h @ W + b)[:, 0]
    scores = jax.nn.sigmoid(weights)
    scores_pad = jnp.concatenate(
        [scores, jnp.full((NP - N,), -1.0, jnp.float32)])
    rank = _ranks(scores_pad)
    un_g, new_h, idx = _sc_call(g, h, rank, scores_pad)
    return un_g, new_h, idx

# --- scband reference (transcript-rebuilt; emitter-appended) ---
"""Pipeline reference for scband-graph-unet-66529043415274 (READ-ONLY COPY).

The authoritative reference and input builder live on the scoring server;
editing this copy changes nothing except your own understanding.
"""

import jax, jax.numpy as jnp
import numpy as np

K_RATIO = 0.5

def setup_inputs(seed: int = 0):
    key = jax.random.key(seed)
    kg, kh, kw, kb = jax.random.split(key, 4)
    N = 10000
    D = 128
    g = jax.random.randint(kg, (N, N), 0, 2).astype(jnp.float32)
    h = jax.random.normal(kh, (N, D), dtype=jnp.float32)
    W = jax.random.normal(kw, (D, 1), dtype=jnp.float32) * (1.0 / np.sqrt(D))
    b = jnp.zeros((1,), dtype=jnp.float32)
    return {"g": g, "h": h, "W": W, "b": b}

def reference(g, h, W, b):
    # Pool.forward: proj -> sigmoid -> top_k_graph (rw='self-loop')
    weights = (h @ W + b)[:, 0]           # nn.Linear(in_dim, 1) then squeeze
    scores = jax.nn.sigmoid(weights)      # [N]
    N = g.shape[0]
    k_num = max(2, int(K_RATIO * N))
    values, idx = jax.lax.top_k(scores, k_num)   # torch.topk
    new_h = jnp.take(h, idx, axis=0) * values[:, None]  # gather rows, scale by scores
    un_g = (g != 0).astype(jnp.float32)   # g.bool().float()
    un_g = un_g + jnp.eye(N, dtype=jnp.float32)  # self-loop
    un_g = jnp.take(un_g, idx, axis=0)    # un_g[idx, :]
    un_g = jnp.take(un_g, idx, axis=1)    # un_g[:, idx]
    return un_g, new_h, idx

if __name__ == "__main__":
    import jax
    _d = setup_inputs()
    print(jax.jit(kernel)(*tuple(_d.values())))

</pallas_src>

<mosaic_0001>
#map = affine_map<(d0, d1) -> (0, 0)>
#map1 = affine_map<(d0, d1) -> (0)>
module attributes {stable_mosaic.version = 14 : i64} {
  func.func @_sc_body(%arg0: i32, %arg1: i32, %arg2: memref<10000x10000xf32, #tpu.memory_space<hbm>>, %arg3: memref<10000x128xf32, #tpu.memory_space<hbm>>, %arg4: memref<10112xi32, #tpu.memory_space<hbm>>, %arg5: memref<10112xf32, #tpu.memory_space<hbm>>, %arg6: memref<5000x5000xf32, #tpu.memory_space<hbm>>, %arg7: memref<5000x128xf32, #tpu.memory_space<hbm>>, %arg8: memref<5000xi32, #tpu.memory_space<hbm>>, %arg9: memref<2528xi32, #tpu.memory_space<vmem>>, %arg10: memref<2528xf32, #tpu.memory_space<vmem>>, %arg11: memref<5008xi32, #tpu.memory_space<vmem>>, %arg12: memref<10016xi32, #tpu.memory_space<vmem>>, %arg13: memref<5008xf32, #tpu.memory_space<vmem>>, %arg14: memref<4x10000xf32, #tpu.memory_space<vmem>>, %arg15: memref<4x10000xf32, #tpu.memory_space<vmem>>, %arg16: memref<4x5000xf32, #tpu.memory_space<vmem>>, %arg17: memref<4x128xf32, #tpu.memory_space<vmem>>, %arg18: memref<4x128xf32, #tpu.memory_space<vmem>>, %arg19: memref<4x128xf32, #tpu.memory_space<vmem>>, %arg20: memref<!tpu.dma_semaphore, #tpu.memory_space<semaphore_mem>>, %arg21: memref<!tpu.dma_semaphore, #tpu.memory_space<semaphore_mem>>, %arg22: memref<!tpu.dma_semaphore, #tpu.memory_space<semaphore_mem>>, %arg23: memref<!tpu.dma_semaphore, #tpu.memory_space<semaphore_mem>>, %arg24: memref<!tpu.dma_semaphore, #tpu.memory_space<semaphore_mem>>) attributes {dimension_semantics = [#tpu.dimension_semantics<core_parallel>, #tpu.dimension_semantics<subcore_parallel>], iteration_bounds = array<i64: 2, 16>, scalar_prefetch = 0 : i64, scratch_operands = 16 : i64, tpu.core_type = #tpu.core_type<sc_vector_subcore>, window_params = [{transform_indices = #map}, {transform_indices = #map}, {transform_indices = #map1}, {transform_indices = #map1}, {transform_indices = #map}, {transform_indices = #map}, {transform_indices = #map1}]} {
    %mul3A = arith.constant 2 : i32
    %mul3A_0 = arith.muli %arg1, %mul3A : i32
    %add3A = arith.addi %mul3A_0, %arg0 : i32
    %iota3A = tpu.iota {dimensions = array<i32: 0>} : vector<16xi32>
    "tpu.region"() ({
      %run_scoped3A = tpu.sem_alloc : memref<!tpu.dma_semaphore, #tpu.memory_space<semaphore_mem>>
      %dma_start3A_182 = arith.constant 0 : i32
      %dma_start3A_183 = tpu.memref_slice %arg4[%dma_start3A_182] : memref<10112xi32, #tpu.memory_space<hbm>> -> memref<2528xi32, #tpu.memory_space<hbm>>
      %dma_start3A_184 = arith.constant 0 : i32
      %dma_start3A_185 = tpu.memref_slice %arg4[%dma_start3A_184] : memref<10112xi32, #tpu.memory_space<hbm>> -> memref<2528xi32, #tpu.memory_space<hbm>>
      tpu.enqueue_dma source(%dma_start3A_185 : memref<2528xi32, #tpu.memory_space<hbm>>) target(%arg9 : memref<2528xi32, #tpu.memory_space<vmem>>) target_semaphore(%run_scoped3A : memref<!tpu.dma_semaphore, #tpu.memory_space<semaphore_mem>>)
      %dma_wait3A_186 = arith.constant 0 : i32
      %dma_wait3A_187 = tpu.memref_slice %arg4[%dma_wait3A_186] : memref<10112xi32, #tpu.memory_space<hbm>> -> memref<2528xi32, #tpu.memory_space<hbm>>
      %dma_wait3A_188 = arith.constant 0 : i32
      %dma_wait3A_189 = tpu.memref_slice %arg4[%dma_wait3A_188] : memref<10112xi32, #tpu.memory_space<hbm>> -> memref<2528xi32, #tpu.memory_space<hbm>>
      tpu.wait_dma2 semaphore(%run_scoped3A : memref<!tpu.dma_semaphore, #tpu.memory_space<semaphore_mem>>) src(%dma_wait3A_189 : memref<2528xi32, #tpu.memory_space<hbm>>) dst(%arg9 : memref<2528xi32, #tpu.memory_space<vmem>>)
      tpu.yield
    }) : () -> ()
    "tpu.region"() ({
      %run_scoped3A = tpu.sem_alloc : memref<!tpu.dma_semaphore, #tpu.memory_space<semaphore_mem>>
      %dma_start3A_182 = arith.constant 0 : i32
      %dma_start3A_183 = tpu.memref_slice %arg5[%dma_start3A_182] : memref<10112xf32, #tpu.memory_space<hbm>> -> memref<2528xf32, #tpu.memory_space<hbm>>
      %dma_start3A_184 = arith.constant 0 : i32
      %dma_start3A_185 = tpu.memref_slice %arg5[%dma_start3A_184] : memref<10112xf32, #tpu.memory_space<hbm>> -> memref<2528xf32, #tpu.memory_space<hbm>>
      tpu.enqueue_dma source(%dma_start3A_185 : memref<2528xf32, #tpu.memory_space<hbm>>) target(%arg10 : memref<2528xf32, #tpu.memory_space<vmem>>) target_semaphore(%run_scoped3A : memref<!tpu.dma_semaphore, #tpu.memory_space<semaphore_mem>>)
      %dma_wait3A_186 = arith.constant 0 : i32
      %dma_wait3A_187 = tpu.memref_slice %arg5[%dma_wait3A_186] : memref<10112xf32, #tpu.memory_space<hbm>> -> memref<2528xf32, #tpu.memory_space<hbm>>
      %dma_wait3A_188 = arith.constant 0 : i32
      %dma_wait3A_189 = tpu.memref_slice %arg5[%dma_wait3A_188] : memref<10112xf32, #tpu.memory_space<hbm>> -> memref<2528xf32, #tpu.memory_space<hbm>>
      tpu.wait_dma2 semaphore(%run_scoped3A : memref<!tpu.dma_semaphore, #tpu.memory_space<semaphore_mem>>) src(%dma_wait3A_189 : memref<2528xf32, #tpu.memory_space<hbm>>) dst(%arg10 : memref<2528xf32, #tpu.memory_space<vmem>>)
      tpu.yield
    }) : () -> ()
    %scan3A = arith.constant 0 : i32
    %scan3A_1 = arith.constant 158 : i32
    %scan3A_2 = arith.addi %scan3A, %scan3A_1 : i32
    %scan3A_3 = arith.constant 1 : i32
    scf.for %scan3A_182 = %scan3A to %scan3A_2 step %scan3A_3  : i32 {
      %mul3A_183 = arith.constant 1 : i32
      %mul3A_184 = arith.muli %scan3A_182, %mul3A_183 : i32
      %add3A_185 = arith.constant 0 : i32
      %add3A_186 = arith.addi %add3A_185, %mul3A_184 : i32
      %mul3A_187 = arith.constant 16 : i32
      %mul3A_188 = arith.muli %add3A_186, %mul3A_187 : i32
      %get3A_189 = arith.index_cast %mul3A_188 : i32 to index
      %get3A_190 = tpu.vector_load %arg9[%get3A_189] {strides = array<i32>} : memref<2528xi32, #tpu.memory_space<vmem>>, vector<16xi32>,
      %mul3A_191 = arith.constant 16 : i32
      %mul3A_192 = arith.muli %add3A_186, %mul3A_191 : i32
      %get3A_193 = arith.index_cast %mul3A_192 : i32 to index
      %get3A_194 = tpu.vector_load %arg10[%get3A_193] {strides = array<i32>} : memref<2528xf32, #tpu.memory_space<vmem>>, vector<16xf32>,
      %mul3A_195 = arith.constant 16 : i32
      %mul3A_196 = arith.muli %add3A_186, %mul3A_195 : i32
      %add3A_197 = arith.constant 0 : i32
      %add3A_198 = arith.addi %add3A_197, %mul3A_196 : i32
      %add3A_199 = vector.broadcast %add3A_198 : i32 to vector<16xi32>
      %add3A_200 = arith.addi %iota3A, %add3A_199 : vector<16xi32>
      %lt3A_201 = arith.constant 5000 : i32
      %lt3A_202 = vector.broadcast %lt3A_201 : i32 to vector<16xi32>
      %lt3A_203 = arith.cmpi slt, %get3A_190, %lt3A_202 : vector<16xi32>
      tpu.vector_store_idx %arg11[%get3A_190], %add3A_200 masked %lt3A_203 : memref<5008xi32, #tpu.memory_space<vmem>>[vector<16xi32>], vector<16xi32>, vector<16xi1>
      tpu.vector_store_idx %arg13[%get3A_190], %get3A_194 masked %lt3A_203 : memref<5008xf32, #tpu.memory_space<vmem>>[vector<16xi32>], vector<16xf32>, vector<16xi1>
      %and3A = arith.constant -4 : i32
      %and3A_204 = vector.broadcast %and3A : i32 to vector<16xi32>
      %and3A_205 = arith.andi %get3A_190, %and3A_204 : vector<16xi32>
      %add3A_206 = arith.addi %get3A_190, %and3A_205 : vector<16xi32>
      tpu.vector_store_idx %arg12[%add3A_206], %add3A_200 masked %lt3A_203 : memref<10016xi32, #tpu.memory_space<vmem>>[vector<16xi32>], vector<16xi32>, vector<16xi1>
    }
    %scan3A_4 = arith.constant 158 : i32
    "tpu.region"() ({
      %run_scoped3A = tpu.sem_alloc : memref<!tpu.dma_semaphore, #tpu.memory_space<semaphore_mem>>
      %dma_start3A_182 = arith.constant 2528 : i32
      %dma_start3A_183 = tpu.memref_slice %arg4[%dma_start3A_182] : memref<10112xi32, #tpu.memory_space<hbm>> -> memref<2528xi32, #tpu.memory_space<hbm>>
      %dma_start3A_184 = arith.constant 2528 : i32
      %dma_start3A_185 = tpu.memref_slice %arg4[%dma_start3A_184] : memref<10112xi32, #tpu.memory_space<hbm>> -> memref<2528xi32, #tpu.memory_space<hbm>>
      tpu.enqueue_dma source(%dma_start3A_185 : memref<2528xi32, #tpu.memory_space<hbm>>) target(%arg9 : memref<2528xi32, #tpu.memory_space<vmem>>) target_semaphore(%run_scoped3A : memref<!tpu.dma_semaphore, #tpu.memory_space<semaphore_mem>>)
      %dma_wait3A_186 = arith.constant 2528 : i32
      %dma_wait3A_187 = tpu.memref_slice %arg4[%dma_wait3A_186] : memref<10112xi32, #tpu.memory_space<hbm>> -> memref<2528xi32, #tpu.memory_space<hbm>>
      %dma_wait3A_188 = arith.constant 2528 : i32
      %dma_wait3A_189 = tpu.memref_slice %arg4[%dma_wait3A_188] : memref<10112xi32, #tpu.memory_space<hbm>> -> memref<2528xi32, #tpu.memory_space<hbm>>
      tpu.wait_dma2 semaphore(%run_scoped3A : memref<!tpu.dma_semaphore, #tpu.memory_space<semaphore_mem>>) src(%dma_wait3A_189 : memref<2528xi32, #tpu.memory_space<hbm>>) dst(%arg9 : memref<2528xi32, #tpu.memory_space<vmem>>)
      tpu.yield
    }) : () -> ()
    "tpu.region"() ({
      %run_scoped3A = tpu.sem_alloc : memref<!tpu.dma_semaphore, #tpu.memory_space<semaphore_mem>>
      %dma_start3A_182 = arith.constant 2528 : i32
      %dma_start3A_183 = tpu.memref_slice %arg5[%dma_start3A_182] : memref<10112xf32, #tpu.memory_space<hbm>> -> memref<2528xf32, #tpu.memory_space<hbm>>
      %dma_start3A_184 = arith.constant 2528 : i32
      %dma_start3A_185 = tpu.memref_slice %arg5[%dma_start3A_184] : memref<10112xf32, #tpu.memory_space<hbm>> -> memref<2528xf32, #tpu.memory_space<hbm>>
      tpu.enqueue_dma source(%dma_start3A_185 : memref<2528xf32, #tpu.memory_space<hbm>>) target(%arg10 : memref<2528xf32, #tpu.memory_space<vmem>>) target_semaphore(%run_scoped3A : memref<!tpu.dma_semaphore, #tpu.memory_space<semaphore_mem>>)
      %dma_wait3A_186 = arith.constant 2528 : i32
      %dma_wait3A_187 = tpu.memref_slice %arg5[%dma_wait3A_186] : memref<10112xf32, #tpu.memory_space<hbm>> -> memref<2528xf32, #tpu.memory_space<hbm>>
      %dma_wait3A_188 = arith.constant 2528 : i32
      %dma_wait3A_189 = tpu.memref_slice %arg5[%dma_wait3A_188] : memref<10112xf32, #tpu.memory_space<hbm>> -> memref<2528xf32, #tpu.memory_space<hbm>>
      tpu.wait_dma2 semaphore(%run_scoped3A : memref<!tpu.dma_semaphore, #tpu.memory_space<semaphore_mem>>) src(%dma_wait3A_189 : memref<2528xf32, #tpu.memory_space<hbm>>) dst(%arg10 : memref<2528xf32, #tpu.memory_space<vmem>>)
      tpu.yield
    }) : () -> ()
    %scan3A_5 = arith.constant 0 : i32
    %scan3A_6 = arith.constant 158 : i32
    %scan3A_7 = arith.addi %scan3A_5, %scan3A_6 : i32
    %scan3A_8 = arith.constant 1 : i32
    scf.for %scan3A_182 = %scan3A_5 to %scan3A_7 step %scan3A_8  : i32 {
      %mul3A_183 = arith.constant 1 : i32
      %mul3A_184 = arith.muli %scan3A_182, %mul3A_183 : i32
      %add3A_185 = arith.constant 0 : i32
      %add3A_186 = arith.addi %add3A_185, %mul3A_184 : i32
      %mul3A_187 = arith.constant 16 : i32
      %mul3A_188 = arith.muli %add3A_186, %mul3A_187 : i32
      %get3A_189 = arith.index_cast %mul3A_188 : i32 to index
      %get3A_190 = tpu.vector_load %arg9[%get3A_189] {strides = array<i32>} : memref<2528xi32, #tpu.memory_space<vmem>>, vector<16xi32>,
      %mul3A_191 = arith.constant 16 : i32
      %mul3A_192 = arith.muli %add3A_186, %mul3A_191 : i32
      %get3A_193 = arith.index_cast %mul3A_192 : i32 to index
      %get3A_194 = tpu.vector_load %arg10[%get3A_193] {strides = array<i32>} : memref<2528xf32, #tpu.memory_space<vmem>>, vector<16xf32>,
      %mul3A_195 = arith.constant 16 : i32
      %mul3A_196 = arith.muli %add3A_186, %mul3A_195 : i32
      %add3A_197 = arith.constant 2528 : i32
      %add3A_198 = arith.addi %add3A_197, %mul3A_196 : i32
      %add3A_199 = vector.broadcast %add3A_198 : i32 to vector<16xi32>
      %add3A_200 = arith.addi %iota3A, %add3A_199 : vector<16xi32>
      %lt3A_201 = arith.constant 5000 : i32
      %lt3A_202 = vector.broadcast %lt3A_201 : i32 to vector<16xi32>
      %lt3A_203 = arith.cmpi slt, %get3A_190, %lt3A_202 : vector<16xi32>
      tpu.vector_store_idx %arg11[%get3A_190], %add3A_200 masked %lt3A_203 : memref<5008xi32, #tpu.memory_space<vmem>>[vector<16xi32>], vector<16xi32>, vector<16xi1>
      tpu.vector_store_idx %arg13[%get3A_190], %get3A_194 masked %lt3A_203 : memref<5008xf32, #tpu.memory_space<vmem>>[vector<16xi32>], vector<16xf32>, vector<16xi1>
      %and3A = arith.constant -4 : i32
      %and3A_204 = vector.broadcast %and3A : i32 to vector<16xi32>
      %and3A_205 = arith.andi %get3A_190, %and3A_204 : vector<16xi32>
      %add3A_206 = arith.addi %get3A_190, %and3A_205 : vector<16xi32>
      tpu.vector_store_idx %arg12[%add3A_206], %add3A_200 masked %lt3A_203 : memref<10016xi32, #tpu.memory_space<vmem>>[vector<16xi32>], vector<16xi32>, vector<16xi1>
    }
    %scan3A_9 = arith.constant 158 : i32
    "tpu.region"() ({
      %run_scoped3A = tpu.sem_alloc : memref<!tpu.dma_semaphore, #tpu.memory_space<semaphore_mem>>
      %dma_start3A_182 = arith.constant 5056 : i32
      %dma_start3A_183 = tpu.memref_slice %arg4[%dma_start3A_182] : memref<10112xi32, #tpu.memory_space<hbm>> -> memref<2528xi32, #tpu.memory_space<hbm>>
      %dma_start3A_184 = arith.constant 5056 : i32
      %dma_start3A_185 = tpu.memref_slice %arg4[%dma_start3A_184] : memref<10112xi32, #tpu.memory_space<hbm>> -> memref<2528xi32, #tpu.memory_space<hbm>>
      tpu.enqueue_dma source(%dma_start3A_185 : memref<2528xi32, #tpu.memory_space<hbm>>) target(%arg9 : memref<2528xi32, #tpu.memory_space<vmem>>) target_semaphore(%run_scoped3A : memref<!tpu.dma_semaphore, #tpu.memory_space<semaphore_mem>>)
      %dma_wait3A_186 = arith.constant 5056 : i32
      %dma_wait3A_187 = tpu.memref_slice %arg4[%dma_wait3A_186] : memref<10112xi32, #tpu.memory_space<hbm>> -> memref<2528xi32, #tpu.memory_space<hbm>>
      %dma_wait3A_188 = arith.constant 5056 : i32
      %dma_wait3A_189 = tpu.memref_slice %arg4[%dma_wait3A_188] : memref<10112xi32, #tpu.memory_space<hbm>> -> memref<2528xi32, #tpu.memory_space<hbm>>
      tpu.wait_dma2 semaphore(%run_scoped3A : memref<!tpu.dma_semaphore, #tpu.memory_space<semaphore_mem>>) src(%dma_wait3A_189 : memref<2528xi32, #tpu.memory_space<hbm>>) dst(%arg9 : memref<2528xi32, #tpu.memory_space<vmem>>)
      tpu.yield
    }) : () -> ()
    "tpu.region"() ({
      %run_scoped3A = tpu.sem_alloc : memref<!tpu.dma_semaphore, #tpu.memory_space<semaphore_mem>>
      %dma_start3A_182 = arith.constant 5056 : i32
      %dma_start3A_183 = tpu.memref_slice %arg5[%dma_start3A_182] : memref<10112xf32, #tpu.memory_space<hbm>> -> memref<2528xf32, #tpu.memory_space<hbm>>
      %dma_start3A_184 = arith.constant 5056 : i32
      %dma_start3A_185 = tpu.memref_slice %arg5[%dma_start3A_184] : memref<10112xf32, #tpu.memory_space<hbm>> -> memref<2528xf32, #tpu.memory_space<hbm>>
      tpu.enqueue_dma source(%dma_start3A_185 : memref<2528xf32, #tpu.memory_space<hbm>>) target(%arg10 : memref<2528xf32, #tpu.memory_space<vmem>>) target_semaphore(%run_scoped3A : memref<!tpu.dma_semaphore, #tpu.memory_space<semaphore_mem>>)
      %dma_wait3A_186 = arith.constant 5056 : i32
      %dma_wait3A_187 = tpu.memref_slice %arg5[%dma_wait3A_186] : memref<10112xf32, #tpu.memory_space<hbm>> -> memref<2528xf32, #tpu.memory_space<hbm>>
      %dma_wait3A_188 = arith.constant 5056 : i32
      %dma_wait3A_189 = tpu.memref_slice %arg5[%dma_wait3A_188] : memref<10112xf32, #tpu.memory_space<hbm>> -> memref<2528xf32, #tpu.memory_space<hbm>>
      tpu.wait_dma2 semaphore(%run_scoped3A : memref<!tpu.dma_semaphore, #tpu.memory_space<semaphore_mem>>) src(%dma_wait3A_189 : memref<2528xf32, #tpu.memory_space<hbm>>) dst(%arg10 : memref<2528xf32, #tpu.memory_space<vmem>>)
      tpu.yield
    }) : () -> ()
    %scan3A_10 = arith.constant 0 : i32
    %scan3A_11 = arith.constant 158 : i32
    %scan3A_12 = arith.addi %scan3A_10, %scan3A_11 : i32
    %scan3A_13 = arith.constant 1 : i32
    scf.for %scan3A_182 = %scan3A_10 to %scan3A_12 step %scan3A_13  : i32 {
      %mul3A_183 = arith.constant 1 : i32
      %mul3A_184 = arith.muli %scan3A_182, %mul3A_183 : i32
      %add3A_185 = arith.constant 0 : i32
      %add3A_186 = arith.addi %add3A_185, %mul3A_184 : i32
      %mul3A_187 = arith.constant 16 : i32
      %mul3A_188 = arith.muli %add3A_186, %mul3A_187 : i32
      %get3A_189 = arith.index_cast %mul3A_188 : i32 to index
      %get3A_190 = tpu.vector_load %arg9[%get3A_189] {strides = array<i32>} : memref<2528xi32, #tpu.memory_space<vmem>>, vector<16xi32>,
      %mul3A_191 = arith.constant 16 : i32
      %mul3A_192 = arith.muli %add3A_186, %mul3A_191 : i32
      %get3A_193 = arith.index_cast %mul3A_192 : i32 to index
      %get3A_194 = tpu.vector_load %arg10[%get3A_193] {strides = array<i32>} : memref<2528xf32, #tpu.memory_space<vmem>>, vector<16xf32>,
      %mul3A_195 = arith.constant 16 : i32
      %mul3A_196 = arith.muli %add3A_186, %mul3A_195 : i32
      %add3A_197 = arith.constant 5056 : i32
      %add3A_198 = arith.addi %add3A_197, %mul3A_196 : i32
      %add3A_199 = vector.broadcast %add3A_198 : i32 to vector<16xi32>
      %add3A_200 = arith.addi %iota3A, %add3A_199 : vector<16xi32>
      %lt3A_201 = arith.constant 5000 : i32
      %lt3A_202 = vector.broadcast %lt3A_201 : i32 to vector<16xi32>
      %lt3A_203 = arith.cmpi slt, %get3A_190, %lt3A_202 : vector<16xi32>
      tpu.vector_store_idx %arg11[%get3A_190], %add3A_200 masked %lt3A_203 : memref<5008xi32, #tpu.memory_space<vmem>>[vector<16xi32>], vector<16xi32>, vector<16xi1>
      tpu.vector_store_idx %arg13[%get3A_190], %get3A_194 masked %lt3A_203 : memref<5008xf32, #tpu.memory_space<vmem>>[vector<16xi32>], vector<16xf32>, vector<16xi1>
      %and3A = arith.constant -4 : i32
      %and3A_204 = vector.broadcast %and3A : i32 to vector<16xi32>
      %and3A_205 = arith.andi %get3A_190, %and3A_204 : vector<16xi32>
      %add3A_206 = arith.addi %get3A_190, %and3A_205 : vector<16xi32>
      tpu.vector_store_idx %arg12[%add3A_206], %add3A_200 masked %lt3A_203 : memref<10016xi32, #tpu.memory_space<vmem>>[vector<16xi32>], vector<16xi32>, vector<16xi1>
    }
    %scan3A_14 = arith.constant 158 : i32
    "tpu.region"() ({
      %run_scoped3A = tpu.sem_alloc : memref<!tpu.dma_semaphore, #tpu.memory_space<semaphore_mem>>
      %dma_start3A_182 = arith.constant 7584 : i32
      %dma_start3A_183 = tpu.memref_slice %arg4[%dma_start3A_182] : memref<10112xi32, #tpu.memory_space<hbm>> -> memref<2528xi32, #tpu.memory_space<hbm>>
      %dma_start3A_184 = arith.constant 7584 : i32
      %dma_start3A_185 = tpu.memref_slice %arg4[%dma_start3A_184] : memref<10112xi32, #tpu.memory_space<hbm>> -> memref<2528xi32, #tpu.memory_space<hbm>>
      tpu.enqueue_dma source(%dma_start3A_185 : memref<2528xi32, #tpu.memory_space<hbm>>) target(%arg9 : memref<2528xi32, #tpu.memory_space<vmem>>) target_semaphore(%run_scoped3A : memref<!tpu.dma_semaphore, #tpu.memory_space<semaphore_mem>>)
      %dma_wait3A_186 = arith.constant 7584 : i32
      %dma_wait3A_187 = tpu.memref_slice %arg4[%dma_wait3A_186] : memref<10112xi32, #tpu.memory_space<hbm>> -> memref<2528xi32, #tpu.memory_space<hbm>>
      %dma_wait3A_188 = arith.constant 7584 : i32
      %dma_wait3A_189 = tpu.memref_slice %arg4[%dma_wait3A_188] : memref<10112xi32, #tpu.memory_space<hbm>> -> memref<2528xi32, #tpu.memory_space<hbm>>
      tpu.wait_dma2 semaphore(%run_scoped3A : memref<!tpu.dma_semaphore, #tpu.memory_space<semaphore_mem>>) src(%dma_wait3A_189 : memref<2528xi32, #tpu.memory_space<hbm>>) dst(%arg9 : memref<2528xi32, #tpu.memory_space<vmem>>)
      tpu.yield
    }) : () -> ()
    "tpu.region"() ({
      %run_scoped3A = tpu.sem_alloc : memref<!tpu.dma_semaphore, #tpu.memory_space<semaphore_mem>>
      %dma_start3A_182 = arith.constant 7584 : i32
      %dma_start3A_183 = tpu.memref_slice %arg5[%dma_start3A_182] : memref<10112xf32, #tpu.memory_space<hbm>> -> memref<2528xf32, #tpu.memory_space<hbm>>
      %dma_start3A_184 = arith.constant 7584 : i32
      %dma_start3A_185 = tpu.memref_slice %arg5[%dma_start3A_184] : memref<10112xf32, #tpu.memory_space<hbm>> -> memref<2528xf32, #tpu.memory_space<hbm>>
      tpu.enqueue_dma source(%dma_start3A_185 : memref<2528xf32, #tpu.memory_space<hbm>>) target(%arg10 : memref<2528xf32, #tpu.memory_space<vmem>>) target_semaphore(%run_scoped3A : memref<!tpu.dma_semaphore, #tpu.memory_space<semaphore_mem>>)
      %dma_wait3A_186 = arith.constant 7584 : i32
      %dma_wait3A_187 = tpu.memref_slice %arg5[%dma_wait3A_186] : memref<10112xf32, #tpu.memory_space<hbm>> -> memref<2528xf32, #tpu.memory_space<hbm>>
      %dma_wait3A_188 = arith.constant 7584 : i32
      %dma_wait3A_189 = tpu.memref_slice %arg5[%dma_wait3A_188] : memref<10112xf32, #tpu.memory_space<hbm>> -> memref<2528xf32, #tpu.memory_space<hbm>>
      tpu.wait_dma2 semaphore(%run_scoped3A : memref<!tpu.dma_semaphore, #tpu.memory_space<semaphore_mem>>) src(%dma_wait3A_189 : memref<2528xf32, #tpu.memory_space<hbm>>) dst(%arg10 : memref<2528xf32, #tpu.memory_space<vmem>>)
      tpu.yield
    }) : () -> ()
    %scan3A_15 = arith.constant 0 : i32
    %scan3A_16 = arith.constant 158 : i32
    %scan3A_17 = arith.addi %scan3A_15, %scan3A_16 : i32
    %scan3A_18 = arith.constant 1 : i32
    scf.for %scan3A_182 = %scan3A_15 to %scan3A_17 step %scan3A_18  : i32 {
      %mul3A_183 = arith.constant 1 : i32
      %mul3A_184 = arith.muli %scan3A_182, %mul3A_183 : i32
      %add3A_185 = arith.constant 0 : i32
      %add3A_186 = arith.addi %add3A_185, %mul3A_184 : i32
      %mul3A_187 = arith.constant 16 : i32
      %mul3A_188 = arith.muli %add3A_186, %mul3A_187 : i32
      %get3A_189 = arith.index_cast %mul3A_188 : i32 to index
      %get3A_190 = tpu.vector_load %arg9[%get3A_189] {strides = array<i32>} : memref<2528xi32, #tpu.memory_space<vmem>>, vector<16xi32>,
      %mul3A_191 = arith.constant 16 : i32
      %mul3A_192 = arith.muli %add3A_186, %mul3A_191 : i32
      %get3A_193 = arith.index_cast %mul3A_192 : i32 to index
      %get3A_194 = tpu.vector_load %arg10[%get3A_193] {strides = array<i32>} : memref<2528xf32, #tpu.memory_space<vmem>>, vector<16xf32>,
      %mul3A_195 = arith.constant 16 : i32
      %mul3A_196 = arith.muli %add3A_186, %mul3A_195 : i32
      %add3A_197 = arith.constant 7584 : i32
      %add3A_198 = arith.addi %add3A_197, %mul3A_196 : i32
      %add3A_199 = vector.broadcast %add3A_198 : i32 to vector<16xi32>
      %add3A_200 = arith.addi %iota3A, %add3A_199 : vector<16xi32>
      %lt3A_201 = arith.constant 5000 : i32
      %lt3A_202 = vector.broadcast %lt3A_201 : i32 to vector<16xi32>
      %lt3A_203 = arith.cmpi slt, %get3A_190, %lt3A_202 : vector<16xi32>
      tpu.vector_store_idx %arg11[%get3A_190], %add3A_200 masked %lt3A_203 : memref<5008xi32, #tpu.memory_space<vmem>>[vector<16xi32>], vector<16xi32>, vector<16xi1>
      tpu.vector_store_idx %arg13[%get3A_190], %get3A_194 masked %lt3A_203 : memref<5008xf32, #tpu.memory_space<vmem>>[vector<16xi32>], vector<16xf32>, vector<16xi1>
      %and3A = arith.constant -4 : i32
      %and3A_204 = vector.broadcast %and3A : i32 to vector<16xi32>
      %and3A_205 = arith.andi %get3A_190, %and3A_204 : vector<16xi32>
      %add3A_206 = arith.addi %get3A_190, %and3A_205 : vector<16xi32>
      tpu.vector_store_idx %arg12[%add3A_206], %add3A_200 masked %lt3A_203 : memref<10016xi32, #tpu.memory_space<vmem>>[vector<16xi32>], vector<16xi32>, vector<16xi1>
    }
    %scan3A_19 = arith.constant 158 : i32
    %get3A = arith.constant 4992 : index
    %get3A_20 = tpu.vector_load %arg11[%get3A] {strides = array<i32>} : memref<5008xi32, #tpu.memory_space<vmem>>, vector<16xi32>,
    %lt3A = arith.constant 8 : i32
    %lt3A_21 = vector.broadcast %lt3A : i32 to vector<16xi32>
    %lt3A_22 = arith.cmpi slt, %iota3A, %lt3A_21 : vector<16xi32>
    %jit3A = arith.constant 0 : i32
    %broadcast_in_dim3A = vector.broadcast %jit3A : i32 to vector<16xi32>
    %select_n3A = arith.select %lt3A_22, %get3A_20, %broadcast_in_dim3A : vector<16xi1>, vector<16xi32>
    %swap3A = arith.constant 4992 : index
    %swap3A_23 = tpu.vector_load %arg11[%swap3A] {strides = array<i32>} : memref<5008xi32, #tpu.memory_space<vmem>>, vector<16xi32>,
    tpu.vector_store %arg11[%swap3A], %select_n3A {strides = array<i32>} : memref<5008xi32, #tpu.memory_space<vmem>>, vector<16xi32>,
    %eq3A = arith.constant 0 : i32
    %eq3A_24 = arith.cmpi eq, %add3A, %eq3A : i32
    %convert_element_type3A = arith.extui %eq3A_24 : i1 to i32
    %cond3A = arith.constant 0 : i32
    %cond3A_25 = arith.cmpi ne, %convert_element_type3A, %cond3A : i32
    scf.if %cond3A_25 {
      "tpu.region"() ({
        %run_scoped3A = tpu.sem_alloc : memref<!tpu.dma_semaphore, #tpu.memory_space<semaphore_mem>>
        %dma_start3A_182 = arith.constant 0 : i32
        %dma_start3A_183 = tpu.memref_slice %arg11[%dma_start3A_182] : memref<5008xi32, #tpu.memory_space<vmem>> -> memref<5000xi32, #tpu.memory_space<vmem>>
        %dma_start3A_184 = arith.constant 0 : i32
        %dma_start3A_185 = tpu.memref_slice %arg11[%dma_start3A_184] : memref<5008xi32, #tpu.memory_space<vmem>> -> memref<5000xi32, #tpu.memory_space<vmem>>
        tpu.enqueue_dma source(%dma_start3A_185 : memref<5000xi32, #tpu.memory_space<vmem>>) target(%arg8 : memref<5000xi32, #tpu.memory_space<hbm>>) target_semaphore(%run_scoped3A : memref<!tpu.dma_semaphore, #tpu.memory_space<semaphore_mem>>)
        %dma_wait3A_186 = arith.constant 0 : i32
        %dma_wait3A_187 = tpu.memref_slice %arg11[%dma_wait3A_186] : memref<5008xi32, #tpu.memory_space<vmem>> -> memref<5000xi32, #tpu.memory_space<vmem>>
        %dma_wait3A_188 = arith.constant 0 : i32
        %dma_wait3A_189 = tpu.memref_slice %arg11[%dma_wait3A_188] : memref<5008xi32, #tpu.memory_space<vmem>> -> memref<5000xi32, #tpu.memory_space<vmem>>
        tpu.wait_dma2 semaphore(%run_scoped3A : memref<!tpu.dma_semaphore, #tpu.memory_space<semaphore_mem>>) src(%dma_wait3A_189 : memref<5000xi32, #tpu.memory_space<vmem>>) dst(%arg8 : memref<5000xi32, #tpu.memory_space<hbm>>)
        tpu.yield
      }) : () -> ()
    } else {
    }
    %mul3A_26 = arith.constant 19 : i32
    %mul3A_27 = arith.muli %add3A, %mul3A_26 : i32
    %min3A = arith.constant 17 : i32
    %min3A_28 = arith.minsi %add3A, %min3A : i32
    %add3A_29 = arith.addi %mul3A_27, %min3A_28 : i32
    %lt3A_30 = arith.constant 17 : i32
    %lt3A_31 = arith.cmpi slt, %add3A, %lt3A_30 : i32
    %jit3A_32 = arith.constant 1 : i32
    %jit3A_33 = arith.constant 0 : i32
    %select_n3A_34 = arith.select %lt3A_31, %jit3A_32, %jit3A_33 : i32
    %add3A_35 = arith.constant 19 : i32
    %add3A_36 = arith.addi %add3A_35, %select_n3A_34 : i32
    %mul3A_37 = arith.constant 2 : i32
    %mul3A_38 = arith.muli %mul3A_37, %add3A_29 : i32
    %min3A_39 = arith.constant 1249 : i32
    %min3A_40 = arith.minsi %mul3A_38, %min3A_39 : i32
    %mul3A_41 = arith.constant 8 : i32
    %mul3A_42 = arith.muli %mul3A_41, %min3A_40 : i32
    %get3A_43 = arith.index_cast %mul3A_42 : i32 to index
    %get3A_44 = tpu.vector_load %arg12[%get3A_43] {strides = array<i32>} : memref<10016xi32, #tpu.memory_space<vmem>>, vector<16xi32>,
    %slice3A = vector.extract_strided_slice %get3A_44 {offsets = [0], sizes = [1], strides = [1]} : vector<16xi32> to vector<1xi32>
    %squeeze3A = vector.extract %slice3A[0] : i32 from vector<1xi32>
    %dma_start3A = arith.constant 0 : i32
    %dma_start3A_45 = arith.constant 0 : i32
    %dma_start3A_46 = tpu.memref_slice %arg14[%dma_start3A, %dma_start3A_45] : memref<4x10000xf32, #tpu.memory_space<vmem>> -> memref<1x10000xf32, #tpu.memory_space<vmem>>
    %dma_start3A_47 = arith.constant 0 : i32
    %dma_start3A_48 = tpu.memref_slice %arg2[%squeeze3A, %dma_start3A_47] : memref<10000x10000xf32, #tpu.memory_space<hbm>> -> memref<1x10000xf32, #tpu.memory_space<hbm>>
    %dma_start3A_49 = arith.constant 0 : i32
    %dma_start3A_50 = arith.constant 0 : i32
    %dma_start3A_51 = tpu.memref_slice %arg14[%dma_start3A_49, %dma_start3A_50] : memref<4x10000xf32, #tpu.memory_space<vmem>> -> memref<1x10000xf32, #tpu.memory_space<vmem>>
    %dma_start3A_52 = arith.constant 0 : i32
    %dma_start3A_53 = tpu.memref_slice %arg2[%squeeze3A, %dma_start3A_52] : memref<10000x10000xf32, #tpu.memory_space<hbm>> -> memref<1x10000xf32, #tpu.memory_space<hbm>>
    tpu.enqueue_dma source(%dma_start3A_53 : memref<1x10000xf32, #tpu.memory_space<hbm>>) target(%dma_start3A_51 : memref<1x10000xf32, #tpu.memory_space<vmem>>) target_semaphore(%arg20 : memref<!tpu.dma_semaphore, #tpu.memory_space<semaphore_mem>>)
    %slice3A_54 = vector.extract_strided_slice %get3A_44 {offsets = [1], sizes = [1], strides = [1]} : vector<16xi32> to vector<1xi32>
    %squeeze3A_55 = vector.extract %slice3A_54[0] : i32 from vector<1xi32>
    %dma_start3A_56 = arith.constant 1 : i32
    %dma_start3A_57 = arith.constant 0 : i32
    %dma_start3A_58 = tpu.memref_slice %arg14[%dma_start3A_56, %dma_start3A_57] : memref<4x10000xf32, #tpu.memory_space<vmem>> -> memref<1x10000xf32, #tpu.memory_space<vmem>>
    %dma_start3A_59 = arith.constant 0 : i32
    %dma_start3A_60 = tpu.memref_slice %arg2[%squeeze3A_55, %dma_start3A_59] : memref<10000x10000xf32, #tpu.memory_space<hbm>> -> memref<1x10000xf32, #tpu.memory_space<hbm>>
    %dma_start3A_61 = arith.constant 1 : i32
    %dma_start3A_62 = arith.constant 0 : i32
    %dma_start3A_63 = tpu.memref_slice %arg14[%dma_start3A_61, %dma_start3A_62] : memref<4x10000xf32, #tpu.memory_space<vmem>> -> memref<1x10000xf32, #tpu.memory_space<vmem>>
    %dma_start3A_64 = arith.constant 0 : i32
    %dma_start3A_65 = tpu.memref_slice %arg2[%squeeze3A_55, %dma_start3A_64] : memref<10000x10000xf32, #tpu.memory_space<hbm>> -> memref<1x10000xf32, #tpu.memory_space<hbm>>
    tpu.enqueue_dma source(%dma_start3A_65 : memref<1x10000xf32, #tpu.memory_space<hbm>>) target(%dma_start3A_63 : memref<1x10000xf32, #tpu.memory_space<vmem>>) target_semaphore(%arg20 : memref<!tpu.dma_semaphore, #tpu.memory_space<semaphore_mem>>)
    %slice3A_66 = vector.extract_strided_slice %get3A_44 {offsets = [2], sizes = [1], strides = [1]} : vector<16xi32> to vector<1xi32>
    %squeeze3A_67 = vector.extract %slice3A_66[0] : i32 from vector<1xi32>
    %dma_start3A_68 = arith.constant 2 : i32
    %dma_start3A_69 = arith.constant 0 : i32
    %dma_start3A_70 = tpu.memref_slice %arg14[%dma_start3A_68, %dma_start3A_69] : memref<4x10000xf32, #tpu.memory_space<vmem>> -> memref<1x10000xf32, #tpu.memory_space<vmem>>
    %dma_start3A_71 = arith.constant 0 : i32
    %dma_start3A_72 = tpu.memref_slice %arg2[%squeeze3A_67, %dma_start3A_71] : memref<10000x10000xf32, #tpu.memory_space<hbm>> -> memref<1x10000xf32, #tpu.memory_space<hbm>>
    %dma_start3A_73 = arith.constant 2 : i32
    %dma_start3A_74 = arith.constant 0 : i32
    %dma_start3A_75 = tpu.memref_slice %arg14[%dma_start3A_73, %dma_start3A_74] : memref<4x10000xf32, #tpu.memory_space<vmem>> -> memref<1x10000xf32, #tpu.memory_space<vmem>>
    %dma_start3A_76 = arith.constant 0 : i32
    %dma_start3A_77 = tpu.memref_slice %arg2[%squeeze3A_67, %dma_start3A_76] : memref<10000x10000xf32, #tpu.memory_space<hbm>> -> memref<1x10000xf32, #tpu.memory_space<hbm>>
    tpu.enqueue_dma source(%dma_start3A_77 : memref<1x10000xf32, #tpu.memory_space<hbm>>) target(%dma_start3A_75 : memref<1x10000xf32, #tpu.memory_space<vmem>>) target_semaphore(%arg20 : memref<!tpu.dma_semaphore, #tpu.memory_space<semaphore_mem>>)
    %slice3A_78 = vector.extract_strided_slice %get3A_44 {offsets = [3], sizes = [1], strides = [1]} : vector<16xi32> to vector<1xi32>
    %squeeze3A_79 = vector.extract %slice3A_78[0] : i32 from vector<1xi32>
    %dma_start3A_80 = arith.constant 3 : i32
    %dma_start3A_81 = arith.constant 0 : i32
    %dma_start3A_82 = tpu.memref_slice %arg14[%dma_start3A_80, %dma_start3A_81] : memref<4x10000xf32, #tpu.memory_space<vmem>> -> memref<1x10000xf32, #tpu.memory_space<vmem>>
    %dma_start3A_83 = arith.constant 0 : i32
    %dma_start3A_84 = tpu.memref_slice %arg2[%squeeze3A_79, %dma_start3A_83] : memref<10000x10000xf32, #tpu.memory_space<hbm>> -> memref<1x10000xf32, #tpu.memory_space<hbm>>
    %dma_start3A_85 = arith.constant 3 : i32
    %dma_start3A_86 = arith.constant 0 : i32
    %dma_start3A_87 = tpu.memref_slice %arg14[%dma_start3A_85, %dma_start3A_86] : memref<4x10000xf32, #tpu.memory_space<vmem>> -> memref<1x10000xf32, #tpu.memory_space<vmem>>
    %dma_start3A_88 = arith.constant 0 : i32
    %dma_start3A_89 = tpu.memref_slice %arg2[%squeeze3A_79, %dma_start3A_88] : memref<10000x10000xf32, #tpu.memory_space<hbm>> -> memref<1x10000xf32, #tpu.memory_space<hbm>>
    tpu.enqueue_dma source(%dma_start3A_89 : memref<1x10000xf32, #tpu.memory_space<hbm>>) target(%dma_start3A_87 : memref<1x10000xf32, #tpu.memory_space<vmem>>) target_semaphore(%arg20 : memref<!tpu.dma_semaphore, #tpu.memory_space<semaphore_mem>>)
    %mul3A_90 = arith.constant 8 : i32
    %mul3A_91 = arith.muli %mul3A_90, %min3A_40 : i32
    %dma_start3A_92 = tpu.memref_slice %arg12[%mul3A_91] : memref<10016xi32, #tpu.memory_space<vmem>> -> memref<4xi32, #tpu.memory_space<vmem>>
    %dma_start3A_93 = arith.constant 0 : i32
    %dma_start3A_94 = arith.constant 0 : i32
    %dma_start3A_95 = tpu.memref_slice %arg3[%dma_start3A_93, %dma_start3A_94] : memref<10000x128xf32, #tpu.memory_space<hbm>> -> memref<10000x128xf32, #tpu.memory_space<hbm>>
    tpu.enqueue_indirect_dma source(%dma_start3A_95 : memref<10000x128xf32, #tpu.memory_space<hbm>>) target(%arg17 : memref<4x128xf32, #tpu.memory_space<vmem>>) offsets(%dma_start3A_92 : memref<4xi32, #tpu.memory_space<vmem>>) semaphore(%arg22 : memref<!tpu.dma_semaphore, #tpu.memory_space<semaphore_mem>>)
    %sub3A = arith.constant 0 : i32
    %sub3A_96 = arith.subi %add3A_36, %sub3A : i32
    %sub3A_97 = arith.constant 1 : i32
    %sub3A_98 = arith.constant 1 : i32
    %sub3A_99 = arith.subi %sub3A_97, %sub3A_98 : i32
    %add3A_100 = arith.addi %sub3A_96, %sub3A_99 : i32
    %div3A = arith.constant 1 : i32
    %div3A_101 = arith.divsi %add3A_100, %div3A : i32
    %while3A = arith.constant 1 : i32
    %while3A_102 = arith.constant 0 : i32
    %while3A_103 = arith.constant 0 : i32
    %while3A_104 = arith.subi %div3A_101, %while3A_103 : i32
    %while3A_105 = arith.addi %while3A_103, %while3A_104 : i32
    %while3A_106 = arith.constant 1 : i32
    %while3A_107 = arith.divsi %while3A_104, %while3A_106 : i32
    %while3A_108 = arith.muli %while3A_107, %while3A_106 : i32
    %while3A_109 = arith.addi %while3A_103, %while3A_108 : i32
    %while3A_110 = arith.constant 1 : i32
    scf.for %while3A_182 = %while3A_103 to %while3A_109 step %while3A_110  : i32 {
      %mul3A_183 = arith.muli %while3A_182, %while3A : i32
      %add3A_184 = arith.addi %while3A_102, %mul3A_183 : i32
      %mul3A_185 = arith.constant 2 : i32
      %mul3A_186 = arith.muli %mul3A_185, %add3A_184 : i32
      %add3A_187 = arith.addi %mul3A_38, %mul3A_186 : i32
      %add3A_188 = arith.constant 0 : i32
      %add3A_189 = arith.addi %add3A_187, %add3A_188 : i32
      %min3A_190 = arith.constant 1249 : i32
      %min3A_191 = arith.minsi %add3A_189, %min3A_190 : i32
      %dma_wait3A_192 = arith.constant 0 : i32
      %dma_wait3A_193 = arith.constant 0 : i32
      %dma_wait3A_194 = tpu.memref_slice %arg14[%dma_wait3A_192, %dma_wait3A_193] : memref<4x10000xf32, #tpu.memory_space<vmem>> -> memref<1x10000xf32, #tpu.memory_space<vmem>>
      %dma_wait3A_195 = arith.constant 0 : i32
      %dma_wait3A_196 = arith.constant 0 : i32
      %dma_wait3A_197 = tpu.memref_slice %arg2[%dma_wait3A_195, %dma_wait3A_196] : memref<10000x10000xf32, #tpu.memory_space<hbm>> -> memref<1x10000xf32, #tpu.memory_space<hbm>>
      %dma_wait3A_198 = arith.constant 0 : i32
      %dma_wait3A_199 = arith.constant 0 : i32
      %dma_wait3A_200 = tpu.memref_slice %arg14[%dma_wait3A_198, %dma_wait3A_199] : memref<4x10000xf32, #tpu.memory_space<vmem>> -> memref<1x10000xf32, #tpu.memory_space<vmem>>
      %dma_wait3A_201 = arith.constant 0 : i32
      %dma_wait3A_202 = arith.constant 0 : i32
      %dma_wait3A_203 = tpu.memref_slice %arg2[%dma_wait3A_201, %dma_wait3A_202] : memref<10000x10000xf32, #tpu.memory_space<hbm>> -> memref<1x10000xf32, #tpu.memory_space<hbm>>
      tpu.wait_dma2 semaphore(%arg20 : memref<!tpu.dma_semaphore, #tpu.memory_space<semaphore_mem>>) src(%dma_wait3A_203 : memref<1x10000xf32, #tpu.memory_space<hbm>>) dst(%dma_wait3A_200 : memref<1x10000xf32, #tpu.memory_space<vmem>>)
      %dma_wait3A_204 = arith.constant 1 : i32
      %dma_wait3A_205 = arith.constant 0 : i32
      %dma_wait3A_206 = tpu.memref_slice %arg14[%dma_wait3A_204, %dma_wait3A_205] : memref<4x10000xf32, #tpu.memory_space<vmem>> -> memref<1x10000xf32, #tpu.memory_space<vmem>>
      %dma_wait3A_207 = arith.constant 0 : i32
      %dma_wait3A_208 = arith.constant 0 : i32
      %dma_wait3A_209 = tpu.memref_slice %arg2[%dma_wait3A_207, %dma_wait3A_208] : memref<10000x10000xf32, #tpu.memory_space<hbm>> -> memref<1x10000xf32, #tpu.memory_space<hbm>>
      %dma_wait3A_210 = arith.constant 1 : i32
      %dma_wait3A_211 = arith.constant 0 : i32
      %dma_wait3A_212 = tpu.memref_slice %arg14[%dma_wait3A_210, %dma_wait3A_211] : memref<4x10000xf32, #tpu.memory_space<vmem>> -> memref<1x10000xf32, #tpu.memory_space<vmem>>
      %dma_wait3A_213 = arith.constant 0 : i32
      %dma_wait3A_214 = arith.constant 0 : i32
      %dma_wait3A_215 = tpu.memref_slice %arg2[%dma_wait3A_213, %dma_wait3A_214] : memref<10000x10000xf32, #tpu.memory_space<hbm>> -> memref<1x10000xf32, #tpu.memory_space<hbm>>
      tpu.wait_dma2 semaphore(%arg20 : memref<!tpu.dma_semaphore, #tpu.memory_space<semaphore_mem>>) src(%dma_wait3A_215 : memref<1x10000xf32, #tpu.memory_space<hbm>>) dst(%dma_wait3A_212 : memref<1x10000xf32, #tpu.memory_space<vmem>>)
      %dma_wait3A_216 = arith.constant 2 : i32
      %dma_wait3A_217 = arith.constant 0 : i32
      %dma_wait3A_218 = tpu.memref_slice %arg14[%dma_wait3A_216, %dma_wait3A_217] : memref<4x10000xf32, #tpu.memory_space<vmem>> -> memref<1x10000xf32, #tpu.memory_space<vmem>>
      %dma_wait3A_219 = arith.constant 0 : i32
      %dma_wait3A_220 = arith.constant 0 : i32
      %dma_wait3A_221 = tpu.memref_slice %arg2[%dma_wait3A_219, %dma_wait3A_220] : memref<10000x10000xf32, #tpu.memory_space<hbm>> -> memref<1x10000xf32, #tpu.memory_space<hbm>>
      %dma_wait3A_222 = arith.constant 2 : i32
      %dma_wait3A_223 = arith.constant 0 : i32
      %dma_wait3A_224 = tpu.memref_slice %arg14[%dma_wait3A_222, %dma_wait3A_223] : memref<4x10000xf32, #tpu.memory_space<vmem>> -> memref<1x10000xf32, #tpu.memory_space<vmem>>
      %dma_wait3A_225 = arith.constant 0 : i32
      %dma_wait3A_226 = arith.constant 0 : i32
      %dma_wait3A_227 = tpu.memref_slice %arg2[%dma_wait3A_225, %dma_wait3A_226] : memref<10000x10000xf32, #tpu.memory_space<hbm>> -> memref<1x10000xf32, #tpu.memory_space<hbm>>
      tpu.wait_dma2 semaphore(%arg20 : memref<!tpu.dma_semaphore, #tpu.memory_space<semaphore_mem>>) src(%dma_wait3A_227 : memref<1x10000xf32, #tpu.memory_space<hbm>>) dst(%dma_wait3A_224 : memref<1x10000xf32, #tpu.memory_space<vmem>>)
      %dma_wait3A_228 = arith.constant 3 : i32
      %dma_wait3A_229 = arith.constant 0 : i32
      %dma_wait3A_230 = tpu.memref_slice %arg14[%dma_wait3A_228, %dma_wait3A_229] : memref<4x10000xf32, #tpu.memory_space<vmem>> -> memref<1x10000xf32, #tpu.memory_space<vmem>>
      %dma_wait3A_231 = arith.constant 0 : i32
      %dma_wait3A_232 = arith.constant 0 : i32
      %dma_wait3A_233 = tpu.memref_slice %arg2[%dma_wait3A_231, %dma_wait3A_232] : memref<10000x10000xf32, #tpu.memory_space<hbm>> -> memref<1x10000xf32, #tpu.memory_space<hbm>>
      %dma_wait3A_234 = arith.constant 3 : i32
      %dma_wait3A_235 = arith.constant 0 : i32
      %dma_wait3A_236 = tpu.memref_slice %arg14[%dma_wait3A_234, %dma_wait3A_235] : memref<4x10000xf32, #tpu.memory_space<vmem>> -> memref<1x10000xf32, #tpu.memory_space<vmem>>
      %dma_wait3A_237 = arith.constant 0 : i32
      %dma_wait3A_238 = arith.constant 0 : i32
      %dma_wait3A_239 = tpu.memref_slice %arg2[%dma_wait3A_237, %dma_wait3A_238] : memref<10000x10000xf32, #tpu.memory_space<hbm>> -> memref<1x10000xf32, #tpu.memory_space<hbm>>
      tpu.wait_dma2 semaphore(%arg20 : memref<!tpu.dma_semaphore, #tpu.memory_space<semaphore_mem>>) src(%dma_wait3A_239 : memref<1x10000xf32, #tpu.memory_space<hbm>>) dst(%dma_wait3A_236 : memref<1x10000xf32, #tpu.memory_space<vmem>>)
      %mul3A_240 = arith.constant 8 : i32
      %mul3A_241 = arith.muli %mul3A_240, %min3A_191 : i32
      %dma_wait3A_242 = tpu.memref_slice %arg12[%mul3A_241] : memref<10016xi32, #tpu.memory_space<vmem>> -> memref<4xi32, #tpu.memory_space<vmem>>
      %dma_wait3A_243 = arith.constant 0 : i32
      %dma_wait3A_244 = arith.constant 0 : i32
      %dma_wait3A_245 = tpu.memref_slice %arg3[%dma_wait3A_243, %dma_wait3A_244] : memref<10000x128xf32, #tpu.memory_space<hbm>> -> memref<10000x128xf32, #tpu.memory_space<hbm>>
      tpu.wait_indirect_dma semaphore(%arg22 : memref<!tpu.dma_semaphore, #tpu.memory_space<semaphore_mem>>) src(%dma_wait3A_245 : memref<10000x128xf32, #tpu.memory_space<hbm>>) dst(%arg17 : memref<4x128xf32, #tpu.memory_space<vmem>>)
      %add3A_246 = arith.constant 1 : i32
      %add3A_247 = arith.addi %add3A_189, %add3A_246 : i32
      %min3A_248 = arith.constant 1249 : i32
      %min3A_249 = arith.minsi %add3A_247, %min3A_248 : i32
      %mul3A_250 = arith.constant 8 : i32
      %mul3A_251 = arith.muli %mul3A_250, %min3A_249 : i32
      %get3A_252 = arith.index_cast %mul3A_251 : i32 to index
      %get3A_253 = tpu.vector_load %arg12[%get3A_252] {strides = array<i32>} : memref<10016xi32, #tpu.memory_space<vmem>>, vector<16xi32>,
      %slice3A_254 = vector.extract_strided_slice %get3A_253 {offsets = [0], sizes = [1], strides = [1]} : vector<16xi32> to vector<1xi32>
      %squeeze3A_255 = vector.extract %slice3A_254[0] : i32 from vector<1xi32>
      %dma_start3A_256 = arith.constant 0 : i32
      %dma_start3A_257 = arith.constant 0 : i32
      %dma_start3A_258 = tpu.memref_slice %arg15[%dma_start3A_256, %dma_start3A_257] : memref<4x10000xf32, #tpu.memory_space<vmem>> -> memref<1x10000xf32, #tpu.memory_space<vmem>>
      %dma_start3A_259 = arith.constant 0 : i32
      %dma_start3A_260 = tpu.memref_slice %arg2[%squeeze3A_255, %dma_start3A_259] : memref<10000x10000xf32, #tpu.memory_space<hbm>> -> memref<1x10000xf32, #tpu.memory_space<hbm>>
      %dma_start3A_261 = arith.constant 0 : i32
      %dma_start3A_262 = arith.constant 0 : i32
      %dma_start3A_263 = tpu.memref_slice %arg15[%dma_start3A_261, %dma_start3A_262] : memref<4x10000xf32, #tpu.memory_space<vmem>> -> memref<1x10000xf32, #tpu.memory_space<vmem>>
      %dma_start3A_264 = arith.constant 0 : i32
      %dma_start3A_265 = tpu.memref_slice %arg2[%squeeze3A_255, %dma_start3A_264] : memref<10000x10000xf32, #tpu.memory_space<hbm>> -> memref<1x10000xf32, #tpu.memory_space<hbm>>
      tpu.enqueue_dma source(%dma_start3A_265 : memref<1x10000xf32, #tpu.memory_space<hbm>>) target(%dma_start3A_263 : memref<1x10000xf32, #tpu.memory_space<vmem>>) target_semaphore(%arg21 : memref<!tpu.dma_semaphore, #tpu.memory_space<semaphore_mem>>)
      %slice3A_266 = vector.extract_strided_slice %get3A_253 {offsets = [1], sizes = [1], strides = [1]} : vector<16xi32> to vector<1xi32>
      %squeeze3A_267 = vector.extract %slice3A_266[0] : i32 from vector<1xi32>
      %dma_start3A_268 = arith.constant 1 : i32
      %dma_start3A_269 = arith.constant 0 : i32
      %dma_start3A_270 = tpu.memref_slice %arg15[%dma_start3A_268, %dma_start3A_269] : memref<4x10000xf32, #tpu.memory_space<vmem>> -> memref<1x10000xf32, #tpu.memory_space<vmem>>
      %dma_start3A_271 = arith.constant 0 : i32
      %dma_start3A_272 = tpu.memref_slice %arg2[%squeeze3A_267, %dma_start3A_271] : memref<10000x10000xf32, #tpu.memory_space<hbm>> -> memref<1x10000xf32, #tpu.memory_space<hbm>>
      %dma_start3A_273 = arith.constant 1 : i32
      %dma_start3A_274 = arith.constant 0 : i32
      %dma_start3A_275 = tpu.memref_slice %arg15[%dma_start3A_273, %dma_start3A_274] : memref<4x10000xf32, #tpu.memory_space<vmem>> -> memref<1x10000xf32, #tpu.memory_space<vmem>>
      %dma_start3A_276 = arith.constant 0 : i32
      %dma_start3A_277 = tpu.memref_slice %arg2[%squeeze3A_267, %dma_start3A_276] : memref<10000x10000xf32, #tpu.memory_space<hbm>> -> memref<1x10000xf32, #tpu.memory_space<hbm>>
      tpu.enqueue_dma source(%dma_start3A_277 : memref<1x10000xf32, #tpu.memory_space<hbm>>) target(%dma_start3A_275 : memref<1x10000xf32, #tpu.memory_space<vmem>>) target_semaphore(%arg21 : memref<!tpu.dma_semaphore, #tpu.memory_space<semaphore_mem>>)
      %slice3A_278 = vector.extract_strided_slice %get3A_253 {offsets = [2], sizes = [1], strides = [1]} : vector<16xi32> to vector<1xi32>
      %squeeze3A_279 = vector.extract %slice3A_278[0] : i32 from vector<1xi32>
      %dma_start3A_280 = arith.constant 2 : i32
      %dma_start3A_281 = arith.constant 0 : i32
      %dma_start3A_282 = tpu.memref_slice %arg15[%dma_start3A_280, %dma_start3A_281] : memref<4x10000xf32, #tpu.memory_space<vmem>> -> memref<1x10000xf32, #tpu.memory_space<vmem>>
      %dma_start3A_283 = arith.constant 0 : i32
      %dma_start3A_284 = tpu.memref_slice %arg2[%squeeze3A_279, %dma_start3A_283] : memref<10000x10000xf32, #tpu.memory_space<hbm>> -> memref<1x10000xf32, #tpu.memory_space<hbm>>
      %dma_start3A_285 = arith.constant 2 : i32
      %dma_start3A_286 = arith.constant 0 : i32
      %dma_start3A_287 = tpu.memref_slice %arg15[%dma_start3A_285, %dma_start3A_286] : memref<4x10000xf32, #tpu.memory_space<vmem>> -> memref<1x10000xf32, #tpu.memory_space<vmem>>
      %dma_start3A_288 = arith.constant 0 : i32
      %dma_start3A_289 = tpu.memref_slice %arg2[%squeeze3A_279, %dma_start3A_288] : memref<10000x10000xf32, #tpu.memory_space<hbm>> -> memref<1x10000xf32, #tpu.memory_space<hbm>>
      tpu.enqueue_dma source(%dma_start3A_289 : memref<1x10000xf32, #tpu.memory_space<hbm>>) target(%dma_start3A_287 : memref<1x10000xf32, #tpu.memory_space<vmem>>) target_semaphore(%arg21 : memref<!tpu.dma_semaphore, #tpu.memory_space<semaphore_mem>>)
      %slice3A_290 = vector.extract_strided_slice %get3A_253 {offsets = [3], sizes = [1], strides = [1]} : vector<16xi32> to vector<1xi32>
      %squeeze3A_291 = vector.extract %slice3A_290[0] : i32 from vector<1xi32>
      %dma_start3A_292 = arith.constant 3 : i32
      %dma_start3A_293 = arith.constant 0 : i32
      %dma_start3A_294 = tpu.memref_slice %arg15[%dma_start3A_292, %dma_start3A_293] : memref<4x10000xf32, #tpu.memory_space<vmem>> -> memref<1x10000xf32, #tpu.memory_space<vmem>>
      %dma_start3A_295 = arith.constant 0 : i32
      %dma_start3A_296 = tpu.memref_slice %arg2[%squeeze3A_291, %dma_start3A_295] : memref<10000x10000xf32, #tpu.memory_space<hbm>> -> memref<1x10000xf32, #tpu.memory_space<hbm>>
      %dma_start3A_297 = arith.constant 3 : i32
      %dma_start3A_298 = arith.constant 0 : i32
      %dma_start3A_299 = tpu.memref_slice %arg15[%dma_start3A_297, %dma_start3A_298] : memref<4x10000xf32, #tpu.memory_space<vmem>> -> memref<1x10000xf32, #tpu.memory_space<vmem>>
      %dma_start3A_300 = arith.constant 0 : i32
      %dma_start3A_301 = tpu.memref_slice %arg2[%squeeze3A_291, %dma_start3A_300] : memref<10000x10000xf32, #tpu.memory_space<hbm>> -> memref<1x10000xf32, #tpu.memory_space<hbm>>
      tpu.enqueue_dma source(%dma_start3A_301 : memref<1x10000xf32, #tpu.memory_space<hbm>>) target(%dma_start3A_299 : memref<1x10000xf32, #tpu.memory_space<vmem>>) target_semaphore(%arg21 : memref<!tpu.dma_semaphore, #tpu.memory_space<semaphore_mem>>)
      %mul3A_302 = arith.constant 8 : i32
      %mul3A_303 = arith.muli %mul3A_302, %min3A_249 : i32
      %dma_start3A_304 = tpu.memref_slice %arg12[%mul3A_303] : memref<10016xi32, #tpu.memory_space<vmem>> -> memref<4xi32, #tpu.memory_space<vmem>>
      %dma_start3A_305 = arith.constant 0 : i32
      %dma_start3A_306 = arith.constant 0 : i32
      %dma_start3A_307 = tpu.memref_slice %arg3[%dma_start3A_305, %dma_start3A_306] : memref<10000x128xf32, #tpu.memory_space<hbm>> -> memref<10000x128xf32, #tpu.memory_space<hbm>>
      tpu.enqueue_indirect_dma source(%dma_start3A_307 : memref<10000x128xf32, #tpu.memory_space<hbm>>) target(%arg18 : memref<4x128xf32, #tpu.memory_space<vmem>>) offsets(%dma_start3A_304 : memref<4xi32, #tpu.memory_space<vmem>>) semaphore(%arg23 : memref<!tpu.dma_semaphore, #tpu.memory_space<semaphore_mem>>)
      %gt3A = arith.cmpi sgt, %add3A_189, %mul3A_38 : i32
      %convert_element_type3A_308 = arith.extui %gt3A : i1 to i32
      %cond3A_309 = arith.constant 0 : i32
      %cond3A_310 = arith.cmpi ne, %convert_element_type3A_308, %cond3A_309 : i32
      scf.if %cond3A_310 {
        %dma_wait3A_1192 = arith.constant 0 : i32
        %dma_wait3A_1193 = arith.constant 0 : i32
        %dma_wait3A_1194 = tpu.memref_slice %arg6[%dma_wait3A_1192, %dma_wait3A_1193] : memref<5000x5000xf32, #tpu.memory_space<hbm>> -> memref<4x5000xf32, #tpu.memory_space<hbm>>
        %dma_wait3A_1195 = arith.constant 0 : i32
        %dma_wait3A_1196 = arith.constant 0 : i32
        %dma_wait3A_1197 = tpu.memref_slice %arg6[%dma_wait3A_1195, %dma_wait3A_1196] : memref<5000x5000xf32, #tpu.memory_space<hbm>> -> memref<4x5000xf32, #tpu.memory_space<hbm>>
        tpu.wait_dma2 semaphore(%arg24 : memref<!tpu.dma_semaphore, #tpu.memory_space<semaphore_mem>>) src(%arg16 : memref<4x5000xf32, #tpu.memory_space<vmem>>) dst(%dma_wait3A_1197 : memref<4x5000xf32, #tpu.memory_space<hbm>>)
        %dma_wait3A_1198 = arith.constant 0 : i32
        %dma_wait3A_1199 = arith.constant 0 : i32
        %dma_wait3A_1200 = tpu.memref_slice %arg7[%dma_wait3A_1198, %dma_wait3A_1199] : memref<5000x128xf32, #tpu.memory_space<hbm>> -> memref<4x128xf32, #tpu.memory_space<hbm>>
        %dma_wait3A_1201 = arith.constant 0 : i32
        %dma_wait3A_1202 = arith.constant 0 : i32
        %dma_wait3A_1203 = tpu.memref_slice %arg7[%dma_wait3A_1201, %dma_wait3A_1202] : memref<5000x128xf32, #tpu.memory_space<hbm>> -> memref<4x128xf32, #tpu.memory_space<hbm>>
        tpu.wait_dma2 semaphore(%arg24 : memref<!tpu.dma_semaphore, #tpu.memory_space<semaphore_mem>>) src(%arg19 : memref<4x128xf32, #tpu.memory_space<vmem>>) dst(%dma_wait3A_1203 : memref<4x128xf32, #tpu.memory_space<hbm>>)
      } else {
      }
      %parallel_loop3A = arith.constant 0 : i32
      %parallel_loop3A_311 = arith.constant 312 : i32
      %parallel_loop3A_312 = arith.constant 1 : i32
      scf.for %parallel_loop3A_1192 = %parallel_loop3A to %parallel_loop3A_311 step %parallel_loop3A_312  : i32 {
        %parallel_loop3A_1193 = arith.constant 16 : i32
        %parallel_loop3A_1194 = arith.muli %parallel_loop3A_1192, %parallel_loop3A_1193 : i32
        %parallel_loop3A_1195 = arith.index_cast %parallel_loop3A_1194 : i32 to index
        %parallel_loop3A_1196 = tpu.vector_load %arg11[%parallel_loop3A_1195] {strides = array<i32>} : memref<5008xi32, #tpu.memory_space<vmem>>, vector<16xi32>,
        %parallel_loop3A_1197 = arith.constant 0 : i32
        %parallel_loop3A_1198 = vector.broadcast %parallel_loop3A_1197 : i32 to vector<16xi32>
        %parallel_loop3A_1199 = tpu.vector_load_idx %arg14[%parallel_loop3A_1198, %parallel_loop3A_1196] : memref<4x10000xf32, #tpu.memory_space<vmem>>[vector<16xi32>, vector<16xi32>], vector<16xf32>,
        %parallel_loop3A_1200 = arith.constant 16 : i32
        %parallel_loop3A_1201 = arith.muli %parallel_loop3A_1192, %parallel_loop3A_1200 : i32
        %parallel_loop3A_1202 = arith.constant 0 : i32
        %parallel_loop3A_1203 = arith.index_cast %parallel_loop3A_1202 : i32 to index
        %parallel_loop3A_1204 = arith.index_cast %parallel_loop3A_1201 : i32 to index
        %parallel_loop3A_1205 = tpu.vector_load %arg16[%parallel_loop3A_1203, %parallel_loop3A_1204] {strides = array<i32>} : memref<4x5000xf32, #tpu.memory_space<vmem>>, vector<16xf32>,
        tpu.vector_store %arg16[%parallel_loop3A_1203, %parallel_loop3A_1204], %parallel_loop3A_1199 {strides = array<i32>} : memref<4x5000xf32, #tpu.memory_space<vmem>>, vector<16xf32>,
        %parallel_loop3A_1206 = arith.constant 1 : i32
        %parallel_loop3A_1207 = vector.broadcast %parallel_loop3A_1206 : i32 to vector<16xi32>
        %parallel_loop3A_1208 = tpu.vector_load_idx %arg14[%parallel_loop3A_1207, %parallel_loop3A_1196] : memref<4x10000xf32, #tpu.memory_space<vmem>>[vector<16xi32>, vector<16xi32>], vector<16xf32>,
        %parallel_loop3A_1209 = arith.constant 16 : i32
        %parallel_loop3A_1210 = arith.muli %parallel_loop3A_1192, %parallel_loop3A_1209 : i32
        %parallel_loop3A_1211 = arith.constant 1 : i32
        %parallel_loop3A_1212 = arith.index_cast %parallel_loop3A_1211 : i32 to index
        %parallel_loop3A_1213 = arith.index_cast %parallel_loop3A_1210 : i32 to index
        %parallel_loop3A_1214 = tpu.vector_load %arg16[%parallel_loop3A_1212, %parallel_loop3A_1213] {strides = array<i32>} : memref<4x5000xf32, #tpu.memory_space<vmem>>, vector<16xf32>,
        tpu.vector_store %arg16[%parallel_loop3A_1212, %parallel_loop3A_1213], %parallel_loop3A_1208 {strides = array<i32>} : memref<4x5000xf32, #tpu.memory_space<vmem>>, vector<16xf32>,
        %parallel_loop3A_1215 = arith.constant 2 : i32
        %parallel_loop3A_1216 = vector.broadcast %parallel_loop3A_1215 : i32 to vector<16xi32>
        %parallel_loop3A_1217 = tpu.vector_load_idx %arg14[%parallel_loop3A_1216, %parallel_loop3A_1196] : memref<4x10000xf32, #tpu.memory_space<vmem>>[vector<16xi32>, vector<16xi32>], vector<16xf32>,
        %parallel_loop3A_1218 = arith.constant 16 : i32
        %parallel_loop3A_1219 = arith.muli %parallel_loop3A_1192, %parallel_loop3A_1218 : i32
        %parallel_loop3A_1220 = arith.constant 2 : i32
        %parallel_loop3A_1221 = arith.index_cast %parallel_loop3A_1220 : i32 to index
        %parallel_loop3A_1222 = arith.index_cast %parallel_loop3A_1219 : i32 to index
        %parallel_loop3A_1223 = tpu.vector_load %arg16[%parallel_loop3A_1221, %parallel_loop3A_1222] {strides = array<i32>} : memref<4x5000xf32, #tpu.memory_space<vmem>>, vector<16xf32>,
        tpu.vector_store %arg16[%parallel_loop3A_1221, %parallel_loop3A_1222], %parallel_loop3A_1217 {strides = array<i32>} : memref<4x5000xf32, #tpu.memory_space<vmem>>, vector<16xf32>,
        %parallel_loop3A_1224 = arith.constant 3 : i32
        %parallel_loop3A_1225 = vector.broadcast %parallel_loop3A_1224 : i32 to vector<16xi32>
        %parallel_loop3A_1226 = tpu.vector_load_idx %arg14[%parallel_loop3A_1225, %parallel_loop3A_1196] : memref<4x10000xf32, #tpu.memory_space<vmem>>[vector<16xi32>, vector<16xi32>], vector<16xf32>,
        %parallel_loop3A_1227 = arith.constant 16 : i32
        %parallel_loop3A_1228 = arith.muli %parallel_loop3A_1192, %parallel_loop3A_1227 : i32
        %parallel_loop3A_1229 = arith.constant 3 : i32
        %parallel_loop3A_1230 = arith.index_cast %parallel_loop3A_1229 : i32 to index
        %parallel_loop3A_1231 = arith.index_cast %parallel_loop3A_1228 : i32 to index
        %parallel_loop3A_1232 = tpu.vector_load %arg16[%parallel_loop3A_1230, %parallel_loop3A_1231] {strides = array<i32>} : memref<4x5000xf32, #tpu.memory_space<vmem>>, vector<16xf32>,
        tpu.vector_store %arg16[%parallel_loop3A_1230, %parallel_loop3A_1231], %parallel_loop3A_1226 {strides = array<i32>} : memref<4x5000xf32, #tpu.memory_space<vmem>>, vector<16xf32>,
      } {sc.loop_unroll_factor = 8 : i64, sc.parallel_access}
      %get3A_313 = arith.constant 4992 : index
      %get3A_314 = tpu.vector_load %arg11[%get3A_313] {strides = array<i32>} : memref<5008xi32, #tpu.memory_space<vmem>>, vector<16xi32>,
      %lt3A_315 = arith.constant 8 : i32
      %lt3A_316 = vector.broadcast %lt3A_315 : i32 to vector<16xi32>
      %lt3A_317 = arith.cmpi slt, %iota3A, %lt3A_316 : vector<16xi32>
      %add3A_318 = arith.constant 4992 : i32
      %add3A_319 = vector.broadcast %add3A_318 : i32 to vector<16xi32>
      %add3A_320 = arith.addi %iota3A, %add3A_319 : vector<16xi32>
      %min3A_321 = arith.constant 4999 : i32
      %min3A_322 = vector.broadcast %min3A_321 : i32 to vector<16xi32>
      %min3A_323 = arith.minsi %add3A_320, %min3A_322 : vector<16xi32>
      %broadcast_in_dim3A_324 = arith.constant 0 : i32
      %broadcast_in_dim3A_325 = vector.broadcast %broadcast_in_dim3A_324 : i32 to vector<16xi32>
      %gather3A = tpu.vector_load_idx %arg14[%broadcast_in_dim3A_325, %get3A_314] : memref<4x10000xf32, #tpu.memory_space<vmem>>[vector<16xi32>, vector<16xi32>], vector<16xf32>,
      tpu.vector_store_idx %arg16[%broadcast_in_dim3A_325, %min3A_323], %gather3A masked %lt3A_317 : memref<4x5000xf32, #tpu.memory_space<vmem>>[vector<16xi32>, vector<16xi32>], vector<16xf32>, vector<16xi1>
      %broadcast_in_dim3A_326 = arith.constant 1 : i32
      %broadcast_in_dim3A_327 = vector.broadcast %broadcast_in_dim3A_326 : i32 to vector<16xi32>
      %gather3A_328 = tpu.vector_load_idx %arg14[%broadcast_in_dim3A_327, %get3A_314] : memref<4x10000xf32, #tpu.memory_space<vmem>>[vector<16xi32>, vector<16xi32>], vector<16xf32>,
      tpu.vector_store_idx %arg16[%broadcast_in_dim3A_327, %min3A_323], %gather3A_328 masked %lt3A_317 : memref<4x5000xf32, #tpu.memory_space<vmem>>[vector<16xi32>, vector<16xi32>], vector<16xf32>, vector<16xi1>
      %broadcast_in_dim3A_329 = arith.constant 2 : i32
      %broadcast_in_dim3A_330 = vector.broadcast %broadcast_in_dim3A_329 : i32 to vector<16xi32>
      %gather3A_331 = tpu.vector_load_idx %arg14[%broadcast_in_dim3A_330, %get3A_314] : memref<4x10000xf32, #tpu.memory_space<vmem>>[vector<16xi32>, vector<16xi32>], vector<16xf32>,
      tpu.vector_store_idx %arg16[%broadcast_in_dim3A_330, %min3A_323], %gather3A_331 masked %lt3A_317 : memref<4x5000xf32, #tpu.memory_space<vmem>>[vector<16xi32>, vector<16xi32>], vector<16xf32>, vector<16xi1>
      %broadcast_in_dim3A_332 = arith.constant 3 : i32
      %broadcast_in_dim3A_333 = vector.broadcast %broadcast_in_dim3A_332 : i32 to vector<16xi32>
      %gather3A_334 = tpu.vector_load_idx %arg14[%broadcast_in_dim3A_333, %get3A_314] : memref<4x10000xf32, #tpu.memory_space<vmem>>[vector<16xi32>, vector<16xi32>], vector<16xf32>,
      tpu.vector_store_idx %arg16[%broadcast_in_dim3A_333, %min3A_323], %gather3A_334 masked %lt3A_317 : memref<4x5000xf32, #tpu.memory_space<vmem>>[vector<16xi32>, vector<16xi32>], vector<16xf32>, vector<16xi1>
      %mul3A_335 = arith.constant 4 : i32
      %mul3A_336 = arith.muli %mul3A_335, %add3A_189 : i32
      %add3A_337 = arith.constant 0 : i32
      %add3A_338 = arith.addi %mul3A_336, %add3A_337 : i32
      %broadcast_in_dim3A_339 = vector.broadcast %add3A_338 : i32 to vector<16xi32>
      %broadcast_in_dim3A_340 = arith.constant 0 : i32
      %broadcast_in_dim3A_341 = vector.broadcast %broadcast_in_dim3A_340 : i32 to vector<16xi32>
      %broadcast_in_dim3A_342 = arith.constant 1.000000e+00 : f32
      %broadcast_in_dim3A_343 = vector.broadcast %broadcast_in_dim3A_342 : f32 to vector<16xf32>
      %eq3A_344 = arith.constant 0 : i32
      %eq3A_345 = vector.broadcast %eq3A_344 : i32 to vector<16xi32>
      %eq3A_346 = arith.cmpi eq, %iota3A, %eq3A_345 : vector<16xi32>
      tpu.vector_store_idx %arg16[%broadcast_in_dim3A_341, %broadcast_in_dim3A_339], %broadcast_in_dim3A_343 masked %eq3A_346 {add = true} : memref<4x5000xf32, #tpu.memory_space<vmem>>[vector<16xi32>, vector<16xi32>], vector<16xf32>, vector<16xi1>
      %gather3A_347 = tpu.vector_load_idx %arg13[%broadcast_in_dim3A_339] : memref<5008xf32, #tpu.memory_space<vmem>>[vector<16xi32>], vector<16xf32>,
      %get3A_348 = arith.constant 0 : i32
      %get3A_349 = arith.index_cast %get3A_348 : i32 to index
      %get3A_350 = arith.constant 0 : index
      %get3A_351 = tpu.vector_load %arg17[%get3A_349, %get3A_350] {strides = array<i32>} : memref<4x128xf32, #tpu.memory_space<vmem>>, vector<16xf32>,
      %mul3A_352 = arith.mulf %get3A_351, %gather3A_347 : vector<16xf32>
      %swap3A_353 = arith.constant 0 : i32
      %swap3A_354 = arith.index_cast %swap3A_353 : i32 to index
      %swap3A_355 = arith.constant 0 : index
      %swap3A_356 = tpu.vector_load %arg19[%swap3A_354, %swap3A_355] {strides = array<i32>} : memref<4x128xf32, #tpu.memory_space<vmem>>, vector<16xf32>,
      tpu.vector_store %arg19[%swap3A_354, %swap3A_355], %mul3A_352 {strides = array<i32>} : memref<4x128xf32, #tpu.memory_space<vmem>>, vector<16xf32>,
      %get3A_357 = arith.constant 0 : i32
      %get3A_358 = arith.index_cast %get3A_357 : i32 to index
      %get3A_359 = arith.constant 16 : index
      %get3A_360 = tpu.vector_load %arg17[%get3A_358, %get3A_359] {strides = array<i32>} : memref<4x128xf32, #tpu.memory_space<vmem>>, vector<16xf32>,
      %mul3A_361 = arith.mulf %get3A_360, %gather3A_347 : vector<16xf32>
      %swap3A_362 = arith.constant 0 : i32
      %swap3A_363 = arith.index_cast %swap3A_362 : i32 to index
      %swap3A_364 = arith.constant 16 : index
      %swap3A_365 = tpu.vector_load %arg19[%swap3A_363, %swap3A_364] {strides = array<i32>} : memref<4x128xf32, #tpu.memory_space<vmem>>, vector<16xf32>,
      tpu.vector_store %arg19[%swap3A_363, %swap3A_364], %mul3A_361 {strides = array<i32>} : memref<4x128xf32, #tpu.memory_space<vmem>>, vector<16xf32>,
      %get3A_366 = arith.constant 0 : i32
      %get3A_367 = arith.index_cast %get3A_366 : i32 to index
      %get3A_368 = arith.constant 32 : index
      %get3A_369 = tpu.vector_load %arg17[%get3A_367, %get3A_368] {strides = array<i32>} : memref<4x128xf32, #tpu.memory_space<vmem>>, vector<16xf32>,
      %mul3A_370 = arith.mulf %get3A_369, %gather3A_347 : vector<16xf32>
      %swap3A_371 = arith.constant 0 : i32
      %swap3A_372 = arith.index_cast %swap3A_371 : i32 to index
      %swap3A_373 = arith.constant 32 : index
      %swap3A_374 = tpu.vector_load %arg19[%swap3A_372, %swap3A_373] {strides = array<i32>} : memref<4x128xf32, #tpu.memory_space<vmem>>, vector<16xf32>,
      tpu.vector_store %arg19[%swap3A_372, %swap3A_373], %mul3A_370 {strides = array<i32>} : memref<4x128xf32, #tpu.memory_space<vmem>>, vector<16xf32>,
      %get3A_375 = arith.constant 0 : i32
      %get3A_376 = arith.index_cast %get3A_375 : i32 to index
      %get3A_377 = arith.constant 48 : index
      %get3A_378 = tpu.vector_load %arg17[%get3A_376, %get3A_377] {strides = array<i32>} : memref<4x128xf32, #tpu.memory_space<vmem>>, vector<16xf32>,
      %mul3A_379 = arith.mulf %get3A_378, %gather3A_347 : vector<16xf32>
      %swap3A_380 = arith.constant 0 : i32
      %swap3A_381 = arith.index_cast %swap3A_380 : i32 to index
      %swap3A_382 = arith.constant 48 : index
      %swap3A_383 = tpu.vector_load %arg19[%swap3A_381, %swap3A_382] {strides = array<i32>} : memref<4x128xf32, #tpu.memory_space<vmem>>, vector<16xf32>,
      tpu.vector_store %arg19[%swap3A_381, %swap3A_382], %mul3A_379 {strides = array<i32>} : memref<4x128xf32, #tpu.memory_space<vmem>>, vector<16xf32>,
      %get3A_384 = arith.constant 0 : i32
      %get3A_385 = arith.index_cast %get3A_384 : i32 to index
      %get3A_386 = arith.constant 64 : index
      %get3A_387 = tpu.vector_load %arg17[%get3A_385, %get3A_386] {strides = array<i32>} : memref<4x128xf32, #tpu.memory_space<vmem>>, vector<16xf32>,
      %mul3A_388 = arith.mulf %get3A_387, %gather3A_347 : vector<16xf32>
      %swap3A_389 = arith.constant 0 : i32
      %swap3A_390 = arith.index_cast %swap3A_389 : i32 to index
      %swap3A_391 = arith.constant 64 : index
      %swap3A_392 = tpu.vector_load %arg19[%swap3A_390, %swap3A_391] {strides = array<i32>} : memref<4x128xf32, #tpu.memory_space<vmem>>, vector<16xf32>,
      tpu.vector_store %arg19[%swap3A_390, %swap3A_391], %mul3A_388 {strides = array<i32>} : memref<4x128xf32, #tpu.memory_space<vmem>>, vector<16xf32>,
      %get3A_393 = arith.constant 0 : i32
      %get3A_394 = arith.index_cast %get3A_393 : i32 to index
      %get3A_395 = arith.constant 80 : index
      %get3A_396 = tpu.vector_load %arg17[%get3A_394, %get3A_395] {strides = array<i32>} : memref<4x128xf32, #tpu.memory_space<vmem>>, vector<16xf32>,
      %mul3A_397 = arith.mulf %get3A_396, %gather3A_347 : vector<16xf32>
      %swap3A_398 = arith.constant 0 : i32
      %swap3A_399 = arith.index_cast %swap3A_398 : i32 to index
      %swap3A_400 = arith.constant 80 : index
      %swap3A_401 = tpu.vector_load %arg19[%swap3A_399, %swap3A_400] {strides = array<i32>} : memref<4x128xf32, #tpu.memory_space<vmem>>, vector<16xf32>,
      tpu.vector_store %arg19[%swap3A_399, %swap3A_400], %mul3A_397 {strides = array<i32>} : memref<4x128xf32, #tpu.memory_space<vmem>>, vector<16xf32>,
      %get3A_402 = arith.constant 0 : i32
      %get3A_403 = arith.index_cast %get3A_402 : i32 to index
      %get3A_404 = arith.constant 96 : index
      %get3A_405 = tpu.vector_load %arg17[%get3A_403, %get3A_404] {strides = array<i32>} : memref<4x128xf32, #tpu.memory_space<vmem>>, vector<16xf32>,
      %mul3A_406 = arith.mulf %get3A_405, %gather3A_347 : vector<16xf32>
      %swap3A_407 = arith.constant 0 : i32
      %swap3A_408 = arith.index_cast %swap3A_407 : i32 to index
      %swap3A_409 = arith.constant 96 : index
      %swap3A_410 = tpu.vector_load %arg19[%swap3A_408, %swap3A_409] {strides = array<i32>} : memref<4x128xf32, #tpu.memory_space<vmem>>, vector<16xf32>,
      tpu.vector_store %arg19[%swap3A_408, %swap3A_409], %mul3A_406 {strides = array<i32>} : memref<4x128xf32, #tpu.memory_space<vmem>>, vector<16xf32>,
      %get3A_411 = arith.constant 0 : i32
      %get3A_412 = arith.index_cast %get3A_411 : i32 to index
      %get3A_413 = arith.constant 112 : index
      %get3A_414 = tpu.vector_load %arg17[%get3A_412, %get3A_413] {strides = array<i32>} : memref<4x128xf32, #tpu.memory_space<vmem>>, vector<16xf32>,
      %mul3A_415 = arith.mulf %get3A_414, %gather3A_347 : vector<16xf32>
      %swap3A_416 = arith.constant 0 : i32
      %swap3A_417 = arith.index_cast %swap3A_416 : i32 to index
      %swap3A_418 = arith.constant 112 : index
      %swap3A_419 = tpu.vector_load %arg19[%swap3A_417, %swap3A_418] {strides = array<i32>} : memref<4x128xf32, #tpu.memory_space<vmem>>, vector<16xf32>,
      tpu.vector_store %arg19[%swap3A_417, %swap3A_418], %mul3A_415 {strides = array<i32>} : memref<4x128xf32, #tpu.memory_space<vmem>>, vector<16xf32>,
      %mul3A_420 = arith.constant 4 : i32
      %mul3A_421 = arith.muli %mul3A_420, %add3A_189 : i32
      %add3A_422 = arith.constant 1 : i32
      %add3A_423 = arith.addi %mul3A_421, %add3A_422 : i32
      %broadcast_in_dim3A_424 = vector.broadcast %add3A_423 : i32 to vector<16xi32>
      %broadcast_in_dim3A_425 = arith.constant 1 : i32
      %broadcast_in_dim3A_426 = vector.broadcast %broadcast_in_dim3A_425 : i32 to vector<16xi32>
      %broadcast_in_dim3A_427 = arith.constant 1.000000e+00 : f32
      %broadcast_in_dim3A_428 = vector.broadcast %broadcast_in_dim3A_427 : f32 to vector<16xf32>
      %eq3A_429 = arith.constant 0 : i32
      %eq3A_430 = vector.broadcast %eq3A_429 : i32 to vector<16xi32>
      %eq3A_431 = arith.cmpi eq, %iota3A, %eq3A_430 : vector<16xi32>
      tpu.vector_store_idx %arg16[%broadcast_in_dim3A_426, %broadcast_in_dim3A_424], %broadcast_in_dim3A_428 masked %eq3A_431 {add = true} : memref<4x5000xf32, #tpu.memory_space<vmem>>[vector<16xi32>, vector<16xi32>], vector<16xf32>, vector<16xi1>
      %gather3A_432 = tpu.vector_load_idx %arg13[%broadcast_in_dim3A_424] : memref<5008xf32, #tpu.memory_space<vmem>>[vector<16xi32>], vector<16xf32>,
      %get3A_433 = arith.constant 1 : i32
      %get3A_434 = arith.index_cast %get3A_433 : i32 to index
      %get3A_435 = arith.constant 0 : index
      %get3A_436 = tpu.vector_load %arg17[%get3A_434, %get3A_435] {strides = array<i32>} : memref<4x128xf32, #tpu.memory_space<vmem>>, vector<16xf32>,
      %mul3A_437 = arith.mulf %get3A_436, %gather3A_432 : vector<16xf32>
      %swap3A_438 = arith.constant 1 : i32
      %swap3A_439 = arith.index_cast %swap3A_438 : i32 to index
      %swap3A_440 = arith.constant 0 : index
      %swap3A_441 = tpu.vector_load %arg19[%swap3A_439, %swap3A_440] {strides = array<i32>} : memref<4x128xf32, #tpu.memory_space<vmem>>, vector<16xf32>,
      tpu.vector_store %arg19[%swap3A_439, %swap3A_440], %mul3A_437 {strides = array<i32>} : memref<4x128xf32, #tpu.memory_space<vmem>>, vector<16xf32>,
      %get3A_442 = arith.constant 1 : i32
      %get3A_443 = arith.index_cast %get3A_442 : i32 to index
      %get3A_444 = arith.constant 16 : index
      %get3A_445 = tpu.vector_load %arg17[%get3A_443, %get3A_444] {strides = array<i32>} : memref<4x128xf32, #tpu.memory_space<vmem>>, vector<16xf32>,
      %mul3A_446 = arith.mulf %get3A_445, %gather3A_432 : vector<16xf32>
      %swap3A_447 = arith.constant 1 : i32
      %swap3A_448 = arith.index_cast %swap3A_447 : i32 to index
      %swap3A_449 = arith.constant 16 : index
      %swap3A_450 = tpu.vector_load %arg19[%swap3A_448, %swap3A_449] {strides = array<i32>} : memref<4x128xf32, #tpu.memory_space<vmem>>, vector<16xf32>,
      tpu.vector_store %arg19[%swap3A_448, %swap3A_449], %mul3A_446 {strides = array<i32>} : memref<4x128xf32, #tpu.memory_space<vmem>>, vector<16xf32>,
      %get3A_451 = arith.constant 1 : i32
      %get3A_452 = arith.index_cast %get3A_451 : i32 to index
      %get3A_453 = arith.constant 32 : index
      %get3A_454 = tpu.vector_load %arg17[%get3A_452, %get3A_453] {strides = array<i32>} : memref<4x128xf32, #tpu.memory_space<vmem>>, vector<16xf32>,
      %mul3A_455 = arith.mulf %get3A_454, %gather3A_432 : vector<16xf32>
      %swap3A_456 = arith.constant 1 : i32
      %swap3A_457 = arith.index_cast %swap3A_456 : i32 to index
      %swap3A_458 = arith.constant 32 : index
      %swap3A_459 = tpu.vector_load %arg19[%swap3A_457, %swap3A_458] {strides = array<i32>} : memref<4x128xf32, #tpu.memory_space<vmem>>, vector<16xf32>,
      tpu.vector_store %arg19[%swap3A_457, %swap3A_458], %mul3A_455 {strides = array<i32>} : memref<4x128xf32, #tpu.memory_space<vmem>>, vector<16xf32>,
      %get3A_460 = arith.constant 1 : i32
      %get3A_461 = arith.index_cast %get3A_460 : i32 to index
      %get3A_462 = arith.constant 48 : index
      %get3A_463 = tpu.vector_load %arg17[%get3A_461, %get3A_462] {strides = array<i32>} : memref<4x128xf32, #tpu.memory_space<vmem>>, vector<16xf32>,
      %mul3A_464 = arith.mulf %get3A_463, %gather3A_432 : vector<16xf32>
      %swap3A_465 = arith.constant 1 : i32
      %swap3A_466 = arith.index_cast %swap3A_465 : i32 to index
      %swap3A_467 = arith.constant 48 : index
      %swap3A_468 = tpu.vector_load %arg19[%swap3A_466, %swap3A_467] {strides = array<i32>} : memref<4x128xf32, #tpu.memory_space<vmem>>, vector<16xf32>,
      tpu.vector_store %arg19[%swap3A_466, %swap3A_467], %mul3A_464 {strides = array<i32>} : memref<4x128xf32, #tpu.memory_space<vmem>>, vector<16xf32>,
      %get3A_469 = arith.constant 1 : i32
      %get3A_470 = arith.index_cast %get3A_469 : i32 to index
      %get3A_471 = arith.constant 64 : index
      %get3A_472 = tpu.vector_load %arg17[%get3A_470, %get3A_471] {strides = array<i32>} : memref<4x128xf32, #tpu.memory_space<vmem>>, vector<16xf32>,
      %mul3A_473 = arith.mulf %get3A_472, %gather3A_432 : vector<16xf32>
      %swap3A_474 = arith.constant 1 : i32
      %swap3A_475 = arith.index_cast %swap3A_474 : i32 to index
      %swap3A_476 = arith.constant 64 : index
      %swap3A_477 = tpu.vector_load %arg19[%swap3A_475, %swap3A_476] {strides = array<i32>} : memref<4x128xf32, #tpu.memory_space<vmem>>, vector<16xf32>,
      tpu.vector_store %arg19[%swap3A_475, %swap3A_476], %mul3A_473 {strides = array<i32>} : memref<4x128xf32, #tpu.memory_space<vmem>>, vector<16xf32>,
      %get3A_478 = arith.constant 1 : i32
      %get3A_479 = arith.index_cast %get3A_478 : i32 to index
      %get3A_480 = arith.constant 80 : index
      %get3A_481 = tpu.vector_load %arg17[%get3A_479, %get3A_480] {strides = array<i32>} : memref<4x128xf32, #tpu.memory_space<vmem>>, vector<16xf32>,
      %mul3A_482 = arith.mulf %get3A_481, %gather3A_432 : vector<16xf32>
      %swap3A_483 = arith.constant 1 : i32
      %swap3A_484 = arith.index_cast %swap3A_483 : i32 to index
      %swap3A_485 = arith.constant 80 : index
      %swap3A_486 = tpu.vector_load %arg19[%swap3A_484, %swap3A_485] {strides = array<i32>} : memref<4x128xf32, #tpu.memory_space<vmem>>, vector<16xf32>,
      tpu.vector_store %arg19[%swap3A_484, %swap3A_485], %mul3A_482 {strides = array<i32>} : memref<4x128xf32, #tpu.memory_space<vmem>>, vector<16xf32>,
      %get3A_487 = arith.constant 1 : i32
      %get3A_488 = arith.index_cast %get3A_487 : i32 to index
      %get3A_489 = arith.constant 96 : index
      %get3A_490 = tpu.vector_load %arg17[%get3A_488, %get3A_489] {strides = array<i32>} : memref<4x128xf32, #tpu.memory_space<vmem>>, vector<16xf32>,
      %mul3A_491 = arith.mulf %get3A_490, %gather3A_432 : vector<16xf32>
      %swap3A_492 = arith.constant 1 : i32
      %swap3A_493 = arith.index_cast %swap3A_492 : i32 to index
      %swap3A_494 = arith.constant 96 : index
      %swap3A_495 = tpu.vector_load %arg19[%swap3A_493, %swap3A_494] {strides = array<i32>} : memref<4x128xf32, #tpu.memory_space<vmem>>, vector<16xf32>,
      tpu.vector_store %arg19[%swap3A_493, %swap3A_494], %mul3A_491 {strides = array<i32>} : memref<4x128xf32, #tpu.memory_space<vmem>>, vector<16xf32>,
      %get3A_496 = arith.constant 1 : i32
      %get3A_497 = arith.index_cast %get3A_496 : i32 to index
      %get3A_498 = arith.constant 112 : index
      %get3A_499 = tpu.vector_load %arg17[%get3A_497, %get3A_498] {strides = array<i32>} : memref<4x128xf32, #tpu.memory_space<vmem>>, vector<16xf32>,
      %mul3A_500 = arith.mulf %get3A_499, %gather3A_432 : vector<16xf32>
      %swap3A_501 = arith.constant 1 : i32
      %swap3A_502 = arith.index_cast %swap3A_501 : i32 to index
      %swap3A_503 = arith.constant 112 : index
      %swap3A_504 = tpu.vector_load %arg19[%swap3A_502, %swap3A_503] {strides = array<i32>} : memref<4x128xf32, #tpu.memory_space<vmem>>, vector<16xf32>,
      tpu.vector_store %arg19[%swap3A_502, %swap3A_503], %mul3A_500 {strides = array<i32>} : memref<4x128xf32, #tpu.memory_space<vmem>>, vector<16xf32>,
      %mul3A_505 = arith.constant 4 : i32
      %mul3A_506 = arith.muli %mul3A_505, %add3A_189 : i32
      %add3A_507 = arith.constant 2 : i32
      %add3A_508 = arith.addi %mul3A_506, %add3A_507 : i32
      %broadcast_in_dim3A_509 = vector.broadcast %add3A_508 : i32 to vector<16xi32>
      %broadcast_in_dim3A_510 = arith.constant 2 : i32
      %broadcast_in_dim3A_511 = vector.broadcast %broadcast_in_dim3A_510 : i32 to vector<16xi32>
      %broadcast_in_dim3A_512 = arith.constant 1.000000e+00 : f32
      %broadcast_in_dim3A_513 = vector.broadcast %broadcast_in_dim3A_512 : f32 to vector<16xf32>
      %eq3A_514 = arith.constant 0 : i32
      %eq3A_515 = vector.broadcast %eq3A_514 : i32 to vector<16xi32>
      %eq3A_516 = arith.cmpi eq, %iota3A, %eq3A_515 : vector<16xi32>
      tpu.vector_store_idx %arg16[%broadcast_in_dim3A_511, %broadcast_in_dim3A_509], %broadcast_in_dim3A_513 masked %eq3A_516 {add = true} : memref<4x5000xf32, #tpu.memory_space<vmem>>[vector<16xi32>, vector<16xi32>], vector<16xf32>, vector<16xi1>
      %gather3A_517 = tpu.vector_load_idx %arg13[%broadcast_in_dim3A_509] : memref<5008xf32, #tpu.memory_space<vmem>>[vector<16xi32>], vector<16xf32>,
      %get3A_518 = arith.constant 2 : i32
      %get3A_519 = arith.index_cast %get3A_518 : i32 to index
      %get3A_520 = arith.constant 0 : index
      %get3A_521 = tpu.vector_load %arg17[%get3A_519, %get3A_520] {strides = array<i32>} : memref<4x128xf32, #tpu.memory_space<vmem>>, vector<16xf32>,
      %mul3A_522 = arith.mulf %get3A_521, %gather3A_517 : vector<16xf32>
      %swap3A_523 = arith.constant 2 : i32
      %swap3A_524 = arith.index_cast %swap3A_523 : i32 to index
      %swap3A_525 = arith.constant 0 : index
      %swap3A_526 = tpu.vector_load %arg19[%swap3A_524, %swap3A_525] {strides = array<i32>} : memref<4x128xf32, #tpu.memory_space<vmem>>, vector<16xf32>,
      tpu.vector_store %arg19[%swap3A_524, %swap3A_525], %mul3A_522 {strides = array<i32>} : memref<4x128xf32, #tpu.memory_space<vmem>>, vector<16xf32>,
      %get3A_527 = arith.constant 2 : i32
      %get3A_528 = arith.index_cast %get3A_527 : i32 to index
      %get3A_529 = arith.constant 16 : index
      %get3A_530 = tpu.vector_load %arg17[%get3A_528, %get3A_529] {strides = array<i32>} : memref<4x128xf32, #tpu.memory_space<vmem>>, vector<16xf32>,
      %mul3A_531 = arith.mulf %get3A_530, %gather3A_517 : vector<16xf32>
      %swap3A_532 = arith.constant 2 : i32
      %swap3A_533 = arith.index_cast %swap3A_532 : i32 to index
      %swap3A_534 = arith.constant 16 : index
      %swap3A_535 = tpu.vector_load %arg19[%swap3A_533, %swap3A_534] {strides = array<i32>} : memref<4x128xf32, #tpu.memory_space<vmem>>, vector<16xf32>,
      tpu.vector_store %arg19[%swap3A_533, %swap3A_534], %mul3A_531 {strides = array<i32>} : memref<4x128xf32, #tpu.memory_space<vmem>>, vector<16xf32>,
      %get3A_536 = arith.constant 2 : i32
      %get3A_537 = arith.index_cast %get3A_536 : i32 to index
      %get3A_538 = arith.constant 32 : index
      %get3A_539 = tpu.vector_load %arg17[%get3A_537, %get3A_538] {strides = array<i32>} : memref<4x128xf32, #tpu.memory_space<vmem>>, vector<16xf32>,
      %mul3A_540 = arith.mulf %get3A_539, %gather3A_517 : vector<16xf32>
      %swap3A_541 = arith.constant 2 : i32
      %swap3A_542 = arith.index_cast %swap3A_541 : i32 to index
      %swap3A_543 = arith.constant 32 : index
      %swap3A_544 = tpu.vector_load %arg19[%swap3A_542, %swap3A_543] {strides = array<i32>} : memref<4x128xf32, #tpu.memory_space<vmem>>, vector<16xf32>,
      tpu.vector_store %arg19[%swap3A_542, %swap3A_543], %mul3A_540 {strides = array<i32>} : memref<4x128xf32, #tpu.memory_space<vmem>>, vector<16xf32>,
      %get3A_545 = arith.constant 2 : i32
      %get3A_546 = arith.index_cast %get3A_545 : i32 to index
      %get3A_547 = arith.constant 48 : index
      %get3A_548 = tpu.vector_load %arg17[%get3A_546, %get3A_547] {strides = array<i32>} : memref<4x128xf32, #tpu.memory_space<vmem>>, vector<16xf32>,
      %mul3A_549 = arith.mulf %get3A_548, %gather3A_517 : vector<16xf32>
      %swap3A_550 = arith.constant 2 : i32
      %swap3A_551 = arith.index_cast %swap3A_550 : i32 to index
      %swap3A_552 = arith.constant 48 : index
      %swap3A_553 = tpu.vector_load %arg19[%swap3A_551, %swap3A_552] {strides = array<i32>} : memref<4x128xf32, #tpu.memory_space<vmem>>, vector<16xf32>,
      tpu.vector_store %arg19[%swap3A_551, %swap3A_552], %mul3A_549 {strides = array<i32>} : memref<4x128xf32, #tpu.memory_space<vmem>>, vector<16xf32>,
      %get3A_554 = arith.constant 2 : i32
      %get3A_555 = arith.index_cast %get3A_554 : i32 to index
      %get3A_556 = arith.constant 64 : index
      %get3A_557 = tpu.vector_load %arg17[%get3A_555, %get3A_556] {strides = array<i32>} : memref<4x128xf32, #tpu.memory_space<vmem>>, vector<16xf32>,
      %mul3A_558 = arith.mulf %get3A_557, %gather3A_517 : vector<16xf32>
      %swap3A_559 = arith.constant 2 : i32
      %swap3A_560 = arith.index_cast %swap3A_559 : i32 to index
      %swap3A_561 = arith.constant 64 : index
      %swap3A_562 = tpu.vector_load %arg19[%swap3A_560, %swap3A_561] {strides = array<i32>} : memref<4x128xf32, #tpu.memory_space<vmem>>, vector<16xf32>,
      tpu.vector_store %arg19[%swap3A_560, %swap3A_561], %mul3A_558 {strides = array<i32>} : memref<4x128xf32, #tpu.memory_space<vmem>>, vector<16xf32>,
      %get3A_563 = arith.constant 2 : i32
      %get3A_564 = arith.index_cast %get3A_563 : i32 to index
      %get3A_565 = arith.constant 80 : index
      %get3A_566 = tpu.vector_load %arg17[%get3A_564, %get3A_565] {strides = array<i32>} : memref<4x128xf32, #tpu.memory_space<vmem>>, vector<16xf32>,
      %mul3A_567 = arith.mulf %get3A_566, %gather3A_517 : vector<16xf32>
      %swap3A_568 = arith.constant 2 : i32
      %swap3A_569 = arith.index_cast %swap3A_568 : i32 to index
      %swap3A_570 = arith.constant 80 : index
      %swap3A_571 = tpu.vector_load %arg19[%swap3A_569, %swap3A_570] {strides = array<i32>} : memref<4x128xf32, #tpu.memory_space<vmem>>, vector<16xf32>,
      tpu.vector_store %arg19[%swap3A_569, %swap3A_570], %mul3A_567 {strides = array<i32>} : memref<4x128xf32, #tpu.memory_space<vmem>>, vector<16xf32>,
      %get3A_572 = arith.constant 2 : i32
      %get3A_573 = arith.index_cast %get3A_572 : i32 to index
      %get3A_574 = arith.constant 96 : index
      %get3A_575 = tpu.vector_load %arg17[%get3A_573, %get3A_574] {strides = array<i32>} : memref<4x128xf32, #tpu.memory_space<vmem>>, vector<16xf32>,
      %mul3A_576 = arith.mulf %get3A_575, %gather3A_517 : vector<16xf32>
      %swap3A_577 = arith.constant 2 : i32
      %swap3A_578 = arith.index_cast %swap3A_577 : i32 to index
      %swap3A_579 = arith.constant 96 : index
      %swap3A_580 = tpu.vector_load %arg19[%swap3A_578, %swap3A_579] {strides = array<i32>} : memref<4x128xf32, #tpu.memory_space<vmem>>, vector<16xf32>,
      tpu.vector_store %arg19[%swap3A_578, %swap3A_579], %mul3A_576 {strides = array<i32>} : memref<4x128xf32, #tpu.memory_space<vmem>>, vector<16xf32>,
      %get3A_581 = arith.constant 2 : i32
      %get3A_582 = arith.index_cast %get3A_581 : i32 to index
      %get3A_583 = arith.constant 112 : index
      %get3A_584 = tpu.vector_load %arg17[%get3A_582, %get3A_583] {strides = array<i32>} : memref<4x128xf32, #tpu.memory_space<vmem>>, vector<16xf32>,
      %mul3A_585 = arith.mulf %get3A_584, %gather3A_517 : vector<16xf32>
      %swap3A_586 = arith.constant 2 : i32
      %swap3A_587 = arith.index_cast %swap3A_586 : i32 to index
      %swap3A_588 = arith.constant 112 : index
      %swap3A_589 = tpu.vector_load %arg19[%swap3A_587, %swap3A_588] {strides = array<i32>} : memref<4x128xf32, #tpu.memory_space<vmem>>, vector<16xf32>,
      tpu.vector_store %arg19[%swap3A_587, %swap3A_588], %mul3A_585 {strides = array<i32>} : memref<4x128xf32, #tpu.memory_space<vmem>>, vector<16xf32>,
      %mul3A_590 = arith.constant 4 : i32
      %mul3A_591 = arith.muli %mul3A_590, %add3A_189 : i32
      %add3A_592 = arith.constant 3 : i32
      %add3A_593 = arith.addi %mul3A_591, %add3A_592 : i32
      %broadcast_in_dim3A_594 = vector.broadcast %add3A_593 : i32 to vector<16xi32>
      %broadcast_in_dim3A_595 = arith.constant 3 : i32
      %broadcast_in_dim3A_596 = vector.broadcast %broadcast_in_dim3A_595 : i32 to vector<16xi32>
      %broadcast_in_dim3A_597 = arith.constant 1.000000e+00 : f32
      %broadcast_in_dim3A_598 = vector.broadcast %broadcast_in_dim3A_597 : f32 to vector<16xf32>
      %eq3A_599 = arith.constant 0 : i32
      %eq3A_600 = vector.broadcast %eq3A_599 : i32 to vector<16xi32>
      %eq3A_601 = arith.cmpi eq, %iota3A, %eq3A_600 : vector<16xi32>
      tpu.vector_store_idx %arg16[%broadcast_in_dim3A_596, %broadcast_in_dim3A_594], %broadcast_in_dim3A_598 masked %eq3A_601 {add = true} : memref<4x5000xf32, #tpu.memory_space<vmem>>[vector<16xi32>, vector<16xi32>], vector<16xf32>, vector<16xi1>
      %gather3A_602 = tpu.vector_load_idx %arg13[%broadcast_in_dim3A_594] : memref<5008xf32, #tpu.memory_space<vmem>>[vector<16xi32>], vector<16xf32>,
      %get3A_603 = arith.constant 3 : i32
      %get3A_604 = arith.index_cast %get3A_603 : i32 to index
      %get3A_605 = arith.constant 0 : index
      %get3A_606 = tpu.vector_load %arg17[%get3A_604, %get3A_605] {strides = array<i32>} : memref<4x128xf32, #tpu.memory_space<vmem>>, vector<16xf32>,
      %mul3A_607 = arith.mulf %get3A_606, %gather3A_602 : vector<16xf32>
      %swap3A_608 = arith.constant 3 : i32
      %swap3A_609 = arith.index_cast %swap3A_608 : i32 to index
      %swap3A_610 = arith.constant 0 : index
      %swap3A_611 = tpu.vector_load %arg19[%swap3A_609, %swap3A_610] {strides = array<i32>} : memref<4x128xf32, #tpu.memory_space<vmem>>, vector<16xf32>,
      tpu.vector_store %arg19[%swap3A_609, %swap3A_610], %mul3A_607 {strides = array<i32>} : memref<4x128xf32, #tpu.memory_space<vmem>>, vector<16xf32>,
      %get3A_612 = arith.constant 3 : i32
      %get3A_613 = arith.index_cast %get3A_612 : i32 to index
      %get3A_614 = arith.constant 16 : index
      %get3A_615 = tpu.vector_load %arg17[%get3A_613, %get3A_614] {strides = array<i32>} : memref<4x128xf32, #tpu.memory_space<vmem>>, vector<16xf32>,
      %mul3A_616 = arith.mulf %get3A_615, %gather3A_602 : vector<16xf32>
      %swap3A_617 = arith.constant 3 : i32
      %swap3A_618 = arith.index_cast %swap3A_617 : i32 to index
      %swap3A_619 = arith.constant 16 : index
      %swap3A_620 = tpu.vector_load %arg19[%swap3A_618, %swap3A_619] {strides = array<i32>} : memref<4x128xf32, #tpu.memory_space<vmem>>, vector<16xf32>,
      tpu.vector_store %arg19[%swap3A_618, %swap3A_619], %mul3A_616 {strides = array<i32>} : memref<4x128xf32, #tpu.memory_space<vmem>>, vector<16xf32>,
      %get3A_621 = arith.constant 3 : i32
      %get3A_622 = arith.index_cast %get3A_621 : i32 to index
      %get3A_623 = arith.constant 32 : index
      %get3A_624 = tpu.vector_load %arg17[%get3A_622, %get3A_623] {strides = array<i32>} : memref<4x128xf32, #tpu.memory_space<vmem>>, vector<16xf32>,
      %mul3A_625 = arith.mulf %get3A_624, %gather3A_602 : vector<16xf32>
      %swap3A_626 = arith.constant 3 : i32
      %swap3A_627 = arith.index_cast %swap3A_626 : i32 to index
      %swap3A_628 = arith.constant 32 : index
      %swap3A_629 = tpu.vector_load %arg19[%swap3A_627, %swap3A_628] {strides = array<i32>} : memref<4x128xf32, #tpu.memory_space<vmem>>, vector<16xf32>,
      tpu.vector_store %arg19[%swap3A_627, %swap3A_628], %mul3A_625 {strides = array<i32>} : memref<4x128xf32, #tpu.memory_space<vmem>>, vector<16xf32>,
      %get3A_630 = arith.constant 3 : i32
      %get3A_631 = arith.index_cast %get3A_630 : i32 to index
      %get3A_632 = arith.constant 48 : index
      %get3A_633 = tpu.vector_load %arg17[%get3A_631, %get3A_632] {strides = array<i32>} : memref<4x128xf32, #tpu.memory_space<vmem>>, vector<16xf32>,
      %mul3A_634 = arith.mulf %get3A_633, %gather3A_602 : vector<16xf32>
      %swap3A_635 = arith.constant 3 : i32
      %swap3A_636 = arith.index_cast %swap3A_635 : i32 to index
      %swap3A_637 = arith.constant 48 : index
      %swap3A_638 = tpu.vector_load %arg19[%swap3A_636, %swap3A_637] {strides = array<i32>} : memref<4x128xf32, #tpu.memory_space<vmem>>, vector<16xf32>,
      tpu.vector_store %arg19[%swap3A_636, %swap3A_637], %mul3A_634 {strides = array<i32>} : memref<4x128xf32, #tpu.memory_space<vmem>>, vector<16xf32>,
      %get3A_639 = arith.constant 3 : i32
      %get3A_640 = arith.index_cast %get3A_639 : i32 to index
      %get3A_641 = arith.constant 64 : index
      %get3A_642 = tpu.vector_load %arg17[%get3A_640, %get3A_641] {strides = array<i32>} : memref<4x128xf32, #tpu.memory_space<vmem>>, vector<16xf32>,
      %mul3A_643 = arith.mulf %get3A_642, %gather3A_602 : vector<16xf32>
      %swap3A_644 = arith.constant 3 : i32
      %swap3A_645 = arith.index_cast %swap3A_644 : i32 to index
      %swap3A_646 = arith.constant 64 : index
      %swap3A_647 = tpu.vector_load %arg19[%swap3A_645, %swap3A_646] {strides = array<i32>} : memref<4x128xf32, #tpu.memory_space<vmem>>, vector<16xf32>,
      tpu.vector_store %arg19[%swap3A_645, %swap3A_646], %mul3A_643 {strides = array<i32>} : memref<4x128xf32, #tpu.memory_space<vmem>>, vector<16xf32>,
      %get3A_648 = arith.constant 3 : i32
      %get3A_649 = arith.index_cast %get3A_648 : i32 to index
      %get3A_650 = arith.constant 80 : index
      %get3A_651 = tpu.vector_load %arg17[%get3A_649, %get3A_650] {strides = array<i32>} : memref<4x128xf32, #tpu.memory_space<vmem>>, vector<16xf32>,
      %mul3A_652 = arith.mulf %get3A_651, %gather3A_602 : vector<16xf32>
      %swap3A_653 = arith.constant 3 : i32
      %swap3A_654 = arith.index_cast %swap3A_653 : i32 to index
      %swap3A_655 = arith.constant 80 : index
      %swap3A_656 = tpu.vector_load %arg19[%swap3A_654, %swap3A_655] {strides = array<i32>} : memref<4x128xf32, #tpu.memory_space<vmem>>, vector<16xf32>,
      tpu.vector_store %arg19[%swap3A_654, %swap3A_655], %mul3A_652 {strides = array<i32>} : memref<4x128xf32, #tpu.memory_space<vmem>>, vector<16xf32>,
      %get3A_657 = arith.constant 3 : i32
      %get3A_658 = arith.index_cast %get3A_657 : i32 to index
      %get3A_659 = arith.constant 96 : index
      %get3A_660 = tpu.vector_load %arg17[%get3A_658, %get3A_659] {strides = array<i32>} : memref<4x128xf32, #tpu.memory_space<vmem>>, vector<16xf32>,
      %mul3A_661 = arith.mulf %get3A_660, %gather3A_602 : vector<16xf32>
      %swap3A_662 = arith.constant 3 : i32
      %swap3A_663 = arith.index_cast %swap3A_662 : i32 to index
      %swap3A_664 = arith.constant 96 : index
      %swap3A_665 = tpu.vector_load %arg19[%swap3A_663, %swap3A_664] {strides = array<i32>} : memref<4x128xf32, #tpu.memory_space<vmem>>, vector<16xf32>,
      tpu.vector_store %arg19[%swap3A_663, %swap3A_664], %mul3A_661 {strides = array<i32>} : memref<4x128xf32, #tpu.memory_space<vmem>>, vector<16xf32>,
      %get3A_666 = arith.constant 3 : i32
      %get3A_667 = arith.index_cast %get3A_666 : i32 to index
      %get3A_668 = arith.constant 112 : index
      %get3A_669 = tpu.vector_load %arg17[%get3A_667, %get3A_668] {strides = array<i32>} : memref<4x128xf32, #tpu.memory_space<vmem>>, vector<16xf32>,
      %mul3A_670 = arith.mulf %get3A_669, %gather3A_602 : vector<16xf32>
      %swap3A_671 = arith.constant 3 : i32
      %swap3A_672 = arith.index_cast %swap3A_671 : i32 to index
      %swap3A_673 = arith.constant 112 : index
      %swap3A_674 = tpu.vector_load %arg19[%swap3A_672, %swap3A_673] {strides = array<i32>} : memref<4x128xf32, #tpu.memory_space<vmem>>, vector<16xf32>,
      tpu.vector_store %arg19[%swap3A_672, %swap3A_673], %mul3A_670 {strides = array<i32>} : memref<4x128xf32, #tpu.memory_space<vmem>>, vector<16xf32>,
      %mul3A_675 = arith.constant 4 : i32
      %mul3A_676 = arith.muli %mul3A_675, %add3A_189 : i32
      %dma_start3A_677 = arith.constant 0 : i32
      %dma_start3A_678 = tpu.memref_slice %arg6[%mul3A_676, %dma_start3A_677] : memref<5000x5000xf32, #tpu.memory_space<hbm>> -> memref<4x5000xf32, #tpu.memory_space<hbm>>
      %dma_start3A_679 = arith.constant 0 : i32
      %dma_start3A_680 = tpu.memref_slice %arg6[%mul3A_676, %dma_start3A_679] : memref<5000x5000xf32, #tpu.memory_space<hbm>> -> memref<4x5000xf32, #tpu.memory_space<hbm>>
      tpu.enqueue_dma source(%arg16 : memref<4x5000xf32, #tpu.memory_space<vmem>>) target(%dma_start3A_680 : memref<4x5000xf32, #tpu.memory_space<hbm>>) target_semaphore(%arg24 : memref<!tpu.dma_semaphore, #tpu.memory_space<semaphore_mem>>)
      %mul3A_681 = arith.constant 4 : i32
      %mul3A_682 = arith.muli %mul3A_681, %add3A_189 : i32
      %dma_start3A_683 = arith.constant 0 : i32
      %dma_start3A_684 = tpu.memref_slice %arg7[%mul3A_682, %dma_start3A_683] : memref<5000x128xf32, #tpu.memory_space<hbm>> -> memref<4x128xf32, #tpu.memory_space<hbm>>
      %dma_start3A_685 = arith.constant 0 : i32
      %dma_start3A_686 = tpu.memref_slice %arg7[%mul3A_682, %dma_start3A_685] : memref<5000x128xf32, #tpu.memory_space<hbm>> -> memref<4x128xf32, #tpu.memory_space<hbm>>
      tpu.enqueue_dma source(%arg19 : memref<4x128xf32, #tpu.memory_space<vmem>>) target(%dma_start3A_686 : memref<4x128xf32, #tpu.memory_space<hbm>>) target_semaphore(%arg24 : memref<!tpu.dma_semaphore, #tpu.memory_space<semaphore_mem>>)
      %mul3A_687 = arith.constant 2 : i32
      %mul3A_688 = arith.muli %mul3A_687, %add3A_184 : i32
      %add3A_689 = arith.addi %mul3A_38, %mul3A_688 : i32
      %add3A_690 = arith.constant 1 : i32
      %add3A_691 = arith.addi %add3A_689, %add3A_690 : i32
      %min3A_692 = arith.constant 1249 : i32
      %min3A_693 = arith.minsi %add3A_691, %min3A_692 : i32
      %dma_wait3A_694 = arith.constant 0 : i32
      %dma_wait3A_695 = arith.constant 0 : i32
      %dma_wait3A_696 = tpu.memref_slice %arg15[%dma_wait3A_694, %dma_wait3A_695] : memref<4x10000xf32, #tpu.memory_space<vmem>> -> memref<1x10000xf32, #tpu.memory_space<vmem>>
      %dma_wait3A_697 = arith.constant 0 : i32
      %dma_wait3A_698 = arith.constant 0 : i32
      %dma_wait3A_699 = tpu.memref_slice %arg2[%dma_wait3A_697, %dma_wait3A_698] : memref<10000x10000xf32, #tpu.memory_space<hbm>> -> memref<1x10000xf32, #tpu.memory_space<hbm>>
      %dma_wait3A_700 = arith.constant 0 : i32
      %dma_wait3A_701 = arith.constant 0 : i32
      %dma_wait3A_702 = tpu.memref_slice %arg15[%dma_wait3A_700, %dma_wait3A_701] : memref<4x10000xf32, #tpu.memory_space<vmem>> -> memref<1x10000xf32, #tpu.memory_space<vmem>>
      %dma_wait3A_703 = arith.constant 0 : i32
      %dma_wait3A_704 = arith.constant 0 : i32
      %dma_wait3A_705 = tpu.memref_slice %arg2[%dma_wait3A_703, %dma_wait3A_704] : memref<10000x10000xf32, #tpu.memory_space<hbm>> -> memref<1x10000xf32, #tpu.memory_space<hbm>>
      tpu.wait_dma2 semaphore(%arg21 : memref<!tpu.dma_semaphore, #tpu.memory_space<semaphore_mem>>) src(%dma_wait3A_705 : memref<1x10000xf32, #tpu.memory_space<hbm>>) dst(%dma_wait3A_702 : memref<1x10000xf32, #tpu.memory_space<vmem>>)
      %dma_wait3A_706 = arith.constant 1 : i32
      %dma_wait3A_707 = arith.constant 0 : i32
      %dma_wait3A_708 = tpu.memref_slice %arg15[%dma_wait3A_706, %dma_wait3A_707] : memref<4x10000xf32, #tpu.memory_space<vmem>> -> memref<1x10000xf32, #tpu.memory_space<vmem>>
      %dma_wait3A_709 = arith.constant 0 : i32
      %dma_wait3A_710 = arith.constant 0 : i32
      %dma_wait3A_711 = tpu.memref_slice %arg2[%dma_wait3A_709, %dma_wait3A_710] : memref<10000x10000xf32, #tpu.memory_space<hbm>> -> memref<1x10000xf32, #tpu.memory_space<hbm>>
      %dma_wait3A_712 = arith.constant 1 : i32
      %dma_wait3A_713 = arith.constant 0 : i32
      %dma_wait3A_714 = tpu.memref_slice %arg15[%dma_wait3A_712, %dma_wait3A_713] : memref<4x10000xf32, #tpu.memory_space<vmem>> -> memref<1x10000xf32, #tpu.memory_space<vmem>>
      %dma_wait3A_715 = arith.constant 0 : i32
      %dma_wait3A_716 = arith.constant 0 : i32
      %dma_wait3A_717 = tpu.memref_slice %arg2[%dma_wait3A_715, %dma_wait3A_716] : memref<10000x10000xf32, #tpu.memory_space<hbm>> -> memref<1x10000xf32, #tpu.memory_space<hbm>>
      tpu.wait_dma2 semaphore(%arg21 : memref<!tpu.dma_semaphore, #tpu.memory_space<semaphore_mem>>) src(%dma_wait3A_717 : memref<1x10000xf32, #tpu.memory_space<hbm>>) dst(%dma_wait3A_714 : memref<1x10000xf32, #tpu.memory_space<vmem>>)
      %dma_wait3A_718 = arith.constant 2 : i32
      %dma_wait3A_719 = arith.constant 0 : i32
      %dma_wait3A_720 = tpu.memref_slice %arg15[%dma_wait3A_718, %dma_wait3A_719] : memref<4x10000xf32, #tpu.memory_space<vmem>> -> memref<1x10000xf32, #tpu.memory_space<vmem>>
      %dma_wait3A_721 = arith.constant 0 : i32
      %dma_wait3A_722 = arith.constant 0 : i32
      %dma_wait3A_723 = tpu.memref_slice %arg2[%dma_wait3A_721, %dma_wait3A_722] : memref<10000x10000xf32, #tpu.memory_space<hbm>> -> memref<1x10000xf32, #tpu.memory_space<hbm>>
      %dma_wait3A_724 = arith.constant 2 : i32
      %dma_wait3A_725 = arith.constant 0 : i32
      %dma_wait3A_726 = tpu.memref_slice %arg15[%dma_wait3A_724, %dma_wait3A_725] : memref<4x10000xf32, #tpu.memory_space<vmem>> -> memref<1x10000xf32, #tpu.memory_space<vmem>>
      %dma_wait3A_727 = arith.constant 0 : i32
      %dma_wait3A_728 = arith.constant 0 : i32
      %dma_wait3A_729 = tpu.memref_slice %arg2[%dma_wait3A_727, %dma_wait3A_728] : memref<10000x10000xf32, #tpu.memory_space<hbm>> -> memref<1x10000xf32, #tpu.memory_space<hbm>>
      tpu.wait_dma2 semaphore(%arg21 : memref<!tpu.dma_semaphore, #tpu.memory_space<semaphore_mem>>) src(%dma_wait3A_729 : memref<1x10000xf32, #tpu.memory_space<hbm>>) dst(%dma_wait3A_726 : memref<1x10000xf32, #tpu.memory_space<vmem>>)
      %dma_wait3A_730 = arith.constant 3 : i32
      %dma_wait3A_731 = arith.constant 0 : i32
      %dma_wait3A_732 = tpu.memref_slice %arg15[%dma_wait3A_730, %dma_wait3A_731] : memref<4x10000xf32, #tpu.memory_space<vmem>> -> memref<1x10000xf32, #tpu.memory_space<vmem>>
      %dma_wait3A_733 = arith.constant 0 : i32
      %dma_wait3A_734 = arith.constant 0 : i32
      %dma_wait3A_735 = tpu.memref_slice %arg2[%dma_wait3A_733, %dma_wait3A_734] : memref<10000x10000xf32, #tpu.memory_space<hbm>> -> memref<1x10000xf32, #tpu.memory_space<hbm>>
      %dma_wait3A_736 = arith.constant 3 : i32
      %dma_wait3A_737 = arith.constant 0 : i32
      %dma_wait3A_738 = tpu.memref_slice %arg15[%dma_wait3A_736, %dma_wait3A_737] : memref<4x10000xf32, #tpu.memory_space<vmem>> -> memref<1x10000xf32, #tpu.memory_space<vmem>>
      %dma_wait3A_739 = arith.constant 0 : i32
      %dma_wait3A_740 = arith.constant 0 : i32
      %dma_wait3A_741 = tpu.memref_slice %arg2[%dma_wait3A_739, %dma_wait3A_740] : memref<10000x10000xf32, #tpu.memory_space<hbm>> -> memref<1x10000xf32, #tpu.memory_space<hbm>>
      tpu.wait_dma2 semaphore(%arg21 : memref<!tpu.dma_semaphore, #tpu.memory_space<semaphore_mem>>) src(%dma_wait3A_741 : memref<1x10000xf32, #tpu.memory_space<hbm>>) dst(%dma_wait3A_738 : memref<1x10000xf32, #tpu.memory_space<vmem>>)
      %mul3A_742 = arith.constant 8 : i32
      %mul3A_743 = arith.muli %mul3A_742, %min3A_693 : i32
      %dma_wait3A_744 = tpu.memref_slice %arg12[%mul3A_743] : memref<10016xi32, #tpu.memory_space<vmem>> -> memref<4xi32, #tpu.memory_space<vmem>>
      %dma_wait3A_745 = arith.constant 0 : i32
      %dma_wait3A_746 = arith.constant 0 : i32
      %dma_wait3A_747 = tpu.memref_slice %arg3[%dma_wait3A_745, %dma_wait3A_746] : memref<10000x128xf32, #tpu.memory_space<hbm>> -> memref<10000x128xf32, #tpu.memory_space<hbm>>
      tpu.wait_indirect_dma semaphore(%arg23 : memref<!tpu.dma_semaphore, #tpu.memory_space<semaphore_mem>>) src(%dma_wait3A_747 : memref<10000x128xf32, #tpu.memory_space<hbm>>) dst(%arg18 : memref<4x128xf32, #tpu.memory_space<vmem>>)
      %add3A_748 = arith.constant 1 : i32
      %add3A_749 = arith.addi %add3A_691, %add3A_748 : i32
      %min3A_750 = arith.constant 1249 : i32
      %min3A_751 = arith.minsi %add3A_749, %min3A_750 : i32
      %mul3A_752 = arith.constant 8 : i32
      %mul3A_753 = arith.muli %mul3A_752, %min3A_751 : i32
      %get3A_754 = arith.index_cast %mul3A_753 : i32 to index
      %get3A_755 = tpu.vector_load %arg12[%get3A_754] {strides = array<i32>} : memref<10016xi32, #tpu.memory_space<vmem>>, vector<16xi32>,
      %slice3A_756 = vector.extract_strided_slice %get3A_755 {offsets = [0], sizes = [1], strides = [1]} : vector<16xi32> to vector<1xi32>
      %squeeze3A_757 = vector.extract %slice3A_756[0] : i32 from vector<1xi32>
      %dma_start3A_758 = arith.constant 0 : i32
      %dma_start3A_759 = arith.constant 0 : i32
      %dma_start3A_760 = tpu.memref_slice %arg14[%dma_start3A_758, %dma_start3A_759] : memref<4x10000xf32, #tpu.memory_space<vmem>> -> memref<1x10000xf32, #tpu.memory_space<vmem>>
      %dma_start3A_761 = arith.constant 0 : i32
      %dma_start3A_762 = tpu.memref_slice %arg2[%squeeze3A_757, %dma_start3A_761] : memref<10000x10000xf32, #tpu.memory_space<hbm>> -> memref<1x10000xf32, #tpu.memory_space<hbm>>
      %dma_start3A_763 = arith.constant 0 : i32
      %dma_start3A_764 = arith.constant 0 : i32
      %dma_start3A_765 = tpu.memref_slice %arg14[%dma_start3A_763, %dma_start3A_764] : memref<4x10000xf32, #tpu.memory_space<vmem>> -> memref<1x10000xf32, #tpu.memory_space<vmem>>
      %dma_start3A_766 = arith.constant 0 : i32
      %dma_start3A_767 = tpu.memref_slice %arg2[%squeeze3A_757, %dma_start3A_766] : memref<10000x10000xf32, #tpu.memory_space<hbm>> -> memref<1x10000xf32, #tpu.memory_space<hbm>>
      tpu.enqueue_dma source(%dma_start3A_767 : memref<1x10000xf32, #tpu.memory_space<hbm>>) target(%dma_start3A_765 : memref<1x10000xf32, #tpu.memory_space<vmem>>) target_semaphore(%arg20 : memref<!tpu.dma_semaphore, #tpu.memory_space<semaphore_mem>>)
      %slice3A_768 = vector.extract_strided_slice %get3A_755 {offsets = [1], sizes = [1], strides = [1]} : vector<16xi32> to vector<1xi32>
      %squeeze3A_769 = vector.extract %slice3A_768[0] : i32 from vector<1xi32>
      %dma_start3A_770 = arith.constant 1 : i32
      %dma_start3A_771 = arith.constant 0 : i32
      %dma_start3A_772 = tpu.memref_slice %arg14[%dma_start3A_770, %dma_start3A_771] : memref<4x10000xf32, #tpu.memory_space<vmem>> -> memref<1x10000xf32, #tpu.memory_space<vmem>>
      %dma_start3A_773 = arith.constant 0 : i32
      %dma_start3A_774 = tpu.memref_slice %arg2[%squeeze3A_769, %dma_start3A_773] : memref<10000x10000xf32, #tpu.memory_space<hbm>> -> memref<1x10000xf32, #tpu.memory_space<hbm>>
      %dma_start3A_775 = arith.constant 1 : i32
      %dma_start3A_776 = arith.constant 0 : i32
      %dma_start3A_777 = tpu.memref_slice %arg14[%dma_start3A_775, %dma_start3A_776] : memref<4x10000xf32, #tpu.memory_space<vmem>> -> memref<1x10000xf32, #tpu.memory_space<vmem>>
      %dma_start3A_778 = arith.constant 0 : i32
      %dma_start3A_779 = tpu.memref_slice %arg2[%squeeze3A_769, %dma_start3A_778] : memref<10000x10000xf32, #tpu.memory_space<hbm>> -> memref<1x10000xf32, #tpu.memory_space<hbm>>
      tpu.enqueue_dma source(%dma_start3A_779 : memref<1x10000xf32, #tpu.memory_space<hbm>>) target(%dma_start3A_777 : memref<1x10000xf32, #tpu.memory_space<vmem>>) target_semaphore(%arg20 : memref<!tpu.dma_semaphore, #tpu.memory_space<semaphore_mem>>)
      %slice3A_780 = vector.extract_strided_slice %get3A_755 {offsets = [2], sizes = [1], strides = [1]} : vector<16xi32> to vector<1xi32>
      %squeeze3A_781 = vector.extract %slice3A_780[0] : i32 from vector<1xi32>
      %dma_start3A_782 = arith.constant 2 : i32
      %dma_start3A_783 = arith.constant 0 : i32
      %dma_start3A_784 = tpu.memref_slice %arg14[%dma_start3A_782, %dma_start3A_783] : memref<4x10000xf32, #tpu.memory_space<vmem>> -> memref<1x10000xf32, #tpu.memory_space<vmem>>
      %dma_start3A_785 = arith.constant 0 : i32
      %dma_start3A_786 = tpu.memref_slice %arg2[%squeeze3A_781, %dma_start3A_785] : memref<10000x10000xf32, #tpu.memory_space<hbm>> -> memref<1x10000xf32, #tpu.memory_space<hbm>>
      %dma_start3A_787 = arith.constant 2 : i32
      %dma_start3A_788 = arith.constant 0 : i32
      %dma_start3A_789 = tpu.memref_slice %arg14[%dma_start3A_787, %dma_start3A_788] : memref<4x10000xf32, #tpu.memory_space<vmem>> -> memref<1x10000xf32, #tpu.memory_space<vmem>>
      %dma_start3A_790 = arith.constant 0 : i32
      %dma_start3A_791 = tpu.memref_slice %arg2[%squeeze3A_781, %dma_start3A_790] : memref<10000x10000xf32, #tpu.memory_space<hbm>> -> memref<1x10000xf32, #tpu.memory_space<hbm>>
      tpu.enqueue_dma source(%dma_start3A_791 : memref<1x10000xf32, #tpu.memory_space<hbm>>) target(%dma_start3A_789 : memref<1x10000xf32, #tpu.memory_space<vmem>>) target_semaphore(%arg20 : memref<!tpu.dma_semaphore, #tpu.memory_space<semaphore_mem>>)
      %slice3A_792 = vector.extract_strided_slice %get3A_755 {offsets = [3], sizes = [1], strides = [1]} : vector<16xi32> to vector<1xi32>
      %squeeze3A_793 = vector.extract %slice3A_792[0] : i32 from vector<1xi32>
      %dma_start3A_794 = arith.constant 3 : i32
      %dma_start3A_795 = arith.constant 0 : i32
      %dma_start3A_796 = tpu.memref_slice %arg14[%dma_start3A_794, %dma_start3A_795] : memref<4x10000xf32, #tpu.memory_space<vmem>> -> memref<1x10000xf32, #tpu.memory_space<vmem>>
      %dma_start3A_797 = arith.constant 0 : i32
      %dma_start3A_798 = tpu.memref_slice %arg2[%squeeze3A_793, %dma_start3A_797] : memref<10000x10000xf32, #tpu.memory_space<hbm>> -> memref<1x10000xf32, #tpu.memory_space<hbm>>
      %dma_start3A_799 = arith.constant 3 : i32
      %dma_start3A_800 = arith.constant 0 : i32
      %dma_start3A_801 = tpu.memref_slice %arg14[%dma_start3A_799, %dma_start3A_800] : memref<4x10000xf32, #tpu.memory_space<vmem>> -> memref<1x10000xf32, #tpu.memory_space<vmem>>
      %dma_start3A_802 = arith.constant 0 : i32
      %dma_start3A_803 = tpu.memref_slice %arg2[%squeeze3A_793, %dma_start3A_802] : memref<10000x10000xf32, #tpu.memory_space<hbm>> -> memref<1x10000xf32, #tpu.memory_space<hbm>>
      tpu.enqueue_dma source(%dma_start3A_803 : memref<1x10000xf32, #tpu.memory_space<hbm>>) target(%dma_start3A_801 : memref<1x10000xf32, #tpu.memory_space<vmem>>) target_semaphore(%arg20 : memref<!tpu.dma_semaphore, #tpu.memory_space<semaphore_mem>>)
      %mul3A_804 = arith.constant 8 : i32
      %mul3A_805 = arith.muli %mul3A_804, %min3A_751 : i32
      %dma_start3A_806 = tpu.memref_slice %arg12[%mul3A_805] : memref<10016xi32, #tpu.memory_space<vmem>> -> memref<4xi32, #tpu.memory_space<vmem>>
      %dma_start3A_807 = arith.constant 0 : i32
      %dma_start3A_808 = arith.constant 0 : i32
      %dma_start3A_809 = tpu.memref_slice %arg3[%dma_start3A_807, %dma_start3A_808] : memref<10000x128xf32, #tpu.memory_space<hbm>> -> memref<10000x128xf32, #tpu.memory_space<hbm>>
      tpu.enqueue_indirect_dma source(%dma_start3A_809 : memref<10000x128xf32, #tpu.memory_space<hbm>>) target(%arg17 : memref<4x128xf32, #tpu.memory_space<vmem>>) offsets(%dma_start3A_806 : memref<4xi32, #tpu.memory_space<vmem>>) semaphore(%arg22 : memref<!tpu.dma_semaphore, #tpu.memory_space<semaphore_mem>>)
      %gt3A_810 = arith.cmpi sgt, %add3A_691, %mul3A_38 : i32
      %convert_element_type3A_811 = arith.extui %gt3A_810 : i1 to i32
      %cond3A_812 = arith.constant 0 : i32
      %cond3A_813 = arith.cmpi ne, %convert_element_type3A_811, %cond3A_812 : i32
      scf.if %cond3A_813 {
        %dma_wait3A_1192 = arith.constant 0 : i32
        %dma_wait3A_1193 = arith.constant 0 : i32
        %dma_wait3A_1194 = tpu.memref_slice %arg6[%dma_wait3A_1192, %dma_wait3A_1193] : memref<5000x5000xf32, #tpu.memory_space<hbm>> -> memref<4x5000xf32, #tpu.memory_space<hbm>>
        %dma_wait3A_1195 = arith.constant 0 : i32
        %dma_wait3A_1196 = arith.constant 0 : i32
        %dma_wait3A_1197 = tpu.memref_slice %arg6[%dma_wait3A_1195, %dma_wait3A_1196] : memref<5000x5000xf32, #tpu.memory_space<hbm>> -> memref<4x5000xf32, #tpu.memory_space<hbm>>
        tpu.wait_dma2 semaphore(%arg24 : memref<!tpu.dma_semaphore, #tpu.memory_space<semaphore_mem>>) src(%arg16 : memref<4x5000xf32, #tpu.memory_space<vmem>>) dst(%dma_wait3A_1197 : memref<4x5000xf32, #tpu.memory_space<hbm>>)
        %dma_wait3A_1198 = arith.constant 0 : i32
        %dma_wait3A_1199 = arith.constant 0 : i32
        %dma_wait3A_1200 = tpu.memref_slice %arg7[%dma_wait3A_1198, %dma_wait3A_1199] : memref<5000x128xf32, #tpu.memory_space<hbm>> -> memref<4x128xf32, #tpu.memory_space<hbm>>
        %dma_wait3A_1201 = arith.constant 0 : i32
        %dma_wait3A_1202 = arith.constant 0 : i32
        %dma_wait3A_1203 = tpu.memref_slice %arg7[%dma_wait3A_1201, %dma_wait3A_1202] : memref<5000x128xf32, #tpu.memory_space<hbm>> -> memref<4x128xf32, #tpu.memory_space<hbm>>
        tpu.wait_dma2 semaphore(%arg24 : memref<!tpu.dma_semaphore, #tpu.memory_space<semaphore_mem>>) src(%arg19 : memref<4x128xf32, #tpu.memory_space<vmem>>) dst(%dma_wait3A_1203 : memref<4x128xf32, #tpu.memory_space<hbm>>)
      } else {
      }
      %parallel_loop3A_814 = arith.constant 0 : i32
      %parallel_loop3A_815 = arith.constant 312 : i32
      %parallel_loop3A_816 = arith.constant 1 : i32
      scf.for %parallel_loop3A_1192 = %parallel_loop3A_814 to %parallel_loop3A_815 step %parallel_loop3A_816  : i32 {
        %parallel_loop3A_1193 = arith.constant 16 : i32
        %parallel_loop3A_1194 = arith.muli %parallel_loop3A_1192, %parallel_loop3A_1193 : i32
        %parallel_loop3A_1195 = arith.index_cast %parallel_loop3A_1194 : i32 to index
        %parallel_loop3A_1196 = tpu.vector_load %arg11[%parallel_loop3A_1195] {strides = array<i32>} : memref<5008xi32, #tpu.memory_space<vmem>>, vector<16xi32>,
        %parallel_loop3A_1197 = arith.constant 0 : i32
        %parallel_loop3A_1198 = vector.broadcast %parallel_loop3A_1197 : i32 to vector<16xi32>
        %parallel_loop3A_1199 = tpu.vector_load_idx %arg15[%parallel_loop3A_1198, %parallel_loop3A_1196] : memref<4x10000xf32, #tpu.memory_space<vmem>>[vector<16xi32>, vector<16xi32>], vector<16xf32>,
        %parallel_loop3A_1200 = arith.constant 16 : i32
        %parallel_loop3A_1201 = arith.muli %parallel_loop3A_1192, %parallel_loop3A_1200 : i32
        %parallel_loop3A_1202 = arith.constant 0 : i32
        %parallel_loop3A_1203 = arith.index_cast %parallel_loop3A_1202 : i32 to index
        %parallel_loop3A_1204 = arith.index_cast %parallel_loop3A_1201 : i32 to index
        %parallel_loop3A_1205 = tpu.vector_load %arg16[%parallel_loop3A_1203, %parallel_loop3A_1204] {strides = array<i32>} : memref<4x5000xf32, #tpu.memory_space<vmem>>, vector<16xf32>,
        tpu.vector_store %arg16[%parallel_loop3A_1203, %parallel_loop3A_1204], %parallel_loop3A_1199 {strides = array<i32>} : memref<4x5000xf32, #tpu.memory_space<vmem>>, vector<16xf32>,
        %parallel_loop3A_1206 = arith.constant 1 : i32
        %parallel_loop3A_1207 = vector.broadcast %parallel_loop3A_1206 : i32 to vector<16xi32>
        %parallel_loop3A_1208 = tpu.vector_load_idx %arg15[%parallel_loop3A_1207, %parallel_loop3A_1196] : memref<4x10000xf32, #tpu.memory_space<vmem>>[vector<16xi32>, vector<16xi32>], vector<16xf32>,
        %parallel_loop3A_1209 = arith.constant 16 : i32
        %parallel_loop3A_1210 = arith.muli %parallel_loop3A_1192, %parallel_loop3A_1209 : i32
        %parallel_loop3A_1211 = arith.constant 1 : i32
        %parallel_loop3A_1212 = arith.index_cast %parallel_loop3A_1211 : i32 to index
        %parallel_loop3A_1213 = arith.index_cast %parallel_loop3A_1210 : i32 to index
        %parallel_loop3A_1214 = tpu.vector_load %arg16[%parallel_loop3A_1212, %parallel_loop3A_1213] {strides = array<i32>} : memref<4x5000xf32, #tpu.memory_space<vmem>>, vector<16xf32>,
        tpu.vector_store %arg16[%parallel_loop3A_1212, %parallel_loop3A_1213], %parallel_loop3A_1208 {strides = array<i32>} : memref<4x5000xf32, #tpu.memory_space<vmem>>, vector<16xf32>,
        %parallel_loop3A_1215 = arith.constant 2 : i32
        %parallel_loop3A_1216 = vector.broadcast %parallel_loop3A_1215 : i32 to vector<16xi32>
        %parallel_loop3A_1217 = tpu.vector_load_idx %arg15[%parallel_loop3A_1216, %parallel_loop3A_1196] : memref<4x10000xf32, #tpu.memory_space<vmem>>[vector<16xi32>, vector<16xi32>], vector<16xf32>,
        %parallel_loop3A_1218 = arith.constant 16 : i32
        %parallel_loop3A_1219 = arith.muli %parallel_loop3A_1192, %parallel_loop3A_1218 : i32
        %parallel_loop3A_1220 = arith.constant 2 : i32
        %parallel_loop3A_1221 = arith.index_cast %parallel_loop3A_1220 : i32 to index
        %parallel_loop3A_1222 = arith.index_cast %parallel_loop3A_1219 : i32 to index
        %parallel_loop3A_1223 = tpu.vector_load %arg16[%parallel_loop3A_1221, %parallel_loop3A_1222] {strides = array<i32>} : memref<4x5000xf32, #tpu.memory_space<vmem>>, vector<16xf32>,
        tpu.vector_store %arg16[%parallel_loop3A_1221, %parallel_loop3A_1222], %parallel_loop3A_1217 {strides = array<i32>} : memref<4x5000xf32, #tpu.memory_space<vmem>>, vector<16xf32>,
        %parallel_loop3A_1224 = arith.constant 3 : i32
        %parallel_loop3A_1225 = vector.broadcast %parallel_loop3A_1224 : i32 to vector<16xi32>
        %parallel_loop3A_1226 = tpu.vector_load_idx %arg15[%parallel_loop3A_1225, %parallel_loop3A_1196] : memref<4x10000xf32, #tpu.memory_space<vmem>>[vector<16xi32>, vector<16xi32>], vector<16xf32>,
        %parallel_loop3A_1227 = arith.constant 16 : i32
        %parallel_loop3A_1228 = arith.muli %parallel_loop3A_1192, %parallel_loop3A_1227 : i32
        %parallel_loop3A_1229 = arith.constant 3 : i32
        %parallel_loop3A_1230 = arith.index_cast %parallel_loop3A_1229 : i32 to index
        %parallel_loop3A_1231 = arith.index_cast %parallel_loop3A_1228 : i32 to index
        %parallel_loop3A_1232 = tpu.vector_load %arg16[%parallel_loop3A_1230, %parallel_loop3A_1231] {strides = array<i32>} : memref<4x5000xf32, #tpu.memory_space<vmem>>, vector<16xf32>,
        tpu.vector_store %arg16[%parallel_loop3A_1230, %parallel_loop3A_1231], %parallel_loop3A_1226 {strides = array<i32>} : memref<4x5000xf32, #tpu.memory_space<vmem>>, vector<16xf32>,
      } {sc.loop_unroll_factor = 8 : i64, sc.parallel_access}
      %get3A_817 = arith.constant 4992 : index
      %get3A_818 = tpu.vector_load %arg11[%get3A_817] {strides = array<i32>} : memref<5008xi32, #tpu.memory_space<vmem>>, vector<16xi32>,
      %lt3A_819 = arith.constant 8 : i32
      %lt3A_820 = vector.broadcast %lt3A_819 : i32 to vector<16xi32>
      %lt3A_821 = arith.cmpi slt, %iota3A, %lt3A_820 : vector<16xi32>
      %add3A_822 = arith.constant 4992 : i32
      %add3A_823 = vector.broadcast %add3A_822 : i32 to vector<16xi32>
      %add3A_824 = arith.addi %iota3A, %add3A_823 : vector<16xi32>
      %min3A_825 = arith.constant 4999 : i32
      %min3A_826 = vector.broadcast %min3A_825 : i32 to vector<16xi32>
      %min3A_827 = arith.minsi %add3A_824, %min3A_826 : vector<16xi32>
      %broadcast_in_dim3A_828 = arith.constant 0 : i32
      %broadcast_in_dim3A_829 = vector.broadcast %broadcast_in_dim3A_828 : i32 to vector<16xi32>
      %gather3A_830 = tpu.vector_load_idx %arg15[%broadcast_in_dim3A_829, %get3A_818] : memref<4x10000xf32, #tpu.memory_space<vmem>>[vector<16xi32>, vector<16xi32>], vector<16xf32>,
      tpu.vector_store_idx %arg16[%broadcast_in_dim3A_829, %min3A_827], %gather3A_830 masked %lt3A_821 : memref<4x5000xf32, #tpu.memory_space<vmem>>[vector<16xi32>, vector<16xi32>], vector<16xf32>, vector<16xi1>
      %broadcast_in_dim3A_831 = arith.constant 1 : i32
      %broadcast_in_dim3A_832 = vector.broadcast %broadcast_in_dim3A_831 : i32 to vector<16xi32>
      %gather3A_833 = tpu.vector_load_idx %arg15[%broadcast_in_dim3A_832, %get3A_818] : memref<4x10000xf32, #tpu.memory_space<vmem>>[vector<16xi32>, vector<16xi32>], vector<16xf32>,
      tpu.vector_store_idx %arg16[%broadcast_in_dim3A_832, %min3A_827], %gather3A_833 masked %lt3A_821 : memref<4x5000xf32, #tpu.memory_space<vmem>>[vector<16xi32>, vector<16xi32>], vector<16xf32>, vector<16xi1>
      %broadcast_in_dim3A_834 = arith.constant 2 : i32
      %broadcast_in_dim3A_835 = vector.broadcast %broadcast_in_dim3A_834 : i32 to vector<16xi32>
      %gather3A_836 = tpu.vector_load_idx %arg15[%broadcast_in_dim3A_835, %get3A_818] : memref<4x10000xf32, #tpu.memory_space<vmem>>[vector<16xi32>, vector<16xi32>], vector<16xf32>,
      tpu.vector_store_idx %arg16[%broadcast_in_dim3A_835, %min3A_827], %gather3A_836 masked %lt3A_821 : memref<4x5000xf32, #tpu.memory_space<vmem>>[vector<16xi32>, vector<16xi32>], vector<16xf32>, vector<16xi1>
      %broadcast_in_dim3A_837 = arith.constant 3 : i32
      %broadcast_in_dim3A_838 = vector.broadcast %broadcast_in_dim3A_837 : i32 to vector<16xi32>
      %gather3A_839 = tpu.vector_load_idx %arg15[%broadcast_in_dim3A_838, %get3A_818] : memref<4x10000xf32, #tpu.memory_space<vmem>>[vector<16xi32>, vector<16xi32>], vector<16xf32>,
      tpu.vector_store_idx %arg16[%broadcast_in_dim3A_838, %min3A_827], %gather3A_839 masked %lt3A_821 : memref<4x5000xf32, #tpu.memory_space<vmem>>[vector<16xi32>, vector<16xi32>], vector<16xf32>, vector<16xi1>
      %mul3A_840 = arith.constant 4 : i32
      %mul3A_841 = arith.muli %mul3A_840, %add3A_691 : i32
      %add3A_842 = arith.constant 0 : i32
      %add3A_843 = arith.addi %mul3A_841, %add3A_842 : i32
      %broadcast_in_dim3A_844 = vector.broadcast %add3A_843 : i32 to vector<16xi32>
      %broadcast_in_dim3A_845 = arith.constant 0 : i32
      %broadcast_in_dim3A_846 = vector.broadcast %broadcast_in_dim3A_845 : i32 to vector<16xi32>
      %broadcast_in_dim3A_847 = arith.constant 1.000000e+00 : f32
      %broadcast_in_dim3A_848 = vector.broadcast %broadcast_in_dim3A_847 : f32 to vector<16xf32>
      %eq3A_849 = arith.constant 0 : i32
      %eq3A_850 = vector.broadcast %eq3A_849 : i32 to vector<16xi32>
      %eq3A_851 = arith.cmpi eq, %iota3A, %eq3A_850 : vector<16xi32>
      tpu.vector_store_idx %arg16[%broadcast_in_dim3A_846, %broadcast_in_dim3A_844], %broadcast_in_dim3A_848 masked %eq3A_851 {add = true} : memref<4x5000xf32, #tpu.memory_space<vmem>>[vector<16xi32>, vector<16xi32>], vector<16xf32>, vector<16xi1>
      %gather3A_852 = tpu.vector_load_idx %arg13[%broadcast_in_dim3A_844] : memref<5008xf32, #tpu.memory_space<vmem>>[vector<16xi32>], vector<16xf32>,
      %get3A_853 = arith.constant 0 : i32
      %get3A_854 = arith.index_cast %get3A_853 : i32 to index
      %get3A_855 = arith.constant 0 : index
      %get3A_856 = tpu.vector_load %arg18[%get3A_854, %get3A_855] {strides = array<i32>} : memref<4x128xf32, #tpu.memory_space<vmem>>, vector<16xf32>,
      %mul3A_857 = arith.mulf %get3A_856, %gather3A_852 : vector<16xf32>
      %swap3A_858 = arith.constant 0 : i32
      %swap3A_859 = arith.index_cast %swap3A_858 : i32 to index
      %swap3A_860 = arith.constant 0 : index
      %swap3A_861 = tpu.vector_load %arg19[%swap3A_859, %swap3A_860] {strides = array<i32>} : memref<4x128xf32, #tpu.memory_space<vmem>>, vector<16xf32>,
      tpu.vector_store %arg19[%swap3A_859, %swap3A_860], %mul3A_857 {strides = array<i32>} : memref<4x128xf32, #tpu.memory_space<vmem>>, vector<16xf32>,
      %get3A_862 = arith.constant 0 : i32
      %get3A_863 = arith.index_cast %get3A_862 : i32 to index
      %get3A_864 = arith.constant 16 : index
      %get3A_865 = tpu.vector_load %arg18[%get3A_863, %get3A_864] {strides = array<i32>} : memref<4x128xf32, #tpu.memory_space<vmem>>, vector<16xf32>,
      %mul3A_866 = arith.mulf %get3A_865, %gather3A_852 : vector<16xf32>
      %swap3A_867 = arith.constant 0 : i32
      %swap3A_868 = arith.index_cast %swap3A_867 : i32 to index
      %swap3A_869 = arith.constant 16 : index
      %swap3A_870 = tpu.vector_load %arg19[%swap3A_868, %swap3A_869] {strides = array<i32>} : memref<4x128xf32, #tpu.memory_space<vmem>>, vector<16xf32>,
      tpu.vector_store %arg19[%swap3A_868, %swap3A_869], %mul3A_866 {strides = array<i32>} : memref<4x128xf32, #tpu.memory_space<vmem>>, vector<16xf32>,
      %get3A_871 = arith.constant 0 : i32
      %get3A_872 = arith.index_cast %get3A_871 : i32 to index
      %get3A_873 = arith.constant 32 : index
      %get3A_874 = tpu.vector_load %arg18[%get3A_872, %get3A_873] {strides = array<i32>} : memref<4x128xf32, #tpu.memory_space<vmem>>, vector<16xf32>,
      %mul3A_875 = arith.mulf %get3A_874, %gather3A_852 : vector<16xf32>
      %swap3A_876 = arith.constant 0 : i32
      %swap3A_877 = arith.index_cast %swap3A_876 : i32 to index
      %swap3A_878 = arith.constant 32 : index
      %swap3A_879 = tpu.vector_load %arg19[%swap3A_877, %swap3A_878] {strides = array<i32>} : memref<4x128xf32, #tpu.memory_space<vmem>>, vector<16xf32>,
      tpu.vector_store %arg19[%swap3A_877, %swap3A_878], %mul3A_875 {strides = array<i32>} : memref<4x128xf32, #tpu.memory_space<vmem>>, vector<16xf32>,
      %get3A_880 = arith.constant 0 : i32
      %get3A_881 = arith.index_cast %get3A_880 : i32 to index
      %get3A_882 = arith.constant 48 : index
      %get3A_883 = tpu.vector_load %arg18[%get3A_881, %get3A_882] {strides = array<i32>} : memref<4x128xf32, #tpu.memory_space<vmem>>, vector<16xf32>,
      %mul3A_884 = arith.mulf %get3A_883, %gather3A_852 : vector<16xf32>
      %swap3A_885 = arith.constant 0 : i32
      %swap3A_886 = arith.index_cast %swap3A_885 : i32 to index
      %swap3A_887 = arith.constant 48 : index
      %swap3A_888 = tpu.vector_load %arg19[%swap3A_886, %swap3A_887] {strides = array<i32>} : memref<4x128xf32, #tpu.memory_space<vmem>>, vector<16xf32>,
      tpu.vector_store %arg19[%swap3A_886, %swap3A_887], %mul3A_884 {strides = array<i32>} : memref<4x128xf32, #tpu.memory_space<vmem>>, vector<16xf32>,
      %get3A_889 = arith.constant 0 : i32
      %get3A_890 = arith.index_cast %get3A_889 : i32 to index
      %get3A_891 = arith.constant 64 : index
      %get3A_892 = tpu.vector_load %arg18[%get3A_890, %get3A_891] {strides = array<i32>} : memref<4x128xf32, #tpu.memory_space<vmem>>, vector<16xf32>,
      %mul3A_893 = arith.mulf %get3A_892, %gather3A_852 : vector<16xf32>
      %swap3A_894 = arith.constant 0 : i32
      %swap3A_895 = arith.index_cast %swap3A_894 : i32 to index
      %swap3A_896 = arith.constant 64 : index
      %swap3A_897 = tpu.vector_load %arg19[%swap3A_895, %swap3A_896] {strides = array<i32>} : memref<4x128xf32, #tpu.memory_space<vmem>>, vector<16xf32>,
      tpu.vector_store %arg19[%swap3A_895, %swap3A_896], %mul3A_893 {strides = array<i32>} : memref<4x128xf32, #tpu.memory_space<vmem>>, vector<16xf32>,
      %get3A_898 = arith.constant 0 : i32
      %get3A_899 = arith.index_cast %get3A_898 : i32 to index
      %get3A_900 = arith.constant 80 : index
      %get3A_901 = tpu.vector_load %arg18[%get3A_899, %get3A_900] {strides = array<i32>} : memref<4x128xf32, #tpu.memory_space<vmem>>, vector<16xf32>,
      %mul3A_902 = arith.mulf %get3A_901, %gather3A_852 : vector<16xf32>
      %swap3A_903 = arith.constant 0 : i32
      %swap3A_904 = arith.index_cast %swap3A_903 : i32 to index
      %swap3A_905 = arith.constant 80 : index
      %swap3A_906 = tpu.vector_load %arg19[%swap3A_904, %swap3A_905] {strides = array<i32>} : memref<4x128xf32, #tpu.memory_space<vmem>>, vector<16xf32>,
      tpu.vector_store %arg19[%swap3A_904, %swap3A_905], %mul3A_902 {strides = array<i32>} : memref<4x128xf32, #tpu.memory_space<vmem>>, vector<16xf32>,
      %get3A_907 = arith.constant 0 : i32
      %get3A_908 = arith.index_cast %get3A_907 : i32 to index
      %get3A_909 = arith.constant 96 : index
      %get3A_910 = tpu.vector_load %arg18[%get3A_908, %get3A_909] {strides = array<i32>} : memref<4x128xf32, #tpu.memory_space<vmem>>, vector<16xf32>,
      %mul3A_911 = arith.mulf %get3A_910, %gather3A_852 : vector<16xf32>
      %swap3A_912 = arith.constant 0 : i32
      %swap3A_913 = arith.index_cast %swap3A_912 : i32 to index
      %swap3A_914 = arith.constant 96 : index
      %swap3A_915 = tpu.vector_load %arg19[%swap3A_913, %swap3A_914] {strides = array<i32>} : memref<4x128xf32, #tpu.memory_space<vmem>>, vector<16xf32>,
      tpu.vector_store %arg19[%swap3A_913, %swap3A_914], %mul3A_911 {strides = array<i32>} : memref<4x128xf32, #tpu.memory_space<vmem>>, vector<16xf32>,
      %get3A_916 = arith.constant 0 : i32
      %get3A_917 = arith.index_cast %get3A_916 : i32 to index
      %get3A_918 = arith.constant 112 : index
      %get3A_919 = tpu.vector_load %arg18[%get3A_917, %get3A_918] {strides = array<i32>} : memref<4x128xf32, #tpu.memory_space<vmem>>, vector<16xf32>,
      %mul3A_920 = arith.mulf %get3A_919, %gather3A_852 : vector<16xf32>
      %swap3A_921 = arith.constant 0 : i32
      %swap3A_922 = arith.index_cast %swap3A_921 : i32 to index
      %swap3A_923 = arith.constant 112 : index
      %swap3A_924 = tpu.vector_load %arg19[%swap3A_922, %swap3A_923] {strides = array<i32>} : memref<4x128xf32, #tpu.memory_space<vmem>>, vector<16xf32>,
      tpu.vector_store %arg19[%swap3A_922, %swap3A_923], %mul3A_920 {strides = array<i32>} : memref<4x128xf32, #tpu.memory_space<vmem>>, vector<16xf32>,
      %mul3A_925 = arith.constant 4 : i32
      %mul3A_926 = arith.muli %mul3A_925, %add3A_691 : i32
      %add3A_927 = arith.constant 1 : i32
      %add3A_928 = arith.addi %mul3A_926, %add3A_927 : i32
      %broadcast_in_dim3A_929 = vector.broadcast %add3A_928 : i32 to vector<16xi32>
      %broadcast_in_dim3A_930 = arith.constant 1 : i32
      %broadcast_in_dim3A_931 = vector.broadcast %broadcast_in_dim3A_930 : i32 to vector<16xi32>
      %broadcast_in_dim3A_932 = arith.constant 1.000000e+00 : f32
      %broadcast_in_dim3A_933 = vector.broadcast %broadcast_in_dim3A_932 : f32 to vector<16xf32>
      %eq3A_934 = arith.constant 0 : i32
      %eq3A_935 = vector.broadcast %eq3A_934 : i32 to vector<16xi32>
      %eq3A_936 = arith.cmpi eq, %iota3A, %eq3A_935 : vector<16xi32>
      tpu.vector_store_idx %arg16[%broadcast_in_dim3A_931, %broadcast_in_dim3A_929], %broadcast_in_dim3A_933 masked %eq3A_936 {add = true} : memref<4x5000xf32, #tpu.memory_space<vmem>>[vector<16xi32>, vector<16xi32>], vector<16xf32>, vector<16xi1>
      %gather3A_937 = tpu.vector_load_idx %arg13[%broadcast_in_dim3A_929] : memref<5008xf32, #tpu.memory_space<vmem>>[vector<16xi32>], vector<16xf32>,
      %get3A_938 = arith.constant 1 : i32
      %get3A_939 = arith.index_cast %get3A_938 : i32 to index
      %get3A_940 = arith.constant 0 : index
      %get3A_941 = tpu.vector_load %arg18[%get3A_939, %get3A_940] {strides = array<i32>} : memref<4x128xf32, #tpu.memory_space<vmem>>, vector<16xf32>,
      %mul3A_942 = arith.mulf %get3A_941, %gather3A_937 : vector<16xf32>
      %swap3A_943 = arith.constant 1 : i32
      %swap3A_944 = arith.index_cast %swap3A_943 : i32 to index
      %swap3A_945 = arith.constant 0 : index
      %swap3A_946 = tpu.vector_load %arg19[%swap3A_944, %swap3A_945] {strides = array<i32>} : memref<4x128xf32, #tpu.memory_space<vmem>>, vector<16xf32>,
      tpu.vector_store %arg19[%swap3A_944, %swap3A_945], %mul3A_942 {strides = array<i32>} : memref<4x128xf32, #tpu.memory_space<vmem>>, vector<16xf32>,
      %get3A_947 = arith.constant 1 : i32
      %get3A_948 = arith.index_cast %get3A_947 : i32 to index
      %get3A_949 = arith.constant 16 : index
      %get3A_950 = tpu.vector_load %arg18[%get3A_948, %get3A_949] {strides = array<i32>} : memref<4x128xf32, #tpu.memory_space<vmem>>, vector<16xf32>,
      %mul3A_951 = arith.mulf %get3A_950, %gather3A_937 : vector<16xf32>
      %swap3A_952 = arith.constant 1 : i32
      %swap3A_953 = arith.index_cast %swap3A_952 : i32 to index
      %swap3A_954 = arith.constant 16 : index
      %swap3A_955 = tpu.vector_load %arg19[%swap3A_953, %swap3A_954] {strides = array<i32>} : memref<4x128xf32, #tpu.memory_space<vmem>>, vector<16xf32>,
      tpu.vector_store %arg19[%swap3A_953, %swap3A_954], %mul3A_951 {strides = array<i32>} : memref<4x128xf32, #tpu.memory_space<vmem>>, vector<16xf32>,
      %get3A_956 = arith.constant 1 : i32
      %get3A_957 = arith.index_cast %get3A_956 : i32 to index
      %get3A_958 = arith.constant 32 : index
      %get3A_959 = tpu.vector_load %arg18[%get3A_957, %get3A_958] {strides = array<i32>} : memref<4x128xf32, #tpu.memory_space<vmem>>, vector<16xf32>,
      %mul3A_960 = arith.mulf %get3A_959, %gather3A_937 : vector<16xf32>
      %swap3A_961 = arith.constant 1 : i32
      %swap3A_962 = arith.index_cast %swap3A_961 : i32 to index
      %swap3A_963 = arith.constant 32 : index
      %swap3A_964 = tpu.vector_load %arg19[%swap3A_962, %swap3A_963] {strides = array<i32>} : memref<4x128xf32, #tpu.memory_space<vmem>>, vector<16xf32>,
      tpu.vector_store %arg19[%swap3A_962, %swap3A_963], %mul3A_960 {strides = array<i32>} : memref<4x128xf32, #tpu.memory_space<vmem>>, vector<16xf32>,
      %get3A_965 = arith.constant 1 : i32
      %get3A_966 = arith.index_cast %get3A_965 : i32 to index
      %get3A_967 = arith.constant 48 : index
      %get3A_968 = tpu.vector_load %arg18[%get3A_966, %get3A_967] {strides = array<i32>} : memref<4x128xf32, #tpu.memory_space<vmem>>, vector<16xf32>,
      %mul3A_969 = arith.mulf %get3A_968, %gather3A_937 : vector<16xf32>
      %swap3A_970 = arith.constant 1 : i32
      %swap3A_971 = arith.index_cast %swap3A_970 : i32 to index
      %swap3A_972 = arith.constant 48 : index
      %swap3A_973 = tpu.vector_load %arg19[%swap3A_971, %swap3A_972] {strides = array<i32>} : memref<4x128xf32, #tpu.memory_space<vmem>>, vector<16xf32>,
      tpu.vector_store %arg19[%swap3A_971, %swap3A_972], %mul3A_969 {strides = array<i32>} : memref<4x128xf32, #tpu.memory_space<vmem>>, vector<16xf32>,
      %get3A_974 = arith.constant 1 : i32
      %get3A_975 = arith.index_cast %get3A_974 : i32 to index
      %get3A_976 = arith.constant 64 : index
      %get3A_977 = tpu.vector_load %arg18[%get3A_975, %get3A_976] {strides = array<i32>} : memref<4x128xf32, #tpu.memory_space<vmem>>, vector<16xf32>,
      %mul3A_978 = arith.mulf %get3A_977, %gather3A_937 : vector<16xf32>
      %swap3A_979 = arith.constant 1 : i32
      %swap3A_980 = arith.index_cast %swap3A_979 : i32 to index
      %swap3A_981 = arith.constant 64 : index
      %swap3A_982 = tpu.vector_load %arg19[%swap3A_980, %swap3A_981] {strides = array<i32>} : memref<4x128xf32, #tpu.memory_space<vmem>>, vector<16xf32>,
      tpu.vector_store %arg19[%swap3A_980, %swap3A_981], %mul3A_978 {strides = array<i32>} : memref<4x128xf32, #tpu.memory_space<vmem>>, vector<16xf32>,
      %get3A_983 = arith.constant 1 : i32
      %get3A_984 = arith.index_cast %get3A_983 : i32 to index
      %get3A_985 = arith.constant 80 : index
      %get3A_986 = tpu.vector_load %arg18[%get3A_984, %get3A_985] {strides = array<i32>} : memref<4x128xf32, #tpu.memory_space<vmem>>, vector<16xf32>,
      %mul3A_987 = arith.mulf %get3A_986, %gather3A_937 : vector<16xf32>
      %swap3A_988 = arith.constant 1 : i32
      %swap3A_989 = arith.index_cast %swap3A_988 : i32 to index
      %swap3A_990 = arith.constant 80 : index
      %swap3A_991 = tpu.vector_load %arg19[%swap3A_989, %swap3A_990] {strides = array<i32>} : memref<4x128xf32, #tpu.memory_space<vmem>>, vector<16xf32>,
      tpu.vector_store %arg19[%swap3A_989, %swap3A_990], %mul3A_987 {strides = array<i32>} : memref<4x128xf32, #tpu.memory_space<vmem>>, vector<16xf32>,
      %get3A_992 = arith.constant 1 : i32
      %get3A_993 = arith.index_cast %get3A_992 : i32 to index
      %get3A_994 = arith.constant 96 : index
      %get3A_995 = tpu.vector_load %arg18[%get3A_993, %get3A_994] {strides = array<i32>} : memref<4x128xf32, #tpu.memory_space<vmem>>, vector<16xf32>,
      %mul3A_996 = arith.mulf %get3A_995, %gather3A_937 : vector<16xf32>
      %swap3A_997 = arith.constant 1 : i32
      %swap3A_998 = arith.index_cast %swap3A_997 : i32 to index
      %swap3A_999 = arith.constant 96 : index
      %swap3A_1000 = tpu.vector_load %arg19[%swap3A_998, %swap3A_999] {strides = array<i32>} : memref<4x128xf32, #tpu.memory_space<vmem>>, vector<16xf32>,
      tpu.vector_store %arg19[%swap3A_998, %swap3A_999], %mul3A_996 {strides = array<i32>} : memref<4x128xf32, #tpu.memory_space<vmem>>, vector<16xf32>,
      %get3A_1001 = arith.constant 1 : i32
      %get3A_1002 = arith.index_cast %get3A_1001 : i32 to index
      %get3A_1003 = arith.constant 112 : index
      %get3A_1004 = tpu.vector_load %arg18[%get3A_1002, %get3A_1003] {strides = array<i32>} : memref<4x128xf32, #tpu.memory_space<vmem>>, vector<16xf32>,
      %mul3A_1005 = arith.mulf %get3A_1004, %gather3A_937 : vector<16xf32>
      %swap3A_1006 = arith.constant 1 : i32
      %swap3A_1007 = arith.index_cast %swap3A_1006 : i32 to index
      %swap3A_1008 = arith.constant 112 : index
      %swap3A_1009 = tpu.vector_load %arg19[%swap3A_1007, %swap3A_1008] {strides = array<i32>} : memref<4x128xf32, #tpu.memory_space<vmem>>, vector<16xf32>,
      tpu.vector_store %arg19[%swap3A_1007, %swap3A_1008], %mul3A_1005 {strides = array<i32>} : memref<4x128xf32, #tpu.memory_space<vmem>>, vector<16xf32>,
      %mul3A_1010 = arith.constant 4 : i32
      %mul3A_1011 = arith.muli %mul3A_1010, %add3A_691 : i32
      %add3A_1012 = arith.constant 2 : i32
      %add3A_1013 = arith.addi %mul3A_1011, %add3A_1012 : i32
      %broadcast_in_dim3A_1014 = vector.broadcast %add3A_1013 : i32 to vector<16xi32>
      %broadcast_in_dim3A_1015 = arith.constant 2 : i32
      %broadcast_in_dim3A_1016 = vector.broadcast %broadcast_in_dim3A_1015 : i32 to vector<16xi32>
      %broadcast_in_dim3A_1017 = arith.constant 1.000000e+00 : f32
      %broadcast_in_dim3A_1018 = vector.broadcast %broadcast_in_dim3A_1017 : f32 to vector<16xf32>
      %eq3A_1019 = arith.constant 0 : i32
      %eq3A_1020 = vector.broadcast %eq3A_1019 : i32 to vector<16xi32>
      %eq3A_1021 = arith.cmpi eq, %iota3A, %eq3A_1020 : vector<16xi32>
      tpu.vector_store_idx %arg16[%broadcast_in_dim3A_1016, %broadcast_in_dim3A_1014], %broadcast_in_dim3A_1018 masked %eq3A_1021 {add = true} : memref<4x5000xf32, #tpu.memory_space<vmem>>[vector<16xi32>, vector<16xi32>], vector<16xf32>, vector<16xi1>
      %gather3A_1022 = tpu.vector_load_idx %arg13[%broadcast_in_dim3A_1014] : memref<5008xf32, #tpu.memory_space<vmem>>[vector<16xi32>], vector<16xf32>,
      %get3A_1023 = arith.constant 2 : i32
      %get3A_1024 = arith.index_cast %get3A_1023 : i32 to index
      %get3A_1025 = arith.constant 0 : index
      %get3A_1026 = tpu.vector_load %arg18[%get3A_1024, %get3A_1025] {strides = array<i32>} : memref<4x128xf32, #tpu.memory_space<vmem>>, vector<16xf32>,
      %mul3A_1027 = arith.mulf %get3A_1026, %gather3A_1022 : vector<16xf32>
      %swap3A_1028 = arith.constant 2 : i32
      %swap3A_1029 = arith.index_cast %swap3A_1028 : i32 to index
      %swap3A_1030 = arith.constant 0 : index
      %swap3A_1031 = tpu.vector_load %arg19[%swap3A_1029, %swap3A_1030] {strides = array<i32>} : memref<4x128xf32, #tpu.memory_space<vmem>>, vector<16xf32>,
      tpu.vector_store %arg19[%swap3A_1029, %swap3A_1030], %mul3A_1027 {strides = array<i32>} : memref<4x128xf32, #tpu.memory_space<vmem>>, vector<16xf32>,
      %get3A_1032 = arith.constant 2 : i32
      %get3A_1033 = arith.index_cast %get3A_1032 : i32 to index
      %get3A_1034 = arith.constant 16 : index
      %get3A_1035 = tpu.vector_load %arg18[%get3A_1033, %get3A_1034] {strides = array<i32>} : memref<4x128xf32, #tpu.memory_space<vmem>>, vector<16xf32>,
      %mul3A_1036 = arith.mulf %get3A_1035, %gather3A_1022 : vector<16xf32>
      %swap3A_1037 = arith.constant 2 : i32
      %swap3A_1038 = arith.index_cast %swap3A_1037 : i32 to index
      %swap3A_1039 = arith.constant 16 : index
      %swap3A_1040 = tpu.vector_load %arg19[%swap3A_1038, %swap3A_1039] {strides = array<i32>} : memref<4x128xf32, #tpu.memory_space<vmem>>, vector<16xf32>,
      tpu.vector_store %arg19[%swap3A_1038, %swap3A_1039], %mul3A_1036 {strides = array<i32>} : memref<4x128xf32, #tpu.memory_space<vmem>>, vector<16xf32>,
      %get3A_1041 = arith.constant 2 : i32
      %get3A_1042 = arith.index_cast %get3A_1041 : i32 to index
      %get3A_1043 = arith.constant 32 : index
      %get3A_1044 = tpu.vector_load %arg18[%get3A_1042, %get3A_1043] {strides = array<i32>} : memref<4x128xf32, #tpu.memory_space<vmem>>, vector<16xf32>,
      %mul3A_1045 = arith.mulf %get3A_1044, %gather3A_1022 : vector<16xf32>
      %swap3A_1046 = arith.constant 2 : i32
      %swap3A_1047 = arith.index_cast %swap3A_1046 : i32 to index
      %swap3A_1048 = arith.constant 32 : index
      %swap3A_1049 = tpu.vector_load %arg19[%swap3A_1047, %swap3A_1048] {strides = array<i32>} : memref<4x128xf32, #tpu.memory_space<vmem>>, vector<16xf32>,
      tpu.vector_store %arg19[%swap3A_1047, %swap3A_1048], %mul3A_1045 {strides = array<i32>} : memref<4x128xf32, #tpu.memory_space<vmem>>, vector<16xf32>,
      %get3A_1050 = arith.constant 2 : i32
      %get3A_1051 = arith.index_cast %get3A_1050 : i32 to index
      %get3A_1052 = arith.constant 48 : index
      %get3A_1053 = tpu.vector_load %arg18[%get3A_1051, %get3A_1052] {strides = array<i32>} : memref<4x128xf32, #tpu.memory_space<vmem>>, vector<16xf32>,
      %mul3A_1054 = arith.mulf %get3A_1053, %gather3A_1022 : vector<16xf32>
      %swap3A_1055 = arith.constant 2 : i32
      %swap3A_1056 = arith.index_cast %swap3A_1055 : i32 to index
      %swap3A_1057 = arith.constant 48 : index
      %swap3A_1058 = tpu.vector_load %arg19[%swap3A_1056, %swap3A_1057] {strides = array<i32>} : memref<4x128xf32, #tpu.memory_space<vmem>>, vector<16xf32>,
      tpu.vector_store %arg19[%swap3A_1056, %swap3A_1057], %mul3A_1054 {strides = array<i32>} : memref<4x128xf32, #tpu.memory_space<vmem>>, vector<16xf32>,
      %get3A_1059 = arith.constant 2 : i32
      %get3A_1060 = arith.index_cast %get3A_1059 : i32 to index
      %get3A_1061 = arith.constant 64 : index
      %get3A_1062 = tpu.vector_load %arg18[%get3A_1060, %get3A_1061] {strides = array<i32>} : memref<4x128xf32, #tpu.memory_space<vmem>>, vector<16xf32>,
      %mul3A_1063 = arith.mulf %get3A_1062, %gather3A_1022 : vector<16xf32>
      %swap3A_1064 = arith.constant 2 : i32
      %swap3A_1065 = arith.index_cast %swap3A_1064 : i32 to index
      %swap3A_1066 = arith.constant 64 : index
      %swap3A_1067 = tpu.vector_load %arg19[%swap3A_1065, %swap3A_1066] {strides = array<i32>} : memref<4x128xf32, #tpu.memory_space<vmem>>, vector<16xf32>,
      tpu.vector_store %arg19[%swap3A_1065, %swap3A_1066], %mul3A_1063 {strides = array<i32>} : memref<4x128xf32, #tpu.memory_space<vmem>>, vector<16xf32>,
      %get3A_1068 = arith.constant 2 : i32
      %get3A_1069 = arith.index_cast %get3A_1068 : i32 to index
      %get3A_1070 = arith.constant 80 : index
      %get3A_1071 = tpu.vector_load %arg18[%get3A_1069, %get3A_1070] {strides = array<i32>} : memref<4x128xf32, #tpu.memory_space<vmem>>, vector<16xf32>,
      %mul3A_1072 = arith.mulf %get3A_1071, %gather3A_1022 : vector<16xf32>
      %swap3A_1073 = arith.constant 2 : i32
      %swap3A_1074 = arith.index_cast %swap3A_1073 : i32 to index
      %swap3A_1075 = arith.constant 80 : index
      %swap3A_1076 = tpu.vector_load %arg19[%swap3A_1074, %swap3A_1075] {strides = array<i32>} : memref<4x128xf32, #tpu.memory_space<vmem>>, vector<16xf32>,
      tpu.vector_store %arg19[%swap3A_1074, %swap3A_1075], %mul3A_1072 {strides = array<i32>} : memref<4x128xf32, #tpu.memory_space<vmem>>, vector<16xf32>,
      %get3A_1077 = arith.constant 2 : i32
      %get3A_1078 = arith.index_cast %get3A_1077 : i32 to index
      %get3A_1079 = arith.constant 96 : index
      %get3A_1080 = tpu.vector_load %arg18[%get3A_1078, %get3A_1079] {strides = array<i32>} : memref<4x128xf32, #tpu.memory_space<vmem>>, vector<16xf32>,
      %mul3A_1081 = arith.mulf %get3A_1080, %gather3A_1022 : vector<16xf32>
      %swap3A_1082 = arith.constant 2 : i32
      %swap3A_1083 = arith.index_cast %swap3A_1082 : i32 to index
      %swap3A_1084 = arith.constant 96 : index
      %swap3A_1085 = tpu.vector_load %arg19[%swap3A_1083, %swap3A_1084] {strides = array<i32>} : memref<4x128xf32, #tpu.memory_space<vmem>>, vector<16xf32>,
      tpu.vector_store %arg19[%swap3A_1083, %swap3A_1084], %mul3A_1081 {strides = array<i32>} : memref<4x128xf32, #tpu.memory_space<vmem>>, vector<16xf32>,
      %get3A_1086 = arith.constant 2 : i32
      %get3A_1087 = arith.index_cast %get3A_1086 : i32 to index
      %get3A_1088 = arith.constant 112 : index
      %get3A_1089 = tpu.vector_load %arg18[%get3A_1087, %get3A_1088] {strides = array<i32>} : memref<4x128xf32, #tpu.memory_space<vmem>>, vector<16xf32>,
      %mul3A_1090 = arith.mulf %get3A_1089, %gather3A_1022 : vector<16xf32>
      %swap3A_1091 = arith.constant 2 : i32
      %swap3A_1092 = arith.index_cast %swap3A_1091 : i32 to index
      %swap3A_1093 = arith.constant 112 : index
      %swap3A_1094 = tpu.vector_load %arg19[%swap3A_1092, %swap3A_1093] {strides = array<i32>} : memref<4x128xf32, #tpu.memory_space<vmem>>, vector<16xf32>,
      tpu.vector_store %arg19[%swap3A_1092, %swap3A_1093], %mul3A_1090 {strides = array<i32>} : memref<4x128xf32, #tpu.memory_space<vmem>>, vector<16xf32>,
      %mul3A_1095 = arith.constant 4 : i32
      %mul3A_1096 = arith.muli %mul3A_1095, %add3A_691 : i32
      %add3A_1097 = arith.constant 3 : i32
      %add3A_1098 = arith.addi %mul3A_1096, %add3A_1097 : i32
      %broadcast_in_dim3A_1099 = vector.broadcast %add3A_1098 : i32 to vector<16xi32>
      %broadcast_in_dim3A_1100 = arith.constant 3 : i32
      %broadcast_in_dim3A_1101 = vector.broadcast %broadcast_in_dim3A_1100 : i32 to vector<16xi32>
      %broadcast_in_dim3A_1102 = arith.constant 1.000000e+00 : f32
      %broadcast_in_dim3A_1103 = vector.broadcast %broadcast_in_dim3A_1102 : f32 to vector<16xf32>
      %eq3A_1104 = arith.constant 0 : i32
      %eq3A_1105 = vector.broadcast %eq3A_1104 : i32 to vector<16xi32>
      %eq3A_1106 = arith.cmpi eq, %iota3A, %eq3A_1105 : vector<16xi32>
      tpu.vector_store_idx %arg16[%broadcast_in_dim3A_1101, %broadcast_in_dim3A_1099], %broadcast_in_dim3A_1103 masked %eq3A_1106 {add = true} : memref<4x5000xf32, #tpu.memory_space<vmem>>[vector<16xi32>, vector<16xi32>], vector<16xf32>, vector<16xi1>
      %gather3A_1107 = tpu.vector_load_idx %arg13[%broadcast_in_dim3A_1099] : memref<5008xf32, #tpu.memory_space<vmem>>[vector<16xi32>], vector<16xf32>,
      %get3A_1108 = arith.constant 3 : i32
      %get3A_1109 = arith.index_cast %get3A_1108 : i32 to index
      %get3A_1110 = arith.constant 0 : index
      %get3A_1111 = tpu.vector_load %arg18[%get3A_1109, %get3A_1110] {strides = array<i32>} : memref<4x128xf32, #tpu.memory_space<vmem>>, vector<16xf32>,
      %mul3A_1112 = arith.mulf %get3A_1111, %gather3A_1107 : vector<16xf32>
      %swap3A_1113 = arith.constant 3 : i32
      %swap3A_1114 = arith.index_cast %swap3A_1113 : i32 to index
      %swap3A_1115 = arith.constant 0 : index
      %swap3A_1116 = tpu.vector_load %arg19[%swap3A_1114, %swap3A_1115] {strides = array<i32>} : memref<4x128xf32, #tpu.memory_space<vmem>>, vector<16xf32>,
      tpu.vector_store %arg19[%swap3A_1114, %swap3A_1115], %mul3A_1112 {strides = array<i32>} : memref<4x128xf32, #tpu.memory_space<vmem>>, vector<16xf32>,
      %get3A_1117 = arith.constant 3 : i32
      %get3A_1118 = arith.index_cast %get3A_1117 : i32 to index
      %get3A_1119 = arith.constant 16 : index
      %get3A_1120 = tpu.vector_load %arg18[%get3A_1118, %get3A_1119] {strides = array<i32>} : memref<4x128xf32, #tpu.memory_space<vmem>>, vector<16xf32>,
      %mul3A_1121 = arith.mulf %get3A_1120, %gather3A_1107 : vector<16xf32>
      %swap3A_1122 = arith.constant 3 : i32
      %swap3A_1123 = arith.index_cast %swap3A_1122 : i32 to index
      %swap3A_1124 = arith.constant 16 : index
      %swap3A_1125 = tpu.vector_load %arg19[%swap3A_1123, %swap3A_1124] {strides = array<i32>} : memref<4x128xf32, #tpu.memory_space<vmem>>, vector<16xf32>,
      tpu.vector_store %arg19[%swap3A_1123, %swap3A_1124], %mul3A_1121 {strides = array<i32>} : memref<4x128xf32, #tpu.memory_space<vmem>>, vector<16xf32>,
      %get3A_1126 = arith.constant 3 : i32
      %get3A_1127 = arith.index_cast %get3A_1126 : i32 to index
      %get3A_1128 = arith.constant 32 : index
      %get3A_1129 = tpu.vector_load %arg18[%get3A_1127, %get3A_1128] {strides = array<i32>} : memref<4x128xf32, #tpu.memory_space<vmem>>, vector<16xf32>,
      %mul3A_1130 = arith.mulf %get3A_1129, %gather3A_1107 : vector<16xf32>
      %swap3A_1131 = arith.constant 3 : i32
      %swap3A_1132 = arith.index_cast %swap3A_1131 : i32 to index
      %swap3A_1133 = arith.constant 32 : index
      %swap3A_1134 = tpu.vector_load %arg19[%swap3A_1132, %swap3A_1133] {strides = array<i32>} : memref<4x128xf32, #tpu.memory_space<vmem>>, vector<16xf32>,
      tpu.vector_store %arg19[%swap3A_1132, %swap3A_1133], %mul3A_1130 {strides = array<i32>} : memref<4x128xf32, #tpu.memory_space<vmem>>, vector<16xf32>,
      %get3A_1135 = arith.constant 3 : i32
      %get3A_1136 = arith.index_cast %get3A_1135 : i32 to index
      %get3A_1137 = arith.constant 48 : index
      %get3A_1138 = tpu.vector_load %arg18[%get3A_1136, %get3A_1137] {strides = array<i32>} : memref<4x128xf32, #tpu.memory_space<vmem>>, vector<16xf32>,
      %mul3A_1139 = arith.mulf %get3A_1138, %gather3A_1107 : vector<16xf32>
      %swap3A_1140 = arith.constant 3 : i32
      %swap3A_1141 = arith.index_cast %swap3A_1140 : i32 to index
      %swap3A_1142 = arith.constant 48 : index
      %swap3A_1143 = tpu.vector_load %arg19[%swap3A_1141, %swap3A_1142] {strides = array<i32>} : memref<4x128xf32, #tpu.memory_space<vmem>>, vector<16xf32>,
      tpu.vector_store %arg19[%swap3A_1141, %swap3A_1142], %mul3A_1139 {strides = array<i32>} : memref<4x128xf32, #tpu.memory_space<vmem>>, vector<16xf32>,
      %get3A_1144 = arith.constant 3 : i32
      %get3A_1145 = arith.index_cast %get3A_1144 : i32 to index
      %get3A_1146 = arith.constant 64 : index
      %get3A_1147 = tpu.vector_load %arg18[%get3A_1145, %get3A_1146] {strides = array<i32>} : memref<4x128xf32, #tpu.memory_space<vmem>>, vector<16xf32>,
      %mul3A_1148 = arith.mulf %get3A_1147, %gather3A_1107 : vector<16xf32>
      %swap3A_1149 = arith.constant 3 : i32
      %swap3A_1150 = arith.index_cast %swap3A_1149 : i32 to index
      %swap3A_1151 = arith.constant 64 : index
      %swap3A_1152 = tpu.vector_load %arg19[%swap3A_1150, %swap3A_1151] {strides = array<i32>} : memref<4x128xf32, #tpu.memory_space<vmem>>, vector<16xf32>,
      tpu.vector_store %arg19[%swap3A_1150, %swap3A_1151], %mul3A_1148 {strides = array<i32>} : memref<4x128xf32, #tpu.memory_space<vmem>>, vector<16xf32>,
      %get3A_1153 = arith.constant 3 : i32
      %get3A_1154 = arith.index_cast %get3A_1153 : i32 to index
      %get3A_1155 = arith.constant 80 : index
      %get3A_1156 = tpu.vector_load %arg18[%get3A_1154, %get3A_1155] {strides = array<i32>} : memref<4x128xf32, #tpu.memory_space<vmem>>, vector<16xf32>,
      %mul3A_1157 = arith.mulf %get3A_1156, %gather3A_1107 : vector<16xf32>
      %swap3A_1158 = arith.constant 3 : i32
      %swap3A_1159 = arith.index_cast %swap3A_1158 : i32 to index
      %swap3A_1160 = arith.constant 80 : index
      %swap3A_1161 = tpu.vector_load %arg19[%swap3A_1159, %swap3A_1160] {strides = array<i32>} : memref<4x128xf32, #tpu.memory_space<vmem>>, vector<16xf32>,
      tpu.vector_store %arg19[%swap3A_1159, %swap3A_1160], %mul3A_1157 {strides = array<i32>} : memref<4x128xf32, #tpu.memory_space<vmem>>, vector<16xf32>,
      %get3A_1162 = arith.constant 3 : i32
      %get3A_1163 = arith.index_cast %get3A_1162 : i32 to index
      %get3A_1164 = arith.constant 96 : index
      %get3A_1165 = tpu.vector_load %arg18[%get3A_1163, %get3A_1164] {strides = array<i32>} : memref<4x128xf32, #tpu.memory_space<vmem>>, vector<16xf32>,
      %mul3A_1166 = arith.mulf %get3A_1165, %gather3A_1107 : vector<16xf32>
      %swap3A_1167 = arith.constant 3 : i32
      %swap3A_1168 = arith.index_cast %swap3A_1167 : i32 to index
      %swap3A_1169 = arith.constant 96 : index
      %swap3A_1170 = tpu.vector_load %arg19[%swap3A_1168, %swap3A_1169] {strides = array<i32>} : memref<4x128xf32, #tpu.memory_space<vmem>>, vector<16xf32>,
      tpu.vector_store %arg19[%swap3A_1168, %swap3A_1169], %mul3A_1166 {strides = array<i32>} : memref<4x128xf32, #tpu.memory_space<vmem>>, vector<16xf32>,
      %get3A_1171 = arith.constant 3 : i32
      %get3A_1172 = arith.index_cast %get3A_1171 : i32 to index
      %get3A_1173 = arith.constant 112 : index
      %get3A_1174 = tpu.vector_load %arg18[%get3A_1172, %get3A_1173] {strides = array<i32>} : memref<4x128xf32, #tpu.memory_space<vmem>>, vector<16xf32>,
      %mul3A_1175 = arith.mulf %get3A_1174, %gather3A_1107 : vector<16xf32>
      %swap3A_1176 = arith.constant 3 : i32
      %swap3A_1177 = arith.index_cast %swap3A_1176 : i32 to index
      %swap3A_1178 = arith.constant 112 : index
      %swap3A_1179 = tpu.vector_load %arg19[%swap3A_1177, %swap3A_1178] {strides = array<i32>} : memref<4x128xf32, #tpu.memory_space<vmem>>, vector<16xf32>,
      tpu.vector_store %arg19[%swap3A_1177, %swap3A_1178], %mul3A_1175 {strides = array<i32>} : memref<4x128xf32, #tpu.memory_space<vmem>>, vector<16xf32>,
      %mul3A_1180 = arith.constant 4 : i32
      %mul3A_1181 = arith.muli %mul3A_1180, %add3A_691 : i32
      %dma_start3A_1182 = arith.constant 0 : i32
      %dma_start3A_1183 = tpu.memref_slice %arg6[%mul3A_1181, %dma_start3A_1182] : memref<5000x5000xf32, #tpu.memory_space<hbm>> -> memref<4x5000xf32, #tpu.memory_space<hbm>>
      %dma_start3A_1184 = arith.constant 0 : i32
      %dma_start3A_1185 = tpu.memref_slice %arg6[%mul3A_1181, %dma_start3A_1184] : memref<5000x5000xf32, #tpu.memory_space<hbm>> -> memref<4x5000xf32, #tpu.memory_space<hbm>>
      tpu.enqueue_dma source(%arg16 : memref<4x5000xf32, #tpu.memory_space<vmem>>) target(%dma_start3A_1185 : memref<4x5000xf32, #tpu.memory_space<hbm>>) target_semaphore(%arg24 : memref<!tpu.dma_semaphore, #tpu.memory_space<semaphore_mem>>)
      %mul3A_1186 = arith.constant 4 : i32
      %mul3A_1187 = arith.muli %mul3A_1186, %add3A_691 : i32
      %dma_start3A_1188 = arith.constant 0 : i32
      %dma_start3A_1189 = tpu.memref_slice %arg7[%mul3A_1187, %dma_start3A_1188] : memref<5000x128xf32, #tpu.memory_space<hbm>> -> memref<4x128xf32, #tpu.memory_space<hbm>>
      %dma_start3A_1190 = arith.constant 0 : i32
      %dma_start3A_1191 = tpu.memref_slice %arg7[%mul3A_1187, %dma_start3A_1190] : memref<5000x128xf32, #tpu.memory_space<hbm>> -> memref<4x128xf32, #tpu.memory_space<hbm>>
      tpu.enqueue_dma source(%arg19 : memref<4x128xf32, #tpu.memory_space<vmem>>) target(%dma_start3A_1191 : memref<4x128xf32, #tpu.memory_space<hbm>>) target_semaphore(%arg24 : memref<!tpu.dma_semaphore, #tpu.memory_space<semaphore_mem>>)
    }
    %while3A_111 = arith.constant 1 : i32
    scf.for %while3A_182 = %while3A_109 to %while3A_105 step %while3A_111  : i32 {
      %mul3A_183 = arith.muli %while3A_182, %while3A : i32
      %add3A_184 = arith.addi %while3A_102, %mul3A_183 : i32
      %mul3A_185 = arith.constant 2 : i32
      %mul3A_186 = arith.muli %mul3A_185, %add3A_184 : i32
      %add3A_187 = arith.addi %mul3A_38, %mul3A_186 : i32
      %add3A_188 = arith.constant 0 : i32
      %add3A_189 = arith.addi %add3A_187, %add3A_188 : i32
      %min3A_190 = arith.constant 1249 : i32
      %min3A_191 = arith.minsi %add3A_189, %min3A_190 : i32
      %dma_wait3A_192 = arith.constant 0 : i32
      %dma_wait3A_193 = arith.constant 0 : i32
      %dma_wait3A_194 = tpu.memref_slice %arg14[%dma_wait3A_192, %dma_wait3A_193] : memref<4x10000xf32, #tpu.memory_space<vmem>> -> memref<1x10000xf32, #tpu.memory_space<vmem>>
      %dma_wait3A_195 = arith.constant 0 : i32
      %dma_wait3A_196 = arith.constant 0 : i32
      %dma_wait3A_197 = tpu.memref_slice %arg2[%dma_wait3A_195, %dma_wait3A_196] : memref<10000x10000xf32, #tpu.memory_space<hbm>> -> memref<1x10000xf32, #tpu.memory_space<hbm>>
      %dma_wait3A_198 = arith.constant 0 : i32
      %dma_wait3A_199 = arith.constant 0 : i32
      %dma_wait3A_200 = tpu.memref_slice %arg14[%dma_wait3A_198, %dma_wait3A_199] : memref<4x10000xf32, #tpu.memory_space<vmem>> -> memref<1x10000xf32, #tpu.memory_space<vmem>>
      %dma_wait3A_201 = arith.constant 0 : i32
      %dma_wait3A_202 = arith.constant 0 : i32
      %dma_wait3A_203 = tpu.memref_slice %arg2[%dma_wait3A_201, %dma_wait3A_202] : memref<10000x10000xf32, #tpu.memory_space<hbm>> -> memref<1x10000xf32, #tpu.memory_space<hbm>>
      tpu.wait_dma2 semaphore(%arg20 : memref<!tpu.dma_semaphore, #tpu.memory_space<semaphore_mem>>) src(%dma_wait3A_203 : memref<1x10000xf32, #tpu.memory_space<hbm>>) dst(%dma_wait3A_200 : memref<1x10000xf32, #tpu.memory_space<vmem>>)
      %dma_wait3A_204 = arith.constant 1 : i32
      %dma_wait3A_205 = arith.constant 0 : i32
      %dma_wait3A_206 = tpu.memref_slice %arg14[%dma_wait3A_204, %dma_wait3A_205] : memref<4x10000xf32, #tpu.memory_space<vmem>> -> memref<1x10000xf32, #tpu.memory_space<vmem>>
      %dma_wait3A_207 = arith.constant 0 : i32
      %dma_wait3A_208 = arith.constant 0 : i32
      %dma_wait3A_209 = tpu.memref_slice %arg2[%dma_wait3A_207, %dma_wait3A_208] : memref<10000x10000xf32, #tpu.memory_space<hbm>> -> memref<1x10000xf32, #tpu.memory_space<hbm>>
      %dma_wait3A_210 = arith.constant 1 : i32
      %dma_wait3A_211 = arith.constant 0 : i32
      %dma_wait3A_212 = tpu.memref_slice %arg14[%dma_wait3A_210, %dma_wait3A_211] : memref<4x10000xf32, #tpu.memory_space<vmem>> -> memref<1x10000xf32, #tpu.memory_space<vmem>>
      %dma_wait3A_213 = arith.constant 0 : i32
      %dma_wait3A_214 = arith.constant 0 : i32
      %dma_wait3A_215 = tpu.memref_slice %arg2[%dma_wait3A_213, %dma_wait3A_214] : memref<10000x10000xf32, #tpu.memory_space<hbm>> -> memref<1x10000xf32, #tpu.memory_space<hbm>>
      tpu.wait_dma2 semaphore(%arg20 : memref<!tpu.dma_semaphore, #tpu.memory_space<semaphore_mem>>) src(%dma_wait3A_215 : memref<1x10000xf32, #tpu.memory_space<hbm>>) dst(%dma_wait3A_212 : memref<1x10000xf32, #tpu.memory_space<vmem>>)
      %dma_wait3A_216 = arith.constant 2 : i32
      %dma_wait3A_217 = arith.constant 0 : i32
      %dma_wait3A_218 = tpu.memref_slice %arg14[%dma_wait3A_216, %dma_wait3A_217] : memref<4x10000xf32, #tpu.memory_space<vmem>> -> memref<1x10000xf32, #tpu.memory_space<vmem>>
      %dma_wait3A_219 = arith.constant 0 : i32
      %dma_wait3A_220 = arith.constant 0 : i32
      %dma_wait3A_221 = tpu.memref_slice %arg2[%dma_wait3A_219, %dma_wait3A_220] : memref<10000x10000xf32, #tpu.memory_space<hbm>> -> memref<1x10000xf32, #tpu.memory_space<hbm>>
      %dma_wait3A_222 = arith.constant 2 : i32
      %dma_wait3A_223 = arith.constant 0 : i32
      %dma_wait3A_224 = tpu.memref_slice %arg14[%dma_wait3A_222, %dma_wait3A_223] : memref<4x10000xf32, #tpu.memory_space<vmem>> -> memref<1x10000xf32, #tpu.memory_space<vmem>>
      %dma_wait3A_225 = arith.constant 0 : i32
      %dma_wait3A_226 = arith.constant 0 : i32
      %dma_wait3A_227 = tpu.memref_slice %arg2[%dma_wait3A_225, %dma_wait3A_226] : memref<10000x10000xf32, #tpu.memory_space<hbm>> -> memref<1x10000xf32, #tpu.memory_space<hbm>>
      tpu.wait_dma2 semaphore(%arg20 : memref<!tpu.dma_semaphore, #tpu.memory_space<semaphore_mem>>) src(%dma_wait3A_227 : memref<1x10000xf32, #tpu.memory_space<hbm>>) dst(%dma_wait3A_224 : memref<1x10000xf32, #tpu.memory_space<vmem>>)
      %dma_wait3A_228 = arith.constant 3 : i32
      %dma_wait3A_229 = arith.constant 0 : i32
      %dma_wait3A_230 = tpu.memref_slice %arg14[%dma_wait3A_228, %dma_wait3A_229] : memref<4x10000xf32, #tpu.memory_space<vmem>> -> memref<1x10000xf32, #tpu.memory_space<vmem>>
      %dma_wait3A_231 = arith.constant 0 : i32
      %dma_wait3A_232 = arith.constant 0 : i32
      %dma_wait3A_233 = tpu.memref_slice %arg2[%dma_wait3A_231, %dma_wait3A_232] : memref<10000x10000xf32, #tpu.memory_space<hbm>> -> memref<1x10000xf32, #tpu.memory_space<hbm>>
      %dma_wait3A_234 = arith.constant 3 : i32
      %dma_wait3A_235 = arith.constant 0 : i32
      %dma_wait3A_236 = tpu.memref_slice %arg14[%dma_wait3A_234, %dma_wait3A_235] : memref<4x10000xf32, #tpu.memory_space<vmem>> -> memref<1x10000xf32, #tpu.memory_space<vmem>>
      %dma_wait3A_237 = arith.constant 0 : i32
      %dma_wait3A_238 = arith.constant 0 : i32
      %dma_wait3A_239 = tpu.memref_slice %arg2[%dma_wait3A_237, %dma_wait3A_238] : memref<10000x10000xf32, #tpu.memory_space<hbm>> -> memref<1x10000xf32, #tpu.memory_space<hbm>>
      tpu.wait_dma2 semaphore(%arg20 : memref<!tpu.dma_semaphore, #tpu.memory_space<semaphore_mem>>) src(%dma_wait3A_239 : memref<1x10000xf32, #tpu.memory_space<hbm>>) dst(%dma_wait3A_236 : memref<1x10000xf32, #tpu.memory_space<vmem>>)
      %mul3A_240 = arith.constant 8 : i32
      %mul3A_241 = arith.muli %mul3A_240, %min3A_191 : i32
      %dma_wait3A_242 = tpu.memref_slice %arg12[%mul3A_241] : memref<10016xi32, #tpu.memory_space<vmem>> -> memref<4xi32, #tpu.memory_space<vmem>>
      %dma_wait3A_243 = arith.constant 0 : i32
      %dma_wait3A_244 = arith.constant 0 : i32
      %dma_wait3A_245 = tpu.memref_slice %arg3[%dma_wait3A_243, %dma_wait3A_244] : memref<10000x128xf32, #tpu.memory_space<hbm>> -> memref<10000x128xf32, #tpu.memory_space<hbm>>
      tpu.wait_indirect_dma semaphore(%arg22 : memref<!tpu.dma_semaphore, #tpu.memory_space<semaphore_mem>>) src(%dma_wait3A_245 : memref<10000x128xf32, #tpu.memory_space<hbm>>) dst(%arg17 : memref<4x128xf32, #tpu.memory_space<vmem>>)
      %add3A_246 = arith.constant 1 : i32
      %add3A_247 = arith.addi %add3A_189, %add3A_246 : i32
      %min3A_248 = arith.constant 1249 : i32
      %min3A_249 = arith.minsi %add3A_247, %min3A_248 : i32
      %mul3A_250 = arith.constant 8 : i32
      %mul3A_251 = arith.muli %mul3A_250, %min3A_249 : i32
      %get3A_252 = arith.index_cast %mul3A_251 : i32 to index
      %get3A_253 = tpu.vector_load %arg12[%get3A_252] {strides = array<i32>} : memref<10016xi32, #tpu.memory_space<vmem>>, vector<16xi32>,
      %slice3A_254 = vector.extract_strided_slice %get3A_253 {offsets = [0], sizes = [1], strides = [1]} : vector<16xi32> to vector<1xi32>
      %squeeze3A_255 = vector.extract %slice3A_254[0] : i32 from vector<1xi32>
      %dma_start3A_256 = arith.constant 0 : i32
      %dma_start3A_257 = arith.constant 0 : i32
      %dma_start3A_258 = tpu.memref_slice %arg15[%dma_start3A_256, %dma_start3A_257] : memref<4x10000xf32, #tpu.memory_space<vmem>> -> memref<1x10000xf32, #tpu.memory_space<vmem>>
      %dma_start3A_259 = arith.constant 0 : i32
      %dma_start3A_260 = tpu.memref_slice %arg2[%squeeze3A_255, %dma_start3A_259] : memref<10000x10000xf32, #tpu.memory_space<hbm>> -> memref<1x10000xf32, #tpu.memory_space<hbm>>
      %dma_start3A_261 = arith.constant 0 : i32
      %dma_start3A_262 = arith.constant 0 : i32
      %dma_start3A_263 = tpu.memref_slice %arg15[%dma_start3A_261, %dma_start3A_262] : memref<4x10000xf32, #tpu.memory_space<vmem>> -> memref<1x10000xf32, #tpu.memory_space<vmem>>
      %dma_start3A_264 = arith.constant 0 : i32
      %dma_start3A_265 = tpu.memref_slice %arg2[%squeeze3A_255, %dma_start3A_264] : memref<10000x10000xf32, #tpu.memory_space<hbm>> -> memref<1x10000xf32, #tpu.memory_space<hbm>>
      tpu.enqueue_dma source(%dma_start3A_265 : memref<1x10000xf32, #tpu.memory_space<hbm>>) target(%dma_start3A_263 : memref<1x10000xf32, #tpu.memory_space<vmem>>) target_semaphore(%arg21 : memref<!tpu.dma_semaphore, #tpu.memory_space<semaphore_mem>>)
      %slice3A_266 = vector.extract_strided_slice %get3A_253 {offsets = [1], sizes = [1], strides = [1]} : vector<16xi32> to vector<1xi32>
      %squeeze3A_267 = vector.extract %slice3A_266[0] : i32 from vector<1xi32>
      %dma_start3A_268 = arith.constant 1 : i32
      %dma_start3A_269 = arith.constant 0 : i32
      %dma_start3A_270 = tpu.memref_slice %arg15[%dma_start3A_268, %dma_start3A_269] : memref<4x10000xf32, #tpu.memory_space<vmem>> -> memref<1x10000xf32, #tpu.memory_space<vmem>>
      %dma_start3A_271 = arith.constant 0 : i32
      %dma_start3A_272 = tpu.memref_slice %arg2[%squeeze3A_267, %dma_start3A_271] : memref<10000x10000xf32, #tpu.memory_space<hbm>> -> memref<1x10000xf32, #tpu.memory_space<hbm>>
      %dma_start3A_273 = arith.constant 1 : i32
      %dma_start3A_274 = arith.constant 0 : i32
      %dma_start3A_275 = tpu.memref_slice %arg15[%dma_start3A_273, %dma_start3A_274] : memref<4x10000xf32, #tpu.memory_space<vmem>> -> memref<1x10000xf32, #tpu.memory_space<vmem>>
      %dma_start3A_276 = arith.constant 0 : i32
      %dma_start3A_277 = tpu.memref_slice %arg2[%squeeze3A_267, %dma_start3A_276] : memref<10000x10000xf32, #tpu.memory_space<hbm>> -> memref<1x10000xf32, #tpu.memory_space<hbm>>
      tpu.enqueue_dma source(%dma_start3A_277 : memref<1x10000xf32, #tpu.memory_space<hbm>>) target(%dma_start3A_275 : memref<1x10000xf32, #tpu.memory_space<vmem>>) target_semaphore(%arg21 : memref<!tpu.dma_semaphore, #tpu.memory_space<semaphore_mem>>)
      %slice3A_278 = vector.extract_strided_slice %get3A_253 {offsets = [2], sizes = [1], strides = [1]} : vector<16xi32> to vector<1xi32>
      %squeeze3A_279 = vector.extract %slice3A_278[0] : i32 from vector<1xi32>
      %dma_start3A_280 = arith.constant 2 : i32
      %dma_start3A_281 = arith.constant 0 : i32
      %dma_start3A_282 = tpu.memref_slice %arg15[%dma_start3A_280, %dma_start3A_281] : memref<4x10000xf32, #tpu.memory_space<vmem>> -> memref<1x10000xf32, #tpu.memory_space<vmem>>
      %dma_start3A_283 = arith.constant 0 : i32
      %dma_start3A_284 = tpu.memref_slice %arg2[%squeeze3A_279, %dma_start3A_283] : memref<10000x10000xf32, #tpu.memory_space<hbm>> -> memref<1x10000xf32, #tpu.memory_space<hbm>>
      %dma_start3A_285 = arith.constant 2 : i32
      %dma_start3A_286 = arith.constant 0 : i32
      %dma_start3A_287 = tpu.memref_slice %arg15[%dma_start3A_285, %dma_start3A_286] : memref<4x10000xf32, #tpu.memory_space<vmem>> -> memref<1x10000xf32, #tpu.memory_space<vmem>>
      %dma_start3A_288 = arith.constant 0 : i32
      %dma_start3A_289 = tpu.memref_slice %arg2[%squeeze3A_279, %dma_start3A_288] : memref<10000x10000xf32, #tpu.memory_space<hbm>> -> memref<1x10000xf32, #tpu.memory_space<hbm>>
      tpu.enqueue_dma source(%dma_start3A_289 : memref<1x10000xf32, #tpu.memory_space<hbm>>) target(%dma_start3A_287 : memref<1x10000xf32, #tpu.memory_space<vmem>>) target_semaphore(%arg21 : memref<!tpu.dma_semaphore, #tpu.memory_space<semaphore_mem>>)
      %slice3A_290 = vector.extract_strided_slice %get3A_253 {offsets = [3], sizes = [1], strides = [1]} : vector<16xi32> to vector<1xi32>
      %squeeze3A_291 = vector.extract %slice3A_290[0] : i32 from vector<1xi32>
      %dma_start3A_292 = arith.constant 3 : i32
      %dma_start3A_293 = arith.constant 0 : i32
      %dma_start3A_294 = tpu.memref_slice %arg15[%dma_start3A_292, %dma_start3A_293] : memref<4x10000xf32, #tpu.memory_space<vmem>> -> memref<1x10000xf32, #tpu.memory_space<vmem>>
      %dma_start3A_295 = arith.constant 0 : i32
      %dma_start3A_296 = tpu.memref_slice %arg2[%squeeze3A_291, %dma_start3A_295] : memref<10000x10000xf32, #tpu.memory_space<hbm>> -> memref<1x10000xf32, #tpu.memory_space<hbm>>
      %dma_start3A_297 = arith.constant 3 : i32
      %dma_start3A_298 = arith.constant 0 : i32
      %dma_start3A_299 = tpu.memref_slice %arg15[%dma_start3A_297, %dma_start3A_298] : memref<4x10000xf32, #tpu.memory_space<vmem>> -> memref<1x10000xf32, #tpu.memory_space<vmem>>
      %dma_start3A_300 = arith.constant 0 : i32
      %dma_start3A_301 = tpu.memref_slice %arg2[%squeeze3A_291, %dma_start3A_300] : memref<10000x10000xf32, #tpu.memory_space<hbm>> -> memref<1x10000xf32, #tpu.memory_space<hbm>>
      tpu.enqueue_dma source(%dma_start3A_301 : memref<1x10000xf32, #tpu.memory_space<hbm>>) target(%dma_start3A_299 : memref<1x10000xf32, #tpu.memory_space<vmem>>) target_semaphore(%arg21 : memref<!tpu.dma_semaphore, #tpu.memory_space<semaphore_mem>>)
      %mul3A_302 = arith.constant 8 : i32
      %mul3A_303 = arith.muli %mul3A_302, %min3A_249 : i32
      %dma_start3A_304 = tpu.memref_slice %arg12[%mul3A_303] : memref<10016xi32, #tpu.memory_space<vmem>> -> memref<4xi32, #tpu.memory_space<vmem>>
      %dma_start3A_305 = arith.constant 0 : i32
      %dma_start3A_306 = arith.constant 0 : i32
      %dma_start3A_307 = tpu.memref_slice %arg3[%dma_start3A_305, %dma_start3A_306] : memref<10000x128xf32, #tpu.memory_space<hbm>> -> memref<10000x128xf32, #tpu.memory_space<hbm>>
      tpu.enqueue_indirect_dma source(%dma_start3A_307 : memref<10000x128xf32, #tpu.memory_space<hbm>>) target(%arg18 : memref<4x128xf32, #tpu.memory_space<vmem>>) offsets(%dma_start3A_304 : memref<4xi32, #tpu.memory_space<vmem>>) semaphore(%arg23 : memref<!tpu.dma_semaphore, #tpu.memory_space<semaphore_mem>>)
      %gt3A = arith.cmpi sgt, %add3A_189, %mul3A_38 : i32
      %convert_element_type3A_308 = arith.extui %gt3A : i1 to i32
      %cond3A_309 = arith.constant 0 : i32
      %cond3A_310 = arith.cmpi ne, %convert_element_type3A_308, %cond3A_309 : i32
      scf.if %cond3A_310 {
        %dma_wait3A_1192 = arith.constant 0 : i32
        %dma_wait3A_1193 = arith.constant 0 : i32
        %dma_wait3A_1194 = tpu.memref_slice %arg6[%dma_wait3A_1192, %dma_wait3A_1193] : memref<5000x5000xf32, #tpu.memory_space<hbm>> -> memref<4x5000xf32, #tpu.memory_space<hbm>>
        %dma_wait3A_1195 = arith.constant 0 : i32
        %dma_wait3A_1196 = arith.constant 0 : i32
        %dma_wait3A_1197 = tpu.memref_slice %arg6[%dma_wait3A_1195, %dma_wait3A_1196] : memref<5000x5000xf32, #tpu.memory_space<hbm>> -> memref<4x5000xf32, #tpu.memory_space<hbm>>
        tpu.wait_dma2 semaphore(%arg24 : memref<!tpu.dma_semaphore, #tpu.memory_space<semaphore_mem>>) src(%arg16 : memref<4x5000xf32, #tpu.memory_space<vmem>>) dst(%dma_wait3A_1197 : memref<4x5000xf32, #tpu.memory_space<hbm>>)
        %dma_wait3A_1198 = arith.constant 0 : i32
        %dma_wait3A_1199 = arith.constant 0 : i32
        %dma_wait3A_1200 = tpu.memref_slice %arg7[%dma_wait3A_1198, %dma_wait3A_1199] : memref<5000x128xf32, #tpu.memory_space<hbm>> -> memref<4x128xf32, #tpu.memory_space<hbm>>
        %dma_wait3A_1201 = arith.constant 0 : i32
        %dma_wait3A_1202 = arith.constant 0 : i32
        %dma_wait3A_1203 = tpu.memref_slice %arg7[%dma_wait3A_1201, %dma_wait3A_1202] : memref<5000x128xf32, #tpu.memory_space<hbm>> -> memref<4x128xf32, #tpu.memory_space<hbm>>
        tpu.wait_dma2 semaphore(%arg24 : memref<!tpu.dma_semaphore, #tpu.memory_space<semaphore_mem>>) src(%arg19 : memref<4x128xf32, #tpu.memory_space<vmem>>) dst(%dma_wait3A_1203 : memref<4x128xf32, #tpu.memory_space<hbm>>)
      } else {
      }
      %parallel_loop3A = arith.constant 0 : i32
      %parallel_loop3A_311 = arith.constant 312 : i32
      %parallel_loop3A_312 = arith.constant 1 : i32
      scf.for %parallel_loop3A_1192 = %parallel_loop3A to %parallel_loop3A_311 step %parallel_loop3A_312  : i32 {
        %parallel_loop3A_1193 = arith.constant 16 : i32
        %parallel_loop3A_1194 = arith.muli %parallel_loop3A_1192, %parallel_loop3A_1193 : i32
        %parallel_loop3A_1195 = arith.index_cast %parallel_loop3A_1194 : i32 to index
        %parallel_loop3A_1196 = tpu.vector_load %arg11[%parallel_loop3A_1195] {strides = array<i32>} : memref<5008xi32, #tpu.memory_space<vmem>>, vector<16xi32>,
        %parallel_loop3A_1197 = arith.constant 0 : i32
        %parallel_loop3A_1198 = vector.broadcast %parallel_loop3A_1197 : i32 to vector<16xi32>
        %parallel_loop3A_1199 = tpu.vector_load_idx %arg14[%parallel_loop3A_1198, %parallel_loop3A_1196] : memref<4x10000xf32, #tpu.memory_space<vmem>>[vector<16xi32>, vector<16xi32>], vector<16xf32>,
        %parallel_loop3A_1200 = arith.constant 16 : i32
        %parallel_loop3A_1201 = arith.muli %parallel_loop3A_1192, %parallel_loop3A_1200 : i32
        %parallel_loop3A_1202 = arith.constant 0 : i32
        %parallel_loop3A_1203 = arith.index_cast %parallel_loop3A_1202 : i32 to index
        %parallel_loop3A_1204 = arith.index_cast %parallel_loop3A_1201 : i32 to index
        %parallel_loop3A_1205 = tpu.vector_load %arg16[%parallel_loop3A_1203, %parallel_loop3A_1204] {strides = array<i32>} : memref<4x5000xf32, #tpu.memory_space<vmem>>, vector<16xf32>,
        tpu.vector_store %arg16[%parallel_loop3A_1203, %parallel_loop3A_1204], %parallel_loop3A_1199 {strides = array<i32>} : memref<4x5000xf32, #tpu.memory_space<vmem>>, vector<16xf32>,
        %parallel_loop3A_1206 = arith.constant 1 : i32
        %parallel_loop3A_1207 = vector.broadcast %parallel_loop3A_1206 : i32 to vector<16xi32>
        %parallel_loop3A_1208 = tpu.vector_load_idx %arg14[%parallel_loop3A_1207, %parallel_loop3A_1196] : memref<4x10000xf32, #tpu.memory_space<vmem>>[vector<16xi32>, vector<16xi32>], vector<16xf32>,
        %parallel_loop3A_1209 = arith.constant 16 : i32
        %parallel_loop3A_1210 = arith.muli %parallel_loop3A_1192, %parallel_loop3A_1209 : i32
        %parallel_loop3A_1211 = arith.constant 1 : i32
        %parallel_loop3A_1212 = arith.index_cast %parallel_loop3A_1211 : i32 to index
        %parallel_loop3A_1213 = arith.index_cast %parallel_loop3A_1210 : i32 to index
        %parallel_loop3A_1214 = tpu.vector_load %arg16[%parallel_loop3A_1212, %parallel_loop3A_1213] {strides = array<i32>} : memref<4x5000xf32, #tpu.memory_space<vmem>>, vector<16xf32>,
        tpu.vector_store %arg16[%parallel_loop3A_1212, %parallel_loop3A_1213], %parallel_loop3A_1208 {strides = array<i32>} : memref<4x5000xf32, #tpu.memory_space<vmem>>, vector<16xf32>,
        %parallel_loop3A_1215 = arith.constant 2 : i32
        %parallel_loop3A_1216 = vector.broadcast %parallel_loop3A_1215 : i32 to vector<16xi32>
        %parallel_loop3A_1217 = tpu.vector_load_idx %arg14[%parallel_loop3A_1216, %parallel_loop3A_1196] : memref<4x10000xf32, #tpu.memory_space<vmem>>[vector<16xi32>, vector<16xi32>], vector<16xf32>,
        %parallel_loop3A_1218 = arith.constant 16 : i32
        %parallel_loop3A_1219 = arith.muli %parallel_loop3A_1192, %parallel_loop3A_1218 : i32
        %parallel_loop3A_1220 = arith.constant 2 : i32
        %parallel_loop3A_1221 = arith.index_cast %parallel_loop3A_1220 : i32 to index
        %parallel_loop3A_1222 = arith.index_cast %parallel_loop3A_1219 : i32 to index
        %parallel_loop3A_1223 = tpu.vector_load %arg16[%parallel_loop3A_1221, %parallel_loop3A_1222] {strides = array<i32>} : memref<4x5000xf32, #tpu.memory_space<vmem>>, vector<16xf32>,
        tpu.vector_store %arg16[%parallel_loop3A_1221, %parallel_loop3A_1222], %parallel_loop3A_1217 {strides = array<i32>} : memref<4x5000xf32, #tpu.memory_space<vmem>>, vector<16xf32>,
        %parallel_loop3A_1224 = arith.constant 3 : i32
        %parallel_loop3A_1225 = vector.broadcast %parallel_loop3A_1224 : i32 to vector<16xi32>
        %parallel_loop3A_1226 = tpu.vector_load_idx %arg14[%parallel_loop3A_1225, %parallel_loop3A_1196] : memref<4x10000xf32, #tpu.memory_space<vmem>>[vector<16xi32>, vector<16xi32>], vector<16xf32>,
        %parallel_loop3A_1227 = arith.constant 16 : i32
        %parallel_loop3A_1228 = arith.muli %parallel_loop3A_1192, %parallel_loop3A_1227 : i32
        %parallel_loop3A_1229 = arith.constant 3 : i32
        %parallel_loop3A_1230 = arith.index_cast %parallel_loop3A_1229 : i32 to index
        %parallel_loop3A_1231 = arith.index_cast %parallel_loop3A_1228 : i32 to index
        %parallel_loop3A_1232 = tpu.vector_load %arg16[%parallel_loop3A_1230, %parallel_loop3A_1231] {strides = array<i32>} : memref<4x5000xf32, #tpu.memory_space<vmem>>, vector<16xf32>,
        tpu.vector_store %arg16[%parallel_loop3A_1230, %parallel_loop3A_1231], %parallel_loop3A_1226 {strides = array<i32>} : memref<4x5000xf32, #tpu.memory_space<vmem>>, vector<16xf32>,
      } {sc.loop_unroll_factor = 8 : i64, sc.parallel_access}
      %get3A_313 = arith.constant 4992 : index
      %get3A_314 = tpu.vector_load %arg11[%get3A_313] {strides = array<i32>} : memref<5008xi32, #tpu.memory_space<vmem>>, vector<16xi32>,
      %lt3A_315 = arith.constant 8 : i32
      %lt3A_316 = vector.broadcast %lt3A_315 : i32 to vector<16xi32>
      %lt3A_317 = arith.cmpi slt, %iota3A, %lt3A_316 : vector<16xi32>
      %add3A_318 = arith.constant 4992 : i32
      %add3A_319 = vector.broadcast %add3A_318 : i32 to vector<16xi32>
      %add3A_320 = arith.addi %iota3A, %add3A_319 : vector<16xi32>
      %min3A_321 = arith.constant 4999 : i32
      %min3A_322 = vector.broadcast %min3A_321 : i32 to vector<16xi32>
      %min3A_323 = arith.minsi %add3A_320, %min3A_322 : vector<16xi32>
      %broadcast_in_dim3A_324 = arith.constant 0 : i32
      %broadcast_in_dim3A_325 = vector.broadcast %broadcast_in_dim3A_324 : i32 to vector<16xi32>
      %gather3A = tpu.vector_load_idx %arg14[%broadcast_in_dim3A_325, %get3A_314] : memref<4x10000xf32, #tpu.memory_space<vmem>>[vector<16xi32>, vector<16xi32>], vector<16xf32>,
      tpu.vector_store_idx %arg16[%broadcast_in_dim3A_325, %min3A_323], %gather3A masked %lt3A_317 : memref<4x5000xf32, #tpu.memory_space<vmem>>[vector<16xi32>, vector<16xi32>], vector<16xf32>, vector<16xi1>
      %broadcast_in_dim3A_326 = arith.constant 1 : i32
      %broadcast_in_dim3A_327 = vector.broadcast %broadcast_in_dim3A_326 : i32 to vector<16xi32>
      %gather3A_328 = tpu.vector_load_idx %arg14[%broadcast_in_dim3A_327, %get3A_314] : memref<4x10000xf32, #tpu.memory_space<vmem>>[vector<16xi32>, vector<16xi32>], vector<16xf32>,
      tpu.vector_store_idx %arg16[%broadcast_in_dim3A_327, %min3A_323], %gather3A_328 masked %lt3A_317 : memref<4x5000xf32, #tpu.memory_space<vmem>>[vector<16xi32>, vector<16xi32>], vector<16xf32>, vector<16xi1>
      %broadcast_in_dim3A_329 = arith.constant 2 : i32
      %broadcast_in_dim3A_330 = vector.broadcast %broadcast_in_dim3A_329 : i32 to vector<16xi32>
      %gather3A_331 = tpu.vector_load_idx %arg14[%broadcast_in_dim3A_330, %get3A_314] : memref<4x10000xf32, #tpu.memory_space<vmem>>[vector<16xi32>, vector<16xi32>], vector<16xf32>,
      tpu.vector_store_idx %arg16[%broadcast_in_dim3A_330, %min3A_323], %gather3A_331 masked %lt3A_317 : memref<4x5000xf32, #tpu.memory_space<vmem>>[vector<16xi32>, vector<16xi32>], vector<16xf32>, vector<16xi1>
      %broadcast_in_dim3A_332 = arith.constant 3 : i32
      %broadcast_in_dim3A_333 = vector.broadcast %broadcast_in_dim3A_332 : i32 to vector<16xi32>
      %gather3A_334 = tpu.vector_load_idx %arg14[%broadcast_in_dim3A_333, %get3A_314] : memref<4x10000xf32, #tpu.memory_space<vmem>>[vector<16xi32>, vector<16xi32>], vector<16xf32>,
      tpu.vector_store_idx %arg16[%broadcast_in_dim3A_333, %min3A_323], %gather3A_334 masked %lt3A_317 : memref<4x5000xf32, #tpu.memory_space<vmem>>[vector<16xi32>, vector<16xi32>], vector<16xf32>, vector<16xi1>
      %mul3A_335 = arith.constant 4 : i32
      %mul3A_336 = arith.muli %mul3A_335, %add3A_189 : i32
      %add3A_337 = arith.constant 0 : i32
      %add3A_338 = arith.addi %mul3A_336, %add3A_337 : i32
      %broadcast_in_dim3A_339 = vector.broadcast %add3A_338 : i32 to vector<16xi32>
      %broadcast_in_dim3A_340 = arith.constant 0 : i32
      %broadcast_in_dim3A_341 = vector.broadcast %broadcast_in_dim3A_340 : i32 to vector<16xi32>
      %broadcast_in_dim3A_342 = arith.constant 1.000000e+00 : f32
      %broadcast_in_dim3A_343 = vector.broadcast %broadcast_in_dim3A_342 : f32 to vector<16xf32>
      %eq3A_344 = arith.constant 0 : i32
      %eq3A_345 = vector.broadcast %eq3A_344 : i32 to vector<16xi32>
      %eq3A_346 = arith.cmpi eq, %iota3A, %eq3A_345 : vector<16xi32>
      tpu.vector_store_idx %arg16[%broadcast_in_dim3A_341, %broadcast_in_dim3A_339], %broadcast_in_dim3A_343 masked %eq3A_346 {add = true} : memref<4x5000xf32, #tpu.memory_space<vmem>>[vector<16xi32>, vector<16xi32>], vector<16xf32>, vector<16xi1>
      %gather3A_347 = tpu.vector_load_idx %arg13[%broadcast_in_dim3A_339] : memref<5008xf32, #tpu.memory_space<vmem>>[vector<16xi32>], vector<16xf32>,
      %get3A_348 = arith.constant 0 : i32
      %get3A_349 = arith.index_cast %get3A_348 : i32 to index
      %get3A_350 = arith.constant 0 : index
      %get3A_351 = tpu.vector_load %arg17[%get3A_349, %get3A_350] {strides = array<i32>} : memref<4x128xf32, #tpu.memory_space<vmem>>, vector<16xf32>,
      %mul3A_352 = arith.mulf %get3A_351, %gather3A_347 : vector<16xf32>
      %swap3A_353 = arith.constant 0 : i32
      %swap3A_354 = arith.index_cast %swap3A_353 : i32 to index
      %swap3A_355 = arith.constant 0 : index
      %swap3A_356 = tpu.vector_load %arg19[%swap3A_354, %swap3A_355] {strides = array<i32>} : memref<4x128xf32, #tpu.memory_space<vmem>>, vector<16xf32>,
      tpu.vector_store %arg19[%swap3A_354, %swap3A_355], %mul3A_352 {strides = array<i32>} : memref<4x128xf32, #tpu.memory_space<vmem>>, vector<16xf32>,
      %get3A_357 = arith.constant 0 : i32
      %get3A_358 = arith.index_cast %get3A_357 : i32 to index
      %get3A_359 = arith.constant 16 : index
      %get3A_360 = tpu.vector_load %arg17[%get3A_358, %get3A_359] {strides = array<i32>} : memref<4x128xf32, #tpu.memory_space<vmem>>, vector<16xf32>,
      %mul3A_361 = arith.mulf %get3A_360, %gather3A_347 : vector<16xf32>
      %swap3A_362 = arith.constant 0 : i32
      %swap3A_363 = arith.index_cast %swap3A_362 : i32 to index
      %swap3A_364 = arith.constant 16 : index
      %swap3A_365 = tpu.vector_load %arg19[%swap3A_363, %swap3A_364] {strides = array<i32>} : memref<4x128xf32, #tpu.memory_space<vmem>>, vector<16xf32>,
      tpu.vector_store %arg19[%swap3A_363, %swap3A_364], %mul3A_361 {strides = array<i32>} : memref<4x128xf32, #tpu.memory_space<vmem>>, vector<16xf32>,
      %get3A_366 = arith.constant 0 : i32
      %get3A_367 = arith.index_cast %get3A_366 : i32 to index
      %get3A_368 = arith.constant 32 : index
      %get3A_369 = tpu.vector_load %arg17[%get3A_367, %get3A_368] {strides = array<i32>} : memref<4x128xf32, #tpu.memory_space<vmem>>, vector<16xf32>,
      %mul3A_370 = arith.mulf %get3A_369, %gather3A_347 : vector<16xf32>
      %swap3A_371 = arith.constant 0 : i32
      %swap3A_372 = arith.index_cast %swap3A_371 : i32 to index
      %swap3A_373 = arith.constant 32 : index
      %swap3A_374 = tpu.vector_load %arg19[%swap3A_372, %swap3A_373] {strides = array<i32>} : memref<4x128xf32, #tpu.memory_space<vmem>>, vector<16xf32>,
      tpu.vector_store %arg19[%swap3A_372, %swap3A_373], %mul3A_370 {strides = array<i32>} : memref<4x128xf32, #tpu.memory_space<vmem>>, vector<16xf32>,
      %get3A_375 = arith.constant 0 : i32
      %get3A_376 = arith.index_cast %get3A_375 : i32 to index
      %get3A_377 = arith.constant 48 : index
      %get3A_378 = tpu.vector_load %arg17[%get3A_376, %get3A_377] {strides = array<i32>} : memref<4x128xf32, #tpu.memory_space<vmem>>, vector<16xf32>,
      %mul3A_379 = arith.mulf %get3A_378, %gather3A_347 : vector<16xf32>
      %swap3A_380 = arith.constant 0 : i32
      %swap3A_381 = arith.index_cast %swap3A_380 : i32 to index
      %swap3A_382 = arith.constant 48 : index
      %swap3A_383 = tpu.vector_load %arg19[%swap3A_381, %swap3A_382] {strides = array<i32>} : memref<4x128xf32, #tpu.memory_space<vmem>>, vector<16xf32>,
      tpu.vector_store %arg19[%swap3A_381, %swap3A_382], %mul3A_379 {strides = array<i32>} : memref<4x128xf32, #tpu.memory_space<vmem>>, vector<16xf32>,
      %get3A_384 = arith.constant 0 : i32
      %get3A_385 = arith.index_cast %get3A_384 : i32 to index
      %get3A_386 = arith.constant 64 : index
      %get3A_387 = tpu.vector_load %arg17[%get3A_385, %get3A_386] {strides = array<i32>} : memref<4x128xf32, #tpu.memory_space<vmem>>, vector<16xf32>,
      %mul3A_388 = arith.mulf %get3A_387, %gather3A_347 : vector<16xf32>
      %swap3A_389 = arith.constant 0 : i32
      %swap3A_390 = arith.index_cast %swap3A_389 : i32 to index
      %swap3A_391 = arith.constant 64 : index
      %swap3A_392 = tpu.vector_load %arg19[%swap3A_390, %swap3A_391] {strides = array<i32>} : memref<4x128xf32, #tpu.memory_space<vmem>>, vector<16xf32>,
      tpu.vector_store %arg19[%swap3A_390, %swap3A_391], %mul3A_388 {strides = array<i32>} : memref<4x128xf32, #tpu.memory_space<vmem>>, vector<16xf32>,
      %get3A_393 = arith.constant 0 : i32
      %get3A_394 = arith.index_cast %get3A_393 : i32 to index
      %get3A_395 = arith.constant 80 : index
      %get3A_396 = tpu.vector_load %arg17[%get3A_394, %get3A_395] {strides = array<i32>} : memref<4x128xf32, #tpu.memory_space<vmem>>, vector<16xf32>,
      %mul3A_397 = arith.mulf %get3A_396, %gather3A_347 : vector<16xf32>
      %swap3A_398 = arith.constant 0 : i32
      %swap3A_399 = arith.index_cast %swap3A_398 : i32 to index
      %swap3A_400 = arith.constant 80 : index
      %swap3A_401 = tpu.vector_load %arg19[%swap3A_399, %swap3A_400] {strides = array<i32>} : memref<4x128xf32, #tpu.memory_space<vmem>>, vector<16xf32>,
      tpu.vector_store %arg19[%swap3A_399, %swap3A_400], %mul3A_397 {strides = array<i32>} : memref<4x128xf32, #tpu.memory_space<vmem>>, vector<16xf32>,
      %get3A_402 = arith.constant 0 : i32
      %get3A_403 = arith.index_cast %get3A_402 : i32 to index
      %get3A_404 = arith.constant 96 : index
      %get3A_405 = tpu.vector_load %arg17[%get3A_403, %get3A_404] {strides = array<i32>} : memref<4x128xf32, #tpu.memory_space<vmem>>, vector<16xf32>,
      %mul3A_406 = arith.mulf %get3A_405, %gather3A_347 : vector<16xf32>
      %swap3A_407 = arith.constant 0 : i32
      %swap3A_408 = arith.index_cast %swap3A_407 : i32 to index
      %swap3A_409 = arith.constant 96 : index
      %swap3A_410 = tpu.vector_load %arg19[%swap3A_408, %swap3A_409] {strides = array<i32>} : memref<4x128xf32, #tpu.memory_space<vmem>>, vector<16xf32>,
      tpu.vector_store %arg19[%swap3A_408, %swap3A_409], %mul3A_406 {strides = array<i32>} : memref<4x128xf32, #tpu.memory_space<vmem>>, vector<16xf32>,
      %get3A_411 = arith.constant 0 : i32
      %get3A_412 = arith.index_cast %get3A_411 : i32 to index
      %get3A_413 = arith.constant 112 : index
      %get3A_414 = tpu.vector_load %arg17[%get3A_412, %get3A_413] {strides = array<i32>} : memref<4x128xf32, #tpu.memory_space<vmem>>, vector<16xf32>,
      %mul3A_415 = arith.mulf %get3A_414, %gather3A_347 : vector<16xf32>
      %swap3A_416 = arith.constant 0 : i32
      %swap3A_417 = arith.index_cast %swap3A_416 : i32 to index
      %swap3A_418 = arith.constant 112 : index
      %swap3A_419 = tpu.vector_load %arg19[%swap3A_417, %swap3A_418] {strides = array<i32>} : memref<4x128xf32, #tpu.memory_space<vmem>>, vector<16xf32>,
      tpu.vector_store %arg19[%swap3A_417, %swap3A_418], %mul3A_415 {strides = array<i32>} : memref<4x128xf32, #tpu.memory_space<vmem>>, vector<16xf32>,
      %mul3A_420 = arith.constant 4 : i32
      %mul3A_421 = arith.muli %mul3A_420, %add3A_189 : i32
      %add3A_422 = arith.constant 1 : i32
      %add3A_423 = arith.addi %mul3A_421, %add3A_422 : i32
      %broadcast_in_dim3A_424 = vector.broadcast %add3A_423 : i32 to vector<16xi32>
      %broadcast_in_dim3A_425 = arith.constant 1 : i32
      %broadcast_in_dim3A_426 = vector.broadcast %broadcast_in_dim3A_425 : i32 to vector<16xi32>
      %broadcast_in_dim3A_427 = arith.constant 1.000000e+00 : f32
      %broadcast_in_dim3A_428 = vector.broadcast %broadcast_in_dim3A_427 : f32 to vector<16xf32>
      %eq3A_429 = arith.constant 0 : i32
      %eq3A_430 = vector.broadcast %eq3A_429 : i32 to vector<16xi32>
      %eq3A_431 = arith.cmpi eq, %iota3A, %eq3A_430 : vector<16xi32>
      tpu.vector_store_idx %arg16[%broadcast_in_dim3A_426, %broadcast_in_dim3A_424], %broadcast_in_dim3A_428 masked %eq3A_431 {add = true} : memref<4x5000xf32, #tpu.memory_space<vmem>>[vector<16xi32>, vector<16xi32>], vector<16xf32>, vector<16xi1>
      %gather3A_432 = tpu.vector_load_idx %arg13[%broadcast_in_dim3A_424] : memref<5008xf32, #tpu.memory_space<vmem>>[vector<16xi32>], vector<16xf32>,
      %get3A_433 = arith.constant 1 : i32
      %get3A_434 = arith.index_cast %get3A_433 : i32 to index
      %get3A_435 = arith.constant 0 : index
      %get3A_436 = tpu.vector_load %arg17[%get3A_434, %get3A_435] {strides = array<i32>} : memref<4x128xf32, #tpu.memory_space<vmem>>, vector<16xf32>,
      %mul3A_437 = arith.mulf %get3A_436, %gather3A_432 : vector<16xf32>
      %swap3A_438 = arith.constant 1 : i32
      %swap3A_439 = arith.index_cast %swap3A_438 : i32 to index
      %swap3A_440 = arith.constant 0 : index
      %swap3A_441 = tpu.vector_load %arg19[%swap3A_439, %swap3A_440] {strides = array<i32>} : memref<4x128xf32, #tpu.memory_space<vmem>>, vector<16xf32>,
      tpu.vector_store %arg19[%swap3A_439, %swap3A_440], %mul3A_437 {strides = array<i32>} : memref<4x128xf32, #tpu.memory_space<vmem>>, vector<16xf32>,
      %get3A_442 = arith.constant 1 : i32
      %get3A_443 = arith.index_cast %get3A_442 : i32 to index
      %get3A_444 = arith.constant 16 : index
      %get3A_445 = tpu.vector_load %arg17[%get3A_443, %get3A_444] {strides = array<i32>} : memref<4x128xf32, #tpu.memory_space<vmem>>, vector<16xf32>,
      %mul3A_446 = arith.mulf %get3A_445, %gather3A_432 : vector<16xf32>
      %swap3A_447 = arith.constant 1 : i32
      %swap3A_448 = arith.index_cast %swap3A_447 : i32 to index
      %swap3A_449 = arith.constant 16 : index
      %swap3A_450 = tpu.vector_load %arg19[%swap3A_448, %swap3A_449] {strides = array<i32>} : memref<4x128xf32, #tpu.memory_space<vmem>>, vector<16xf32>,
      tpu.vector_store %arg19[%swap3A_448, %swap3A_449], %mul3A_446 {strides = array<i32>} : memref<4x128xf32, #tpu.memory_space<vmem>>, vector<16xf32>,
      %get3A_451 = arith.constant 1 : i32
      %get3A_452 = arith.index_cast %get3A_451 : i32 to index
      %get3A_453 = arith.constant 32 : index
      %get3A_454 = tpu.vector_load %arg17[%get3A_452, %get3A_453] {strides = array<i32>} : memref<4x128xf32, #tpu.memory_space<vmem>>, vector<16xf32>,
      %mul3A_455 = arith.mulf %get3A_454, %gather3A_432 : vector<16xf32>
      %swap3A_456 = arith.constant 1 : i32
      %swap3A_457 = arith.index_cast %swap3A_456 : i32 to index
      %swap3A_458 = arith.constant 32 : index
      %swap3A_459 = tpu.vector_load %arg19[%swap3A_457, %swap3A_458] {strides = array<i32>} : memref<4x128xf32, #tpu.memory_space<vmem>>, vector<16xf32>,
      tpu.vector_store %arg19[%swap3A_457, %swap3A_458], %mul3A_455 {strides = array<i32>} : memref<4x128xf32, #tpu.memory_space<vmem>>, vector<16xf32>,
      %get3A_460 = arith.constant 1 : i32
      %get3A_461 = arith.index_cast %get3A_460 : i32 to index
      %get3A_462 = arith.constant 48 : index
      %get3A_463 = tpu.vector_load %arg17[%get3A_461, %get3A_462] {strides = array<i32>} : memref<4x128xf32, #tpu.memory_space<vmem>>, vector<16xf32>,
      %mul3A_464 = arith.mulf %get3A_463, %gather3A_432 : vector<16xf32>
      %swap3A_465 = arith.constant 1 : i32
      %swap3A_466 = arith.index_cast %swap3A_465 : i32 to index
      %swap3A_467 = arith.constant 48 : index
      %swap3A_468 = tpu.vector_load %arg19[%swap3A_466, %swap3A_467] {strides = array<i32>} : memref<4x128xf32, #tpu.memory_space<vmem>>, vector<16xf32>,
      tpu.vector_store %arg19[%swap3A_466, %swap3A_467], %mul3A_464 {strides = array<i32>} : memref<4x128xf32, #tpu.memory_space<vmem>>, vector<16xf32>,
      %get3A_469 = arith.constant 1 : i32
      %get3A_470 = arith.index_cast %get3A_469 : i32 to index
      %get3A_471 = arith.constant 64 : index
      %get3A_472 = tpu.vector_load %arg17[%get3A_470, %get3A_471] {strides = array<i32>} : memref<4x128xf32, #tpu.memory_space<vmem>>, vector<16xf32>,
      %mul3A_473 = arith.mulf %get3A_472, %gather3A_432 : vector<16xf32>
      %swap3A_474 = arith.constant 1 : i32
      %swap3A_475 = arith.index_cast %swap3A_474 : i32 to index
      %swap3A_476 = arith.constant 64 : index
      %swap3A_477 = tpu.vector_load %arg19[%swap3A_475, %swap3A_476] {strides = array<i32>} : memref<4x128xf32, #tpu.memory_space<vmem>>, vector<16xf32>,
      tpu.vector_store %arg19[%swap3A_475, %swap3A_476], %mul3A_473 {strides = array<i32>} : memref<4x128xf32, #tpu.memory_space<vmem>>, vector<16xf32>,
      %get3A_478 = arith.constant 1 : i32
      %get3A_479 = arith.index_cast %get3A_478 : i32 to index
      %get3A_480 = arith.constant 80 : index
      %get3A_481 = tpu.vector_load %arg17[%get3A_479, %get3A_480] {strides = array<i32>} : memref<4x128xf32, #tpu.memory_space<vmem>>, vector<16xf32>,
      %mul3A_482 = arith.mulf %get3A_481, %gather3A_432 : vector<16xf32>
      %swap3A_483 = arith.constant 1 : i32
      %swap3A_484 = arith.index_cast %swap3A_483 : i32 to index
      %swap3A_485 = arith.constant 80 : index
      %swap3A_486 = tpu.vector_load %arg19[%swap3A_484, %swap3A_485] {strides = array<i32>} : memref<4x128xf32, #tpu.memory_space<vmem>>, vector<16xf32>,
      tpu.vector_store %arg19[%swap3A_484, %swap3A_485], %mul3A_482 {strides = array<i32>} : memref<4x128xf32, #tpu.memory_space<vmem>>, vector<16xf32>,
      %get3A_487 = arith.constant 1 : i32
      %get3A_488 = arith.index_cast %get3A_487 : i32 to index
      %get3A_489 = arith.constant 96 : index
      %get3A_490 = tpu.vector_load %arg17[%get3A_488, %get3A_489] {strides = array<i32>} : memref<4x128xf32, #tpu.memory_space<vmem>>, vector<16xf32>,
      %mul3A_491 = arith.mulf %get3A_490, %gather3A_432 : vector<16xf32>
      %swap3A_492 = arith.constant 1 : i32
      %swap3A_493 = arith.index_cast %swap3A_492 : i32 to index
      %swap3A_494 = arith.constant 96 : index
      %swap3A_495 = tpu.vector_load %arg19[%swap3A_493, %swap3A_494] {strides = array<i32>} : memref<4x128xf32, #tpu.memory_space<vmem>>, vector<16xf32>,
      tpu.vector_store %arg19[%swap3A_493, %swap3A_494], %mul3A_491 {strides = array<i32>} : memref<4x128xf32, #tpu.memory_space<vmem>>, vector<16xf32>,
      %get3A_496 = arith.constant 1 : i32
      %get3A_497 = arith.index_cast %get3A_496 : i32 to index
      %get3A_498 = arith.constant 112 : index
      %get3A_499 = tpu.vector_load %arg17[%get3A_497, %get3A_498] {strides = array<i32>} : memref<4x128xf32, #tpu.memory_space<vmem>>, vector<16xf32>,
      %mul3A_500 = arith.mulf %get3A_499, %gather3A_432 : vector<16xf32>
      %swap3A_501 = arith.constant 1 : i32
      %swap3A_502 = arith.index_cast %swap3A_501 : i32 to index
      %swap3A_503 = arith.constant 112 : index
      %swap3A_504 = tpu.vector_load %arg19[%swap3A_502, %swap3A_503] {strides = array<i32>} : memref<4x128xf32, #tpu.memory_space<vmem>>, vector<16xf32>,
      tpu.vector_store %arg19[%swap3A_502, %swap3A_503], %mul3A_500 {strides = array<i32>} : memref<4x128xf32, #tpu.memory_space<vmem>>, vector<16xf32>,
      %mul3A_505 = arith.constant 4 : i32
      %mul3A_506 = arith.muli %mul3A_505, %add3A_189 : i32
      %add3A_507 = arith.constant 2 : i32
      %add3A_508 = arith.addi %mul3A_506, %add3A_507 : i32
      %broadcast_in_dim3A_509 = vector.broadcast %add3A_508 : i32 to vector<16xi32>
      %broadcast_in_dim3A_510 = arith.constant 2 : i32
      %broadcast_in_dim3A_511 = vector.broadcast %broadcast_in_dim3A_510 : i32 to vector<16xi32>
      %broadcast_in_dim3A_512 = arith.constant 1.000000e+00 : f32
      %broadcast_in_dim3A_513 = vector.broadcast %broadcast_in_dim3A_512 : f32 to vector<16xf32>
      %eq3A_514 = arith.constant 0 : i32
      %eq3A_515 = vector.broadcast %eq3A_514 : i32 to vector<16xi32>
      %eq3A_516 = arith.cmpi eq, %iota3A, %eq3A_515 : vector<16xi32>
      tpu.vector_store_idx %arg16[%broadcast_in_dim3A_511, %broadcast_in_dim3A_509], %broadcast_in_dim3A_513 masked %eq3A_516 {add = true} : memref<4x5000xf32, #tpu.memory_space<vmem>>[vector<16xi32>, vector<16xi32>], vector<16xf32>, vector<16xi1>
      %gather3A_517 = tpu.vector_load_idx %arg13[%broadcast_in_dim3A_509] : memref<5008xf32, #tpu.memory_space<vmem>>[vector<16xi32>], vector<16xf32>,
      %get3A_518 = arith.constant 2 : i32
      %get3A_519 = arith.index_cast %get3A_518 : i32 to index
      %get3A_520 = arith.constant 0 : index
      %get3A_521 = tpu.vector_load %arg17[%get3A_519, %get3A_520] {strides = array<i32>} : memref<4x128xf32, #tpu.memory_space<vmem>>, vector<16xf32>,
      %mul3A_522 = arith.mulf %get3A_521, %gather3A_517 : vector<16xf32>
      %swap3A_523 = arith.constant 2 : i32
      %swap3A_524 = arith.index_cast %swap3A_523 : i32 to index
      %swap3A_525 = arith.constant 0 : index
      %swap3A_526 = tpu.vector_load %arg19[%swap3A_524, %swap3A_525] {strides = array<i32>} : memref<4x128xf32, #tpu.memory_space<vmem>>, vector<16xf32>,
      tpu.vector_store %arg19[%swap3A_524, %swap3A_525], %mul3A_522 {strides = array<i32>} : memref<4x128xf32, #tpu.memory_space<vmem>>, vector<16xf32>,
      %get3A_527 = arith.constant 2 : i32
      %get3A_528 = arith.index_cast %get3A_527 : i32 to index
      %get3A_529 = arith.constant 16 : index
      %get3A_530 = tpu.vector_load %arg17[%get3A_528, %get3A_529] {strides = array<i32>} : memref<4x128xf32, #tpu.memory_space<vmem>>, vector<16xf32>,
      %mul3A_531 = arith.mulf %get3A_530, %gather3A_517 : vector<16xf32>
      %swap3A_532 = arith.constant 2 : i32
      %swap3A_533 = arith.index_cast %swap3A_532 : i32 to index
      %swap3A_534 = arith.constant 16 : index
      %swap3A_535 = tpu.vector_load %arg19[%swap3A_533, %swap3A_534] {strides = array<i32>} : memref<4x128xf32, #tpu.memory_space<vmem>>, vector<16xf32>,
      tpu.vector_store %arg19[%swap3A_533, %swap3A_534], %mul3A_531 {strides = array<i32>} : memref<4x128xf32, #tpu.memory_space<vmem>>, vector<16xf32>,
      %get3A_536 = arith.constant 2 : i32
      %get3A_537 = arith.index_cast %get3A_536 : i32 to index
      %get3A_538 = arith.constant 32 : index
      %get3A_539 = tpu.vector_load %arg17[%get3A_537, %get3A_538] {strides = array<i32>} : memref<4x128xf32, #tpu.memory_space<vmem>>, vector<16xf32>,
      %mul3A_540 = arith.mulf %get3A_539, %gather3A_517 : vector<16xf32>
      %swap3A_541 = arith.constant 2 : i32
      %swap3A_542 = arith.index_cast %swap3A_541 : i32 to index
      %swap3A_543 = arith.constant 32 : index
      %swap3A_544 = tpu.vector_load %arg19[%swap3A_542, %swap3A_543] {strides = array<i32>} : memref<4x128xf32, #tpu.memory_space<vmem>>, vector<16xf32>,
      tpu.vector_store %arg19[%swap3A_542, %swap3A_543], %mul3A_540 {strides = array<i32>} : memref<4x128xf32, #tpu.memory_space<vmem>>, vector<16xf32>,
      %get3A_545 = arith.constant 2 : i32
      %get3A_546 = arith.index_cast %get3A_545 : i32 to index
      %get3A_547 = arith.constant 48 : index
      %get3A_548 = tpu.vector_load %arg17[%get3A_546, %get3A_547] {strides = array<i32>} : memref<4x128xf32, #tpu.memory_space<vmem>>, vector<16xf32>,
      %mul3A_549 = arith.mulf %get3A_548, %gather3A_517 : vector<16xf32>
      %swap3A_550 = arith.constant 2 : i32
      %swap3A_551 = arith.index_cast %swap3A_550 : i32 to index
      %swap3A_552 = arith.constant 48 : index
      %swap3A_553 = tpu.vector_load %arg19[%swap3A_551, %swap3A_552] {strides = array<i32>} : memref<4x128xf32, #tpu.memory_space<vmem>>, vector<16xf32>,
      tpu.vector_store %arg19[%swap3A_551, %swap3A_552], %mul3A_549 {strides = array<i32>} : memref<4x128xf32, #tpu.memory_space<vmem>>, vector<16xf32>,
      %get3A_554 = arith.constant 2 : i32
      %get3A_555 = arith.index_cast %get3A_554 : i32 to index
      %get3A_556 = arith.constant 64 : index
      %get3A_557 = tpu.vector_load %arg17[%get3A_555, %get3A_556] {strides = array<i32>} : memref<4x128xf32, #tpu.memory_space<vmem>>, vector<16xf32>,
      %mul3A_558 = arith.mulf %get3A_557, %gather3A_517 : vector<16xf32>
      %swap3A_559 = arith.constant 2 : i32
      %swap3A_560 = arith.index_cast %swap3A_559 : i32 to index
      %swap3A_561 = arith.constant 64 : index
      %swap3A_562 = tpu.vector_load %arg19[%swap3A_560, %swap3A_561] {strides = array<i32>} : memref<4x128xf32, #tpu.memory_space<vmem>>, vector<16xf32>,
      tpu.vector_store %arg19[%swap3A_560, %swap3A_561], %mul3A_558 {strides = array<i32>} : memref<4x128xf32, #tpu.memory_space<vmem>>, vector<16xf32>,
      %get3A_563 = arith.constant 2 : i32
      %get3A_564 = arith.index_cast %get3A_563 : i32 to index
      %get3A_565 = arith.constant 80 : index
      %get3A_566 = tpu.vector_load %arg17[%get3A_564, %get3A_565] {strides = array<i32>} : memref<4x128xf32, #tpu.memory_space<vmem>>, vector<16xf32>,
      %mul3A_567 = arith.mulf %get3A_566, %gather3A_517 : vector<16xf32>
      %swap3A_568 = arith.constant 2 : i32
      %swap3A_569 = arith.index_cast %swap3A_568 : i32 to index
      %swap3A_570 = arith.constant 80 : index
      %swap3A_571 = tpu.vector_load %arg19[%swap3A_569, %swap3A_570] {strides = array<i32>} : memref<4x128xf32, #tpu.memory_space<vmem>>, vector<16xf32>,
      tpu.vector_store %arg19[%swap3A_569, %swap3A_570], %mul3A_567 {strides = array<i32>} : memref<4x128xf32, #tpu.memory_space<vmem>>, vector<16xf32>,
      %get3A_572 = arith.constant 2 : i32
      %get3A_573 = arith.index_cast %get3A_572 : i32 to index
      %get3A_574 = arith.constant 96 : index
      %get3A_575 = tpu.vector_load %arg17[%get3A_573, %get3A_574] {strides = array<i32>} : memref<4x128xf32, #tpu.memory_space<vmem>>, vector<16xf32>,
      %mul3A_576 = arith.mulf %get3A_575, %gather3A_517 : vector<16xf32>
      %swap3A_577 = arith.constant 2 : i32
      %swap3A_578 = arith.index_cast %swap3A_577 : i32 to index
      %swap3A_579 = arith.constant 96 : index
      %swap3A_580 = tpu.vector_load %arg19[%swap3A_578, %swap3A_579] {strides = array<i32>} : memref<4x128xf32, #tpu.memory_space<vmem>>, vector<16xf32>,
      tpu.vector_store %arg19[%swap3A_578, %swap3A_579], %mul3A_576 {strides = array<i32>} : memref<4x128xf32, #tpu.memory_space<vmem>>, vector<16xf32>,
      %get3A_581 = arith.constant 2 : i32
      %get3A_582 = arith.index_cast %get3A_581 : i32 to index
      %get3A_583 = arith.constant 112 : index
      %get3A_584 = tpu.vector_load %arg17[%get3A_582, %get3A_583] {strides = array<i32>} : memref<4x128xf32, #tpu.memory_space<vmem>>, vector<16xf32>,
      %mul3A_585 = arith.mulf %get3A_584, %gather3A_517 : vector<16xf32>
      %swap3A_586 = arith.constant 2 : i32
      %swap3A_587 = arith.index_cast %swap3A_586 : i32 to index
      %swap3A_588 = arith.constant 112 : index
      %swap3A_589 = tpu.vector_load %arg19[%swap3A_587, %swap3A_588] {strides = array<i32>} : memref<4x128xf32, #tpu.memory_space<vmem>>, vector<16xf32>,
      tpu.vector_store %arg19[%swap3A_587, %swap3A_588], %mul3A_585 {strides = array<i32>} : memref<4x128xf32, #tpu.memory_space<vmem>>, vector<16xf32>,
      %mul3A_590 = arith.constant 4 : i32
      %mul3A_591 = arith.muli %mul3A_590, %add3A_189 : i32
      %add3A_592 = arith.constant 3 : i32
      %add3A_593 = arith.addi %mul3A_591, %add3A_592 : i32
      %broadcast_in_dim3A_594 = vector.broadcast %add3A_593 : i32 to vector<16xi32>
      %broadcast_in_dim3A_595 = arith.constant 3 : i32
      %broadcast_in_dim3A_596 = vector.broadcast %broadcast_in_dim3A_595 : i32 to vector<16xi32>
      %broadcast_in_dim3A_597 = arith.constant 1.000000e+00 : f32
      %broadcast_in_dim3A_598 = vector.broadcast %broadcast_in_dim3A_597 : f32 to vector<16xf32>
      %eq3A_599 = arith.constant 0 : i32
      %eq3A_600 = vector.broadcast %eq3A_599 : i32 to vector<16xi32>
      %eq3A_601 = arith.cmpi eq, %iota3A, %eq3A_600 : vector<16xi32>
      tpu.vector_store_idx %arg16[%broadcast_in_dim3A_596, %broadcast_in_dim3A_594], %broadcast_in_dim3A_598 masked %eq3A_601 {add = true} : memref<4x5000xf32, #tpu.memory_space<vmem>>[vector<16xi32>, vector<16xi32>], vector<16xf32>, vector<16xi1>
      %gather3A_602 = tpu.vector_load_idx %arg13[%broadcast_in_dim3A_594] : memref<5008xf32, #tpu.memory_space<vmem>>[vector<16xi32>], vector<16xf32>,
      %get3A_603 = arith.constant 3 : i32
      %get3A_604 = arith.index_cast %get3A_603 : i32 to index
      %get3A_605 = arith.constant 0 : index
      %get3A_606 = tpu.vector_load %arg17[%get3A_604, %get3A_605] {strides = array<i32>} : memref<4x128xf32, #tpu.memory_space<vmem>>, vector<16xf32>,
      %mul3A_607 = arith.mulf %get3A_606, %gather3A_602 : vector<16xf32>
      %swap3A_608 = arith.constant 3 : i32
      %swap3A_609 = arith.index_cast %swap3A_608 : i32 to index
      %swap3A_610 = arith.constant 0 : index
      %swap3A_611 = tpu.vector_load %arg19[%swap3A_609, %swap3A_610] {strides = array<i32>} : memref<4x128xf32, #tpu.memory_space<vmem>>, vector<16xf32>,
      tpu.vector_store %arg19[%swap3A_609, %swap3A_610], %mul3A_607 {strides = array<i32>} : memref<4x128xf32, #tpu.memory_space<vmem>>, vector<16xf32>,
      %get3A_612 = arith.constant 3 : i32
      %get3A_613 = arith.index_cast %get3A_612 : i32 to index
      %get3A_614 = arith.constant 16 : index
      %get3A_615 = tpu.vector_load %arg17[%get3A_613, %get3A_614] {strides = array<i32>} : memref<4x128xf32, #tpu.memory_space<vmem>>, vector<16xf32>,
      %mul3A_616 = arith.mulf %get3A_615, %gather3A_602 : vector<16xf32>
      %swap3A_617 = arith.constant 3 : i32
      %swap3A_618 = arith.index_cast %swap3A_617 : i32 to index
      %swap3A_619 = arith.constant 16 : index
      %swap3A_620 = tpu.vector_load %arg19[%swap3A_618, %swap3A_619] {strides = array<i32>} : memref<4x128xf32, #tpu.memory_space<vmem>>, vector<16xf32>,
      tpu.vector_store %arg19[%swap3A_618, %swap3A_619], %mul3A_616 {strides = array<i32>} : memref<4x128xf32, #tpu.memory_space<vmem>>, vector<16xf32>,
      %get3A_621 = arith.constant 3 : i32
      %get3A_622 = arith.index_cast %get3A_621 : i32 to index
      %get3A_623 = arith.constant 32 : index
      %get3A_624 = tpu.vector_load %arg17[%get3A_622, %get3A_623] {strides = array<i32>} : memref<4x128xf32, #tpu.memory_space<vmem>>, vector<16xf32>,
      %mul3A_625 = arith.mulf %get3A_624, %gather3A_602 : vector<16xf32>
      %swap3A_626 = arith.constant 3 : i32
      %swap3A_627 = arith.index_cast %swap3A_626 : i32 to index
      %swap3A_628 = arith.constant 32 : index
      %swap3A_629 = tpu.vector_load %arg19[%swap3A_627, %swap3A_628] {strides = array<i32>} : memref<4x128xf32, #tpu.memory_space<vmem>>, vector<16xf32>,
      tpu.vector_store %arg19[%swap3A_627, %swap3A_628], %mul3A_625 {strides = array<i32>} : memref<4x128xf32, #tpu.memory_space<vmem>>, vector<16xf32>,
      %get3A_630 = arith.constant 3 : i32
      %get3A_631 = arith.index_cast %get3A_630 : i32 to index
      %get3A_632 = arith.constant 48 : index
      %get3A_633 = tpu.vector_load %arg17[%get3A_631, %get3A_632] {strides = array<i32>} : memref<4x128xf32, #tpu.memory_space<vmem>>, vector<16xf32>,
      %mul3A_634 = arith.mulf %get3A_633, %gather3A_602 : vector<16xf32>
      %swap3A_635 = arith.constant 3 : i32
      %swap3A_636 = arith.index_cast %swap3A_635 : i32 to index
      %swap3A_637 = arith.constant 48 : index
      %swap3A_638 = tpu.vector_load %arg19[%swap3A_636, %swap3A_637] {strides = array<i32>} : memref<4x128xf32, #tpu.memory_space<vmem>>, vector<16xf32>,
      tpu.vector_store %arg19[%swap3A_636, %swap3A_637], %mul3A_634 {strides = array<i32>} : memref<4x128xf32, #tpu.memory_space<vmem>>, vector<16xf32>,
      %get3A_639 = arith.constant 3 : i32
      %get3A_640 = arith.index_cast %get3A_639 : i32 to index
      %get3A_641 = arith.constant 64 : index
      %get3A_642 = tpu.vector_load %arg17[%get3A_640, %get3A_641] {strides = array<i32>} : memref<4x128xf32, #tpu.memory_space<vmem>>, vector<16xf32>,
      %mul3A_643 = arith.mulf %get3A_642, %gather3A_602 : vector<16xf32>
      %swap3A_644 = arith.constant 3 : i32
      %swap3A_645 = arith.index_cast %swap3A_644 : i32 to index
      %swap3A_646 = arith.constant 64 : index
      %swap3A_647 = tpu.vector_load %arg19[%swap3A_645, %swap3A_646] {strides = array<i32>} : memref<4x128xf32, #tpu.memory_space<vmem>>, vector<16xf32>,
      tpu.vector_store %arg19[%swap3A_645, %swap3A_646], %mul3A_643 {strides = array<i32>} : memref<4x128xf32, #tpu.memory_space<vmem>>, vector<16xf32>,
      %get3A_648 = arith.constant 3 : i32
      %get3A_649 = arith.index_cast %get3A_648 : i32 to index
      %get3A_650 = arith.constant 80 : index
      %get3A_651 = tpu.vector_load %arg17[%get3A_649, %get3A_650] {strides = array<i32>} : memref<4x128xf32, #tpu.memory_space<vmem>>, vector<16xf32>,
      %mul3A_652 = arith.mulf %get3A_651, %gather3A_602 : vector<16xf32>
      %swap3A_653 = arith.constant 3 : i32
      %swap3A_654 = arith.index_cast %swap3A_653 : i32 to index
      %swap3A_655 = arith.constant 80 : index
      %swap3A_656 = tpu.vector_load %arg19[%swap3A_654, %swap3A_655] {strides = array<i32>} : memref<4x128xf32, #tpu.memory_space<vmem>>, vector<16xf32>,
      tpu.vector_store %arg19[%swap3A_654, %swap3A_655], %mul3A_652 {strides = array<i32>} : memref<4x128xf32, #tpu.memory_space<vmem>>, vector<16xf32>,
      %get3A_657 = arith.constant 3 : i32
      %get3A_658 = arith.index_cast %get3A_657 : i32 to index
      %get3A_659 = arith.constant 96 : index
      %get3A_660 = tpu.vector_load %arg17[%get3A_658, %get3A_659] {strides = array<i32>} : memref<4x128xf32, #tpu.memory_space<vmem>>, vector<16xf32>,
      %mul3A_661 = arith.mulf %get3A_660, %gather3A_602 : vector<16xf32>
      %swap3A_662 = arith.constant 3 : i32
      %swap3A_663 = arith.index_cast %swap3A_662 : i32 to index
      %swap3A_664 = arith.constant 96 : index
      %swap3A_665 = tpu.vector_load %arg19[%swap3A_663, %swap3A_664] {strides = array<i32>} : memref<4x128xf32, #tpu.memory_space<vmem>>, vector<16xf32>,
      tpu.vector_store %arg19[%swap3A_663, %swap3A_664], %mul3A_661 {strides = array<i32>} : memref<4x128xf32, #tpu.memory_space<vmem>>, vector<16xf32>,
      %get3A_666 = arith.constant 3 : i32
      %get3A_667 = arith.index_cast %get3A_666 : i32 to index
      %get3A_668 = arith.constant 112 : index
      %get3A_669 = tpu.vector_load %arg17[%get3A_667, %get3A_668] {strides = array<i32>} : memref<4x128xf32, #tpu.memory_space<vmem>>, vector<16xf32>,
      %mul3A_670 = arith.mulf %get3A_669, %gather3A_602 : vector<16xf32>
      %swap3A_671 = arith.constant 3 : i32
      %swap3A_672 = arith.index_cast %swap3A_671 : i32 to index
      %swap3A_673 = arith.constant 112 : index
      %swap3A_674 = tpu.vector_load %arg19[%swap3A_672, %swap3A_673] {strides = array<i32>} : memref<4x128xf32, #tpu.memory_space<vmem>>, vector<16xf32>,
      tpu.vector_store %arg19[%swap3A_672, %swap3A_673], %mul3A_670 {strides = array<i32>} : memref<4x128xf32, #tpu.memory_space<vmem>>, vector<16xf32>,
      %mul3A_675 = arith.constant 4 : i32
      %mul3A_676 = arith.muli %mul3A_675, %add3A_189 : i32
      %dma_start3A_677 = arith.constant 0 : i32
      %dma_start3A_678 = tpu.memref_slice %arg6[%mul3A_676, %dma_start3A_677] : memref<5000x5000xf32, #tpu.memory_space<hbm>> -> memref<4x5000xf32, #tpu.memory_space<hbm>>
      %dma_start3A_679 = arith.constant 0 : i32
      %dma_start3A_680 = tpu.memref_slice %arg6[%mul3A_676, %dma_start3A_679] : memref<5000x5000xf32, #tpu.memory_space<hbm>> -> memref<4x5000xf32, #tpu.memory_space<hbm>>
      tpu.enqueue_dma source(%arg16 : memref<4x5000xf32, #tpu.memory_space<vmem>>) target(%dma_start3A_680 : memref<4x5000xf32, #tpu.memory_space<hbm>>) target_semaphore(%arg24 : memref<!tpu.dma_semaphore, #tpu.memory_space<semaphore_mem>>)
      %mul3A_681 = arith.constant 4 : i32
      %mul3A_682 = arith.muli %mul3A_681, %add3A_189 : i32
      %dma_start3A_683 = arith.constant 0 : i32
      %dma_start3A_684 = tpu.memref_slice %arg7[%mul3A_682, %dma_start3A_683] : memref<5000x128xf32, #tpu.memory_space<hbm>> -> memref<4x128xf32, #tpu.memory_space<hbm>>
      %dma_start3A_685 = arith.constant 0 : i32
      %dma_start3A_686 = tpu.memref_slice %arg7[%mul3A_682, %dma_start3A_685] : memref<5000x128xf32, #tpu.memory_space<hbm>> -> memref<4x128xf32, #tpu.memory_space<hbm>>
      tpu.enqueue_dma source(%arg19 : memref<4x128xf32, #tpu.memory_space<vmem>>) target(%dma_start3A_686 : memref<4x128xf32, #tpu.memory_space<hbm>>) target_semaphore(%arg24 : memref<!tpu.dma_semaphore, #tpu.memory_space<semaphore_mem>>)
      %mul3A_687 = arith.constant 2 : i32
      %mul3A_688 = arith.muli %mul3A_687, %add3A_184 : i32
      %add3A_689 = arith.addi %mul3A_38, %mul3A_688 : i32
      %add3A_690 = arith.constant 1 : i32
      %add3A_691 = arith.addi %add3A_689, %add3A_690 : i32
      %min3A_692 = arith.constant 1249 : i32
      %min3A_693 = arith.minsi %add3A_691, %min3A_692 : i32
      %dma_wait3A_694 = arith.constant 0 : i32
      %dma_wait3A_695 = arith.constant 0 : i32
      %dma_wait3A_696 = tpu.memref_slice %arg15[%dma_wait3A_694, %dma_wait3A_695] : memref<4x10000xf32, #tpu.memory_space<vmem>> -> memref<1x10000xf32, #tpu.memory_space<vmem>>
      %dma_wait3A_697 = arith.constant 0 : i32
      %dma_wait3A_698 = arith.constant 0 : i32
      %dma_wait3A_699 = tpu.memref_slice %arg2[%dma_wait3A_697, %dma_wait3A_698] : memref<10000x10000xf32, #tpu.memory_space<hbm>> -> memref<1x10000xf32, #tpu.memory_space<hbm>>
      %dma_wait3A_700 = arith.constant 0 : i32
      %dma_wait3A_701 = arith.constant 0 : i32
      %dma_wait3A_702 = tpu.memref_slice %arg15[%dma_wait3A_700, %dma_wait3A_701] : memref<4x10000xf32, #tpu.memory_space<vmem>> -> memref<1x10000xf32, #tpu.memory_space<vmem>>
      %dma_wait3A_703 = arith.constant 0 : i32
      %dma_wait3A_704 = arith.constant 0 : i32
      %dma_wait3A_705 = tpu.memref_slice %arg2[%dma_wait3A_703, %dma_wait3A_704] : memref<10000x10000xf32, #tpu.memory_space<hbm>> -> memref<1x10000xf32, #tpu.memory_space<hbm>>
      tpu.wait_dma2 semaphore(%arg21 : memref<!tpu.dma_semaphore, #tpu.memory_space<semaphore_mem>>) src(%dma_wait3A_705 : memref<1x10000xf32, #tpu.memory_space<hbm>>) dst(%dma_wait3A_702 : memref<1x10000xf32, #tpu.memory_space<vmem>>)
      %dma_wait3A_706 = arith.constant 1 : i32
      %dma_wait3A_707 = arith.constant 0 : i32
      %dma_wait3A_708 = tpu.memref_slice %arg15[%dma_wait3A_706, %dma_wait3A_707] : memref<4x10000xf32, #tpu.memory_space<vmem>> -> memref<1x10000xf32, #tpu.memory_space<vmem>>
      %dma_wait3A_709 = arith.constant 0 : i32
      %dma_wait3A_710 = arith.constant 0 : i32
      %dma_wait3A_711 = tpu.memref_slice %arg2[%dma_wait3A_709, %dma_wait3A_710] : memref<10000x10000xf32, #tpu.memory_space<hbm>> -> memref<1x10000xf32, #tpu.memory_space<hbm>>
      %dma_wait3A_712 = arith.constant 1 : i32
      %dma_wait3A_713 = arith.constant 0 : i32
      %dma_wait3A_714 = tpu.memref_slice %arg15[%dma_wait3A_712, %dma_wait3A_713] : memref<4x10000xf32, #tpu.memory_space<vmem>> -> memref<1x10000xf32, #tpu.memory_space<vmem>>
      %dma_wait3A_715 = arith.constant 0 : i32
      %dma_wait3A_716 = arith.constant 0 : i32
      %dma_wait3A_717 = tpu.memref_slice %arg2[%dma_wait3A_715, %dma_wait3A_716] : memref<10000x10000xf32, #tpu.memory_space<hbm>> -> memref<1x10000xf32, #tpu.memory_space<hbm>>
      tpu.wait_dma2 semaphore(%arg21 : memref<!tpu.dma_semaphore, #tpu.memory_space<semaphore_mem>>) src(%dma_wait3A_717 : memref<1x10000xf32, #tpu.memory_space<hbm>>) dst(%dma_wait3A_714 : memref<1x10000xf32, #tpu.memory_space<vmem>>)
      %dma_wait3A_718 = arith.constant 2 : i32
      %dma_wait3A_719 = arith.constant 0 : i32
      %dma_wait3A_720 = tpu.memref_slice %arg15[%dma_wait3A_718, %dma_wait3A_719] : memref<4x10000xf32, #tpu.memory_space<vmem>> -> memref<1x10000xf32, #tpu.memory_space<vmem>>
      %dma_wait3A_721 = arith.constant 0 : i32
      %dma_wait3A_722 = arith.constant 0 : i32
      %dma_wait3A_723 = tpu.memref_slice %arg2[%dma_wait3A_721, %dma_wait3A_722] : memref<10000x10000xf32, #tpu.memory_space<hbm>> -> memref<1x10000xf32, #tpu.memory_space<hbm>>
      %dma_wait3A_724 = arith.constant 2 : i32
      %dma_wait3A_725 = arith.constant 0 : i32
      %dma_wait3A_726 = tpu.memref_slice %arg15[%dma_wait3A_724, %dma_wait3A_725] : memref<4x10000xf32, #tpu.memory_space<vmem>> -> memref<1x10000xf32, #tpu.memory_space<vmem>>
      %dma_wait3A_727 = arith.constant 0 : i32
      %dma_wait3A_728 = arith.constant 0 : i32
      %dma_wait3A_729 = tpu.memref_slice %arg2[%dma_wait3A_727, %dma_wait3A_728] : memref<10000x10000xf32, #tpu.memory_space<hbm>> -> memref<1x10000xf32, #tpu.memory_space<hbm>>
      tpu.wait_dma2 semaphore(%arg21 : memref<!tpu.dma_semaphore, #tpu.memory_space<semaphore_mem>>) src(%dma_wait3A_729 : memref<1x10000xf32, #tpu.memory_space<hbm>>) dst(%dma_wait3A_726 : memref<1x10000xf32, #tpu.memory_space<vmem>>)
      %dma_wait3A_730 = arith.constant 3 : i32
      %dma_wait3A_731 = arith.constant 0 : i32
      %dma_wait3A_732 = tpu.memref_slice %arg15[%dma_wait3A_730, %dma_wait3A_731] : memref<4x10000xf32, #tpu.memory_space<vmem>> -> memref<1x10000xf32, #tpu.memory_space<vmem>>
      %dma_wait3A_733 = arith.constant 0 : i32
      %dma_wait3A_734 = arith.constant 0 : i32
      %dma_wait3A_735 = tpu.memref_slice %arg2[%dma_wait3A_733, %dma_wait3A_734] : memref<10000x10000xf32, #tpu.memory_space<hbm>> -> memref<1x10000xf32, #tpu.memory_space<hbm>>
      %dma_wait3A_736 = arith.constant 3 : i32
      %dma_wait3A_737 = arith.constant 0 : i32
      %dma_wait3A_738 = tpu.memref_slice %arg15[%dma_wait3A_736, %dma_wait3A_737] : memref<4x10000xf32, #tpu.memory_space<vmem>> -> memref<1x10000xf32, #tpu.memory_space<vmem>>
      %dma_wait3A_739 = arith.constant 0 : i32
      %dma_wait3A_740 = arith.constant 0 : i32
      %dma_wait3A_741 = tpu.memref_slice %arg2[%dma_wait3A_739, %dma_wait3A_740] : memref<10000x10000xf32, #tpu.memory_space<hbm>> -> memref<1x10000xf32, #tpu.memory_space<hbm>>
      tpu.wait_dma2 semaphore(%arg21 : memref<!tpu.dma_semaphore, #tpu.memory_space<semaphore_mem>>) src(%dma_wait3A_741 : memref<1x10000xf32, #tpu.memory_space<hbm>>) dst(%dma_wait3A_738 : memref<1x10000xf32, #tpu.memory_space<vmem>>)
      %mul3A_742 = arith.constant 8 : i32
      %mul3A_743 = arith.muli %mul3A_742, %min3A_693 : i32
      %dma_wait3A_744 = tpu.memref_slice %arg12[%mul3A_743] : memref<10016xi32, #tpu.memory_space<vmem>> -> memref<4xi32, #tpu.memory_space<vmem>>
      %dma_wait3A_745 = arith.constant 0 : i32
      %dma_wait3A_746 = arith.constant 0 : i32
      %dma_wait3A_747 = tpu.memref_slice %arg3[%dma_wait3A_745, %dma_wait3A_746] : memref<10000x128xf32, #tpu.memory_space<hbm>> -> memref<10000x128xf32, #tpu.memory_space<hbm>>
      tpu.wait_indirect_dma semaphore(%arg23 : memref<!tpu.dma_semaphore, #tpu.memory_space<semaphore_mem>>) src(%dma_wait3A_747 : memref<10000x128xf32, #tpu.memory_space<hbm>>) dst(%arg18 : memref<4x128xf32, #tpu.memory_space<vmem>>)
      %add3A_748 = arith.constant 1 : i32
      %add3A_749 = arith.addi %add3A_691, %add3A_748 : i32
      %min3A_750 = arith.constant 1249 : i32
      %min3A_751 = arith.minsi %add3A_749, %min3A_750 : i32
      %mul3A_752 = arith.constant 8 : i32
      %mul3A_753 = arith.muli %mul3A_752, %min3A_751 : i32
      %get3A_754 = arith.index_cast %mul3A_753 : i32 to index
      %get3A_755 = tpu.vector_load %arg12[%get3A_754] {strides = array<i32>} : memref<10016xi32, #tpu.memory_space<vmem>>, vector<16xi32>,
      %slice3A_756 = vector.extract_strided_slice %get3A_755 {offsets = [0], sizes = [1], strides = [1]} : vector<16xi32> to vector<1xi32>
      %squeeze3A_757 = vector.extract %slice3A_756[0] : i32 from vector<1xi32>
      %dma_start3A_758 = arith.constant 0 : i32
      %dma_start3A_759 = arith.constant 0 : i32
      %dma_start3A_760 = tpu.memref_slice %arg14[%dma_start3A_758, %dma_start3A_759] : memref<4x10000xf32, #tpu.memory_space<vmem>> -> memref<1x10000xf32, #tpu.memory_space<vmem>>
      %dma_start3A_761 = arith.constant 0 : i32
      %dma_start3A_762 = tpu.memref_slice %arg2[%squeeze3A_757, %dma_start3A_761] : memref<10000x10000xf32, #tpu.memory_space<hbm>> -> memref<1x10000xf32, #tpu.memory_space<hbm>>
      %dma_start3A_763 = arith.constant 0 : i32
      %dma_start3A_764 = arith.constant 0 : i32
      %dma_start3A_765 = tpu.memref_slice %arg14[%dma_start3A_763, %dma_start3A_764] : memref<4x10000xf32, #tpu.memory_space<vmem>> -> memref<1x10000xf32, #tpu.memory_space<vmem>>
      %dma_start3A_766 = arith.constant 0 : i32
      %dma_start3A_767 = tpu.memref_slice %arg2[%squeeze3A_757, %dma_start3A_766] : memref<10000x10000xf32, #tpu.memory_space<hbm>> -> memref<1x10000xf32, #tpu.memory_space<hbm>>
      tpu.enqueue_dma source(%dma_start3A_767 : memref<1x10000xf32, #tpu.memory_space<hbm>>) target(%dma_start3A_765 : memref<1x10000xf32, #tpu.memory_space<vmem>>) target_semaphore(%arg20 : memref<!tpu.dma_semaphore, #tpu.memory_space<semaphore_mem>>)
      %slice3A_768 = vector.extract_strided_slice %get3A_755 {offsets = [1], sizes = [1], strides = [1]} : vector<16xi32> to vector<1xi32>
      %squeeze3A_769 = vector.extract %slice3A_768[0] : i32 from vector<1xi32>
      %dma_start3A_770 = arith.constant 1 : i32
      %dma_start3A_771 = arith.constant 0 : i32
      %dma_start3A_772 = tpu.memref_slice %arg14[%dma_start3A_770, %dma_start3A_771] : memref<4x10000xf32, #tpu.memory_space<vmem>> -> memref<1x10000xf32, #tpu.memory_space<vmem>>
      %dma_start3A_773 = arith.constant 0 : i32
      %dma_start3A_774 = tpu.memref_slice %arg2[%squeeze3A_769, %dma_start3A_773] : memref<10000x10000xf32, #tpu.memory_space<hbm>> -> memref<1x10000xf32, #tpu.memory_space<hbm>>
      %dma_start3A_775 = arith.constant 1 : i32
      %dma_start3A_776 = arith.constant 0 : i32
      %dma_start3A_777 = tpu.memref_slice %arg14[%dma_start3A_775, %dma_start3A_776] : memref<4x10000xf32, #tpu.memory_space<vmem>> -> memref<1x10000xf32, #tpu.memory_space<vmem>>
      %dma_start3A_778 = arith.constant 0 : i32
      %dma_start3A_779 = tpu.memref_slice %arg2[%squeeze3A_769, %dma_start3A_778] : memref<10000x10000xf32, #tpu.memory_space<hbm>> -> memref<1x10000xf32, #tpu.memory_space<hbm>>
      tpu.enqueue_dma source(%dma_start3A_779 : memref<1x10000xf32, #tpu.memory_space<hbm>>) target(%dma_start3A_777 : memref<1x10000xf32, #tpu.memory_space<vmem>>) target_semaphore(%arg20 : memref<!tpu.dma_semaphore, #tpu.memory_space<semaphore_mem>>)
      %slice3A_780 = vector.extract_strided_slice %get3A_755 {offsets = [2], sizes = [1], strides = [1]} : vector<16xi32> to vector<1xi32>
      %squeeze3A_781 = vector.extract %slice3A_780[0] : i32 from vector<1xi32>
      %dma_start3A_782 = arith.constant 2 : i32
      %dma_start3A_783 = arith.constant 0 : i32
      %dma_start3A_784 = tpu.memref_slice %arg14[%dma_start3A_782, %dma_start3A_783] : memref<4x10000xf32, #tpu.memory_space<vmem>> -> memref<1x10000xf32, #tpu.memory_space<vmem>>
      %dma_start3A_785 = arith.constant 0 : i32
      %dma_start3A_786 = tpu.memref_slice %arg2[%squeeze3A_781, %dma_start3A_785] : memref<10000x10000xf32, #tpu.memory_space<hbm>> -> memref<1x10000xf32, #tpu.memory_space<hbm>>
      %dma_start3A_787 = arith.constant 2 : i32
      %dma_start3A_788 = arith.constant 0 : i32
      %dma_start3A_789 = tpu.memref_slice %arg14[%dma_start3A_787, %dma_start3A_788] : memref<4x10000xf32, #tpu.memory_space<vmem>> -> memref<1x10000xf32, #tpu.memory_space<vmem>>
      %dma_start3A_790 = arith.constant 0 : i32
      %dma_start3A_791 = tpu.memref_slice %arg2[%squeeze3A_781, %dma_start3A_790] : memref<10000x10000xf32, #tpu.memory_space<hbm>> -> memref<1x10000xf32, #tpu.memory_space<hbm>>
      tpu.enqueue_dma source(%dma_start3A_791 : memref<1x10000xf32, #tpu.memory_space<hbm>>) target(%dma_start3A_789 : memref<1x10000xf32, #tpu.memory_space<vmem>>) target_semaphore(%arg20 : memref<!tpu.dma_semaphore, #tpu.memory_space<semaphore_mem>>)
      %slice3A_792 = vector.extract_strided_slice %get3A_755 {offsets = [3], sizes = [1], strides = [1]} : vector<16xi32> to vector<1xi32>
      %squeeze3A_793 = vector.extract %slice3A_792[0] : i32 from vector<1xi32>
      %dma_start3A_794 = arith.constant 3 : i32
      %dma_start3A_795 = arith.constant 0 : i32
      %dma_start3A_796 = tpu.memref_slice %arg14[%dma_start3A_794, %dma_start3A_795] : memref<4x10000xf32, #tpu.memory_space<vmem>> -> memref<1x10000xf32, #tpu.memory_space<vmem>>
      %dma_start3A_797 = arith.constant 0 : i32
      %dma_start3A_798 = tpu.memref_slice %arg2[%squeeze3A_793, %dma_start3A_797] : memref<10000x10000xf32, #tpu.memory_space<hbm>> -> memref<1x10000xf32, #tpu.memory_space<hbm>>
      %dma_start3A_799 = arith.constant 3 : i32
      %dma_start3A_800 = arith.constant 0 : i32
      %dma_start3A_801 = tpu.memref_slice %arg14[%dma_start3A_799, %dma_start3A_800] : memref<4x10000xf32, #tpu.memory_space<vmem>> -> memref<1x10000xf32, #tpu.memory_space<vmem>>
      %dma_start3A_802 = arith.constant 0 : i32
      %dma_start3A_803 = tpu.memref_slice %arg2[%squeeze3A_793, %dma_start3A_802] : memref<10000x10000xf32, #tpu.memory_space<hbm>> -> memref<1x10000xf32, #tpu.memory_space<hbm>>
      tpu.enqueue_dma source(%dma_start3A_803 : memref<1x10000xf32, #tpu.memory_space<hbm>>) target(%dma_start3A_801 : memref<1x10000xf32, #tpu.memory_space<vmem>>) target_semaphore(%arg20 : memref<!tpu.dma_semaphore, #tpu.memory_space<semaphore_mem>>)
      %mul3A_804 = arith.constant 8 : i32
      %mul3A_805 = arith.muli %mul3A_804, %min3A_751 : i32
      %dma_start3A_806 = tpu.memref_slice %arg12[%mul3A_805] : memref<10016xi32, #tpu.memory_space<vmem>> -> memref<4xi32, #tpu.memory_space<vmem>>
      %dma_start3A_807 = arith.constant 0 : i32
      %dma_start3A_808 = arith.constant 0 : i32
      %dma_start3A_809 = tpu.memref_slice %arg3[%dma_start3A_807, %dma_start3A_808] : memref<10000x128xf32, #tpu.memory_space<hbm>> -> memref<10000x128xf32, #tpu.memory_space<hbm>>
      tpu.enqueue_indirect_dma source(%dma_start3A_809 : memref<10000x128xf32, #tpu.memory_space<hbm>>) target(%arg17 : memref<4x128xf32, #tpu.memory_space<vmem>>) offsets(%dma_start3A_806 : memref<4xi32, #tpu.memory_space<vmem>>) semaphore(%arg22 : memref<!tpu.dma_semaphore, #tpu.memory_space<semaphore_mem>>)
      %gt3A_810 = arith.cmpi sgt, %add3A_691, %mul3A_38 : i32
      %convert_element_type3A_811 = arith.extui %gt3A_810 : i1 to i32
      %cond3A_812 = arith.constant 0 : i32
      %cond3A_813 = arith.cmpi ne, %convert_element_type3A_811, %cond3A_812 : i32
      scf.if %cond3A_813 {
        %dma_wait3A_1192 = arith.constant 0 : i32
        %dma_wait3A_1193 = arith.constant 0 : i32
        %dma_wait3A_1194 = tpu.memref_slice %arg6[%dma_wait3A_1192, %dma_wait3A_1193] : memref<5000x5000xf32, #tpu.memory_space<hbm>> -> memref<4x5000xf32, #tpu.memory_space<hbm>>
        %dma_wait3A_1195 = arith.constant 0 : i32
        %dma_wait3A_1196 = arith.constant 0 : i32
        %dma_wait3A_1197 = tpu.memref_slice %arg6[%dma_wait3A_1195, %dma_wait3A_1196] : memref<5000x5000xf32, #tpu.memory_space<hbm>> -> memref<4x5000xf32, #tpu.memory_space<hbm>>
        tpu.wait_dma2 semaphore(%arg24 : memref<!tpu.dma_semaphore, #tpu.memory_space<semaphore_mem>>) src(%arg16 : memref<4x5000xf32, #tpu.memory_space<vmem>>) dst(%dma_wait3A_1197 : memref<4x5000xf32, #tpu.memory_space<hbm>>)
        %dma_wait3A_1198 = arith.constant 0 : i32
        %dma_wait3A_1199 = arith.constant 0 : i32
        %dma_wait3A_1200 = tpu.memref_slice %arg7[%dma_wait3A_1198, %dma_wait3A_1199] : memref<5000x128xf32, #tpu.memory_space<hbm>> -> memref<4x128xf32, #tpu.memory_space<hbm>>
        %dma_wait3A_1201 = arith.constant 0 : i32
        %dma_wait3A_1202 = arith.constant 0 : i32
        %dma_wait3A_1203 = tpu.memref_slice %arg7[%dma_wait3A_1201, %dma_wait3A_1202] : memref<5000x128xf32, #tpu.memory_space<hbm>> -> memref<4x128xf32, #tpu.memory_space<hbm>>
        tpu.wait_dma2 semaphore(%arg24 : memref<!tpu.dma_semaphore, #tpu.memory_space<semaphore_mem>>) src(%arg19 : memref<4x128xf32, #tpu.memory_space<vmem>>) dst(%dma_wait3A_1203 : memref<4x128xf32, #tpu.memory_space<hbm>>)
      } else {
      }
      %parallel_loop3A_814 = arith.constant 0 : i32
      %parallel_loop3A_815 = arith.constant 312 : i32
      %parallel_loop3A_816 = arith.constant 1 : i32
      scf.for %parallel_loop3A_1192 = %parallel_loop3A_814 to %parallel_loop3A_815 step %parallel_loop3A_816  : i32 {
        %parallel_loop3A_1193 = arith.constant 16 : i32
        %parallel_loop3A_1194 = arith.muli %parallel_loop3A_1192, %parallel_loop3A_1193 : i32
        %parallel_loop3A_1195 = arith.index_cast %parallel_loop3A_1194 : i32 to index
        %parallel_loop3A_1196 = tpu.vector_load %arg11[%parallel_loop3A_1195] {strides = array<i32>} : memref<5008xi32, #tpu.memory_space<vmem>>, vector<16xi32>,
        %parallel_loop3A_1197 = arith.constant 0 : i32
        %parallel_loop3A_1198 = vector.broadcast %parallel_loop3A_1197 : i32 to vector<16xi32>
        %parallel_loop3A_1199 = tpu.vector_load_idx %arg15[%parallel_loop3A_1198, %parallel_loop3A_1196] : memref<4x10000xf32, #tpu.memory_space<vmem>>[vector<16xi32>, vector<16xi32>], vector<16xf32>,
        %parallel_loop3A_1200 = arith.constant 16 : i32
        %parallel_loop3A_1201 = arith.muli %parallel_loop3A_1192, %parallel_loop3A_1200 : i32
        %parallel_loop3A_1202 = arith.constant 0 : i32
        %parallel_loop3A_1203 = arith.index_cast %parallel_loop3A_1202 : i32 to index
        %parallel_loop3A_1204 = arith.index_cast %parallel_loop3A_1201 : i32 to index
        %parallel_loop3A_1205 = tpu.vector_load %arg16[%parallel_loop3A_1203, %parallel_loop3A_1204] {strides = array<i32>} : memref<4x5000xf32, #tpu.memory_space<vmem>>, vector<16xf32>,
        tpu.vector_store %arg16[%parallel_loop3A_1203, %parallel_loop3A_1204], %parallel_loop3A_1199 {strides = array<i32>} : memref<4x5000xf32, #tpu.memory_space<vmem>>, vector<16xf32>,
        %parallel_loop3A_1206 = arith.constant 1 : i32
        %parallel_loop3A_1207 = vector.broadcast %parallel_loop3A_1206 : i32 to vector<16xi32>
        %parallel_loop3A_1208 = tpu.vector_load_idx %arg15[%parallel_loop3A_1207, %parallel_loop3A_1196] : memref<4x10000xf32, #tpu.memory_space<vmem>>[vector<16xi32>, vector<16xi32>], vector<16xf32>,
        %parallel_loop3A_1209 = arith.constant 16 : i32
        %parallel_loop3A_1210 = arith.muli %parallel_loop3A_1192, %parallel_loop3A_1209 : i32
        %parallel_loop3A_1211 = arith.constant 1 : i32
        %parallel_loop3A_1212 = arith.index_cast %parallel_loop3A_1211 : i32 to index
        %parallel_loop3A_1213 = arith.index_cast %parallel_loop3A_1210 : i32 to index
        %parallel_loop3A_1214 = tpu.vector_load %arg16[%parallel_loop3A_1212, %parallel_loop3A_1213] {strides = array<i32>} : memref<4x5000xf32, #tpu.memory_space<vmem>>, vector<16xf32>,
        tpu.vector_store %arg16[%parallel_loop3A_1212, %parallel_loop3A_1213], %parallel_loop3A_1208 {strides = array<i32>} : memref<4x5000xf32, #tpu.memory_space<vmem>>, vector<16xf32>,
        %parallel_loop3A_1215 = arith.constant 2 : i32
        %parallel_loop3A_1216 = vector.broadcast %parallel_loop3A_1215 : i32 to vector<16xi32>
        %parallel_loop3A_1217 = tpu.vector_load_idx %arg15[%parallel_loop3A_1216, %parallel_loop3A_1196] : memref<4x10000xf32, #tpu.memory_space<vmem>>[vector<16xi32>, vector<16xi32>], vector<16xf32>,
        %parallel_loop3A_1218 = arith.constant 16 : i32
        %parallel_loop3A_1219 = arith.muli %parallel_loop3A_1192, %parallel_loop3A_1218 : i32
        %parallel_loop3A_1220 = arith.constant 2 : i32
        %parallel_loop3A_1221 = arith.index_cast %parallel_loop3A_1220 : i32 to index
        %parallel_loop3A_1222 = arith.index_cast %parallel_loop3A_1219 : i32 to index
        %parallel_loop3A_1223 = tpu.vector_load %arg16[%parallel_loop3A_1221, %parallel_loop3A_1222] {strides = array<i32>} : memref<4x5000xf32, #tpu.memory_space<vmem>>, vector<16xf32>,
        tpu.vector_store %arg16[%parallel_loop3A_1221, %parallel_loop3A_1222], %parallel_loop3A_1217 {strides = array<i32>} : memref<4x5000xf32, #tpu.memory_space<vmem>>, vector<16xf32>,
        %parallel_loop3A_1224 = arith.constant 3 : i32
        %parallel_loop3A_1225 = vector.broadcast %parallel_loop3A_1224 : i32 to vector<16xi32>
        %parallel_loop3A_1226 = tpu.vector_load_idx %arg15[%parallel_loop3A_1225, %parallel_loop3A_1196] : memref<4x10000xf32, #tpu.memory_space<vmem>>[vector<16xi32>, vector<16xi32>], vector<16xf32>,
        %parallel_loop3A_1227 = arith.constant 16 : i32
        %parallel_loop3A_1228 = arith.muli %parallel_loop3A_1192, %parallel_loop3A_1227 : i32
        %parallel_loop3A_1229 = arith.constant 3 : i32
        %parallel_loop3A_1230 = arith.index_cast %parallel_loop3A_1229 : i32 to index
        %parallel_loop3A_1231 = arith.index_cast %parallel_loop3A_1228 : i32 to index
        %parallel_loop3A_1232 = tpu.vector_load %arg16[%parallel_loop3A_1230, %parallel_loop3A_1231] {strides = array<i32>} : memref<4x5000xf32, #tpu.memory_space<vmem>>, vector<16xf32>,
        tpu.vector_store %arg16[%parallel_loop3A_1230, %parallel_loop3A_1231], %parallel_loop3A_1226 {strides = array<i32>} : memref<4x5000xf32, #tpu.memory_space<vmem>>, vector<16xf32>,
      } {sc.loop_unroll_factor = 8 : i64, sc.parallel_access}
      %get3A_817 = arith.constant 4992 : index
      %get3A_818 = tpu.vector_load %arg11[%get3A_817] {strides = array<i32>} : memref<5008xi32, #tpu.memory_space<vmem>>, vector<16xi32>,
      %lt3A_819 = arith.constant 8 : i32
      %lt3A_820 = vector.broadcast %lt3A_819 : i32 to vector<16xi32>
      %lt3A_821 = arith.cmpi slt, %iota3A, %lt3A_820 : vector<16xi32>
      %add3A_822 = arith.constant 4992 : i32
      %add3A_823 = vector.broadcast %add3A_822 : i32 to vector<16xi32>
      %add3A_824 = arith.addi %iota3A, %add3A_823 : vector<16xi32>
      %min3A_825 = arith.constant 4999 : i32
      %min3A_826 = vector.broadcast %min3A_825 : i32 to vector<16xi32>
      %min3A_827 = arith.minsi %add3A_824, %min3A_826 : vector<16xi32>
      %broadcast_in_dim3A_828 = arith.constant 0 : i32
      %broadcast_in_dim3A_829 = vector.broadcast %broadcast_in_dim3A_828 : i32 to vector<16xi32>
      %gather3A_830 = tpu.vector_load_idx %arg15[%broadcast_in_dim3A_829, %get3A_818] : memref<4x10000xf32, #tpu.memory_space<vmem>>[vector<16xi32>, vector<16xi32>], vector<16xf32>,
      tpu.vector_store_idx %arg16[%broadcast_in_dim3A_829, %min3A_827], %gather3A_830 masked %lt3A_821 : memref<4x5000xf32, #tpu.memory_space<vmem>>[vector<16xi32>, vector<16xi32>], vector<16xf32>, vector<16xi1>
      %broadcast_in_dim3A_831 = arith.constant 1 : i32
      %broadcast_in_dim3A_832 = vector.broadcast %broadcast_in_dim3A_831 : i32 to vector<16xi32>
      %gather3A_833 = tpu.vector_load_idx %arg15[%broadcast_in_dim3A_832, %get3A_818] : memref<4x10000xf32, #tpu.memory_space<vmem>>[vector<16xi32>, vector<16xi32>], vector<16xf32>,
      tpu.vector_store_idx %arg16[%broadcast_in_dim3A_832, %min3A_827], %gather3A_833 masked %lt3A_821 : memref<4x5000xf32, #tpu.memory_space<vmem>>[vector<16xi32>, vector<16xi32>], vector<16xf32>, vector<16xi1>
      %broadcast_in_dim3A_834 = arith.constant 2 : i32
      %broadcast_in_dim3A_835 = vector.broadcast %broadcast_in_dim3A_834 : i32 to vector<16xi32>
      %gather3A_836 = tpu.vector_load_idx %arg15[%broadcast_in_dim3A_835, %get3A_818] : memref<4x10000xf32, #tpu.memory_space<vmem>>[vector<16xi32>, vector<16xi32>], vector<16xf32>,
      tpu.vector_store_idx %arg16[%broadcast_in_dim3A_835, %min3A_827], %gather3A_836 masked %lt3A_821 : memref<4x5000xf32, #tpu.memory_space<vmem>>[vector<16xi32>, vector<16xi32>], vector<16xf32>, vector<16xi1>
      %broadcast_in_dim3A_837 = arith.constant 3 : i32
      %broadcast_in_dim3A_838 = vector.broadcast %broadcast_in_dim3A_837 : i32 to vector<16xi32>
      %gather3A_839 = tpu.vector_load_idx %arg15[%broadcast_in_dim3A_838, %get3A_818] : memref<4x10000xf32, #tpu.memory_space<vmem>>[vector<16xi32>, vector<16xi32>], vector<16xf32>,
      tpu.vector_store_idx %arg16[%broadcast_in_dim3A_838, %min3A_827], %gather3A_839 masked %lt3A_821 : memref<4x5000xf32, #tpu.memory_space<vmem>>[vector<16xi32>, vector<16xi32>], vector<16xf32>, vector<16xi1>
      %mul3A_840 = arith.constant 4 : i32
      %mul3A_841 = arith.muli %mul3A_840, %add3A_691 : i32
      %add3A_842 = arith.constant 0 : i32
      %add3A_843 = arith.addi %mul3A_841, %add3A_842 : i32
      %broadcast_in_dim3A_844 = vector.broadcast %add3A_843 : i32 to vector<16xi32>
      %broadcast_in_dim3A_845 = arith.constant 0 : i32
      %broadcast_in_dim3A_846 = vector.broadcast %broadcast_in_dim3A_845 : i32 to vector<16xi32>
      %broadcast_in_dim3A_847 = arith.constant 1.000000e+00 : f32
      %broadcast_in_dim3A_848 = vector.broadcast %broadcast_in_dim3A_847 : f32 to vector<16xf32>
      %eq3A_849 = arith.constant 0 : i32
      %eq3A_850 = vector.broadcast %eq3A_849 : i32 to vector<16xi32>
      %eq3A_851 = arith.cmpi eq, %iota3A, %eq3A_850 : vector<16xi32>
      tpu.vector_store_idx %arg16[%broadcast_in_dim3A_846, %broadcast_in_dim3A_844], %broadcast_in_dim3A_848 masked %eq3A_851 {add = true} : memref<4x5000xf32, #tpu.memory_space<vmem>>[vector<16xi32>, vector<16xi32>], vector<16xf32>, vector<16xi1>
      %gather3A_852 = tpu.vector_load_idx %arg13[%broadcast_in_dim3A_844] : memref<5008xf32, #tpu.memory_space<vmem>>[vector<16xi32>], vector<16xf32>,
      %get3A_853 = arith.constant 0 : i32
      %get3A_854 = arith.index_cast %get3A_853 : i32 to index
      %get3A_855 = arith.constant 0 : index
      %get3A_856 = tpu.vector_load %arg18[%get3A_854, %get3A_855] {strides = array<i32>} : memref<4x128xf32, #tpu.memory_space<vmem>>, vector<16xf32>,
      %mul3A_857 = arith.mulf %get3A_856, %gather3A_852 : vector<16xf32>
      %swap3A_858 = arith.constant 0 : i32
      %swap3A_859 = arith.index_cast %swap3A_858 : i32 to index
      %swap3A_860 = arith.constant 0 : index
      %swap3A_861 = tpu.vector_load %arg19[%swap3A_859, %swap3A_860] {strides = array<i32>} : memref<4x128xf32, #tpu.memory_space<vmem>>, vector<16xf32>,
      tpu.vector_store %arg19[%swap3A_859, %swap3A_860], %mul3A_857 {strides = array<i32>} : memref<4x128xf32, #tpu.memory_space<vmem>>, vector<16xf32>,
      %get3A_862 = arith.constant 0 : i32
      %get3A_863 = arith.index_cast %get3A_862 : i32 to index
      %get3A_864 = arith.constant 16 : index
      %get3A_865 = tpu.vector_load %arg18[%get3A_863, %get3A_864] {strides = array<i32>} : memref<4x128xf32, #tpu.memory_space<vmem>>, vector<16xf32>,
      %mul3A_866 = arith.mulf %get3A_865, %gather3A_852 : vector<16xf32>
      %swap3A_867 = arith.constant 0 : i32
      %swap3A_868 = arith.index_cast %swap3A_867 : i32 to index
      %swap3A_869 = arith.constant 16 : index
      %swap3A_870 = tpu.vector_load %arg19[%swap3A_868, %swap3A_869] {strides = array<i32>} : memref<4x128xf32, #tpu.memory_space<vmem>>, vector<16xf32>,
      tpu.vector_store %arg19[%swap3A_868, %swap3A_869], %mul3A_866 {strides = array<i32>} : memref<4x128xf32, #tpu.memory_space<vmem>>, vector<16xf32>,
      %get3A_871 = arith.constant 0 : i32
      %get3A_872 = arith.index_cast %get3A_871 : i32 to index
      %get3A_873 = arith.constant 32 : index
      %get3A_874 = tpu.vector_load %arg18[%get3A_872, %get3A_873] {strides = array<i32>} : memref<4x128xf32, #tpu.memory_space<vmem>>, vector<16xf32>,
      %mul3A_875 = arith.mulf %get3A_874, %gather3A_852 : vector<16xf32>
      %swap3A_876 = arith.constant 0 : i32
      %swap3A_877 = arith.index_cast %swap3A_876 : i32 to index
      %swap3A_878 = arith.constant 32 : index
      %swap3A_879 = tpu.vector_load %arg19[%swap3A_877, %swap3A_878] {strides = array<i32>} : memref<4x128xf32, #tpu.memory_space<vmem>>, vector<16xf32>,
      tpu.vector_store %arg19[%swap3A_877, %swap3A_878], %mul3A_875 {strides = array<i32>} : memref<4x128xf32, #tpu.memory_space<vmem>>, vector<16xf32>,
      %get3A_880 = arith.constant 0 : i32
      %get3A_881 = arith.index_cast %get3A_880 : i32 to index
      %get3A_882 = arith.constant 48 : index
      %get3A_883 = tpu.vector_load %arg18[%get3A_881, %get3A_882] {strides = array<i32>} : memref<4x128xf32, #tpu.memory_space<vmem>>, vector<16xf32>,
      %mul3A_884 = arith.mulf %get3A_883, %gather3A_852 : vector<16xf32>
      %swap3A_885 = arith.constant 0 : i32
      %swap3A_886 = arith.index_cast %swap3A_885 : i32 to index
      %swap3A_887 = arith.constant 48 : index
      %swap3A_888 = tpu.vector_load %arg19[%swap3A_886, %swap3A_887] {strides = array<i32>} : memref<4x128xf32, #tpu.memory_space<vmem>>, vector<16xf32>,
      tpu.vector_store %arg19[%swap3A_886, %swap3A_887], %mul3A_884 {strides = array<i32>} : memref<4x128xf32, #tpu.memory_space<vmem>>, vector<16xf32>,
      %get3A_889 = arith.constant 0 : i32
      %get3A_890 = arith.index_cast %get3A_889 : i32 to index
      %get3A_891 = arith.constant 64 : index
      %get3A_892 = tpu.vector_load %arg18[%get3A_890, %get3A_891] {strides = array<i32>} : memref<4x128xf32, #tpu.memory_space<vmem>>, vector<16xf32>,
      %mul3A_893 = arith.mulf %get3A_892, %gather3A_852 : vector<16xf32>
      %swap3A_894 = arith.constant 0 : i32
      %swap3A_895 = arith.index_cast %swap3A_894 : i32 to index
      %swap3A_896 = arith.constant 64 : index
      %swap3A_897 = tpu.vector_load %arg19[%swap3A_895, %swap3A_896] {strides = array<i32>} : memref<4x128xf32, #tpu.memory_space<vmem>>, vector<16xf32>,
      tpu.vector_store %arg19[%swap3A_895, %swap3A_896], %mul3A_893 {strides = array<i32>} : memref<4x128xf32, #tpu.memory_space<vmem>>, vector<16xf32>,
      %get3A_898 = arith.constant 0 : i32
      %get3A_899 = arith.index_cast %get3A_898 : i32 to index
      %get3A_900 = arith.constant 80 : index
      %get3A_901 = tpu.vector_load %arg18[%get3A_899, %get3A_900] {strides = array<i32>} : memref<4x128xf32, #tpu.memory_space<vmem>>, vector<16xf32>,
      %mul3A_902 = arith.mulf %get3A_901, %gather3A_852 : vector<16xf32>
      %swap3A_903 = arith.constant 0 : i32
      %swap3A_904 = arith.index_cast %swap3A_903 : i32 to index
      %swap3A_905 = arith.constant 80 : index
      %swap3A_906 = tpu.vector_load %arg19[%swap3A_904, %swap3A_905] {strides = array<i32>} : memref<4x128xf32, #tpu.memory_space<vmem>>, vector<16xf32>,
      tpu.vector_store %arg19[%swap3A_904, %swap3A_905], %mul3A_902 {strides = array<i32>} : memref<4x128xf32, #tpu.memory_space<vmem>>, vector<16xf32>,
      %get3A_907 = arith.constant 0 : i32
      %get3A_908 = arith.index_cast %get3A_907 : i32 to index
      %get3A_909 = arith.constant 96 : index
      %get3A_910 = tpu.vector_load %arg18[%get3A_908, %get3A_909] {strides = array<i32>} : memref<4x128xf32, #tpu.memory_space<vmem>>, vector<16xf32>,
      %mul3A_911 = arith.mulf %get3A_910, %gather3A_852 : vector<16xf32>
      %swap3A_912 = arith.constant 0 : i32
      %swap3A_913 = arith.index_cast %swap3A_912 : i32 to index
      %swap3A_914 = arith.constant 96 : index
      %swap3A_915 = tpu.vector_load %arg19[%swap3A_913, %swap3A_914] {strides = array<i32>} : memref<4x128xf32, #tpu.memory_space<vmem>>, vector<16xf32>,
      tpu.vector_store %arg19[%swap3A_913, %swap3A_914], %mul3A_911 {strides = array<i32>} : memref<4x128xf32, #tpu.memory_space<vmem>>, vector<16xf32>,
      %get3A_916 = arith.constant 0 : i32
      %get3A_917 = arith.index_cast %get3A_916 : i32 to index
      %get3A_918 = arith.constant 112 : index
      %get3A_919 = tpu.vector_load %arg18[%get3A_917, %get3A_918] {strides = array<i32>} : memref<4x128xf32, #tpu.memory_space<vmem>>, vector<16xf32>,
      %mul3A_920 = arith.mulf %get3A_919, %gather3A_852 : vector<16xf32>
      %swap3A_921 = arith.constant 0 : i32
      %swap3A_922 = arith.index_cast %swap3A_921 : i32 to index
      %swap3A_923 = arith.constant 112 : index
      %swap3A_924 = tpu.vector_load %arg19[%swap3A_922, %swap3A_923] {strides = array<i32>} : memref<4x128xf32, #tpu.memory_space<vmem>>, vector<16xf32>,
      tpu.vector_store %arg19[%swap3A_922, %swap3A_923], %mul3A_920 {strides = array<i32>} : memref<4x128xf32, #tpu.memory_space<vmem>>, vector<16xf32>,
      %mul3A_925 = arith.constant 4 : i32
      %mul3A_926 = arith.muli %mul3A_925, %add3A_691 : i32
      %add3A_927 = arith.constant 1 : i32
      %add3A_928 = arith.addi %mul3A_926, %add3A_927 : i32
      %broadcast_in_dim3A_929 = vector.broadcast %add3A_928 : i32 to vector<16xi32>
      %broadcast_in_dim3A_930 = arith.constant 1 : i32
      %broadcast_in_dim3A_931 = vector.broadcast %broadcast_in_dim3A_930 : i32 to vector<16xi32>
      %broadcast_in_dim3A_932 = arith.constant 1.000000e+00 : f32
      %broadcast_in_dim3A_933 = vector.broadcast %broadcast_in_dim3A_932 : f32 to vector<16xf32>
      %eq3A_934 = arith.constant 0 : i32
      %eq3A_935 = vector.broadcast %eq3A_934 : i32 to vector<16xi32>
      %eq3A_936 = arith.cmpi eq, %iota3A, %eq3A_935 : vector<16xi32>
      tpu.vector_store_idx %arg16[%broadcast_in_dim3A_931, %broadcast_in_dim3A_929], %broadcast_in_dim3A_933 masked %eq3A_936 {add = true} : memref<4x5000xf32, #tpu.memory_space<vmem>>[vector<16xi32>, vector<16xi32>], vector<16xf32>, vector<16xi1>
      %gather3A_937 = tpu.vector_load_idx %arg13[%broadcast_in_dim3A_929] : memref<5008xf32, #tpu.memory_space<vmem>>[vector<16xi32>], vector<16xf32>,
      %get3A_938 = arith.constant 1 : i32
      %get3A_939 = arith.index_cast %get3A_938 : i32 to index
      %get3A_940 = arith.constant 0 : index
      %get3A_941 = tpu.vector_load %arg18[%get3A_939, %get3A_940] {strides = array<i32>} : memref<4x128xf32, #tpu.memory_space<vmem>>, vector<16xf32>,
      %mul3A_942 = arith.mulf %get3A_941, %gather3A_937 : vector<16xf32>
      %swap3A_943 = arith.constant 1 : i32
      %swap3A_944 = arith.index_cast %swap3A_943 : i32 to index
      %swap3A_945 = arith.constant 0 : index
      %swap3A_946 = tpu.vector_load %arg19[%swap3A_944, %swap3A_945] {strides = array<i32>} : memref<4x128xf32, #tpu.memory_space<vmem>>, vector<16xf32>,
      tpu.vector_store %arg19[%swap3A_944, %swap3A_945], %mul3A_942 {strides = array<i32>} : memref<4x128xf32, #tpu.memory_space<vmem>>, vector<16xf32>,
      %get3A_947 = arith.constant 1 : i32
      %get3A_948 = arith.index_cast %get3A_947 : i32 to index
      %get3A_949 = arith.constant 16 : index
      %get3A_950 = tpu.vector_load %arg18[%get3A_948, %get3A_949] {strides = array<i32>} : memref<4x128xf32, #tpu.memory_space<vmem>>, vector<16xf32>,
      %mul3A_951 = arith.mulf %get3A_950, %gather3A_937 : vector<16xf32>
      %swap3A_952 = arith.constant 1 : i32
      %swap3A_953 = arith.index_cast %swap3A_952 : i32 to index
      %swap3A_954 = arith.constant 16 : index
      %swap3A_955 = tpu.vector_load %arg19[%swap3A_953, %swap3A_954] {strides = array<i32>} : memref<4x128xf32, #tpu.memory_space<vmem>>, vector<16xf32>,
      tpu.vector_store %arg19[%swap3A_953, %swap3A_954], %mul3A_951 {strides = array<i32>} : memref<4x128xf32, #tpu.memory_space<vmem>>, vector<16xf32>,
      %get3A_956 = arith.constant 1 : i32
      %get3A_957 = arith.index_cast %get3A_956 : i32 to index
      %get3A_958 = arith.constant 32 : index
      %get3A_959 = tpu.vector_load %arg18[%get3A_957, %get3A_958] {strides = array<i32>} : memref<4x128xf32, #tpu.memory_space<vmem>>, vector<16xf32>,
      %mul3A_960 = arith.mulf %get3A_959, %gather3A_937 : vector<16xf32>
      %swap3A_961 = arith.constant 1 : i32
      %swap3A_962 = arith.index_cast %swap3A_961 : i32 to index
      %swap3A_963 = arith.constant 32 : index
      %swap3A_964 = tpu.vector_load %arg19[%swap3A_962, %swap3A_963] {strides = array<i32>} : memref<4x128xf32, #tpu.memory_space<vmem>>, vector<16xf32>,
      tpu.vector_store %arg19[%swap3A_962, %swap3A_963], %mul3A_960 {strides = array<i32>} : memref<4x128xf32, #tpu.memory_space<vmem>>, vector<16xf32>,
      %get3A_965 = arith.constant 1 : i32
      %get3A_966 = arith.index_cast %get3A_965 : i32 to index
      %get3A_967 = arith.constant 48 : index
      %get3A_968 = tpu.vector_load %arg18[%get3A_966, %get3A_967] {strides = array<i32>} : memref<4x128xf32, #tpu.memory_space<vmem>>, vector<16xf32>,
      %mul3A_969 = arith.mulf %get3A_968, %gather3A_937 : vector<16xf32>
      %swap3A_970 = arith.constant 1 : i32
      %swap3A_971 = arith.index_cast %swap3A_970 : i32 to index
      %swap3A_972 = arith.constant 48 : index
      %swap3A_973 = tpu.vector_load %arg19[%swap3A_971, %swap3A_972] {strides = array<i32>} : memref<4x128xf32, #tpu.memory_space<vmem>>, vector<16xf32>,
      tpu.vector_store %arg19[%swap3A_971, %swap3A_972], %mul3A_969 {strides = array<i32>} : memref<4x128xf32, #tpu.memory_space<vmem>>, vector<16xf32>,
      %get3A_974 = arith.constant 1 : i32
      %get3A_975 = arith.index_cast %get3A_974 : i32 to index
      %get3A_976 = arith.constant 64 : index
      %get3A_977 = tpu.vector_load %arg18[%get3A_975, %get3A_976] {strides = array<i32>} : memref<4x128xf32, #tpu.memory_space<vmem>>, vector<16xf32>,
      %mul3A_978 = arith.mulf %get3A_977, %gather3A_937 : vector<16xf32>
      %swap3A_979 = arith.constant 1 : i32
      %swap3A_980 = arith.index_cast %swap3A_979 : i32 to index
      %swap3A_981 = arith.constant 64 : index
      %swap3A_982 = tpu.vector_load %arg19[%swap3A_980, %swap3A_981] {strides = array<i32>} : memref<4x128xf32, #tpu.memory_space<vmem>>, vector<16xf32>,
      tpu.vector_store %arg19[%swap3A_980, %swap3A_981], %mul3A_978 {strides = array<i32>} : memref<4x128xf32, #tpu.memory_space<vmem>>, vector<16xf32>,
      %get3A_983 = arith.constant 1 : i32
      %get3A_984 = arith.index_cast %get3A_983 : i32 to index
      %get3A_985 = arith.constant 80 : index
      %get3A_986 = tpu.vector_load %arg18[%get3A_984, %get3A_985] {strides = array<i32>} : memref<4x128xf32, #tpu.memory_space<vmem>>, vector<16xf32>,
      %mul3A_987 = arith.mulf %get3A_986, %gather3A_937 : vector<16xf32>
      %swap3A_988 = arith.constant 1 : i32
      %swap3A_989 = arith.index_cast %swap3A_988 : i32 to index
      %swap3A_990 = arith.constant 80 : index
      %swap3A_991 = tpu.vector_load %arg19[%swap3A_989, %swap3A_990] {strides = array<i32>} : memref<4x128xf32, #tpu.memory_space<vmem>>, vector<16xf32>,
      tpu.vector_store %arg19[%swap3A_989, %swap3A_990], %mul3A_987 {strides = array<i32>} : memref<4x128xf32, #tpu.memory_space<vmem>>, vector<16xf32>,
      %get3A_992 = arith.constant 1 : i32
      %get3A_993 = arith.index_cast %get3A_992 : i32 to index
      %get3A_994 = arith.constant 96 : index
      %get3A_995 = tpu.vector_load %arg18[%get3A_993, %get3A_994] {strides = array<i32>} : memref<4x128xf32, #tpu.memory_space<vmem>>, vector<16xf32>,
      %mul3A_996 = arith.mulf %get3A_995, %gather3A_937 : vector<16xf32>
      %swap3A_997 = arith.constant 1 : i32
      %swap3A_998 = arith.index_cast %swap3A_997 : i32 to index
      %swap3A_999 = arith.constant 96 : index
      %swap3A_1000 = tpu.vector_load %arg19[%swap3A_998, %swap3A_999] {strides = array<i32>} : memref<4x128xf32, #tpu.memory_space<vmem>>, vector<16xf32>,
      tpu.vector_store %arg19[%swap3A_998, %swap3A_999], %mul3A_996 {strides = array<i32>} : memref<4x128xf32, #tpu.memory_space<vmem>>, vector<16xf32>,
      %get3A_1001 = arith.constant 1 : i32
      %get3A_1002 = arith.index_cast %get3A_1001 : i32 to index
      %get3A_1003 = arith.constant 112 : index
      %get3A_1004 = tpu.vector_load %arg18[%get3A_1002, %get3A_1003] {strides = array<i32>} : memref<4x128xf32, #tpu.memory_space<vmem>>, vector<16xf32>,
      %mul3A_1005 = arith.mulf %get3A_1004, %gather3A_937 : vector<16xf32>
      %swap3A_1006 = arith.constant 1 : i32
      %swap3A_1007 = arith.index_cast %swap3A_1006 : i32 to index
      %swap3A_1008 = arith.constant 112 : index
      %swap3A_1009 = tpu.vector_load %arg19[%swap3A_1007, %swap3A_1008] {strides = array<i32>} : memref<4x128xf32, #tpu.memory_space<vmem>>, vector<16xf32>,
      tpu.vector_store %arg19[%swap3A_1007, %swap3A_1008], %mul3A_1005 {strides = array<i32>} : memref<4x128xf32, #tpu.memory_space<vmem>>, vector<16xf32>,
      %mul3A_1010 = arith.constant 4 : i32
      %mul3A_1011 = arith.muli %mul3A_1010, %add3A_691 : i32
      %add3A_1012 = arith.constant 2 : i32
      %add3A_1013 = arith.addi %mul3A_1011, %add3A_1012 : i32
      %broadcast_in_dim3A_1014 = vector.broadcast %add3A_1013 : i32 to vector<16xi32>
      %broadcast_in_dim3A_1015 = arith.constant 2 : i32
      %broadcast_in_dim3A_1016 = vector.broadcast %broadcast_in_dim3A_1015 : i32 to vector<16xi32>
      %broadcast_in_dim3A_1017 = arith.constant 1.000000e+00 : f32
      %broadcast_in_dim3A_1018 = vector.broadcast %broadcast_in_dim3A_1017 : f32 to vector<16xf32>
      %eq3A_1019 = arith.constant 0 : i32
      %eq3A_1020 = vector.broadcast %eq3A_1019 : i32 to vector<16xi32>
      %eq3A_1021 = arith.cmpi eq, %iota3A, %eq3A_1020 : vector<16xi32>
      tpu.vector_store_idx %arg16[%broadcast_in_dim3A_1016, %broadcast_in_dim3A_1014], %broadcast_in_dim3A_1018 masked %eq3A_1021 {add = true} : memref<4x5000xf32, #tpu.memory_space<vmem>>[vector<16xi32>, vector<16xi32>], vector<16xf32>, vector<16xi1>
      %gather3A_1022 = tpu.vector_load_idx %arg13[%broadcast_in_dim3A_1014] : memref<5008xf32, #tpu.memory_space<vmem>>[vector<16xi32>], vector<16xf32>,
      %get3A_1023 = arith.constant 2 : i32
      %get3A_1024 = arith.index_cast %get3A_1023 : i32 to index
      %get3A_1025 = arith.constant 0 : index
      %get3A_1026 = tpu.vector_load %arg18[%get3A_1024, %get3A_1025] {strides = array<i32>} : memref<4x128xf32, #tpu.memory_space<vmem>>, vector<16xf32>,
      %mul3A_1027 = arith.mulf %get3A_1026, %gather3A_1022 : vector<16xf32>
      %swap3A_1028 = arith.constant 2 : i32
      %swap3A_1029 = arith.index_cast %swap3A_1028 : i32 to index
      %swap3A_1030 = arith.constant 0 : index
      %swap3A_1031 = tpu.vector_load %arg19[%swap3A_1029, %swap3A_1030] {strides = array<i32>} : memref<4x128xf32, #tpu.memory_space<vmem>>, vector<16xf32>,
      tpu.vector_store %arg19[%swap3A_1029, %swap3A_1030], %mul3A_1027 {strides = array<i32>} : memref<4x128xf32, #tpu.memory_space<vmem>>, vector<16xf32>,
      %get3A_1032 = arith.constant 2 : i32
      %get3A_1033 = arith.index_cast %get3A_1032 : i32 to index
      %get3A_1034 = arith.constant 16 : index
      %get3A_1035 = tpu.vector_load %arg18[%get3A_1033, %get3A_1034] {strides = array<i32>} : memref<4x128xf32, #tpu.memory_space<vmem>>, vector<16xf32>,
      %mul3A_1036 = arith.mulf %get3A_1035, %gather3A_1022 : vector<16xf32>
      %swap3A_1037 = arith.constant 2 : i32
      %swap3A_1038 = arith.index_cast %swap3A_1037 : i32 to index
      %swap3A_1039 = arith.constant 16 : index
      %swap3A_1040 = tpu.vector_load %arg19[%swap3A_1038, %swap3A_1039] {strides = array<i32>} : memref<4x128xf32, #tpu.memory_space<vmem>>, vector<16xf32>,
      tpu.vector_store %arg19[%swap3A_1038, %swap3A_1039], %mul3A_1036 {strides = array<i32>} : memref<4x128xf32, #tpu.memory_space<vmem>>, vector<16xf32>,
      %get3A_1041 = arith.constant 2 : i32
      %get3A_1042 = arith.index_cast %get3A_1041 : i32 to index
      %get3A_1043 = arith.constant 32 : index
      %get3A_1044 = tpu.vector_load %arg18[%get3A_1042, %get3A_1043] {strides = array<i32>} : memref<4x128xf32, #tpu.memory_space<vmem>>, vector<16xf32>,
      %mul3A_1045 = arith.mulf %get3A_1044, %gather3A_1022 : vector<16xf32>
      %swap3A_1046 = arith.constant 2 : i32
      %swap3A_1047 = arith.index_cast %swap3A_1046 : i32 to index
      %swap3A_1048 = arith.constant 32 : index
      %swap3A_1049 = tpu.vector_load %arg19[%swap3A_1047, %swap3A_1048] {strides = array<i32>} : memref<4x128xf32, #tpu.memory_space<vmem>>, vector<16xf32>,
      tpu.vector_store %arg19[%swap3A_1047, %swap3A_1048], %mul3A_1045 {strides = array<i32>} : memref<4x128xf32, #tpu.memory_space<vmem>>, vector<16xf32>,
      %get3A_1050 = arith.constant 2 : i32
      %get3A_1051 = arith.index_cast %get3A_1050 : i32 to index
      %get3A_1052 = arith.constant 48 : index
      %get3A_1053 = tpu.vector_load %arg18[%get3A_1051, %get3A_1052] {strides = array<i32>} : memref<4x128xf32, #tpu.memory_space<vmem>>, vector<16xf32>,
      %mul3A_1054 = arith.mulf %get3A_1053, %gather3A_1022 : vector<16xf32>
      %swap3A_1055 = arith.constant 2 : i32
      %swap3A_1056 = arith.index_cast %swap3A_1055 : i32 to index
      %swap3A_1057 = arith.constant 48 : index
      %swap3A_1058 = tpu.vector_load %arg19[%swap3A_1056, %swap3A_1057] {strides = array<i32>} : memref<4x128xf32, #tpu.memory_space<vmem>>, vector<16xf32>,
      tpu.vector_store %arg19[%swap3A_1056, %swap3A_1057], %mul3A_1054 {strides = array<i32>} : memref<4x128xf32, #tpu.memory_space<vmem>>, vector<16xf32>,
      %get3A_1059 = arith.constant 2 : i32
      %get3A_1060 = arith.index_cast %get3A_1059 : i32 to index
      %get3A_1061 = arith.constant 64 : index
      %get3A_1062 = tpu.vector_load %arg18[%get3A_1060, %get3A_1061] {strides = array<i32>} : memref<4x128xf32, #tpu.memory_space<vmem>>, vector<16xf32>,
      %mul3A_1063 = arith.mulf %get3A_1062, %gather3A_1022 : vector<16xf32>
      %swap3A_1064 = arith.constant 2 : i32
      %swap3A_1065 = arith.index_cast %swap3A_1064 : i32 to index
      %swap3A_1066 = arith.constant 64 : index
      %swap3A_1067 = tpu.vector_load %arg19[%swap3A_1065, %swap3A_1066] {strides = array<i32>} : memref<4x128xf32, #tpu.memory_space<vmem>>, vector<16xf32>,
      tpu.vector_store %arg19[%swap3A_1065, %swap3A_1066], %mul3A_1063 {strides = array<i32>} : memref<4x128xf32, #tpu.memory_space<vmem>>, vector<16xf32>,
      %get3A_1068 = arith.constant 2 : i32
      %get3A_1069 = arith.index_cast %get3A_1068 : i32 to index
      %get3A_1070 = arith.constant 80 : index
      %get3A_1071 = tpu.vector_load %arg18[%get3A_1069, %get3A_1070] {strides = array<i32>} : memref<4x128xf32, #tpu.memory_space<vmem>>, vector<16xf32>,
      %mul3A_1072 = arith.mulf %get3A_1071, %gather3A_1022 : vector<16xf32>
      %swap3A_1073 = arith.constant 2 : i32
      %swap3A_1074 = arith.index_cast %swap3A_1073 : i32 to index
      %swap3A_1075 = arith.constant 80 : index
      %swap3A_1076 = tpu.vector_load %arg19[%swap3A_1074, %swap3A_1075] {strides = array<i32>} : memref<4x128xf32, #tpu.memory_space<vmem>>, vector<16xf32>,
      tpu.vector_store %arg19[%swap3A_1074, %swap3A_1075], %mul3A_1072 {strides = array<i32>} : memref<4x128xf32, #tpu.memory_space<vmem>>, vector<16xf32>,
      %get3A_1077 = arith.constant 2 : i32
      %get3A_1078 = arith.index_cast %get3A_1077 : i32 to index
      %get3A_1079 = arith.constant 96 : index
      %get3A_1080 = tpu.vector_load %arg18[%get3A_1078, %get3A_1079] {strides = array<i32>} : memref<4x128xf32, #tpu.memory_space<vmem>>, vector<16xf32>,
      %mul3A_1081 = arith.mulf %get3A_1080, %gather3A_1022 : vector<16xf32>
      %swap3A_1082 = arith.constant 2 : i32
      %swap3A_1083 = arith.index_cast %swap3A_1082 : i32 to index
      %swap3A_1084 = arith.constant 96 : index
      %swap3A_1085 = tpu.vector_load %arg19[%swap3A_1083, %swap3A_1084] {strides = array<i32>} : memref<4x128xf32, #tpu.memory_space<vmem>>, vector<16xf32>,
      tpu.vector_store %arg19[%swap3A_1083, %swap3A_1084], %mul3A_1081 {strides = array<i32>} : memref<4x128xf32, #tpu.memory_space<vmem>>, vector<16xf32>,
      %get3A_1086 = arith.constant 2 : i32
      %get3A_1087 = arith.index_cast %get3A_1086 : i32 to index
      %get3A_1088 = arith.constant 112 : index
      %get3A_1089 = tpu.vector_load %arg18[%get3A_1087, %get3A_1088] {strides = array<i32>} : memref<4x128xf32, #tpu.memory_space<vmem>>, vector<16xf32>,
      %mul3A_1090 = arith.mulf %get3A_1089, %gather3A_1022 : vector<16xf32>
      %swap3A_1091 = arith.constant 2 : i32
      %swap3A_1092 = arith.index_cast %swap3A_1091 : i32 to index
      %swap3A_1093 = arith.constant 112 : index
      %swap3A_1094 = tpu.vector_load %arg19[%swap3A_1092, %swap3A_1093] {strides = array<i32>} : memref<4x128xf32, #tpu.memory_space<vmem>>, vector<16xf32>,
      tpu.vector_store %arg19[%swap3A_1092, %swap3A_1093], %mul3A_1090 {strides = array<i32>} : memref<4x128xf32, #tpu.memory_space<vmem>>, vector<16xf32>,
      %mul3A_1095 = arith.constant 4 : i32
      %mul3A_1096 = arith.muli %mul3A_1095, %add3A_691 : i32
      %add3A_1097 = arith.constant 3 : i32
      %add3A_1098 = arith.addi %mul3A_1096, %add3A_1097 : i32
      %broadcast_in_dim3A_1099 = vector.broadcast %add3A_1098 : i32 to vector<16xi32>
      %broadcast_in_dim3A_1100 = arith.constant 3 : i32
      %broadcast_in_dim3A_1101 = vector.broadcast %broadcast_in_dim3A_1100 : i32 to vector<16xi32>
      %broadcast_in_dim3A_1102 = arith.constant 1.000000e+00 : f32
      %broadcast_in_dim3A_1103 = vector.broadcast %broadcast_in_dim3A_1102 : f32 to vector<16xf32>
      %eq3A_1104 = arith.constant 0 : i32
      %eq3A_1105 = vector.broadcast %eq3A_1104 : i32 to vector<16xi32>
      %eq3A_1106 = arith.cmpi eq, %iota3A, %eq3A_1105 : vector<16xi32>
      tpu.vector_store_idx %arg16[%broadcast_in_dim3A_1101, %broadcast_in_dim3A_1099], %broadcast_in_dim3A_1103 masked %eq3A_1106 {add = true} : memref<4x5000xf32, #tpu.memory_space<vmem>>[vector<16xi32>, vector<16xi32>], vector<16xf32>, vector<16xi1>
      %gather3A_1107 = tpu.vector_load_idx %arg13[%broadcast_in_dim3A_1099] : memref<5008xf32, #tpu.memory_space<vmem>>[vector<16xi32>], vector<16xf32>,
      %get3A_1108 = arith.constant 3 : i32
      %get3A_1109 = arith.index_cast %get3A_1108 : i32 to index
      %get3A_1110 = arith.constant 0 : index
      %get3A_1111 = tpu.vector_load %arg18[%get3A_1109, %get3A_1110] {strides = array<i32>} : memref<4x128xf32, #tpu.memory_space<vmem>>, vector<16xf32>,
      %mul3A_1112 = arith.mulf %get3A_1111, %gather3A_1107 : vector<16xf32>
      %swap3A_1113 = arith.constant 3 : i32
      %swap3A_1114 = arith.index_cast %swap3A_1113 : i32 to index
      %swap3A_1115 = arith.constant 0 : index
      %swap3A_1116 = tpu.vector_load %arg19[%swap3A_1114, %swap3A_1115] {strides = array<i32>} : memref<4x128xf32, #tpu.memory_space<vmem>>, vector<16xf32>,
      tpu.vector_store %arg19[%swap3A_1114, %swap3A_1115], %mul3A_1112 {strides = array<i32>} : memref<4x128xf32, #tpu.memory_space<vmem>>, vector<16xf32>,
      %get3A_1117 = arith.constant 3 : i32
      %get3A_1118 = arith.index_cast %get3A_1117 : i32 to index
      %get3A_1119 = arith.constant 16 : index
      %get3A_1120 = tpu.vector_load %arg18[%get3A_1118, %get3A_1119] {strides = array<i32>} : memref<4x128xf32, #tpu.memory_space<vmem>>, vector<16xf32>,
      %mul3A_1121 = arith.mulf %get3A_1120, %gather3A_1107 : vector<16xf32>
      %swap3A_1122 = arith.constant 3 : i32
      %swap3A_1123 = arith.index_cast %swap3A_1122 : i32 to index
      %swap3A_1124 = arith.constant 16 : index
      %swap3A_1125 = tpu.vector_load %arg19[%swap3A_1123, %swap3A_1124] {strides = array<i32>} : memref<4x128xf32, #tpu.memory_space<vmem>>, vector<16xf32>,
      tpu.vector_store %arg19[%swap3A_1123, %swap3A_1124], %mul3A_1121 {strides = array<i32>} : memref<4x128xf32, #tpu.memory_space<vmem>>, vector<16xf32>,
      %get3A_1126 = arith.constant 3 : i32
      %get3A_1127 = arith.index_cast %get3A_1126 : i32 to index
      %get3A_1128 = arith.constant 32 : index
      %get3A_1129 = tpu.vector_load %arg18[%get3A_1127, %get3A_1128] {strides = array<i32>} : memref<4x128xf32, #tpu.memory_space<vmem>>, vector<16xf32>,
      %mul3A_1130 = arith.mulf %get3A_1129, %gather3A_1107 : vector<16xf32>
      %swap3A_1131 = arith.constant 3 : i32
      %swap3A_1132 = arith.index_cast %swap3A_1131 : i32 to index
      %swap3A_1133 = arith.constant 32 : index
      %swap3A_1134 = tpu.vector_load %arg19[%swap3A_1132, %swap3A_1133] {strides = array<i32>} : memref<4x128xf32, #tpu.memory_space<vmem>>, vector<16xf32>,
      tpu.vector_store %arg19[%swap3A_1132, %swap3A_1133], %mul3A_1130 {strides = array<i32>} : memref<4x128xf32, #tpu.memory_space<vmem>>, vector<16xf32>,
      %get3A_1135 = arith.constant 3 : i32
      %get3A_1136 = arith.index_cast %get3A_1135 : i32 to index
      %get3A_1137 = arith.constant 48 : index
      %get3A_1138 = tpu.vector_load %arg18[%get3A_1136, %get3A_1137] {strides = array<i32>} : memref<4x128xf32, #tpu.memory_space<vmem>>, vector<16xf32>,
      %mul3A_1139 = arith.mulf %get3A_1138, %gather3A_1107 : vector<16xf32>
      %swap3A_1140 = arith.constant 3 : i32
      %swap3A_1141 = arith.index_cast %swap3A_1140 : i32 to index
      %swap3A_1142 = arith.constant 48 : index
      %swap3A_1143 = tpu.vector_load %arg19[%swap3A_1141, %swap3A_1142] {strides = array<i32>} : memref<4x128xf32, #tpu.memory_space<vmem>>, vector<16xf32>,
      tpu.vector_store %arg19[%swap3A_1141, %swap3A_1142], %mul3A_1139 {strides = array<i32>} : memref<4x128xf32, #tpu.memory_space<vmem>>, vector<16xf32>,
      %get3A_1144 = arith.constant 3 : i32
      %get3A_1145 = arith.index_cast %get3A_1144 : i32 to index
      %get3A_1146 = arith.constant 64 : index
      %get3A_1147 = tpu.vector_load %arg18[%get3A_1145, %get3A_1146] {strides = array<i32>} : memref<4x128xf32, #tpu.memory_space<vmem>>, vector<16xf32>,
      %mul3A_1148 = arith.mulf %get3A_1147, %gather3A_1107 : vector<16xf32>
      %swap3A_1149 = arith.constant 3 : i32
      %swap3A_1150 = arith.index_cast %swap3A_1149 : i32 to index
      %swap3A_1151 = arith.constant 64 : index
      %swap3A_1152 = tpu.vector_load %arg19[%swap3A_1150, %swap3A_1151] {strides = array<i32>} : memref<4x128xf32, #tpu.memory_space<vmem>>, vector<16xf32>,
      tpu.vector_store %arg19[%swap3A_1150, %swap3A_1151], %mul3A_1148 {strides = array<i32>} : memref<4x128xf32, #tpu.memory_space<vmem>>, vector<16xf32>,
      %get3A_1153 = arith.constant 3 : i32
      %get3A_1154 = arith.index_cast %get3A_1153 : i32 to index
      %get3A_1155 = arith.constant 80 : index
      %get3A_1156 = tpu.vector_load %arg18[%get3A_1154, %get3A_1155] {strides = array<i32>} : memref<4x128xf32, #tpu.memory_space<vmem>>, vector<16xf32>,
      %mul3A_1157 = arith.mulf %get3A_1156, %gather3A_1107 : vector<16xf32>
      %swap3A_1158 = arith.constant 3 : i32
      %swap3A_1159 = arith.index_cast %swap3A_1158 : i32 to index
      %swap3A_1160 = arith.constant 80 : index
      %swap3A_1161 = tpu.vector_load %arg19[%swap3A_1159, %swap3A_1160] {strides = array<i32>} : memref<4x128xf32, #tpu.memory_space<vmem>>, vector<16xf32>,
      tpu.vector_store %arg19[%swap3A_1159, %swap3A_1160], %mul3A_1157 {strides = array<i32>} : memref<4x128xf32, #tpu.memory_space<vmem>>, vector<16xf32>,
      %get3A_1162 = arith.constant 3 : i32
      %get3A_1163 = arith.index_cast %get3A_1162 : i32 to index
      %get3A_1164 = arith.constant 96 : index
      %get3A_1165 = tpu.vector_load %arg18[%get3A_1163, %get3A_1164] {strides = array<i32>} : memref<4x128xf32, #tpu.memory_space<vmem>>, vector<16xf32>,
      %mul3A_1166 = arith.mulf %get3A_1165, %gather3A_1107 : vector<16xf32>
      %swap3A_1167 = arith.constant 3 : i32
      %swap3A_1168 = arith.index_cast %swap3A_1167 : i32 to index
      %swap3A_1169 = arith.constant 96 : index
      %swap3A_1170 = tpu.vector_load %arg19[%swap3A_1168, %swap3A_1169] {strides = array<i32>} : memref<4x128xf32, #tpu.memory_space<vmem>>, vector<16xf32>,
      tpu.vector_store %arg19[%swap3A_1168, %swap3A_1169], %mul3A_1166 {strides = array<i32>} : memref<4x128xf32, #tpu.memory_space<vmem>>, vector<16xf32>,
      %get3A_1171 = arith.constant 3 : i32
      %get3A_1172 = arith.index_cast %get3A_1171 : i32 to index
      %get3A_1173 = arith.constant 112 : index
      %get3A_1174 = tpu.vector_load %arg18[%get3A_1172, %get3A_1173] {strides = array<i32>} : memref<4x128xf32, #tpu.memory_space<vmem>>, vector<16xf32>,
      %mul3A_1175 = arith.mulf %get3A_1174, %gather3A_1107 : vector<16xf32>
      %swap3A_1176 = arith.constant 3 : i32
      %swap3A_1177 = arith.index_cast %swap3A_1176 : i32 to index
      %swap3A_1178 = arith.constant 112 : index
      %swap3A_1179 = tpu.vector_load %arg19[%swap3A_1177, %swap3A_1178] {strides = array<i32>} : memref<4x128xf32, #tpu.memory_space<vmem>>, vector<16xf32>,
      tpu.vector_store %arg19[%swap3A_1177, %swap3A_1178], %mul3A_1175 {strides = array<i32>} : memref<4x128xf32, #tpu.memory_space<vmem>>, vector<16xf32>,
      %mul3A_1180 = arith.constant 4 : i32
      %mul3A_1181 = arith.muli %mul3A_1180, %add3A_691 : i32
      %dma_start3A_1182 = arith.constant 0 : i32
      %dma_start3A_1183 = tpu.memref_slice %arg6[%mul3A_1181, %dma_start3A_1182] : memref<5000x5000xf32, #tpu.memory_space<hbm>> -> memref<4x5000xf32, #tpu.memory_space<hbm>>
      %dma_start3A_1184 = arith.constant 0 : i32
      %dma_start3A_1185 = tpu.memref_slice %arg6[%mul3A_1181, %dma_start3A_1184] : memref<5000x5000xf32, #tpu.memory_space<hbm>> -> memref<4x5000xf32, #tpu.memory_space<hbm>>
      tpu.enqueue_dma source(%arg16 : memref<4x5000xf32, #tpu.memory_space<vmem>>) target(%dma_start3A_1185 : memref<4x5000xf32, #tpu.memory_space<hbm>>) target_semaphore(%arg24 : memref<!tpu.dma_semaphore, #tpu.memory_space<semaphore_mem>>)
      %mul3A_1186 = arith.constant 4 : i32
      %mul3A_1187 = arith.muli %mul3A_1186, %add3A_691 : i32
      %dma_start3A_1188 = arith.constant 0 : i32
      %dma_start3A_1189 = tpu.memref_slice %arg7[%mul3A_1187, %dma_start3A_1188] : memref<5000x128xf32, #tpu.memory_space<hbm>> -> memref<4x128xf32, #tpu.memory_space<hbm>>
      %dma_start3A_1190 = arith.constant 0 : i32
      %dma_start3A_1191 = tpu.memref_slice %arg7[%mul3A_1187, %dma_start3A_1190] : memref<5000x128xf32, #tpu.memory_space<hbm>> -> memref<4x128xf32, #tpu.memory_space<hbm>>
      tpu.enqueue_dma source(%arg19 : memref<4x128xf32, #tpu.memory_space<vmem>>) target(%dma_start3A_1191 : memref<4x128xf32, #tpu.memory_space<hbm>>) target_semaphore(%arg24 : memref<!tpu.dma_semaphore, #tpu.memory_space<semaphore_mem>>)
    }
    %mul3A_112 = arith.constant 2 : i32
    %mul3A_113 = arith.muli %mul3A_112, %add3A_36 : i32
    %add3A_114 = arith.addi %mul3A_38, %mul3A_113 : i32
    %min3A_115 = arith.constant 1249 : i32
    %min3A_116 = arith.minsi %add3A_114, %min3A_115 : i32
    %dma_wait3A = arith.constant 0 : i32
    %dma_wait3A_117 = arith.constant 0 : i32
    %dma_wait3A_118 = tpu.memref_slice %arg14[%dma_wait3A, %dma_wait3A_117] : memref<4x10000xf32, #tpu.memory_space<vmem>> -> memref<1x10000xf32, #tpu.memory_space<vmem>>
    %dma_wait3A_119 = arith.constant 0 : i32
    %dma_wait3A_120 = arith.constant 0 : i32
    %dma_wait3A_121 = tpu.memref_slice %arg2[%dma_wait3A_119, %dma_wait3A_120] : memref<10000x10000xf32, #tpu.memory_space<hbm>> -> memref<1x10000xf32, #tpu.memory_space<hbm>>
    %dma_wait3A_122 = arith.constant 0 : i32
    %dma_wait3A_123 = arith.constant 0 : i32
    %dma_wait3A_124 = tpu.memref_slice %arg14[%dma_wait3A_122, %dma_wait3A_123] : memref<4x10000xf32, #tpu.memory_space<vmem>> -> memref<1x10000xf32, #tpu.memory_space<vmem>>
    %dma_wait3A_125 = arith.constant 0 : i32
    %dma_wait3A_126 = arith.constant 0 : i32
    %dma_wait3A_127 = tpu.memref_slice %arg2[%dma_wait3A_125, %dma_wait3A_126] : memref<10000x10000xf32, #tpu.memory_space<hbm>> -> memref<1x10000xf32, #tpu.memory_space<hbm>>
    tpu.wait_dma2 semaphore(%arg20 : memref<!tpu.dma_semaphore, #tpu.memory_space<semaphore_mem>>) src(%dma_wait3A_127 : memref<1x10000xf32, #tpu.memory_space<hbm>>) dst(%dma_wait3A_124 : memref<1x10000xf32, #tpu.memory_space<vmem>>)
    %dma_wait3A_128 = arith.constant 1 : i32
    %dma_wait3A_129 = arith.constant 0 : i32
    %dma_wait3A_130 = tpu.memref_slice %arg14[%dma_wait3A_128, %dma_wait3A_129] : memref<4x10000xf32, #tpu.memory_space<vmem>> -> memref<1x10000xf32, #tpu.memory_space<vmem>>
    %dma_wait3A_131 = arith.constant 0 : i32
    %dma_wait3A_132 = arith.constant 0 : i32
    %dma_wait3A_133 = tpu.memref_slice %arg2[%dma_wait3A_131, %dma_wait3A_132] : memref<10000x10000xf32, #tpu.memory_space<hbm>> -> memref<1x10000xf32, #tpu.memory_space<hbm>>
    %dma_wait3A_134 = arith.constant 1 : i32
    %dma_wait3A_135 = arith.constant 0 : i32
    %dma_wait3A_136 = tpu.memref_slice %arg14[%dma_wait3A_134, %dma_wait3A_135] : memref<4x10000xf32, #tpu.memory_space<vmem>> -> memref<1x10000xf32, #tpu.memory_space<vmem>>
    %dma_wait3A_137 = arith.constant 0 : i32
    %dma_wait3A_138 = arith.constant 0 : i32
    %dma_wait3A_139 = tpu.memref_slice %arg2[%dma_wait3A_137, %dma_wait3A_138] : memref<10000x10000xf32, #tpu.memory_space<hbm>> -> memref<1x10000xf32, #tpu.memory_space<hbm>>
    tpu.wait_dma2 semaphore(%arg20 : memref<!tpu.dma_semaphore, #tpu.memory_space<semaphore_mem>>) src(%dma_wait3A_139 : memref<1x10000xf32, #tpu.memory_space<hbm>>) dst(%dma_wait3A_136 : memref<1x10000xf32, #tpu.memory_space<vmem>>)
    %dma_wait3A_140 = arith.constant 2 : i32
    %dma_wait3A_141 = arith.constant 0 : i32
    %dma_wait3A_142 = tpu.memref_slice %arg14[%dma_wait3A_140, %dma_wait3A_141] : memref<4x10000xf32, #tpu.memory_space<vmem>> -> memref<1x10000xf32, #tpu.memory_space<vmem>>
    %dma_wait3A_143 = arith.constant 0 : i32
    %dma_wait3A_144 = arith.constant 0 : i32
    %dma_wait3A_145 = tpu.memref_slice %arg2[%dma_wait3A_143, %dma_wait3A_144] : memref<10000x10000xf32, #tpu.memory_space<hbm>> -> memref<1x10000xf32, #tpu.memory_space<hbm>>
    %dma_wait3A_146 = arith.constant 2 : i32
    %dma_wait3A_147 = arith.constant 0 : i32
    %dma_wait3A_148 = tpu.memref_slice %arg14[%dma_wait3A_146, %dma_wait3A_147] : memref<4x10000xf32, #tpu.memory_space<vmem>> -> memref<1x10000xf32, #tpu.memory_space<vmem>>
    %dma_wait3A_149 = arith.constant 0 : i32
    %dma_wait3A_150 = arith.constant 0 : i32
    %dma_wait3A_151 = tpu.memref_slice %arg2[%dma_wait3A_149, %dma_wait3A_150] : memref<10000x10000xf32, #tpu.memory_space<hbm>> -> memref<1x10000xf32, #tpu.memory_space<hbm>>
    tpu.wait_dma2 semaphore(%arg20 : memref<!tpu.dma_semaphore, #tpu.memory_space<semaphore_mem>>) src(%dma_wait3A_151 : memref<1x10000xf32, #tpu.memory_space<hbm>>) dst(%dma_wait3A_148 : memref<1x10000xf32, #tpu.memory_space<vmem>>)
    %dma_wait3A_152 = arith.constant 3 : i32
    %dma_wait3A_153 = arith.constant 0 : i32
    %dma_wait3A_154 = tpu.memref_slice %arg14[%dma_wait3A_152, %dma_wait3A_153] : memref<4x10000xf32, #tpu.memory_space<vmem>> -> memref<1x10000xf32, #tpu.memory_space<vmem>>
    %dma_wait3A_155 = arith.constant 0 : i32
    %dma_wait3A_156 = arith.constant 0 : i32
    %dma_wait3A_157 = tpu.memref_slice %arg2[%dma_wait3A_155, %dma_wait3A_156] : memref<10000x10000xf32, #tpu.memory_space<hbm>> -> memref<1x10000xf32, #tpu.memory_space<hbm>>
    %dma_wait3A_158 = arith.constant 3 : i32
    %dma_wait3A_159 = arith.constant 0 : i32
    %dma_wait3A_160 = tpu.memref_slice %arg14[%dma_wait3A_158, %dma_wait3A_159] : memref<4x10000xf32, #tpu.memory_space<vmem>> -> memref<1x10000xf32, #tpu.memory_space<vmem>>
    %dma_wait3A_161 = arith.constant 0 : i32
    %dma_wait3A_162 = arith.constant 0 : i32
    %dma_wait3A_163 = tpu.memref_slice %arg2[%dma_wait3A_161, %dma_wait3A_162] : memref<10000x10000xf32, #tpu.memory_space<hbm>> -> memref<1x10000xf32, #tpu.memory_space<hbm>>
    tpu.wait_dma2 semaphore(%arg20 : memref<!tpu.dma_semaphore, #tpu.memory_space<semaphore_mem>>) src(%dma_wait3A_163 : memref<1x10000xf32, #tpu.memory_space<hbm>>) dst(%dma_wait3A_160 : memref<1x10000xf32, #tpu.memory_space<vmem>>)
    %mul3A_164 = arith.constant 8 : i32
    %mul3A_165 = arith.muli %mul3A_164, %min3A_116 : i32
    %dma_wait3A_166 = tpu.memref_slice %arg12[%mul3A_165] : memref<10016xi32, #tpu.memory_space<vmem>> -> memref<4xi32, #tpu.memory_space<vmem>>
    %dma_wait3A_167 = arith.constant 0 : i32
    %dma_wait3A_168 = arith.constant 0 : i32
    %dma_wait3A_169 = tpu.memref_slice %arg3[%dma_wait3A_167, %dma_wait3A_168] : memref<10000x128xf32, #tpu.memory_space<hbm>> -> memref<10000x128xf32, #tpu.memory_space<hbm>>
    tpu.wait_indirect_dma semaphore(%arg22 : memref<!tpu.dma_semaphore, #tpu.memory_space<semaphore_mem>>) src(%dma_wait3A_169 : memref<10000x128xf32, #tpu.memory_space<hbm>>) dst(%arg17 : memref<4x128xf32, #tpu.memory_space<vmem>>)
    %dma_wait3A_170 = arith.constant 0 : i32
    %dma_wait3A_171 = arith.constant 0 : i32
    %dma_wait3A_172 = tpu.memref_slice %arg6[%dma_wait3A_170, %dma_wait3A_171] : memref<5000x5000xf32, #tpu.memory_space<hbm>> -> memref<4x5000xf32, #tpu.memory_space<hbm>>
    %dma_wait3A_173 = arith.constant 0 : i32
    %dma_wait3A_174 = arith.constant 0 : i32
    %dma_wait3A_175 = tpu.memref_slice %arg6[%dma_wait3A_173, %dma_wait3A_174] : memref<5000x5000xf32, #tpu.memory_space<hbm>> -> memref<4x5000xf32, #tpu.memory_space<hbm>>
    tpu.wait_dma2 semaphore(%arg24 : memref<!tpu.dma_semaphore, #tpu.memory_space<semaphore_mem>>) src(%arg16 : memref<4x5000xf32, #tpu.memory_space<vmem>>) dst(%dma_wait3A_175 : memref<4x5000xf32, #tpu.memory_space<hbm>>)
    %dma_wait3A_176 = arith.constant 0 : i32
    %dma_wait3A_177 = arith.constant 0 : i32
    %dma_wait3A_178 = tpu.memref_slice %arg7[%dma_wait3A_176, %dma_wait3A_177] : memref<5000x128xf32, #tpu.memory_space<hbm>> -> memref<4x128xf32, #tpu.memory_space<hbm>>
    %dma_wait3A_179 = arith.constant 0 : i32
    %dma_wait3A_180 = arith.constant 0 : i32
    %dma_wait3A_181 = tpu.memref_slice %arg7[%dma_wait3A_179, %dma_wait3A_180] : memref<5000x128xf32, #tpu.memory_space<hbm>> -> memref<4x128xf32, #tpu.memory_space<hbm>>
    tpu.wait_dma2 semaphore(%arg24 : memref<!tpu.dma_semaphore, #tpu.memory_space<semaphore_mem>>) src(%arg19 : memref<4x128xf32, #tpu.memory_space<vmem>>) dst(%dma_wait3A_181 : memref<4x128xf32, #tpu.memory_space<hbm>>)
    return
  }
}

module attributes {stable_mosaic.version = 14 : i64} {
  func.func @_rank_kernel(%arg0: i32, %arg1: memref<128x1xf32, #tpu.memory_space<vmem>>, %arg2: memref<79x1x128xf32, #tpu.memory_space<vmem>>, %arg3: memref<128x1xi32, #tpu.memory_space<vmem>>) attributes {dimension_semantics = [#tpu.dimension_semantics<arbitrary>], iteration_bounds = array<i64: 79>, scalar_prefetch = 0 : i64, scratch_operands = 0 : i64, tpu.core_type = #tpu.core_type<tc>, window_params = [{transform_indices = @transform_0, window_bounds = array<i64: 128, 1>}, {pipeline_mode = #tpu.pipeline_mode<synchronous>, transform_indices = @transform_1, window_bounds = array<i64: 79, 1, 128>}, {transform_indices = @transform_2, window_bounds = array<i64: 128, 1>}]} {
    %get3A = arith.constant 0 : index
    %get3A_0 = arith.constant 0 : index
    %get3A_1 = vector.load %arg1[%get3A, %get3A_0] : memref<128x1xf32, #tpu.memory_space<vmem>>, vector<128x1xf32>
    %broadcast_in_dim3A = arith.constant 0.000000e+00 : f32
    %broadcast_in_dim3A_2 = vector.broadcast %broadcast_in_dim3A : f32 to vector<128x128xf32>
    %get3A_3 = arith.constant 0 : index
    %get3A_4 = arith.constant 0 : index
    %get3A_5 = arith.constant 0 : index
    %get3A_6 = vector.load %arg2[%get3A_3, %get3A_4, %get3A_5] : memref<79x1x128xf32, #tpu.memory_space<vmem>>, vector<1x1x128xf32>
    %get3A_7 = vector.shape_cast %get3A_6 : vector<1x1x128xf32> to vector<1x128xf32>
    %gt3A = vector.broadcast %get3A_7 : vector<1x128xf32> to vector<128x128xf32>
    %gt3A_8 = vector.broadcast %get3A_1 : vector<128x1xf32> to vector<128x128xf32>
    %gt3A_9 = arith.cmpf ogt, %gt3A, %gt3A_8 : vector<128x128xf32>
    %convert_element_type3A = arith.extui %gt3A_9 : vector<128x128xi1> to vector<128x128xi32>
    %convert_element_type3A_10 = arith.sitofp %convert_element_type3A : vector<128x128xi32> to vector<128x128xf32>
    %add3A = arith.addf %broadcast_in_dim3A_2, %convert_element_type3A_10 : vector<128x128xf32>
    %get3A_11 = arith.constant 1 : index
    %get3A_12 = arith.constant 0 : index
    %get3A_13 = arith.constant 0 : index
    %get3A_14 = vector.load %arg2[%get3A_11, %get3A_12, %get3A_13] : memref<79x1x128xf32, #tpu.memory_space<vmem>>, vector<1x1x128xf32>
    %get3A_15 = vector.shape_cast %get3A_14 : vector<1x1x128xf32> to vector<1x128xf32>
    %gt3A_16 = vector.broadcast %get3A_15 : vector<1x128xf32> to vector<128x128xf32>
    %gt3A_17 = vector.broadcast %get3A_1 : vector<128x1xf32> to vector<128x128xf32>
    %gt3A_18 = arith.cmpf ogt, %gt3A_16, %gt3A_17 : vector<128x128xf32>
    %convert_element_type3A_19 = arith.extui %gt3A_18 : vector<128x128xi1> to vector<128x128xi32>
    %convert_element_type3A_20 = arith.sitofp %convert_element_type3A_19 : vector<128x128xi32> to vector<128x128xf32>
    %add3A_21 = arith.addf %add3A, %convert_element_type3A_20 : vector<128x128xf32>
    %get3A_22 = arith.constant 2 : index
    %get3A_23 = arith.constant 0 : index
    %get3A_24 = arith.constant 0 : index
    %get3A_25 = vector.load %arg2[%get3A_22, %get3A_23, %get3A_24] : memref<79x1x128xf32, #tpu.memory_space<vmem>>, vector<1x1x128xf32>
    %get3A_26 = vector.shape_cast %get3A_25 : vector<1x1x128xf32> to vector<1x128xf32>
    %gt3A_27 = vector.broadcast %get3A_26 : vector<1x128xf32> to vector<128x128xf32>
    %gt3A_28 = vector.broadcast %get3A_1 : vector<128x1xf32> to vector<128x128xf32>
    %gt3A_29 = arith.cmpf ogt, %gt3A_27, %gt3A_28 : vector<128x128xf32>
    %convert_element_type3A_30 = arith.extui %gt3A_29 : vector<128x128xi1> to vector<128x128xi32>
    %convert_element_type3A_31 = arith.sitofp %convert_element_type3A_30 : vector<128x128xi32> to vector<128x128xf32>
    %add3A_32 = arith.addf %add3A_21, %convert_element_type3A_31 : vector<128x128xf32>
    %get3A_33 = arith.constant 3 : index
    %get3A_34 = arith.constant 0 : index
    %get3A_35 = arith.constant 0 : index
    %get3A_36 = vector.load %arg2[%get3A_33, %get3A_34, %get3A_35] : memref<79x1x128xf32, #tpu.memory_space<vmem>>, vector<1x1x128xf32>
    %get3A_37 = vector.shape_cast %get3A_36 : vector<1x1x128xf32> to vector<1x128xf32>
    %gt3A_38 = vector.broadcast %get3A_37 : vector<1x128xf32> to vector<128x128xf32>
    %gt3A_39 = vector.broadcast %get3A_1 : vector<128x1xf32> to vector<128x128xf32>
    %gt3A_40 = arith.cmpf ogt, %gt3A_38, %gt3A_39 : vector<128x128xf32>
    %convert_element_type3A_41 = arith.extui %gt3A_40 : vector<128x128xi1> to vector<128x128xi32>
    %convert_element_type3A_42 = arith.sitofp %convert_element_type3A_41 : vector<128x128xi32> to vector<128x128xf32>
    %add3A_43 = arith.addf %add3A_32, %convert_element_type3A_42 : vector<128x128xf32>
    %get3A_44 = arith.constant 4 : index
    %get3A_45 = arith.constant 0 : index
    %get3A_46 = arith.constant 0 : index
    %get3A_47 = vector.load %arg2[%get3A_44, %get3A_45, %get3A_46] : memref<79x1x128xf32, #tpu.memory_space<vmem>>, vector<1x1x128xf32>
    %get3A_48 = vector.shape_cast %get3A_47 : vector<1x1x128xf32> to vector<1x128xf32>
    %gt3A_49 = vector.broadcast %get3A_48 : vector<1x128xf32> to vector<128x128xf32>
    %gt3A_50 = vector.broadcast %get3A_1 : vector<128x1xf32> to vector<128x128xf32>
    %gt3A_51 = arith.cmpf ogt, %gt3A_49, %gt3A_50 : vector<128x128xf32>
    %convert_element_type3A_52 = arith.extui %gt3A_51 : vector<128x128xi1> to vector<128x128xi32>
    %convert_element_type3A_53 = arith.sitofp %convert_element_type3A_52 : vector<128x128xi32> to vector<128x128xf32>
    %add3A_54 = arith.addf %add3A_43, %convert_element_type3A_53 : vector<128x128xf32>
    %get3A_55 = arith.constant 5 : index
    %get3A_56 = arith.constant 0 : index
    %get3A_57 = arith.constant 0 : index
    %get3A_58 = vector.load %arg2[%get3A_55, %get3A_56, %get3A_57] : memref<79x1x128xf32, #tpu.memory_space<vmem>>, vector<1x1x128xf32>
    %get3A_59 = vector.shape_cast %get3A_58 : vector<1x1x128xf32> to vector<1x128xf32>
    %gt3A_60 = vector.broadcast %get3A_59 : vector<1x128xf32> to vector<128x128xf32>
    %gt3A_61 = vector.broadcast %get3A_1 : vector<128x1xf32> to vector<128x128xf32>
    %gt3A_62 = arith.cmpf ogt, %gt3A_60, %gt3A_61 : vector<128x128xf32>
    %convert_element_type3A_63 = arith.extui %gt3A_62 : vector<128x128xi1> to vector<128x128xi32>
    %convert_element_type3A_64 = arith.sitofp %convert_element_type3A_63 : vector<128x128xi32> to vector<128x128xf32>
    %add3A_65 = arith.addf %add3A_54, %convert_element_type3A_64 : vector<128x128xf32>
    %get3A_66 = arith.constant 6 : index
    %get3A_67 = arith.constant 0 : index
    %get3A_68 = arith.constant 0 : index
    %get3A_69 = vector.load %arg2[%get3A_66, %get3A_67, %get3A_68] : memref<79x1x128xf32, #tpu.memory_space<vmem>>, vector<1x1x128xf32>
    %get3A_70 = vector.shape_cast %get3A_69 : vector<1x1x128xf32> to vector<1x128xf32>
    %gt3A_71 = vector.broadcast %get3A_70 : vector<1x128xf32> to vector<128x128xf32>
    %gt3A_72 = vector.broadcast %get3A_1 : vector<128x1xf32> to vector<128x128xf32>
    %gt3A_73 = arith.cmpf ogt, %gt3A_71, %gt3A_72 : vector<128x128xf32>
    %convert_element_type3A_74 = arith.extui %gt3A_73 : vector<128x128xi1> to vector<128x128xi32>
    %convert_element_type3A_75 = arith.sitofp %convert_element_type3A_74 : vector<128x128xi32> to vector<128x128xf32>
    %add3A_76 = arith.addf %add3A_65, %convert_element_type3A_75 : vector<128x128xf32>
    %get3A_77 = arith.constant 7 : index
    %get3A_78 = arith.constant 0 : index
    %get3A_79 = arith.constant 0 : index
    %get3A_80 = vector.load %arg2[%get3A_77, %get3A_78, %get3A_79] : memref<79x1x128xf32, #tpu.memory_space<vmem>>, vector<1x1x128xf32>
    %get3A_81 = vector.shape_cast %get3A_80 : vector<1x1x128xf32> to vector<1x128xf32>
    %gt3A_82 = vector.broadcast %get3A_81 : vector<1x128xf32> to vector<128x128xf32>
    %gt3A_83 = vector.broadcast %get3A_1 : vector<128x1xf32> to vector<128x128xf32>
    %gt3A_84 = arith.cmpf ogt, %gt3A_82, %gt3A_83 : vector<128x128xf32>
    %convert_element_type3A_85 = arith.extui %gt3A_84 : vector<128x128xi1> to vector<128x128xi32>
    %convert_element_type3A_86 = arith.sitofp %convert_element_type3A_85 : vector<128x128xi32> to vector<128x128xf32>
    %add3A_87 = arith.addf %add3A_76, %convert_element_type3A_86 : vector<128x128xf32>
    %get3A_88 = arith.constant 8 : index
    %get3A_89 = arith.constant 0 : index
    %get3A_90 = arith.constant 0 : index
    %get3A_91 = vector.load %arg2[%get3A_88, %get3A_89, %get3A_90] : memref<79x1x128xf32, #tpu.memory_space<vmem>>, vector<1x1x128xf32>
    %get3A_92 = vector.shape_cast %get3A_91 : vector<1x1x128xf32> to vector<1x128xf32>
    %gt3A_93 = vector.broadcast %get3A_92 : vector<1x128xf32> to vector<128x128xf32>
    %gt3A_94 = vector.broadcast %get3A_1 : vector<128x1xf32> to vector<128x128xf32>
    %gt3A_95 = arith.cmpf ogt, %gt3A_93, %gt3A_94 : vector<128x128xf32>
    %convert_element_type3A_96 = arith.extui %gt3A_95 : vector<128x128xi1> to vector<128x128xi32>
    %convert_element_type3A_97 = arith.sitofp %convert_element_type3A_96 : vector<128x128xi32> to vector<128x128xf32>
    %add3A_98 = arith.addf %add3A_87, %convert_element_type3A_97 : vector<128x128xf32>
    %get3A_99 = arith.constant 9 : index
    %get3A_100 = arith.constant 0 : index
    %get3A_101 = arith.constant 0 : index
    %get3A_102 = vector.load %arg2[%get3A_99, %get3A_100, %get3A_101] : memref<79x1x128xf32, #tpu.memory_space<vmem>>, vector<1x1x128xf32>
    %get3A_103 = vector.shape_cast %get3A_102 : vector<1x1x128xf32> to vector<1x128xf32>
    %gt3A_104 = vector.broadcast %get3A_103 : vector<1x128xf32> to vector<128x128xf32>
    %gt3A_105 = vector.broadcast %get3A_1 : vector<128x1xf32> to vector<128x128xf32>
    %gt3A_106 = arith.cmpf ogt, %gt3A_104, %gt3A_105 : vector<128x128xf32>
    %convert_element_type3A_107 = arith.extui %gt3A_106 : vector<128x128xi1> to vector<128x128xi32>
    %convert_element_type3A_108 = arith.sitofp %convert_element_type3A_107 : vector<128x128xi32> to vector<128x128xf32>
    %add3A_109 = arith.addf %add3A_98, %convert_element_type3A_108 : vector<128x128xf32>
    %get3A_110 = arith.constant 10 : index
    %get3A_111 = arith.constant 0 : index
    %get3A_112 = arith.constant 0 : index
    %get3A_113 = vector.load %arg2[%get3A_110, %get3A_111, %get3A_112] : memref<79x1x128xf32, #tpu.memory_space<vmem>>, vector<1x1x128xf32>
    %get3A_114 = vector.shape_cast %get3A_113 : vector<1x1x128xf32> to vector<1x128xf32>
    %gt3A_115 = vector.broadcast %get3A_114 : vector<1x128xf32> to vector<128x128xf32>
    %gt3A_116 = vector.broadcast %get3A_1 : vector<128x1xf32> to vector<128x128xf32>
    %gt3A_117 = arith.cmpf ogt, %gt3A_115, %gt3A_116 : vector<128x128xf32>
    %convert_element_type3A_118 = arith.extui %gt3A_117 : vector<128x128xi1> to vector<128x128xi32>
    %convert_element_type3A_119 = arith.sitofp %convert_element_type3A_118 : vector<128x128xi32> to vector<128x128xf32>
    %add3A_120 = arith.addf %add3A_109, %convert_element_type3A_119 : vector<128x128xf32>
    %get3A_121 = arith.constant 11 : index
    %get3A_122 = arith.constant 0 : index
    %get3A_123 = arith.constant 0 : index
    %get3A_124 = vector.load %arg2[%get3A_121, %get3A_122, %get3A_123] : memref<79x1x128xf32, #tpu.memory_space<vmem>>, vector<1x1x128xf32>
    %get3A_125 = vector.shape_cast %get3A_124 : vector<1x1x128xf32> to vector<1x128xf32>
    %gt3A_126 = vector.broadcast %get3A_125 : vector<1x128xf32> to vector<128x128xf32>
    %gt3A_127 = vector.broadcast %get3A_1 : vector<128x1xf32> to vector<128x128xf32>
    %gt3A_128 = arith.cmpf ogt, %gt3A_126, %gt3A_127 : vector<128x128xf32>
    %convert_element_type3A_129 = arith.extui %gt3A_128 : vector<128x128xi1> to vector<128x128xi32>
    %convert_element_type3A_130 = arith.sitofp %convert_element_type3A_129 : vector<128x128xi32> to vector<128x128xf32>
    %add3A_131 = arith.addf %add3A_120, %convert_element_type3A_130 : vector<128x128xf32>
    %get3A_132 = arith.constant 12 : index
    %get3A_133 = arith.constant 0 : index
    %get3A_134 = arith.constant 0 : index
    %get3A_135 = vector.load %arg2[%get3A_132, %get3A_133, %get3A_134] : memref<79x1x128xf32, #tpu.memory_space<vmem>>, vector<1x1x128xf32>
    %get3A_136 = vector.shape_cast %get3A_135 : vector<1x1x128xf32> to vector<1x128xf32>
    %gt3A_137 = vector.broadcast %get3A_136 : vector<1x128xf32> to vector<128x128xf32>
    %gt3A_138 = vector.broadcast %get3A_1 : vector<128x1xf32> to vector<128x128xf32>
    %gt3A_139 = arith.cmpf ogt, %gt3A_137, %gt3A_138 : vector<128x128xf32>
    %convert_element_type3A_140 = arith.extui %gt3A_139 : vector<128x128xi1> to vector<128x128xi32>
    %convert_element_type3A_141 = arith.sitofp %convert_element_type3A_140 : vector<128x128xi32> to vector<128x128xf32>
    %add3A_142 = arith.addf %add3A_131, %convert_element_type3A_141 : vector<128x128xf32>
    %get3A_143 = arith.constant 13 : index
    %get3A_144 = arith.constant 0 : index
    %get3A_145 = arith.constant 0 : index
    %get3A_146 = vector.load %arg2[%get3A_143, %get3A_144, %get3A_145] : memref<79x1x128xf32, #tpu.memory_space<vmem>>, vector<1x1x128xf32>
    %get3A_147 = vector.shape_cast %get3A_146 : vector<1x1x128xf32> to vector<1x128xf32>
    %gt3A_148 = vector.broadcast %get3A_147 : vector<1x128xf32> to vector<128x128xf32>
    %gt3A_149 = vector.broadcast %get3A_1 : vector<128x1xf32> to vector<128x128xf32>
    %gt3A_150 = arith.cmpf ogt, %gt3A_148, %gt3A_149 : vector<128x128xf32>
    %convert_element_type3A_151 = arith.extui %gt3A_150 : vector<128x128xi1> to vector<128x128xi32>
    %convert_element_type3A_152 = arith.sitofp %convert_element_type3A_151 : vector<128x128xi32> to vector<128x128xf32>
    %add3A_153 = arith.addf %add3A_142, %convert_element_type3A_152 : vector<128x128xf32>
    %get3A_154 = arith.constant 14 : index
    %get3A_155 = arith.constant 0 : index
    %get3A_156 = arith.constant 0 : index
    %get3A_157 = vector.load %arg2[%get3A_154, %get3A_155, %get3A_156] : memref<79x1x128xf32, #tpu.memory_space<vmem>>, vector<1x1x128xf32>
    %get3A_158 = vector.shape_cast %get3A_157 : vector<1x1x128xf32> to vector<1x128xf32>
    %gt3A_159 = vector.broadcast %get3A_158 : vector<1x128xf32> to vector<128x128xf32>
    %gt3A_160 = vector.broadcast %get3A_1 : vector<128x1xf32> to vector<128x128xf32>
    %gt3A_161 = arith.cmpf ogt, %gt3A_159, %gt3A_160 : vector<128x128xf32>
    %convert_element_type3A_162 = arith.extui %gt3A_161 : vector<128x128xi1> to vector<128x128xi32>
    %convert_element_type3A_163 = arith.sitofp %convert_element_type3A_162 : vector<128x128xi32> to vector<128x128xf32>
    %add3A_164 = arith.addf %add3A_153, %convert_element_type3A_163 : vector<128x128xf32>
    %get3A_165 = arith.constant 15 : index
    %get3A_166 = arith.constant 0 : index
    %get3A_167 = arith.constant 0 : index
    %get3A_168 = vector.load %arg2[%get3A_165, %get3A_166, %get3A_167] : memref<79x1x128xf32, #tpu.memory_space<vmem>>, vector<1x1x128xf32>
    %get3A_169 = vector.shape_cast %get3A_168 : vector<1x1x128xf32> to vector<1x128xf32>
    %gt3A_170 = vector.broadcast %get3A_169 : vector<1x128xf32> to vector<128x128xf32>
    %gt3A_171 = vector.broadcast %get3A_1 : vector<128x1xf32> to vector<128x128xf32>
    %gt3A_172 = arith.cmpf ogt, %gt3A_170, %gt3A_171 : vector<128x128xf32>
    %convert_element_type3A_173 = arith.extui %gt3A_172 : vector<128x128xi1> to vector<128x128xi32>
    %convert_element_type3A_174 = arith.sitofp %convert_element_type3A_173 : vector<128x128xi32> to vector<128x128xf32>
    %add3A_175 = arith.addf %add3A_164, %convert_element_type3A_174 : vector<128x128xf32>
    %get3A_176 = arith.constant 16 : index
    %get3A_177 = arith.constant 0 : index
    %get3A_178 = arith.constant 0 : index
    %get3A_179 = vector.load %arg2[%get3A_176, %get3A_177, %get3A_178] : memref<79x1x128xf32, #tpu.memory_space<vmem>>, vector<1x1x128xf32>
    %get3A_180 = vector.shape_cast %get3A_179 : vector<1x1x128xf32> to vector<1x128xf32>
    %gt3A_181 = vector.broadcast %get3A_180 : vector<1x128xf32> to vector<128x128xf32>
    %gt3A_182 = vector.broadcast %get3A_1 : vector<128x1xf32> to vector<128x128xf32>
    %gt3A_183 = arith.cmpf ogt, %gt3A_181, %gt3A_182 : vector<128x128xf32>
    %convert_element_type3A_184 = arith.extui %gt3A_183 : vector<128x128xi1> to vector<128x128xi32>
    %convert_element_type3A_185 = arith.sitofp %convert_element_type3A_184 : vector<128x128xi32> to vector<128x128xf32>
    %add3A_186 = arith.addf %add3A_175, %convert_element_type3A_185 : vector<128x128xf32>
    %get3A_187 = arith.constant 17 : index
    %get3A_188 = arith.constant 0 : index
    %get3A_189 = arith.constant 0 : index
    %get3A_190 = vector.load %arg2[%get3A_187, %get3A_188, %get3A_189] : memref<79x1x128xf32, #tpu.memory_space<vmem>>, vector<1x1x128xf32>
    %get3A_191 = vector.shape_cast %get3A_190 : vector<1x1x128xf32> to vector<1x128xf32>
    %gt3A_192 = vector.broadcast %get3A_191 : vector<1x128xf32> to vector<128x128xf32>
    %gt3A_193 = vector.broadcast %get3A_1 : vector<128x1xf32> to vector<128x128xf32>
    %gt3A_194 = arith.cmpf ogt, %gt3A_192, %gt3A_193 : vector<128x128xf32>
    %convert_element_type3A_195 = arith.extui %gt3A_194 : vector<128x128xi1> to vector<128x128xi32>
    %convert_element_type3A_196 = arith.sitofp %convert_element_type3A_195 : vector<128x128xi32> to vector<128x128xf32>
    %add3A_197 = arith.addf %add3A_186, %convert_element_type3A_196 : vector<128x128xf32>
    %get3A_198 = arith.constant 18 : index
    %get3A_199 = arith.constant 0 : index
    %get3A_200 = arith.constant 0 : index
    %get3A_201 = vector.load %arg2[%get3A_198, %get3A_199, %get3A_200] : memref<79x1x128xf32, #tpu.memory_space<vmem>>, vector<1x1x128xf32>
    %get3A_202 = vector.shape_cast %get3A_201 : vector<1x1x128xf32> to vector<1x128xf32>
    %gt3A_203 = vector.broadcast %get3A_202 : vector<1x128xf32> to vector<128x128xf32>
    %gt3A_204 = vector.broadcast %get3A_1 : vector<128x1xf32> to vector<128x128xf32>
    %gt3A_205 = arith.cmpf ogt, %gt3A_203, %gt3A_204 : vector<128x128xf32>
    %convert_element_type3A_206 = arith.extui %gt3A_205 : vector<128x128xi1> to vector<128x128xi32>
    %convert_element_type3A_207 = arith.sitofp %convert_element_type3A_206 : vector<128x128xi32> to vector<128x128xf32>
    %add3A_208 = arith.addf %add3A_197, %convert_element_type3A_207 : vector<128x128xf32>
    %get3A_209 = arith.constant 19 : index
    %get3A_210 = arith.constant 0 : index
    %get3A_211 = arith.constant 0 : index
    %get3A_212 = vector.load %arg2[%get3A_209, %get3A_210, %get3A_211] : memref<79x1x128xf32, #tpu.memory_space<vmem>>, vector<1x1x128xf32>
    %get3A_213 = vector.shape_cast %get3A_212 : vector<1x1x128xf32> to vector<1x128xf32>
    %gt3A_214 = vector.broadcast %get3A_213 : vector<1x128xf32> to vector<128x128xf32>
    %gt3A_215 = vector.broadcast %get3A_1 : vector<128x1xf32> to vector<128x128xf32>
    %gt3A_216 = arith.cmpf ogt, %gt3A_214, %gt3A_215 : vector<128x128xf32>
    %convert_element_type3A_217 = arith.extui %gt3A_216 : vector<128x128xi1> to vector<128x128xi32>
    %convert_element_type3A_218 = arith.sitofp %convert_element_type3A_217 : vector<128x128xi32> to vector<128x128xf32>
    %add3A_219 = arith.addf %add3A_208, %convert_element_type3A_218 : vector<128x128xf32>
    %get3A_220 = arith.constant 20 : index
    %get3A_221 = arith.constant 0 : index
    %get3A_222 = arith.constant 0 : index
    %get3A_223 = vector.load %arg2[%get3A_220, %get3A_221, %get3A_222] : memref<79x1x128xf32, #tpu.memory_space<vmem>>, vector<1x1x128xf32>
    %get3A_224 = vector.shape_cast %get3A_223 : vector<1x1x128xf32> to vector<1x128xf32>
    %gt3A_225 = vector.broadcast %get3A_224 : vector<1x128xf32> to vector<128x128xf32>
    %gt3A_226 = vector.broadcast %get3A_1 : vector<128x1xf32> to vector<128x128xf32>
    %gt3A_227 = arith.cmpf ogt, %gt3A_225, %gt3A_226 : vector<128x128xf32>
    %convert_element_type3A_228 = arith.extui %gt3A_227 : vector<128x128xi1> to vector<128x128xi32>
    %convert_element_type3A_229 = arith.sitofp %convert_element_type3A_228 : vector<128x128xi32> to vector<128x128xf32>
    %add3A_230 = arith.addf %add3A_219, %convert_element_type3A_229 : vector<128x128xf32>
    %get3A_231 = arith.constant 21 : index
    %get3A_232 = arith.constant 0 : index
    %get3A_233 = arith.constant 0 : index
    %get3A_234 = vector.load %arg2[%get3A_231, %get3A_232, %get3A_233] : memref<79x1x128xf32, #tpu.memory_space<vmem>>, vector<1x1x128xf32>
    %get3A_235 = vector.shape_cast %get3A_234 : vector<1x1x128xf32> to vector<1x128xf32>
    %gt3A_236 = vector.broadcast %get3A_235 : vector<1x128xf32> to vector<128x128xf32>
    %gt3A_237 = vector.broadcast %get3A_1 : vector<128x1xf32> to vector<128x128xf32>
    %gt3A_238 = arith.cmpf ogt, %gt3A_236, %gt3A_237 : vector<128x128xf32>
    %convert_element_type3A_239 = arith.extui %gt3A_238 : vector<128x128xi1> to vector<128x128xi32>
    %convert_element_type3A_240 = arith.sitofp %convert_element_type3A_239 : vector<128x128xi32> to vector<128x128xf32>
    %add3A_241 = arith.addf %add3A_230, %convert_element_type3A_240 : vector<128x128xf32>
    %get3A_242 = arith.constant 22 : index
    %get3A_243 = arith.constant 0 : index
    %get3A_244 = arith.constant 0 : index
    %get3A_245 = vector.load %arg2[%get3A_242, %get3A_243, %get3A_244] : memref<79x1x128xf32, #tpu.memory_space<vmem>>, vector<1x1x128xf32>
    %get3A_246 = vector.shape_cast %get3A_245 : vector<1x1x128xf32> to vector<1x128xf32>
    %gt3A_247 = vector.broadcast %get3A_246 : vector<1x128xf32> to vector<128x128xf32>
    %gt3A_248 = vector.broadcast %get3A_1 : vector<128x1xf32> to vector<128x128xf32>
    %gt3A_249 = arith.cmpf ogt, %gt3A_247, %gt3A_248 : vector<128x128xf32>
    %convert_element_type3A_250 = arith.extui %gt3A_249 : vector<128x128xi1> to vector<128x128xi32>
    %convert_element_type3A_251 = arith.sitofp %convert_element_type3A_250 : vector<128x128xi32> to vector<128x128xf32>
    %add3A_252 = arith.addf %add3A_241, %convert_element_type3A_251 : vector<128x128xf32>
    %get3A_253 = arith.constant 23 : index
    %get3A_254 = arith.constant 0 : index
    %get3A_255 = arith.constant 0 : index
    %get3A_256 = vector.load %arg2[%get3A_253, %get3A_254, %get3A_255] : memref<79x1x128xf32, #tpu.memory_space<vmem>>, vector<1x1x128xf32>
    %get3A_257 = vector.shape_cast %get3A_256 : vector<1x1x128xf32> to vector<1x128xf32>
    %gt3A_258 = vector.broadcast %get3A_257 : vector<1x128xf32> to vector<128x128xf32>
    %gt3A_259 = vector.broadcast %get3A_1 : vector<128x1xf32> to vector<128x128xf32>
    %gt3A_260 = arith.cmpf ogt, %gt3A_258, %gt3A_259 : vector<128x128xf32>
    %convert_element_type3A_261 = arith.extui %gt3A_260 : vector<128x128xi1> to vector<128x128xi32>
    %convert_element_type3A_262 = arith.sitofp %convert_element_type3A_261 : vector<128x128xi32> to vector<128x128xf32>
    %add3A_263 = arith.addf %add3A_252, %convert_element_type3A_262 : vector<128x128xf32>
    %get3A_264 = arith.constant 24 : index
    %get3A_265 = arith.constant 0 : index
    %get3A_266 = arith.constant 0 : index
    %get3A_267 = vector.load %arg2[%get3A_264, %get3A_265, %get3A_266] : memref<79x1x128xf32, #tpu.memory_space<vmem>>, vector<1x1x128xf32>
    %get3A_268 = vector.shape_cast %get3A_267 : vector<1x1x128xf32> to vector<1x128xf32>
    %gt3A_269 = vector.broadcast %get3A_268 : vector<1x128xf32> to vector<128x128xf32>
    %gt3A_270 = vector.broadcast %get3A_1 : vector<128x1xf32> to vector<128x128xf32>
    %gt3A_271 = arith.cmpf ogt, %gt3A_269, %gt3A_270 : vector<128x128xf32>
    %convert_element_type3A_272 = arith.extui %gt3A_271 : vector<128x128xi1> to vector<128x128xi32>
    %convert_element_type3A_273 = arith.sitofp %convert_element_type3A_272 : vector<128x128xi32> to vector<128x128xf32>
    %add3A_274 = arith.addf %add3A_263, %convert_element_type3A_273 : vector<128x128xf32>
    %get3A_275 = arith.constant 25 : index
    %get3A_276 = arith.constant 0 : index
    %get3A_277 = arith.constant 0 : index
    %get3A_278 = vector.load %arg2[%get3A_275, %get3A_276, %get3A_277] : memref<79x1x128xf32, #tpu.memory_space<vmem>>, vector<1x1x128xf32>
    %get3A_279 = vector.shape_cast %get3A_278 : vector<1x1x128xf32> to vector<1x128xf32>
    %gt3A_280 = vector.broadcast %get3A_279 : vector<1x128xf32> to vector<128x128xf32>
    %gt3A_281 = vector.broadcast %get3A_1 : vector<128x1xf32> to vector<128x128xf32>
    %gt3A_282 = arith.cmpf ogt, %gt3A_280, %gt3A_281 : vector<128x128xf32>
    %convert_element_type3A_283 = arith.extui %gt3A_282 : vector<128x128xi1> to vector<128x128xi32>
    %convert_element_type3A_284 = arith.sitofp %convert_element_type3A_283 : vector<128x128xi32> to vector<128x128xf32>
    %add3A_285 = arith.addf %add3A_274, %convert_element_type3A_284 : vector<128x128xf32>
    %get3A_286 = arith.constant 26 : index
    %get3A_287 = arith.constant 0 : index
    %get3A_288 = arith.constant 0 : index
    %get3A_289 = vector.load %arg2[%get3A_286, %get3A_287, %get3A_288] : memref<79x1x128xf32, #tpu.memory_space<vmem>>, vector<1x1x128xf32>
    %get3A_290 = vector.shape_cast %get3A_289 : vector<1x1x128xf32> to vector<1x128xf32>
    %gt3A_291 = vector.broadcast %get3A_290 : vector<1x128xf32> to vector<128x128xf32>
    %gt3A_292 = vector.broadcast %get3A_1 : vector<128x1xf32> to vector<128x128xf32>
    %gt3A_293 = arith.cmpf ogt, %gt3A_291, %gt3A_292 : vector<128x128xf32>
    %convert_element_type3A_294 = arith.extui %gt3A_293 : vector<128x128xi1> to vector<128x128xi32>
    %convert_element_type3A_295 = arith.sitofp %convert_element_type3A_294 : vector<128x128xi32> to vector<128x128xf32>
    %add3A_296 = arith.addf %add3A_285, %convert_element_type3A_295 : vector<128x128xf32>
    %get3A_297 = arith.constant 27 : index
    %get3A_298 = arith.constant 0 : index
    %get3A_299 = arith.constant 0 : index
    %get3A_300 = vector.load %arg2[%get3A_297, %get3A_298, %get3A_299] : memref<79x1x128xf32, #tpu.memory_space<vmem>>, vector<1x1x128xf32>
    %get3A_301 = vector.shape_cast %get3A_300 : vector<1x1x128xf32> to vector<1x128xf32>
    %gt3A_302 = vector.broadcast %get3A_301 : vector<1x128xf32> to vector<128x128xf32>
    %gt3A_303 = vector.broadcast %get3A_1 : vector<128x1xf32> to vector<128x128xf32>
    %gt3A_304 = arith.cmpf ogt, %gt3A_302, %gt3A_303 : vector<128x128xf32>
    %convert_element_type3A_305 = arith.extui %gt3A_304 : vector<128x128xi1> to vector<128x128xi32>
    %convert_element_type3A_306 = arith.sitofp %convert_element_type3A_305 : vector<128x128xi32> to vector<128x128xf32>
    %add3A_307 = arith.addf %add3A_296, %convert_element_type3A_306 : vector<128x128xf32>
    %get3A_308 = arith.constant 28 : index
    %get3A_309 = arith.constant 0 : index
    %get3A_310 = arith.constant 0 : index
    %get3A_311 = vector.load %arg2[%get3A_308, %get3A_309, %get3A_310] : memref<79x1x128xf32, #tpu.memory_space<vmem>>, vector<1x1x128xf32>
    %get3A_312 = vector.shape_cast %get3A_311 : vector<1x1x128xf32> to vector<1x128xf32>
    %gt3A_313 = vector.broadcast %get3A_312 : vector<1x128xf32> to vector<128x128xf32>
    %gt3A_314 = vector.broadcast %get3A_1 : vector<128x1xf32> to vector<128x128xf32>
    %gt3A_315 = arith.cmpf ogt, %gt3A_313, %gt3A_314 : vector<128x128xf32>
    %convert_element_type3A_316 = arith.extui %gt3A_315 : vector<128x128xi1> to vector<128x128xi32>
    %convert_element_type3A_317 = arith.sitofp %convert_element_type3A_316 : vector<128x128xi32> to vector<128x128xf32>
    %add3A_318 = arith.addf %add3A_307, %convert_element_type3A_317 : vector<128x128xf32>
    %get3A_319 = arith.constant 29 : index
    %get3A_320 = arith.constant 0 : index
    %get3A_321 = arith.constant 0 : index
    %get3A_322 = vector.load %arg2[%get3A_319, %get3A_320, %get3A_321] : memref<79x1x128xf32, #tpu.memory_space<vmem>>, vector<1x1x128xf32>
    %get3A_323 = vector.shape_cast %get3A_322 : vector<1x1x128xf32> to vector<1x128xf32>
    %gt3A_324 = vector.broadcast %get3A_323 : vector<1x128xf32> to vector<128x128xf32>
    %gt3A_325 = vector.broadcast %get3A_1 : vector<128x1xf32> to vector<128x128xf32>
    %gt3A_326 = arith.cmpf ogt, %gt3A_324, %gt3A_325 : vector<128x128xf32>
    %convert_element_type3A_327 = arith.extui %gt3A_326 : vector<128x128xi1> to vector<128x128xi32>
    %convert_element_type3A_328 = arith.sitofp %convert_element_type3A_327 : vector<128x128xi32> to vector<128x128xf32>
    %add3A_329 = arith.addf %add3A_318, %convert_element_type3A_328 : vector<128x128xf32>
    %get3A_330 = arith.constant 30 : index
    %get3A_331 = arith.constant 0 : index
    %get3A_332 = arith.constant 0 : index
    %get3A_333 = vector.load %arg2[%get3A_330, %get3A_331, %get3A_332] : memref<79x1x128xf32, #tpu.memory_space<vmem>>, vector<1x1x128xf32>
    %get3A_334 = vector.shape_cast %get3A_333 : vector<1x1x128xf32> to vector<1x128xf32>
    %gt3A_335 = vector.broadcast %get3A_334 : vector<1x128xf32> to vector<128x128xf32>
    %gt3A_336 = vector.broadcast %get3A_1 : vector<128x1xf32> to vector<128x128xf32>
    %gt3A_337 = arith.cmpf ogt, %gt3A_335, %gt3A_336 : vector<128x128xf32>
    %convert_element_type3A_338 = arith.extui %gt3A_337 : vector<128x128xi1> to vector<128x128xi32>
    %convert_element_type3A_339 = arith.sitofp %convert_element_type3A_338 : vector<128x128xi32> to vector<128x128xf32>
    %add3A_340 = arith.addf %add3A_329, %convert_element_type3A_339 : vector<128x128xf32>
    %get3A_341 = arith.constant 31 : index
    %get3A_342 = arith.constant 0 : index
    %get3A_343 = arith.constant 0 : index
    %get3A_344 = vector.load %arg2[%get3A_341, %get3A_342, %get3A_343] : memref<79x1x128xf32, #tpu.memory_space<vmem>>, vector<1x1x128xf32>
    %get3A_345 = vector.shape_cast %get3A_344 : vector<1x1x128xf32> to vector<1x128xf32>
    %gt3A_346 = vector.broadcast %get3A_345 : vector<1x128xf32> to vector<128x128xf32>
    %gt3A_347 = vector.broadcast %get3A_1 : vector<128x1xf32> to vector<128x128xf32>
    %gt3A_348 = arith.cmpf ogt, %gt3A_346, %gt3A_347 : vector<128x128xf32>
    %convert_element_type3A_349 = arith.extui %gt3A_348 : vector<128x128xi1> to vector<128x128xi32>
    %convert_element_type3A_350 = arith.sitofp %convert_element_type3A_349 : vector<128x128xi32> to vector<128x128xf32>
    %add3A_351 = arith.addf %add3A_340, %convert_element_type3A_350 : vector<128x128xf32>
    %get3A_352 = arith.constant 32 : index
    %get3A_353 = arith.constant 0 : index
    %get3A_354 = arith.constant 0 : index
    %get3A_355 = vector.load %arg2[%get3A_352, %get3A_353, %get3A_354] : memref<79x1x128xf32, #tpu.memory_space<vmem>>, vector<1x1x128xf32>
    %get3A_356 = vector.shape_cast %get3A_355 : vector<1x1x128xf32> to vector<1x128xf32>
    %gt3A_357 = vector.broadcast %get3A_356 : vector<1x128xf32> to vector<128x128xf32>
    %gt3A_358 = vector.broadcast %get3A_1 : vector<128x1xf32> to vector<128x128xf32>
    %gt3A_359 = arith.cmpf ogt, %gt3A_357, %gt3A_358 : vector<128x128xf32>
    %convert_element_type3A_360 = arith.extui %gt3A_359 : vector<128x128xi1> to vector<128x128xi32>
    %convert_element_type3A_361 = arith.sitofp %convert_element_type3A_360 : vector<128x128xi32> to vector<128x128xf32>
    %add3A_362 = arith.addf %add3A_351, %convert_element_type3A_361 : vector<128x128xf32>
    %get3A_363 = arith.constant 33 : index
    %get3A_364 = arith.constant 0 : index
    %get3A_365 = arith.constant 0 : index
    %get3A_366 = vector.load %arg2[%get3A_363, %get3A_364, %get3A_365] : memref<79x1x128xf32, #tpu.memory_space<vmem>>, vector<1x1x128xf32>
    %get3A_367 = vector.shape_cast %get3A_366 : vector<1x1x128xf32> to vector<1x128xf32>
    %gt3A_368 = vector.broadcast %get3A_367 : vector<1x128xf32> to vector<128x128xf32>
    %gt3A_369 = vector.broadcast %get3A_1 : vector<128x1xf32> to vector<128x128xf32>
    %gt3A_370 = arith.cmpf ogt, %gt3A_368, %gt3A_369 : vector<128x128xf32>
    %convert_element_type3A_371 = arith.extui %gt3A_370 : vector<128x128xi1> to vector<128x128xi32>
    %convert_element_type3A_372 = arith.sitofp %convert_element_type3A_371 : vector<128x128xi32> to vector<128x128xf32>
    %add3A_373 = arith.addf %add3A_362, %convert_element_type3A_372 : vector<128x128xf32>
    %get3A_374 = arith.constant 34 : index
    %get3A_375 = arith.constant 0 : index
    %get3A_376 = arith.constant 0 : index
    %get3A_377 = vector.load %arg2[%get3A_374, %get3A_375, %get3A_376] : memref<79x1x128xf32, #tpu.memory_space<vmem>>, vector<1x1x128xf32>
    %get3A_378 = vector.shape_cast %get3A_377 : vector<1x1x128xf32> to vector<1x128xf32>
    %gt3A_379 = vector.broadcast %get3A_378 : vector<1x128xf32> to vector<128x128xf32>
    %gt3A_380 = vector.broadcast %get3A_1 : vector<128x1xf32> to vector<128x128xf32>
    %gt3A_381 = arith.cmpf ogt, %gt3A_379, %gt3A_380 : vector<128x128xf32>
    %convert_element_type3A_382 = arith.extui %gt3A_381 : vector<128x128xi1> to vector<128x128xi32>
    %convert_element_type3A_383 = arith.sitofp %convert_element_type3A_382 : vector<128x128xi32> to vector<128x128xf32>
    %add3A_384 = arith.addf %add3A_373, %convert_element_type3A_383 : vector<128x128xf32>
    %get3A_385 = arith.constant 35 : index
    %get3A_386 = arith.constant 0 : index
    %get3A_387 = arith.constant 0 : index
    %get3A_388 = vector.load %arg2[%get3A_385, %get3A_386, %get3A_387] : memref<79x1x128xf32, #tpu.memory_space<vmem>>, vector<1x1x128xf32>
    %get3A_389 = vector.shape_cast %get3A_388 : vector<1x1x128xf32> to vector<1x128xf32>
    %gt3A_390 = vector.broadcast %get3A_389 : vector<1x128xf32> to vector<128x128xf32>
    %gt3A_391 = vector.broadcast %get3A_1 : vector<128x1xf32> to vector<128x128xf32>
    %gt3A_392 = arith.cmpf ogt, %gt3A_390, %gt3A_391 : vector<128x128xf32>
    %convert_element_type3A_393 = arith.extui %gt3A_392 : vector<128x128xi1> to vector<128x128xi32>
    %convert_element_type3A_394 = arith.sitofp %convert_element_type3A_393 : vector<128x128xi32> to vector<128x128xf32>
    %add3A_395 = arith.addf %add3A_384, %convert_element_type3A_394 : vector<128x128xf32>
    %get3A_396 = arith.constant 36 : index
    %get3A_397 = arith.constant 0 : index
    %get3A_398 = arith.constant 0 : index
    %get3A_399 = vector.load %arg2[%get3A_396, %get3A_397, %get3A_398] : memref<79x1x128xf32, #tpu.memory_space<vmem>>, vector<1x1x128xf32>
    %get3A_400 = vector.shape_cast %get3A_399 : vector<1x1x128xf32> to vector<1x128xf32>
    %gt3A_401 = vector.broadcast %get3A_400 : vector<1x128xf32> to vector<128x128xf32>
    %gt3A_402 = vector.broadcast %get3A_1 : vector<128x1xf32> to vector<128x128xf32>
    %gt3A_403 = arith.cmpf ogt, %gt3A_401, %gt3A_402 : vector<128x128xf32>
    %convert_element_type3A_404 = arith.extui %gt3A_403 : vector<128x128xi1> to vector<128x128xi32>
    %convert_element_type3A_405 = arith.sitofp %convert_element_type3A_404 : vector<128x128xi32> to vector<128x128xf32>
    %add3A_406 = arith.addf %add3A_395, %convert_element_type3A_405 : vector<128x128xf32>
    %get3A_407 = arith.constant 37 : index
    %get3A_408 = arith.constant 0 : index
    %get3A_409 = arith.constant 0 : index
    %get3A_410 = vector.load %arg2[%get3A_407, %get3A_408, %get3A_409] : memref<79x1x128xf32, #tpu.memory_space<vmem>>, vector<1x1x128xf32>
    %get3A_411 = vector.shape_cast %get3A_410 : vector<1x1x128xf32> to vector<1x128xf32>
    %gt3A_412 = vector.broadcast %get3A_411 : vector<1x128xf32> to vector<128x128xf32>
    %gt3A_413 = vector.broadcast %get3A_1 : vector<128x1xf32> to vector<128x128xf32>
    %gt3A_414 = arith.cmpf ogt, %gt3A_412, %gt3A_413 : vector<128x128xf32>
    %convert_element_type3A_415 = arith.extui %gt3A_414 : vector<128x128xi1> to vector<128x128xi32>
    %convert_element_type3A_416 = arith.sitofp %convert_element_type3A_415 : vector<128x128xi32> to vector<128x128xf32>
    %add3A_417 = arith.addf %add3A_406, %convert_element_type3A_416 : vector<128x128xf32>
    %get3A_418 = arith.constant 38 : index
    %get3A_419 = arith.constant 0 : index
    %get3A_420 = arith.constant 0 : index
    %get3A_421 = vector.load %arg2[%get3A_418, %get3A_419, %get3A_420] : memref<79x1x128xf32, #tpu.memory_space<vmem>>, vector<1x1x128xf32>
    %get3A_422 = vector.shape_cast %get3A_421 : vector<1x1x128xf32> to vector<1x128xf32>
    %gt3A_423 = vector.broadcast %get3A_422 : vector<1x128xf32> to vector<128x128xf32>
    %gt3A_424 = vector.broadcast %get3A_1 : vector<128x1xf32> to vector<128x128xf32>
    %gt3A_425 = arith.cmpf ogt, %gt3A_423, %gt3A_424 : vector<128x128xf32>
    %convert_element_type3A_426 = arith.extui %gt3A_425 : vector<128x128xi1> to vector<128x128xi32>
    %convert_element_type3A_427 = arith.sitofp %convert_element_type3A_426 : vector<128x128xi32> to vector<128x128xf32>
    %add3A_428 = arith.addf %add3A_417, %convert_element_type3A_427 : vector<128x128xf32>
    %get3A_429 = arith.constant 39 : index
    %get3A_430 = arith.constant 0 : index
    %get3A_431 = arith.constant 0 : index
    %get3A_432 = vector.load %arg2[%get3A_429, %get3A_430, %get3A_431] : memref<79x1x128xf32, #tpu.memory_space<vmem>>, vector<1x1x128xf32>
    %get3A_433 = vector.shape_cast %get3A_432 : vector<1x1x128xf32> to vector<1x128xf32>
    %gt3A_434 = vector.broadcast %get3A_433 : vector<1x128xf32> to vector<128x128xf32>
    %gt3A_435 = vector.broadcast %get3A_1 : vector<128x1xf32> to vector<128x128xf32>
    %gt3A_436 = arith.cmpf ogt, %gt3A_434, %gt3A_435 : vector<128x128xf32>
    %convert_element_type3A_437 = arith.extui %gt3A_436 : vector<128x128xi1> to vector<128x128xi32>
    %convert_element_type3A_438 = arith.sitofp %convert_element_type3A_437 : vector<128x128xi32> to vector<128x128xf32>
    %add3A_439 = arith.addf %add3A_428, %convert_element_type3A_438 : vector<128x128xf32>
    %get3A_440 = arith.constant 40 : index
    %get3A_441 = arith.constant 0 : index
    %get3A_442 = arith.constant 0 : index
    %get3A_443 = vector.load %arg2[%get3A_440, %get3A_441, %get3A_442] : memref<79x1x128xf32, #tpu.memory_space<vmem>>, vector<1x1x128xf32>
    %get3A_444 = vector.shape_cast %get3A_443 : vector<1x1x128xf32> to vector<1x128xf32>
    %gt3A_445 = vector.broadcast %get3A_444 : vector<1x128xf32> to vector<128x128xf32>
    %gt3A_446 = vector.broadcast %get3A_1 : vector<128x1xf32> to vector<128x128xf32>
    %gt3A_447 = arith.cmpf ogt, %gt3A_445, %gt3A_446 : vector<128x128xf32>
    %convert_element_type3A_448 = arith.extui %gt3A_447 : vector<128x128xi1> to vector<128x128xi32>
    %convert_element_type3A_449 = arith.sitofp %convert_element_type3A_448 : vector<128x128xi32> to vector<128x128xf32>
    %add3A_450 = arith.addf %add3A_439, %convert_element_type3A_449 : vector<128x128xf32>
    %get3A_451 = arith.constant 41 : index
    %get3A_452 = arith.constant 0 : index
    %get3A_453 = arith.constant 0 : index
    %get3A_454 = vector.load %arg2[%get3A_451, %get3A_452, %get3A_453] : memref<79x1x128xf32, #tpu.memory_space<vmem>>, vector<1x1x128xf32>
    %get3A_455 = vector.shape_cast %get3A_454 : vector<1x1x128xf32> to vector<1x128xf32>
    %gt3A_456 = vector.broadcast %get3A_455 : vector<1x128xf32> to vector<128x128xf32>
    %gt3A_457 = vector.broadcast %get3A_1 : vector<128x1xf32> to vector<128x128xf32>
    %gt3A_458 = arith.cmpf ogt, %gt3A_456, %gt3A_457 : vector<128x128xf32>
    %convert_element_type3A_459 = arith.extui %gt3A_458 : vector<128x128xi1> to vector<128x128xi32>
    %convert_element_type3A_460 = arith.sitofp %convert_element_type3A_459 : vector<128x128xi32> to vector<128x128xf32>
    %add3A_461 = arith.addf %add3A_450, %convert_element_type3A_460 : vector<128x128xf32>
    %get3A_462 = arith.constant 42 : index
    %get3A_463 = arith.constant 0 : index
    %get3A_464 = arith.constant 0 : index
    %get3A_465 = vector.load %arg2[%get3A_462, %get3A_463, %get3A_464] : memref<79x1x128xf32, #tpu.memory_space<vmem>>, vector<1x1x128xf32>
    %get3A_466 = vector.shape_cast %get3A_465 : vector<1x1x128xf32> to vector<1x128xf32>
    %gt3A_467 = vector.broadcast %get3A_466 : vector<1x128xf32> to vector<128x128xf32>
    %gt3A_468 = vector.broadcast %get3A_1 : vector<128x1xf32> to vector<128x128xf32>
    %gt3A_469 = arith.cmpf ogt, %gt3A_467, %gt3A_468 : vector<128x128xf32>
    %convert_element_type3A_470 = arith.extui %gt3A_469 : vector<128x128xi1> to vector<128x128xi32>
    %convert_element_type3A_471 = arith.sitofp %convert_element_type3A_470 : vector<128x128xi32> to vector<128x128xf32>
    %add3A_472 = arith.addf %add3A_461, %convert_element_type3A_471 : vector<128x128xf32>
    %get3A_473 = arith.constant 43 : index
    %get3A_474 = arith.constant 0 : index
    %get3A_475 = arith.constant 0 : index
    %get3A_476 = vector.load %arg2[%get3A_473, %get3A_474, %get3A_475] : memref<79x1x128xf32, #tpu.memory_space<vmem>>, vector<1x1x128xf32>
    %get3A_477 = vector.shape_cast %get3A_476 : vector<1x1x128xf32> to vector<1x128xf32>
    %gt3A_478 = vector.broadcast %get3A_477 : vector<1x128xf32> to vector<128x128xf32>
    %gt3A_479 = vector.broadcast %get3A_1 : vector<128x1xf32> to vector<128x128xf32>
    %gt3A_480 = arith.cmpf ogt, %gt3A_478, %gt3A_479 : vector<128x128xf32>
    %convert_element_type3A_481 = arith.extui %gt3A_480 : vector<128x128xi1> to vector<128x128xi32>
    %convert_element_type3A_482 = arith.sitofp %convert_element_type3A_481 : vector<128x128xi32> to vector<128x128xf32>
    %add3A_483 = arith.addf %add3A_472, %convert_element_type3A_482 : vector<128x128xf32>
    %get3A_484 = arith.constant 44 : index
    %get3A_485 = arith.constant 0 : index
    %get3A_486 = arith.constant 0 : index
    %get3A_487 = vector.load %arg2[%get3A_484, %get3A_485, %get3A_486] : memref<79x1x128xf32, #tpu.memory_space<vmem>>, vector<1x1x128xf32>
    %get3A_488 = vector.shape_cast %get3A_487 : vector<1x1x128xf32> to vector<1x128xf32>
    %gt3A_489 = vector.broadcast %get3A_488 : vector<1x128xf32> to vector<128x128xf32>
    %gt3A_490 = vector.broadcast %get3A_1 : vector<128x1xf32> to vector<128x128xf32>
    %gt3A_491 = arith.cmpf ogt, %gt3A_489, %gt3A_490 : vector<128x128xf32>
    %convert_element_type3A_492 = arith.extui %gt3A_491 : vector<128x128xi1> to vector<128x128xi32>
    %convert_element_type3A_493 = arith.sitofp %convert_element_type3A_492 : vector<128x128xi32> to vector<128x128xf32>
    %add3A_494 = arith.addf %add3A_483, %convert_element_type3A_493 : vector<128x128xf32>
    %get3A_495 = arith.constant 45 : index
    %get3A_496 = arith.constant 0 : index
    %get3A_497 = arith.constant 0 : index
    %get3A_498 = vector.load %arg2[%get3A_495, %get3A_496, %get3A_497] : memref<79x1x128xf32, #tpu.memory_space<vmem>>, vector<1x1x128xf32>
    %get3A_499 = vector.shape_cast %get3A_498 : vector<1x1x128xf32> to vector<1x128xf32>
    %gt3A_500 = vector.broadcast %get3A_499 : vector<1x128xf32> to vector<128x128xf32>
    %gt3A_501 = vector.broadcast %get3A_1 : vector<128x1xf32> to vector<128x128xf32>
    %gt3A_502 = arith.cmpf ogt, %gt3A_500, %gt3A_501 : vector<128x128xf32>
    %convert_element_type3A_503 = arith.extui %gt3A_502 : vector<128x128xi1> to vector<128x128xi32>
    %convert_element_type3A_504 = arith.sitofp %convert_element_type3A_503 : vector<128x128xi32> to vector<128x128xf32>
    %add3A_505 = arith.addf %add3A_494, %convert_element_type3A_504 : vector<128x128xf32>
    %get3A_506 = arith.constant 46 : index
    %get3A_507 = arith.constant 0 : index
    %get3A_508 = arith.constant 0 : index
    %get3A_509 = vector.load %arg2[%get3A_506, %get3A_507, %get3A_508] : memref<79x1x128xf32, #tpu.memory_space<vmem>>, vector<1x1x128xf32>
    %get3A_510 = vector.shape_cast %get3A_509 : vector<1x1x128xf32> to vector<1x128xf32>
    %gt3A_511 = vector.broadcast %get3A_510 : vector<1x128xf32> to vector<128x128xf32>
    %gt3A_512 = vector.broadcast %get3A_1 : vector<128x1xf32> to vector<128x128xf32>
    %gt3A_513 = arith.cmpf ogt, %gt3A_511, %gt3A_512 : vector<128x128xf32>
    %convert_element_type3A_514 = arith.extui %gt3A_513 : vector<128x128xi1> to vector<128x128xi32>
    %convert_element_type3A_515 = arith.sitofp %convert_element_type3A_514 : vector<128x128xi32> to vector<128x128xf32>
    %add3A_516 = arith.addf %add3A_505, %convert_element_type3A_515 : vector<128x128xf32>
    %get3A_517 = arith.constant 47 : index
    %get3A_518 = arith.constant 0 : index
    %get3A_519 = arith.constant 0 : index
    %get3A_520 = vector.load %arg2[%get3A_517, %get3A_518, %get3A_519] : memref<79x1x128xf32, #tpu.memory_space<vmem>>, vector<1x1x128xf32>
    %get3A_521 = vector.shape_cast %get3A_520 : vector<1x1x128xf32> to vector<1x128xf32>
    %gt3A_522 = vector.broadcast %get3A_521 : vector<1x128xf32> to vector<128x128xf32>
    %gt3A_523 = vector.broadcast %get3A_1 : vector<128x1xf32> to vector<128x128xf32>
    %gt3A_524 = arith.cmpf ogt, %gt3A_522, %gt3A_523 : vector<128x128xf32>
    %convert_element_type3A_525 = arith.extui %gt3A_524 : vector<128x128xi1> to vector<128x128xi32>
    %convert_element_type3A_526 = arith.sitofp %convert_element_type3A_525 : vector<128x128xi32> to vector<128x128xf32>
    %add3A_527 = arith.addf %add3A_516, %convert_element_type3A_526 : vector<128x128xf32>
    %get3A_528 = arith.constant 48 : index
    %get3A_529 = arith.constant 0 : index
    %get3A_530 = arith.constant 0 : index
    %get3A_531 = vector.load %arg2[%get3A_528, %get3A_529, %get3A_530] : memref<79x1x128xf32, #tpu.memory_space<vmem>>, vector<1x1x128xf32>
    %get3A_532 = vector.shape_cast %get3A_531 : vector<1x1x128xf32> to vector<1x128xf32>
    %gt3A_533 = vector.broadcast %get3A_532 : vector<1x128xf32> to vector<128x128xf32>
    %gt3A_534 = vector.broadcast %get3A_1 : vector<128x1xf32> to vector<128x128xf32>
    %gt3A_535 = arith.cmpf ogt, %gt3A_533, %gt3A_534 : vector<128x128xf32>
    %convert_element_type3A_536 = arith.extui %gt3A_535 : vector<128x128xi1> to vector<128x128xi32>
    %convert_element_type3A_537 = arith.sitofp %convert_element_type3A_536 : vector<128x128xi32> to vector<128x128xf32>
    %add3A_538 = arith.addf %add3A_527, %convert_element_type3A_537 : vector<128x128xf32>
    %get3A_539 = arith.constant 49 : index
    %get3A_540 = arith.constant 0 : index
    %get3A_541 = arith.constant 0 : index
    %get3A_542 = vector.load %arg2[%get3A_539, %get3A_540, %get3A_541] : memref<79x1x128xf32, #tpu.memory_space<vmem>>, vector<1x1x128xf32>
    %get3A_543 = vector.shape_cast %get3A_542 : vector<1x1x128xf32> to vector<1x128xf32>
    %gt3A_544 = vector.broadcast %get3A_543 : vector<1x128xf32> to vector<128x128xf32>
    %gt3A_545 = vector.broadcast %get3A_1 : vector<128x1xf32> to vector<128x128xf32>
    %gt3A_546 = arith.cmpf ogt, %gt3A_544, %gt3A_545 : vector<128x128xf32>
    %convert_element_type3A_547 = arith.extui %gt3A_546 : vector<128x128xi1> to vector<128x128xi32>
    %convert_element_type3A_548 = arith.sitofp %convert_element_type3A_547 : vector<128x128xi32> to vector<128x128xf32>
    %add3A_549 = arith.addf %add3A_538, %convert_element_type3A_548 : vector<128x128xf32>
    %get3A_550 = arith.constant 50 : index
    %get3A_551 = arith.constant 0 : index
    %get3A_552 = arith.constant 0 : index
    %get3A_553 = vector.load %arg2[%get3A_550, %get3A_551, %get3A_552] : memref<79x1x128xf32, #tpu.memory_space<vmem>>, vector<1x1x128xf32>
    %get3A_554 = vector.shape_cast %get3A_553 : vector<1x1x128xf32> to vector<1x128xf32>
    %gt3A_555 = vector.broadcast %get3A_554 : vector<1x128xf32> to vector<128x128xf32>
    %gt3A_556 = vector.broadcast %get3A_1 : vector<128x1xf32> to vector<128x128xf32>
    %gt3A_557 = arith.cmpf ogt, %gt3A_555, %gt3A_556 : vector<128x128xf32>
    %convert_element_type3A_558 = arith.extui %gt3A_557 : vector<128x128xi1> to vector<128x128xi32>
    %convert_element_type3A_559 = arith.sitofp %convert_element_type3A_558 : vector<128x128xi32> to vector<128x128xf32>
    %add3A_560 = arith.addf %add3A_549, %convert_element_type3A_559 : vector<128x128xf32>
    %get3A_561 = arith.constant 51 : index
    %get3A_562 = arith.constant 0 : index
    %get3A_563 = arith.constant 0 : index
    %get3A_564 = vector.load %arg2[%get3A_561, %get3A_562, %get3A_563] : memref<79x1x128xf32, #tpu.memory_space<vmem>>, vector<1x1x128xf32>
    %get3A_565 = vector.shape_cast %get3A_564 : vector<1x1x128xf32> to vector<1x128xf32>
    %gt3A_566 = vector.broadcast %get3A_565 : vector<1x128xf32> to vector<128x128xf32>
    %gt3A_567 = vector.broadcast %get3A_1 : vector<128x1xf32> to vector<128x128xf32>
    %gt3A_568 = arith.cmpf ogt, %gt3A_566, %gt3A_567 : vector<128x128xf32>
    %convert_element_type3A_569 = arith.extui %gt3A_568 : vector<128x128xi1> to vector<128x128xi32>
    %convert_element_type3A_570 = arith.sitofp %convert_element_type3A_569 : vector<128x128xi32> to vector<128x128xf32>
    %add3A_571 = arith.addf %add3A_560, %convert_element_type3A_570 : vector<128x128xf32>
    %get3A_572 = arith.constant 52 : index
    %get3A_573 = arith.constant 0 : index
    %get3A_574 = arith.constant 0 : index
    %get3A_575 = vector.load %arg2[%get3A_572, %get3A_573, %get3A_574] : memref<79x1x128xf32, #tpu.memory_space<vmem>>, vector<1x1x128xf32>
    %get3A_576 = vector.shape_cast %get3A_575 : vector<1x1x128xf32> to vector<1x128xf32>
    %gt3A_577 = vector.broadcast %get3A_576 : vector<1x128xf32> to vector<128x128xf32>
    %gt3A_578 = vector.broadcast %get3A_1 : vector<128x1xf32> to vector<128x128xf32>
    %gt3A_579 = arith.cmpf ogt, %gt3A_577, %gt3A_578 : vector<128x128xf32>
    %convert_element_type3A_580 = arith.extui %gt3A_579 : vector<128x128xi1> to vector<128x128xi32>
    %convert_element_type3A_581 = arith.sitofp %convert_element_type3A_580 : vector<128x128xi32> to vector<128x128xf32>
    %add3A_582 = arith.addf %add3A_571, %convert_element_type3A_581 : vector<128x128xf32>
    %get3A_583 = arith.constant 53 : index
    %get3A_584 = arith.constant 0 : index
    %get3A_585 = arith.constant 0 : index
    %get3A_586 = vector.load %arg2[%get3A_583, %get3A_584, %get3A_585] : memref<79x1x128xf32, #tpu.memory_space<vmem>>, vector<1x1x128xf32>
    %get3A_587 = vector.shape_cast %get3A_586 : vector<1x1x128xf32> to vector<1x128xf32>
    %gt3A_588 = vector.broadcast %get3A_587 : vector<1x128xf32> to vector<128x128xf32>
    %gt3A_589 = vector.broadcast %get3A_1 : vector<128x1xf32> to vector<128x128xf32>
    %gt3A_590 = arith.cmpf ogt, %gt3A_588, %gt3A_589 : vector<128x128xf32>
    %convert_element_type3A_591 = arith.extui %gt3A_590 : vector<128x128xi1> to vector<128x128xi32>
    %convert_element_type3A_592 = arith.sitofp %convert_element_type3A_591 : vector<128x128xi32> to vector<128x128xf32>
    %add3A_593 = arith.addf %add3A_582, %convert_element_type3A_592 : vector<128x128xf32>
    %get3A_594 = arith.constant 54 : index
    %get3A_595 = arith.constant 0 : index
    %get3A_596 = arith.constant 0 : index
    %get3A_597 = vector.load %arg2[%get3A_594, %get3A_595, %get3A_596] : memref<79x1x128xf32, #tpu.memory_space<vmem>>, vector<1x1x128xf32>
    %get3A_598 = vector.shape_cast %get3A_597 : vector<1x1x128xf32> to vector<1x128xf32>
    %gt3A_599 = vector.broadcast %get3A_598 : vector<1x128xf32> to vector<128x128xf32>
    %gt3A_600 = vector.broadcast %get3A_1 : vector<128x1xf32> to vector<128x128xf32>
    %gt3A_601 = arith.cmpf ogt, %gt3A_599, %gt3A_600 : vector<128x128xf32>
    %convert_element_type3A_602 = arith.extui %gt3A_601 : vector<128x128xi1> to vector<128x128xi32>
    %convert_element_type3A_603 = arith.sitofp %convert_element_type3A_602 : vector<128x128xi32> to vector<128x128xf32>
    %add3A_604 = arith.addf %add3A_593, %convert_element_type3A_603 : vector<128x128xf32>
    %get3A_605 = arith.constant 55 : index
    %get3A_606 = arith.constant 0 : index
    %get3A_607 = arith.constant 0 : index
    %get3A_608 = vector.load %arg2[%get3A_605, %get3A_606, %get3A_607] : memref<79x1x128xf32, #tpu.memory_space<vmem>>, vector<1x1x128xf32>
    %get3A_609 = vector.shape_cast %get3A_608 : vector<1x1x128xf32> to vector<1x128xf32>
    %gt3A_610 = vector.broadcast %get3A_609 : vector<1x128xf32> to vector<128x128xf32>
    %gt3A_611 = vector.broadcast %get3A_1 : vector<128x1xf32> to vector<128x128xf32>
    %gt3A_612 = arith.cmpf ogt, %gt3A_610, %gt3A_611 : vector<128x128xf32>
    %convert_element_type3A_613 = arith.extui %gt3A_612 : vector<128x128xi1> to vector<128x128xi32>
    %convert_element_type3A_614 = arith.sitofp %convert_element_type3A_613 : vector<128x128xi32> to vector<128x128xf32>
    %add3A_615 = arith.addf %add3A_604, %convert_element_type3A_614 : vector<128x128xf32>
    %get3A_616 = arith.constant 56 : index
    %get3A_617 = arith.constant 0 : index
    %get3A_618 = arith.constant 0 : index
    %get3A_619 = vector.load %arg2[%get3A_616, %get3A_617, %get3A_618] : memref<79x1x128xf32, #tpu.memory_space<vmem>>, vector<1x1x128xf32>
    %get3A_620 = vector.shape_cast %get3A_619 : vector<1x1x128xf32> to vector<1x128xf32>
    %gt3A_621 = vector.broadcast %get3A_620 : vector<1x128xf32> to vector<128x128xf32>
    %gt3A_622 = vector.broadcast %get3A_1 : vector<128x1xf32> to vector<128x128xf32>
    %gt3A_623 = arith.cmpf ogt, %gt3A_621, %gt3A_622 : vector<128x128xf32>
    %convert_element_type3A_624 = arith.extui %gt3A_623 : vector<128x128xi1> to vector<128x128xi32>
    %convert_element_type3A_625 = arith.sitofp %convert_element_type3A_624 : vector<128x128xi32> to vector<128x128xf32>
    %add3A_626 = arith.addf %add3A_615, %convert_element_type3A_625 : vector<128x128xf32>
    %get3A_627 = arith.constant 57 : index
    %get3A_628 = arith.constant 0 : index
    %get3A_629 = arith.constant 0 : index
    %get3A_630 = vector.load %arg2[%get3A_627, %get3A_628, %get3A_629] : memref<79x1x128xf32, #tpu.memory_space<vmem>>, vector<1x1x128xf32>
    %get3A_631 = vector.shape_cast %get3A_630 : vector<1x1x128xf32> to vector<1x128xf32>
    %gt3A_632 = vector.broadcast %get3A_631 : vector<1x128xf32> to vector<128x128xf32>
    %gt3A_633 = vector.broadcast %get3A_1 : vector<128x1xf32> to vector<128x128xf32>
    %gt3A_634 = arith.cmpf ogt, %gt3A_632, %gt3A_633 : vector<128x128xf32>
    %convert_element_type3A_635 = arith.extui %gt3A_634 : vector<128x128xi1> to vector<128x128xi32>
    %convert_element_type3A_636 = arith.sitofp %convert_element_type3A_635 : vector<128x128xi32> to vector<128x128xf32>
    %add3A_637 = arith.addf %add3A_626, %convert_element_type3A_636 : vector<128x128xf32>
    %get3A_638 = arith.constant 58 : index
    %get3A_639 = arith.constant 0 : index
    %get3A_640 = arith.constant 0 : index
    %get3A_641 = vector.load %arg2[%get3A_638, %get3A_639, %get3A_640] : memref<79x1x128xf32, #tpu.memory_space<vmem>>, vector<1x1x128xf32>
    %get3A_642 = vector.shape_cast %get3A_641 : vector<1x1x128xf32> to vector<1x128xf32>
    %gt3A_643 = vector.broadcast %get3A_642 : vector<1x128xf32> to vector<128x128xf32>
    %gt3A_644 = vector.broadcast %get3A_1 : vector<128x1xf32> to vector<128x128xf32>
    %gt3A_645 = arith.cmpf ogt, %gt3A_643, %gt3A_644 : vector<128x128xf32>
    %convert_element_type3A_646 = arith.extui %gt3A_645 : vector<128x128xi1> to vector<128x128xi32>
    %convert_element_type3A_647 = arith.sitofp %convert_element_type3A_646 : vector<128x128xi32> to vector<128x128xf32>
    %add3A_648 = arith.addf %add3A_637, %convert_element_type3A_647 : vector<128x128xf32>
    %get3A_649 = arith.constant 59 : index
    %get3A_650 = arith.constant 0 : index
    %get3A_651 = arith.constant 0 : index
    %get3A_652 = vector.load %arg2[%get3A_649, %get3A_650, %get3A_651] : memref<79x1x128xf32, #tpu.memory_space<vmem>>, vector<1x1x128xf32>
    %get3A_653 = vector.shape_cast %get3A_652 : vector<1x1x128xf32> to vector<1x128xf32>
    %gt3A_654 = vector.broadcast %get3A_653 : vector<1x128xf32> to vector<128x128xf32>
    %gt3A_655 = vector.broadcast %get3A_1 : vector<128x1xf32> to vector<128x128xf32>
    %gt3A_656 = arith.cmpf ogt, %gt3A_654, %gt3A_655 : vector<128x128xf32>
    %convert_element_type3A_657 = arith.extui %gt3A_656 : vector<128x128xi1> to vector<128x128xi32>
    %convert_element_type3A_658 = arith.sitofp %convert_element_type3A_657 : vector<128x128xi32> to vector<128x128xf32>
    %add3A_659 = arith.addf %add3A_648, %convert_element_type3A_658 : vector<128x128xf32>
    %get3A_660 = arith.constant 60 : index
    %get3A_661 = arith.constant 0 : index
    %get3A_662 = arith.constant 0 : index
    %get3A_663 = vector.load %arg2[%get3A_660, %get3A_661, %get3A_662] : memref<79x1x128xf32, #tpu.memory_space<vmem>>, vector<1x1x128xf32>
    %get3A_664 = vector.shape_cast %get3A_663 : vector<1x1x128xf32> to vector<1x128xf32>
    %gt3A_665 = vector.broadcast %get3A_664 : vector<1x128xf32> to vector<128x128xf32>
    %gt3A_666 = vector.broadcast %get3A_1 : vector<128x1xf32> to vector<128x128xf32>
    %gt3A_667 = arith.cmpf ogt, %gt3A_665, %gt3A_666 : vector<128x128xf32>
    %convert_element_type3A_668 = arith.extui %gt3A_667 : vector<128x128xi1> to vector<128x128xi32>
    %convert_element_type3A_669 = arith.sitofp %convert_element_type3A_668 : vector<128x128xi32> to vector<128x128xf32>
    %add3A_670 = arith.addf %add3A_659, %convert_element_type3A_669 : vector<128x128xf32>
    %get3A_671 = arith.constant 61 : index
    %get3A_672 = arith.constant 0 : index
    %get3A_673 = arith.constant 0 : index
    %get3A_674 = vector.load %arg2[%get3A_671, %get3A_672, %get3A_673] : memref<79x1x128xf32, #tpu.memory_space<vmem>>, vector<1x1x128xf32>
    %get3A_675 = vector.shape_cast %get3A_674 : vector<1x1x128xf32> to vector<1x128xf32>
    %gt3A_676 = vector.broadcast %get3A_675 : vector<1x128xf32> to vector<128x128xf32>
    %gt3A_677 = vector.broadcast %get3A_1 : vector<128x1xf32> to vector<128x128xf32>
    %gt3A_678 = arith.cmpf ogt, %gt3A_676, %gt3A_677 : vector<128x128xf32>
    %convert_element_type3A_679 = arith.extui %gt3A_678 : vector<128x128xi1> to vector<128x128xi32>
    %convert_element_type3A_680 = arith.sitofp %convert_element_type3A_679 : vector<128x128xi32> to vector<128x128xf32>
    %add3A_681 = arith.addf %add3A_670, %convert_element_type3A_680 : vector<128x128xf32>
    %get3A_682 = arith.constant 62 : index
    %get3A_683 = arith.constant 0 : index
    %get3A_684 = arith.constant 0 : index
    %get3A_685 = vector.load %arg2[%get3A_682, %get3A_683, %get3A_684] : memref<79x1x128xf32, #tpu.memory_space<vmem>>, vector<1x1x128xf32>
    %get3A_686 = vector.shape_cast %get3A_685 : vector<1x1x128xf32> to vector<1x128xf32>
    %gt3A_687 = vector.broadcast %get3A_686 : vector<1x128xf32> to vector<128x128xf32>
    %gt3A_688 = vector.broadcast %get3A_1 : vector<128x1xf32> to vector<128x128xf32>
    %gt3A_689 = arith.cmpf ogt, %gt3A_687, %gt3A_688 : vector<128x128xf32>
    %convert_element_type3A_690 = arith.extui %gt3A_689 : vector<128x128xi1> to vector<128x128xi32>
    %convert_element_type3A_691 = arith.sitofp %convert_element_type3A_690 : vector<128x128xi32> to vector<128x128xf32>
    %add3A_692 = arith.addf %add3A_681, %convert_element_type3A_691 : vector<128x128xf32>
    %get3A_693 = arith.constant 63 : index
    %get3A_694 = arith.constant 0 : index
    %get3A_695 = arith.constant 0 : index
    %get3A_696 = vector.load %arg2[%get3A_693, %get3A_694, %get3A_695] : memref<79x1x128xf32, #tpu.memory_space<vmem>>, vector<1x1x128xf32>
    %get3A_697 = vector.shape_cast %get3A_696 : vector<1x1x128xf32> to vector<1x128xf32>
    %gt3A_698 = vector.broadcast %get3A_697 : vector<1x128xf32> to vector<128x128xf32>
    %gt3A_699 = vector.broadcast %get3A_1 : vector<128x1xf32> to vector<128x128xf32>
    %gt3A_700 = arith.cmpf ogt, %gt3A_698, %gt3A_699 : vector<128x128xf32>
    %convert_element_type3A_701 = arith.extui %gt3A_700 : vector<128x128xi1> to vector<128x128xi32>
    %convert_element_type3A_702 = arith.sitofp %convert_element_type3A_701 : vector<128x128xi32> to vector<128x128xf32>
    %add3A_703 = arith.addf %add3A_692, %convert_element_type3A_702 : vector<128x128xf32>
    %get3A_704 = arith.constant 64 : index
    %get3A_705 = arith.constant 0 : index
    %get3A_706 = arith.constant 0 : index
    %get3A_707 = vector.load %arg2[%get3A_704, %get3A_705, %get3A_706] : memref<79x1x128xf32, #tpu.memory_space<vmem>>, vector<1x1x128xf32>
    %get3A_708 = vector.shape_cast %get3A_707 : vector<1x1x128xf32> to vector<1x128xf32>
    %gt3A_709 = vector.broadcast %get3A_708 : vector<1x128xf32> to vector<128x128xf32>
    %gt3A_710 = vector.broadcast %get3A_1 : vector<128x1xf32> to vector<128x128xf32>
    %gt3A_711 = arith.cmpf ogt, %gt3A_709, %gt3A_710 : vector<128x128xf32>
    %convert_element_type3A_712 = arith.extui %gt3A_711 : vector<128x128xi1> to vector<128x128xi32>
    %convert_element_type3A_713 = arith.sitofp %convert_element_type3A_712 : vector<128x128xi32> to vector<128x128xf32>
    %add3A_714 = arith.addf %add3A_703, %convert_element_type3A_713 : vector<128x128xf32>
    %get3A_715 = arith.constant 65 : index
    %get3A_716 = arith.constant 0 : index
    %get3A_717 = arith.constant 0 : index
    %get3A_718 = vector.load %arg2[%get3A_715, %get3A_716, %get3A_717] : memref<79x1x128xf32, #tpu.memory_space<vmem>>, vector<1x1x128xf32>
    %get3A_719 = vector.shape_cast %get3A_718 : vector<1x1x128xf32> to vector<1x128xf32>
    %gt3A_720 = vector.broadcast %get3A_719 : vector<1x128xf32> to vector<128x128xf32>
    %gt3A_721 = vector.broadcast %get3A_1 : vector<128x1xf32> to vector<128x128xf32>
    %gt3A_722 = arith.cmpf ogt, %gt3A_720, %gt3A_721 : vector<128x128xf32>
    %convert_element_type3A_723 = arith.extui %gt3A_722 : vector<128x128xi1> to vector<128x128xi32>
    %convert_element_type3A_724 = arith.sitofp %convert_element_type3A_723 : vector<128x128xi32> to vector<128x128xf32>
    %add3A_725 = arith.addf %add3A_714, %convert_element_type3A_724 : vector<128x128xf32>
    %get3A_726 = arith.constant 66 : index
    %get3A_727 = arith.constant 0 : index
    %get3A_728 = arith.constant 0 : index
    %get3A_729 = vector.load %arg2[%get3A_726, %get3A_727, %get3A_728] : memref<79x1x128xf32, #tpu.memory_space<vmem>>, vector<1x1x128xf32>
    %get3A_730 = vector.shape_cast %get3A_729 : vector<1x1x128xf32> to vector<1x128xf32>
    %gt3A_731 = vector.broadcast %get3A_730 : vector<1x128xf32> to vector<128x128xf32>
    %gt3A_732 = vector.broadcast %get3A_1 : vector<128x1xf32> to vector<128x128xf32>
    %gt3A_733 = arith.cmpf ogt, %gt3A_731, %gt3A_732 : vector<128x128xf32>
    %convert_element_type3A_734 = arith.extui %gt3A_733 : vector<128x128xi1> to vector<128x128xi32>
    %convert_element_type3A_735 = arith.sitofp %convert_element_type3A_734 : vector<128x128xi32> to vector<128x128xf32>
    %add3A_736 = arith.addf %add3A_725, %convert_element_type3A_735 : vector<128x128xf32>
    %get3A_737 = arith.constant 67 : index
    %get3A_738 = arith.constant 0 : index
    %get3A_739 = arith.constant 0 : index
    %get3A_740 = vector.load %arg2[%get3A_737, %get3A_738, %get3A_739] : memref<79x1x128xf32, #tpu.memory_space<vmem>>, vector<1x1x128xf32>
    %get3A_741 = vector.shape_cast %get3A_740 : vector<1x1x128xf32> to vector<1x128xf32>
    %gt3A_742 = vector.broadcast %get3A_741 : vector<1x128xf32> to vector<128x128xf32>
    %gt3A_743 = vector.broadcast %get3A_1 : vector<128x1xf32> to vector<128x128xf32>
    %gt3A_744 = arith.cmpf ogt, %gt3A_742, %gt3A_743 : vector<128x128xf32>
    %convert_element_type3A_745 = arith.extui %gt3A_744 : vector<128x128xi1> to vector<128x128xi32>
    %convert_element_type3A_746 = arith.sitofp %convert_element_type3A_745 : vector<128x128xi32> to vector<128x128xf32>
    %add3A_747 = arith.addf %add3A_736, %convert_element_type3A_746 : vector<128x128xf32>
    %get3A_748 = arith.constant 68 : index
    %get3A_749 = arith.constant 0 : index
    %get3A_750 = arith.constant 0 : index
    %get3A_751 = vector.load %arg2[%get3A_748, %get3A_749, %get3A_750] : memref<79x1x128xf32, #tpu.memory_space<vmem>>, vector<1x1x128xf32>
    %get3A_752 = vector.shape_cast %get3A_751 : vector<1x1x128xf32> to vector<1x128xf32>
    %gt3A_753 = vector.broadcast %get3A_752 : vector<1x128xf32> to vector<128x128xf32>
    %gt3A_754 = vector.broadcast %get3A_1 : vector<128x1xf32> to vector<128x128xf32>
    %gt3A_755 = arith.cmpf ogt, %gt3A_753, %gt3A_754 : vector<128x128xf32>
    %convert_element_type3A_756 = arith.extui %gt3A_755 : vector<128x128xi1> to vector<128x128xi32>
    %convert_element_type3A_757 = arith.sitofp %convert_element_type3A_756 : vector<128x128xi32> to vector<128x128xf32>
    %add3A_758 = arith.addf %add3A_747, %convert_element_type3A_757 : vector<128x128xf32>
    %get3A_759 = arith.constant 69 : index
    %get3A_760 = arith.constant 0 : index
    %get3A_761 = arith.constant 0 : index
    %get3A_762 = vector.load %arg2[%get3A_759, %get3A_760, %get3A_761] : memref<79x1x128xf32, #tpu.memory_space<vmem>>, vector<1x1x128xf32>
    %get3A_763 = vector.shape_cast %get3A_762 : vector<1x1x128xf32> to vector<1x128xf32>
    %gt3A_764 = vector.broadcast %get3A_763 : vector<1x128xf32> to vector<128x128xf32>
    %gt3A_765 = vector.broadcast %get3A_1 : vector<128x1xf32> to vector<128x128xf32>
    %gt3A_766 = arith.cmpf ogt, %gt3A_764, %gt3A_765 : vector<128x128xf32>
    %convert_element_type3A_767 = arith.extui %gt3A_766 : vector<128x128xi1> to vector<128x128xi32>
    %convert_element_type3A_768 = arith.sitofp %convert_element_type3A_767 : vector<128x128xi32> to vector<128x128xf32>
    %add3A_769 = arith.addf %add3A_758, %convert_element_type3A_768 : vector<128x128xf32>
    %get3A_770 = arith.constant 70 : index
    %get3A_771 = arith.constant 0 : index
    %get3A_772 = arith.constant 0 : index
    %get3A_773 = vector.load %arg2[%get3A_770, %get3A_771, %get3A_772] : memref<79x1x128xf32, #tpu.memory_space<vmem>>, vector<1x1x128xf32>
    %get3A_774 = vector.shape_cast %get3A_773 : vector<1x1x128xf32> to vector<1x128xf32>
    %gt3A_775 = vector.broadcast %get3A_774 : vector<1x128xf32> to vector<128x128xf32>
    %gt3A_776 = vector.broadcast %get3A_1 : vector<128x1xf32> to vector<128x128xf32>
    %gt3A_777 = arith.cmpf ogt, %gt3A_775, %gt3A_776 : vector<128x128xf32>
    %convert_element_type3A_778 = arith.extui %gt3A_777 : vector<128x128xi1> to vector<128x128xi32>
    %convert_element_type3A_779 = arith.sitofp %convert_element_type3A_778 : vector<128x128xi32> to vector<128x128xf32>
    %add3A_780 = arith.addf %add3A_769, %convert_element_type3A_779 : vector<128x128xf32>
    %get3A_781 = arith.constant 71 : index
    %get3A_782 = arith.constant 0 : index
    %get3A_783 = arith.constant 0 : index
    %get3A_784 = vector.load %arg2[%get3A_781, %get3A_782, %get3A_783] : memref<79x1x128xf32, #tpu.memory_space<vmem>>, vector<1x1x128xf32>
    %get3A_785 = vector.shape_cast %get3A_784 : vector<1x1x128xf32> to vector<1x128xf32>
    %gt3A_786 = vector.broadcast %get3A_785 : vector<1x128xf32> to vector<128x128xf32>
    %gt3A_787 = vector.broadcast %get3A_1 : vector<128x1xf32> to vector<128x128xf32>
    %gt3A_788 = arith.cmpf ogt, %gt3A_786, %gt3A_787 : vector<128x128xf32>
    %convert_element_type3A_789 = arith.extui %gt3A_788 : vector<128x128xi1> to vector<128x128xi32>
    %convert_element_type3A_790 = arith.sitofp %convert_element_type3A_789 : vector<128x128xi32> to vector<128x128xf32>
    %add3A_791 = arith.addf %add3A_780, %convert_element_type3A_790 : vector<128x128xf32>
    %get3A_792 = arith.constant 72 : index
    %get3A_793 = arith.constant 0 : index
    %get3A_794 = arith.constant 0 : index
    %get3A_795 = vector.load %arg2[%get3A_792, %get3A_793, %get3A_794] : memref<79x1x128xf32, #tpu.memory_space<vmem>>, vector<1x1x128xf32>
    %get3A_796 = vector.shape_cast %get3A_795 : vector<1x1x128xf32> to vector<1x128xf32>
    %gt3A_797 = vector.broadcast %get3A_796 : vector<1x128xf32> to vector<128x128xf32>
    %gt3A_798 = vector.broadcast %get3A_1 : vector<128x1xf32> to vector<128x128xf32>
    %gt3A_799 = arith.cmpf ogt, %gt3A_797, %gt3A_798 : vector<128x128xf32>
    %convert_element_type3A_800 = arith.extui %gt3A_799 : vector<128x128xi1> to vector<128x128xi32>
    %convert_element_type3A_801 = arith.sitofp %convert_element_type3A_800 : vector<128x128xi32> to vector<128x128xf32>
    %add3A_802 = arith.addf %add3A_791, %convert_element_type3A_801 : vector<128x128xf32>
    %get3A_803 = arith.constant 73 : index
    %get3A_804 = arith.constant 0 : index
    %get3A_805 = arith.constant 0 : index
    %get3A_806 = vector.load %arg2[%get3A_803, %get3A_804, %get3A_805] : memref<79x1x128xf32, #tpu.memory_space<vmem>>, vector<1x1x128xf32>
    %get3A_807 = vector.shape_cast %get3A_806 : vector<1x1x128xf32> to vector<1x128xf32>
    %gt3A_808 = vector.broadcast %get3A_807 : vector<1x128xf32> to vector<128x128xf32>
    %gt3A_809 = vector.broadcast %get3A_1 : vector<128x1xf32> to vector<128x128xf32>
    %gt3A_810 = arith.cmpf ogt, %gt3A_808, %gt3A_809 : vector<128x128xf32>
    %convert_element_type3A_811 = arith.extui %gt3A_810 : vector<128x128xi1> to vector<128x128xi32>
    %convert_element_type3A_812 = arith.sitofp %convert_element_type3A_811 : vector<128x128xi32> to vector<128x128xf32>
    %add3A_813 = arith.addf %add3A_802, %convert_element_type3A_812 : vector<128x128xf32>
    %get3A_814 = arith.constant 74 : index
    %get3A_815 = arith.constant 0 : index
    %get3A_816 = arith.constant 0 : index
    %get3A_817 = vector.load %arg2[%get3A_814, %get3A_815, %get3A_816] : memref<79x1x128xf32, #tpu.memory_space<vmem>>, vector<1x1x128xf32>
    %get3A_818 = vector.shape_cast %get3A_817 : vector<1x1x128xf32> to vector<1x128xf32>
    %gt3A_819 = vector.broadcast %get3A_818 : vector<1x128xf32> to vector<128x128xf32>
    %gt3A_820 = vector.broadcast %get3A_1 : vector<128x1xf32> to vector<128x128xf32>
    %gt3A_821 = arith.cmpf ogt, %gt3A_819, %gt3A_820 : vector<128x128xf32>
    %convert_element_type3A_822 = arith.extui %gt3A_821 : vector<128x128xi1> to vector<128x128xi32>
    %convert_element_type3A_823 = arith.sitofp %convert_element_type3A_822 : vector<128x128xi32> to vector<128x128xf32>
    %add3A_824 = arith.addf %add3A_813, %convert_element_type3A_823 : vector<128x128xf32>
    %get3A_825 = arith.constant 75 : index
    %get3A_826 = arith.constant 0 : index
    %get3A_827 = arith.constant 0 : index
    %get3A_828 = vector.load %arg2[%get3A_825, %get3A_826, %get3A_827] : memref<79x1x128xf32, #tpu.memory_space<vmem>>, vector<1x1x128xf32>
    %get3A_829 = vector.shape_cast %get3A_828 : vector<1x1x128xf32> to vector<1x128xf32>
    %gt3A_830 = vector.broadcast %get3A_829 : vector<1x128xf32> to vector<128x128xf32>
    %gt3A_831 = vector.broadcast %get3A_1 : vector<128x1xf32> to vector<128x128xf32>
    %gt3A_832 = arith.cmpf ogt, %gt3A_830, %gt3A_831 : vector<128x128xf32>
    %convert_element_type3A_833 = arith.extui %gt3A_832 : vector<128x128xi1> to vector<128x128xi32>
    %convert_element_type3A_834 = arith.sitofp %convert_element_type3A_833 : vector<128x128xi32> to vector<128x128xf32>
    %add3A_835 = arith.addf %add3A_824, %convert_element_type3A_834 : vector<128x128xf32>
    %get3A_836 = arith.constant 76 : index
    %get3A_837 = arith.constant 0 : index
    %get3A_838 = arith.constant 0 : index
    %get3A_839 = vector.load %arg2[%get3A_836, %get3A_837, %get3A_838] : memref<79x1x128xf32, #tpu.memory_space<vmem>>, vector<1x1x128xf32>
    %get3A_840 = vector.shape_cast %get3A_839 : vector<1x1x128xf32> to vector<1x128xf32>
    %gt3A_841 = vector.broadcast %get3A_840 : vector<1x128xf32> to vector<128x128xf32>
    %gt3A_842 = vector.broadcast %get3A_1 : vector<128x1xf32> to vector<128x128xf32>
    %gt3A_843 = arith.cmpf ogt, %gt3A_841, %gt3A_842 : vector<128x128xf32>
    %convert_element_type3A_844 = arith.extui %gt3A_843 : vector<128x128xi1> to vector<128x128xi32>
    %convert_element_type3A_845 = arith.sitofp %convert_element_type3A_844 : vector<128x128xi32> to vector<128x128xf32>
    %add3A_846 = arith.addf %add3A_835, %convert_element_type3A_845 : vector<128x128xf32>
    %get3A_847 = arith.constant 77 : index
    %get3A_848 = arith.constant 0 : index
    %get3A_849 = arith.constant 0 : index
    %get3A_850 = vector.load %arg2[%get3A_847, %get3A_848, %get3A_849] : memref<79x1x128xf32, #tpu.memory_space<vmem>>, vector<1x1x128xf32>
    %get3A_851 = vector.shape_cast %get3A_850 : vector<1x1x128xf32> to vector<1x128xf32>
    %gt3A_852 = vector.broadcast %get3A_851 : vector<1x128xf32> to vector<128x128xf32>
    %gt3A_853 = vector.broadcast %get3A_1 : vector<128x1xf32> to vector<128x128xf32>
    %gt3A_854 = arith.cmpf ogt, %gt3A_852, %gt3A_853 : vector<128x128xf32>
    %convert_element_type3A_855 = arith.extui %gt3A_854 : vector<128x128xi1> to vector<128x128xi32>
    %convert_element_type3A_856 = arith.sitofp %convert_element_type3A_855 : vector<128x128xi32> to vector<128x128xf32>
    %add3A_857 = arith.addf %add3A_846, %convert_element_type3A_856 : vector<128x128xf32>
    %get3A_858 = arith.constant 78 : index
    %get3A_859 = arith.constant 0 : index
    %get3A_860 = arith.constant 0 : index
    %get3A_861 = vector.load %arg2[%get3A_858, %get3A_859, %get3A_860] : memref<79x1x128xf32, #tpu.memory_space<vmem>>, vector<1x1x128xf32>
    %get3A_862 = vector.shape_cast %get3A_861 : vector<1x1x128xf32> to vector<1x128xf32>
    %gt3A_863 = vector.broadcast %get3A_862 : vector<1x128xf32> to vector<128x128xf32>
    %gt3A_864 = vector.broadcast %get3A_1 : vector<128x1xf32> to vector<128x128xf32>
    %gt3A_865 = arith.cmpf ogt, %gt3A_863, %gt3A_864 : vector<128x128xf32>
    %convert_element_type3A_866 = arith.extui %gt3A_865 : vector<128x128xi1> to vector<128x128xi32>
    %convert_element_type3A_867 = arith.sitofp %convert_element_type3A_866 : vector<128x128xi32> to vector<128x128xf32>
    %add3A_868 = arith.addf %add3A_857, %convert_element_type3A_867 : vector<128x128xf32>
    %while3A = arith.constant 0 : i32
    %while3A_869 = arith.subi %arg0, %while3A : i32
    %while3A_870 = arith.addi %while3A, %while3A_869 : i32
    %while3A_871 = arith.constant 1 : i32
    %while3A_872 = arith.divsi %while3A_869, %while3A_871 : i32
    %while3A_873 = arith.muli %while3A_872, %while3A_871 : i32
    %while3A_874 = arith.addi %while3A, %while3A_873 : i32
    %while3A_875 = arith.constant 1 : i32
    %while3A_876 = scf.for %while3A_895 = %while3A to %while3A_874 step %while3A_875 iter_args(%while3A_896 = %add3A_868) -> (vector<128x128xf32>)  : i32 {
      %get3A_897 = arith.index_cast %while3A_895 : i32 to index
      %get3A_898 = arith.constant 0 : index
      %get3A_899 = arith.constant 0 : index
      %get3A_900 = vector.load %arg2[%get3A_897, %get3A_898, %get3A_899] : memref<79x1x128xf32, #tpu.memory_space<vmem>>, vector<1x1x128xf32>
      %reshape3A_901 = vector.shape_cast %get3A_900 : vector<1x1x128xf32> to vector<1x128xf32>
      %eq3A_902 = vector.broadcast %reshape3A_901 : vector<1x128xf32> to vector<128x128xf32>
      %eq3A_903 = vector.broadcast %get3A_1 : vector<128x1xf32> to vector<128x128xf32>
      %eq3A_904 = arith.cmpf oeq, %eq3A_902, %eq3A_903 : vector<128x128xf32>
      %convert_element_type3A_905 = arith.extui %eq3A_904 : vector<128x128xi1> to vector<128x128xi32>
      %convert_element_type3A_906 = arith.sitofp %convert_element_type3A_905 : vector<128x128xi32> to vector<128x128xf32>
      %add3A_907 = arith.addf %while3A_896, %convert_element_type3A_906 : vector<128x128xf32>
      scf.yield %add3A_907 : vector<128x128xf32>
    }
    %while3A_877 = arith.constant 1 : i32
    %while3A_878 = scf.for %while3A_895 = %while3A_874 to %while3A_870 step %while3A_877 iter_args(%while3A_896 = %while3A_876) -> (vector<128x128xf32>)  : i32 {
      %get3A_897 = arith.index_cast %while3A_895 : i32 to index
      %get3A_898 = arith.constant 0 : index
      %get3A_899 = arith.constant 0 : index
      %get3A_900 = vector.load %arg2[%get3A_897, %get3A_898, %get3A_899] : memref<79x1x128xf32, #tpu.memory_space<vmem>>, vector<1x1x128xf32>
      %reshape3A_901 = vector.shape_cast %get3A_900 : vector<1x1x128xf32> to vector<1x128xf32>
      %eq3A_902 = vector.broadcast %reshape3A_901 : vector<1x128xf32> to vector<128x128xf32>
      %eq3A_903 = vector.broadcast %get3A_1 : vector<128x1xf32> to vector<128x128xf32>
      %eq3A_904 = arith.cmpf oeq, %eq3A_902, %eq3A_903 : vector<128x128xf32>
      %convert_element_type3A_905 = arith.extui %eq3A_904 : vector<128x128xi1> to vector<128x128xi32>
      %convert_element_type3A_906 = arith.sitofp %convert_element_type3A_905 : vector<128x128xi32> to vector<128x128xf32>
      %add3A_907 = arith.addf %while3A_896, %convert_element_type3A_906 : vector<128x128xf32>
      scf.yield %add3A_907 : vector<128x128xf32>
    }
    %get3A_879 = arith.index_cast %arg0 : i32 to index
    %get3A_880 = arith.constant 0 : index
    %get3A_881 = arith.constant 0 : index
    %get3A_882 = vector.load %arg2[%get3A_879, %get3A_880, %get3A_881] : memref<79x1x128xf32, #tpu.memory_space<vmem>>, vector<1x1x128xf32>
    %reshape3A = vector.shape_cast %get3A_882 : vector<1x1x128xf32> to vector<1x128xf32>
    %iota3A = tpu.iota {dimensions = array<i32: 1>} : vector<128x128xi32>
    %iota3A_883 = tpu.iota {dimensions = array<i32: 0>} : vector<128x128xi32>
    %lt3A = arith.cmpi slt, %iota3A, %iota3A_883 : vector<128x128xi32>
    %eq3A = vector.broadcast %reshape3A : vector<1x128xf32> to vector<128x128xf32>
    %eq3A_884 = vector.broadcast %get3A_1 : vector<128x1xf32> to vector<128x128xf32>
    %eq3A_885 = arith.cmpf oeq, %eq3A, %eq3A_884 : vector<128x128xf32>
    %and3A = arith.andi %lt3A, %eq3A_885 : vector<128x128xi1>
    %jit3A = arith.constant 1.000000e+00 : f32
    %jit3A_886 = arith.constant 0.000000e+00 : f32
    %broadcast_in_dim3A_887 = vector.broadcast %jit3A : f32 to vector<128x128xf32>
    %broadcast_in_dim3A_888 = vector.broadcast %jit3A_886 : f32 to vector<128x128xf32>
    %select_n3A = arith.select %and3A, %broadcast_in_dim3A_887, %broadcast_in_dim3A_888 : vector<128x128xi1>, vector<128x128xf32>
    %add3A_889 = arith.addf %while3A_878, %select_n3A : vector<128x128xf32>
    %reduce_sum3A = arith.constant dense<0.000000e+00> : vector<128xf32>
    %reduce_sum3A_890 = vector.multi_reduction <add>, %add3A_889, %reduce_sum3A [1] : vector<128x128xf32> to vector<128xf32>
    %broadcast_in_dim3A_891 = vector.shape_cast %reduce_sum3A_890 : vector<128xf32> to vector<128x1xf32>
    %convert_element_type3A_892 = arith.fptosi %broadcast_in_dim3A_891 : vector<128x1xf32> to vector<128x1xi32>
    %swap3A = arith.constant 0 : index
    %swap3A_893 = arith.constant 0 : index
    %swap3A_894 = vector.load %arg3[%swap3A, %swap3A_893] : memref<128x1xi32, #tpu.memory_space<vmem>>, vector<128x1xi32>
    tpu.vector_store %arg3[%swap3A, %swap3A_893], %convert_element_type3A_892 {strides = array<i32>} : memref<128x1xi32, #tpu.memory_space<vmem>>, vector<128x1xi32>,
    return
  }
  func.func @transform_0(%arg0: i32) -> (i32, i32) {
    %c0_i32 = arith.constant 0 : i32
    %c0_i32_0 = arith.constant 0 : i32
    return %arg0, %c0_i32 : i32, i32
  }
  func.func @transform_1(%arg0: i32) -> (i32, i32, i32) {
    %c0_i32 = arith.constant 0 : i32
    %c0_i32_0 = arith.constant 0 : i32
    %c0_i32_1 = arith.constant 0 : i32
    %c0_i32_2 = arith.constant 0 : i32
    return %c0_i32, %c0_i32_0, %c0_i32_1 : i32, i32, i32
  }
  func.func @transform_2(%arg0: i32) -> (i32, i32) {
    %c0_i32 = arith.constant 0 : i32
    %c0_i32_0 = arith.constant 0 : i32
    return %arg0, %c0_i32 : i32, i32
  }
}

</mosaic_0001>

<sc_bundles>
// kernel: kernel.4.cloned.1.call-start
scs
__scs_entry_jumppad:
0x0: {  	(pc) =	sbr.rel $0x88, $3  }
0x1: {  	(tag) =	ssettag $0x0;
	lr =	simm.s32 $0x1  }
0x2: {  	[smem:$0x3F9D] =	sst lr;
	_ =	strace $0xD0000000  }
0x3: {  	_ = 	snop  }
0x4: {  	_ = 	snop  }
0x5: {  	_ = 	snop  }
0x6: {  	_ = 	snop  }
0x7: {  	_ = 	snop  }
__scs_overlays_trampoline_lowered:
0x8: {  	[smem:$0x3FAC] =	sst s0  }
0x9: {  	[smem:$0x3FAD] =	sst s1  }
0xa: {  	[smem:$0x3FAE] =	sst s2  }
0xb: {  	[smem:$0x3FAF] =	sst s3  }
0xc: {  	[smem:$0x3FB0] =	sst s4  }
0xd: {  	[smem:$0x3FB1] =	sst s5  }
0xe: {  	[smem:$0x3FB2] =	sst s6  }
0xf: {  	[smem:$0x3FB3] =	sst s7  }
0x10: {  	[smem:$0x3FB4] =	sst s8  }
0x11: {  	[smem:$0x3FB5] =	sst s9;
	s0 =	simm.s32 @!p0 $0x0  }
0x12: {  	s1 =	sld [smem:$0x3F9B];
	s0 =	simm.s32 @p0 $0x1  }
0x13: {  	[smem:$0x3FB6] =	sst s0;
	s0 =	simm.s32 @!p1 $0x0  }
0x14: {  	s2 =	sld [smem:$0x3F9A];
	s0 =	simm.s32 @p1 $0x1  }
0x15: {  	[smem:$0x3FB7] =	sst s0;
	s0 =	simm.s32 @!p2 $0x0  }
0x16: {  	s3 =	sld [smem:$0x3FDB];
	s0 =	simm.s32 @p2 $0x1  }
0x17: {  	s4 =	simm.s32 $0x1BF5;
	[smem:$0x3FB9] =	sst s0  }
0x18: {  	s0 =	sld [smem:$0x3F9C];
	_ =	swait.ge [sflag:s4], $0x0  }
0x19: {  	s7 =	sld [smem:$0x3F9D]  }
0x1a: {  	s8 =	sadd.s32 $0xFFFFE003, lr  }
0x1b: {  	s9 =	sadd.s32 $0xFFFFFEF7, lr;
	s5 =	simm.s32 $0xFFFFFFFF;
	p2 =	slt.u32 s8, $0xFFFFF086  }
0x1c: {  	p1 =	slt.u32 s9, $0xF7A;
	s5 =	simm.s32 @!p2 $0x0  }
0x1d: {  	s5 =	simm.s32 @p1 $0x1;
	p0 =	seq.s32 s7, s2  }
0x1e: {  	s7 =	smul.u32 @!p0 $0xF7A, s2;
	p2 =	seq.s32 @!p0 s5, $0x0  }
0x1f: {  	s9 =	smul.u32 $0xF7A, s1;
	s8 =	simm.s32 @!p0 $0x1BF5;
	p2 =	por !p2, p0  }
0x20: {  	[sflag:s8] =	ssyncset.s32 @!p0 $0xFFFFF086;
	s6 =	sadd.s32 @!p0 s3, s7;
	s7 =	simm.s32 @!p0 $0x108  }
0x21: {  	s3 =	sadd.s32 s3, s9;
	s6 =	sadd.s32 @!p0 $0x88, s6;
	s7 =	simm.s32 @p2 $0x1082  }
0x22: {  	[simem:s7], [sflag:s8] =	dma.local @!p0 [hbm:s6], $0xF7A  }
0x23: {  	s9 =	sor.u32 $0xD0000000, s2;
	s6 =	simm.s32 $0x108;
	_ =	swait.ge @!p0 [sflag:s8], $0x0  }
0x24: {  	s3 =	sadd.s32 $0x88, s3;
	s6 =	simm.s32 @!p1 $0x1082;
	[sflag:s4] =	ssyncset.s32 $0xFFFFF086  }
0x25: {  	[simem:s6], [sflag:s4] =	dma.local [hbm:s3], $0xF7A  }
0x26: {  	[smem:$0x3F9D] =	sst s1;
	(tag) =	ssettag s2;
	_ =	strace s9  }
0x27: {  	s1 =	sld [smem:$0x3FAD]  }
0x28: {  	s2 =	sld [smem:$0x3FAE]  }
0x29: {  	s4 =	sld [smem:$0x3FB0]  }
0x2a: {  	p0 =	seq.s32 s5, $0x0;
	s5 =	sld [smem:$0x3FB1]  }
0x2b: {  	s6 =	sld [smem:$0x3FB2]  }
0x2c: {  	s7 =	sld [smem:$0x3FB3]  }
0x2d: {  	s3 =	simm.s32 $0x108;
	s8 =	sld [smem:$0x3FB4]  }
0x2e: {  	s3 =	simm.s32 @!p0 $0x1082;
	s9 =	sld [smem:$0x3FB5]  }
0x2f: {  	lr =	sadd.s32 s0, s3;
	s0 =	sld [smem:$0x3FAC]  }
0x30: {  	s3 =	sld [smem:$0x3FAF]  }
0x31: {  	[smem:$0x3FB8] =	sst s10  }
0x32: {  	s10 =	sld [smem:$0x3FB6];
	_ =	sdelay $0x3  }
0x33: {  	p0 =	seq.s32 s10, $0x1;
	s10 =	sld [smem:$0x3FB8];
	_ =	sdelay $0x3  }
0x34: {  	[smem:$0x3FB8] =	sst s10  }
0x35: {  	s10 =	sld [smem:$0x3FB7];
	_ =	sdelay $0x3  }
0x36: {  	p1 =	seq.s32 s10, $0x1;
	s10 =	sld [smem:$0x3FB8];
	_ =	sdelay $0x3  }
0x37: {  	[smem:$0x3FB8] =	sst s10  }
0x38: {  	s10 =	sld [smem:$0x3FB9]  }
0x39: {  	_ = 	snop;
	(pc) =	sbr.ind lr, $3  }
0x3a: {  	_ = 	snop  }
0x3b: {  	_ = 	snop  }
0x3c: {  	p2 =	seq.s32 s10, $0x1;
	s10 =	sld [smem:$0x3FB8]  }
0x3d: {  	_ =	shalt  }
0x3e: {  	_ =	shalt  }
0x3f: {  	_ =	shalt  }
0x40: {  	_ =	shalt  }
0x41: {  	_ =	shalt  }
0x42: {  	_ =	shalt  }
0x43: {  	_ =	shalt  }
0x44: {  	_ =	shalt  }
0x45: {  	_ =	shalt  }
0x46: {  	_ =	shalt  }
0x47: {  	_ =	shalt  }
0x48: {  	_ =	shalt  }
0x49: {  	_ =	shalt  }
0x4a: {  	_ =	shalt  }
0x4b: {  	_ =	shalt  }
0x4c: {  	_ =	shalt  }
0x4d: {  	_ =	shalt  }
0x4e: {  	_ =	shalt  }
0x4f: {  	_ =	shalt  }
0x50: {  	_ =	shalt  }
0x51: {  	_ =	shalt  }
0x52: {  	_ =	shalt  }
0x53: {  	_ =	shalt  }
0x54: {  	_ =	shalt  }
0x55: {  	_ =	shalt  }
0x56: {  	_ =	shalt  }
0x57: {  	_ =	shalt  }
0x58: {  	_ =	shalt  }
0x59: {  	_ =	shalt  }
0x5a: {  	_ =	shalt  }
0x5b: {  	_ =	shalt  }
0x5c: {  	_ =	shalt  }
0x5d: {  	_ =	shalt  }
0x5e: {  	_ =	shalt  }
0x5f: {  	_ =	shalt  }
0x60: {  	_ =	shalt  }
0x61: {  	_ =	shalt  }
0x62: {  	_ =	shalt  }
0x63: {  	_ =	shalt  }
0x64: {  	_ =	shalt  }
0x65: {  	_ =	shalt  }
0x66: {  	_ =	shalt  }
0x67: {  	_ =	shalt  }
0x68: {  	_ =	shalt  }
0x69: {  	_ =	shalt  }
0x6a: {  	_ =	shalt  }
0x6b: {  	_ =	shalt  }
0x6c: {  	_ =	shalt  }
0x6d: {  	_ =	shalt  }
0x6e: {  	_ =	shalt  }
0x6f: {  	_ =	shalt  }
0x70: {  	_ =	shalt  }
0x71: {  	_ =	shalt  }
0x72: {  	_ =	shalt  }
0x73: {  	_ =	shalt  }
0x74: {  	_ =	shalt  }
0x75: {  	_ =	shalt  }
0x76: {  	_ =	shalt  }
0x77: {  	_ =	shalt  }
0x78: {  	_ =	shalt  }
0x79: {  	_ =	shalt  }
0x7a: {  	_ =	shalt  }
0x7b: {  	_ =	shalt  }
0x7c: {  	_ =	shalt  }
0x7d: {  	_ =	shalt  }
0x7e: {  	_ =	shalt  }
0x7f: {  	_ =	shalt  }
0x80: {  	_ =	shalt  }
0x81: {  	_ =	shalt  }
0x82: {  	_ =	shalt  }
0x83: {  	_ =	shalt  }
0x84: {  	_ =	shalt  }
0x85: {  	_ =	shalt  }
0x86: {  	_ =	shalt  }
0x87: {  	_ =	shalt  }
.Lfunc_end0:
.L_simem_size_0:
called_computation_lowered:
.L_overlay_start_0:
0x88: {  	s2 =	sld [smem:$0x3FD9]  }
0x89: {  	s3 =	sld [smem:$0x3FFE];
	_ =	sdelay $0x1  }
0x8a: {  	s1 =	srdreg.scid  }
0x8b: {  	s0 =	sand.u32 $0x1, s1  }
0x8c: {  	s14 =	sshll.u32 s0, $0xA;
	s2 =	sadd.s32 s3, s2  }
0x8d: {  	s2 =	sadd.s32 s2, s14  }
0x8e: {  	[smem:$0x3FC4] =	sst s2  }
0x8f: {  	_ = 	snop  }
0x90: {  	s2 =	sld [smem:$0x3FD0];
	_ =	sdelay $0x1  }
0x91: {  	s15 =	sld [smem:$0x3FC9]  }
0x92: {  	s5 =	simm.s32 $0xA;
	s6 =	simm.s32 $0x10;
	s4 =	sld [smem:$0x3FC8]  }
0x93: {  	[smem:s6], [sflag:s5] =	dma.local [hbm:s2], $0x1  }
0x94: {  	_ =	swait.eq [sflag:s5], $0x1  }
0x95: {  	s16 =	sld [smem:$0x10];
	[sflag:s5] =	ssyncset.done $0x0  }
0x96: {  	s17 =	sld [smem:$0x11];
	[sflag:s5] =	ssyncadd.s32 $0xFFFFFFFF  }
0x97: {  	s18 =	sld [smem:$0x12];
	(tm) =	ssettm $0x1  }
0x98: {  	s7 =	sld [smem:$0x3FFB];
	_ =	sdelay $0x3  }
0x99: {  	_ =	strace s7  }
0x9a: {  	s7 =	sld [smem:$0x3FFC];
	_ =	sdelay $0x3  }
0x9b: {  	_ =	strace s7  }
0x9c: {  	s7 =	sld [smem:$0x3FFD];
	_ =	sdelay $0x3  }
0x9d: {  	_ =	strace s7  }
0x9e: {  	_ =	strace $0x8FFFFFFF  }
0x9f: {  	s19 =	sld [smem:$0x3FDB];
	_ =	sdelay $0x1  }
0xa0: {  	s8 =	simm.s32 $_scs_section_size  }
0xa1: {  	s9 =	simm.s32 $_size__tile_overlayer_lowered;
	s10 =	simm.s32 $_tile_overlayer_lowered  }
0xa2: {  	s22 =	simm.s32 $0x1BFF;
	s21 =	sshll.u32 s10, $0x1;
	s7 =	sadd.s32 s8, s19  }
0xa3: {  	s11 =	simm.s32 $0x0;
	s20 =	sshll.u32 s9, $0x1;
	s9 =	sadd.s32 s21, s7  }
0xa4: {  	[timem:s11], [sflag:s22] =	dma.local [hbm:s9], s20  }
0xa5: {  	_ =	swait.ge [sflag:s22], s20  }
0xa6: {  	s8 =	ssub.s32 $0x0, s20;
	[sflag:s22] =	ssyncset.done $0x0  }
0xa7: {  	[sflag:s22] =	ssyncadd.s32 s8;
	_ =	sdelay $0x1  }
0xa8: {  	s23 =	simm.s32 $0x1B8B  }
0xa9: {  	_ =	swait.ge [sflag:s23], $0x1  }
0xaa: {  	[sflag:s23] =	ssyncset.done $0x0  }
0xab: {  	s25 =	simm.s32 $0x1B8E;
	s24 =	sld [smem:$0x3FFE];
	[sflag:s23] =	ssyncadd.s32 $0xFFFFFFFF  }
0xac: {  	s26 =	simm.s32 $execute0_lowered;
	[smem:$0x3FD2] =	sst s25  }
0xad: {  	s9 =	sshll.u32 s26, $0x1;
	_ =	strace $0x80000046;
	[dreg:$0x1] =	wrdreg $0xFFFFFFFF  }
0xae: {  	s28 =	simm.s32 $_size_execute0_lowered;
	s7 =	sadd.s32 s7, s9;
	[dreg:$0x0] =	wrdreg $0x0  }
0xaf: {  	s9 =	sshll.u32 s28, $0x1;
	[dreg:$0x2] =	wrdreg s7  }
0xb0: {  	[dreg:$0x3] =	wrdreg s9  }
0xb1: {  	[dreg:$0x4] =	wrdreg $0xC0  }
0xb2: {  	_ =	task [dreg:s11], $0x5FFFF  }
0xb3: {  	[dreg:$0x1] =	wrdreg $0xFFFFFFFF  }
0xb4: {  	[dreg:$0x0] =	wrdreg $0x60  }
0xb5: {  	[dreg:$0x2] =	wrdreg s15  }
0xb6: {  	[dreg:$0x3] =	wrdreg s4  }
0xb7: {  	[dreg:$0x4] =	wrdreg s24  }
0xb8: {  	[dreg:$0x5] =	wrdreg s16  }
0xb9: {  	[dreg:$0x6] =	wrdreg s17  }
0xba: {  	[dreg:$0x7] =	wrdreg s18  }
0xbb: {  	[dreg:$0x8] =	wrdreg $0x9  }
0xbc: {  	_ =	task.clear_ibuf [dreg:s11], $0x9FFFF;
	_ =	strace $0x90000046  }
0xbd: {  	s29 =	simm.s32 $0x9;
	_ =	strace $0x80000048  }
0xbe: {  	_ =	swait.ge [sflag:s29], $0x1  }
0xbf: {  	[sflag:s29] =	ssyncadd.s32 $0xFFFFFFFF  }
0xc0: {  	_ =	strace $0x90000048  }
0xc1: {  	_ =	sfence  }
0xc2: {  	s30 =	sld [smem:$0x0];
	_ =	sdelay $0x2  }
0xc3: {  	s31 =	sshll.u32 s1, $0xD;
	s1 =	sshrl.u32 s1, $0x2  }
0xc4: {  	s3 =	sand.u32 $0x4000, s31;
	s1 =	sadd.s32 s1, s30  }
0xc5: {  	s0 =	sor.u32 s3, s0;
	s1 =	sshll.u32 s1, $0x11  }
0xc6: {  	s0 =	sor.u32 s1, s0  }
0xc7: {  	s0 =	sadd.s32 $0x8F2B, s0  }
0xc8: {  	[sflag:s0] =	ssyncadd.remote.s32 $0x1  }
0xc9: {  	_ =	sfence.sel $0xFFFF  }
0xca: {  	[dreg:$0x0] =	wrdreg $0xFFFFFFFF;
	(pc) =	sbr.abs _section_cstart, $3  }
0xcb: {  	[dreg:$0x1] =	wrdreg $0xFFFFFFFF  }
0xcc: {  	_ =	task.clear_ibuf [dreg:s11], $0x2FFFF;
	_ =	strace $0x9FFFFFFF  }
0xcd: {  	(tm) =	ssettm $0x7FFFFFFF  }
tec
execute0_lowered:
.L_overlay_start_1:
0x0: {  	(tag) =	ssettag $0x1  }
0x1: {  	s0 =	rddreg [dreg:$0x0]  }
0x2: {  	s2 =	rddreg [dreg:$0x1]  }
0x3: {  	s6 =	rddreg [dreg:$0x2]  }
0x4: {  	s8 =	rddreg [dreg:$0x3]  }
0x5: {  	s9 =	rddreg [dreg:$0x4];
	s1 =	srdreg.scid;
	s7 =	simm.s32 $0x0  }
0x6: {  	s5 =	stileid.u32;
	s17 =	simm.s32 $0x14;
	s15 =	simm.s32 $0x6  }
0x7: {  	s28 =	simm.s32 $0x4;
	s30 =	simm.s32 $0x1;
	s31 =	simm.s32 $0x3  }
0x8: {  	s11 =	simm.s32 $0x2;
	s12 =	simm.s32 $0x5;
	s13 =	simm.s32 $0x10180  }
0x9: {  	s1 =	sand.u32 $0x1, s1;
	[smem:$0x7FF] =	sst s7;
	s10 =	sadd.s32 $0x600, s6  }
0xa: {  	v0 =	vimm.s32 $0x4E07;
	vm5 =	vcmask $0x300;
	vm2 =	vcmask $0x704;
	s21 =	sadd.s32 $0x73C, s6;
	_ =	strace $0x80000047;
	[dreg:$0x7] =	wrdreg s10  }
0xb: {  	vm7 =	vcmask $0xB08;
	vm6 =	vcmask $0xF0C;
	vm3 =	vcmask $0x1310;
	s5 =	sshll.u32 s5, $0x1;
	s22 =	sadd.s32 $0x13C, s6;
	[dreg:$0x8] =	wrdreg s21  }
0xc: {  	vm1 =	vcmask $0x1714;
	vm4 =	vcmask $0x1B18;
	vm0 =	vmmov $0xff;
	s24 =	sadd.s32 $0x878, s6;
	s25 =	sadd.s32 $0x278, s6;
	[dreg:$0x9] =	wrdreg s22  }
0xd: {  	v2 =	vimm.s32 $0x4E87;
	v3 =	vimm.s32 $0x4F07;
	v4 =	vimm.s32 $0x4F87;
	s29 =	sadd.s32 $0x9B4, s6;
	s6 =	sadd.s32 $0x3B4, s6;
	[dreg:$0xa] =	wrdreg s24  }
0xe: {  	v5 =	vimm.f32 $1.000000000e+00;
	v0 =	vsel vm5, $0x4E00, v0;
	s20 =	sadd.s32 $0x40, s8;
	v2 =	vsel vm5, $0x4E80, v2;
	s8 =	simm.s32 $0x6380;
	[dreg:$0xb] =	wrdreg s25  }
0xf: {  	v3 =	vsel vm5, $0x4F00, v3;
	v4 =	vsel vm5, $0x4F80, v4;
	s3 =	ssub.s32 $0x2, s1;
	v0 =	vsel vm2, $0x4E01, v0;
	s1 =	sor.u32 s1, s5;
	[dreg:$0xc] =	wrdreg s29  }
0x10: {  	[dreg:$0xd] =	wrdreg s6;
	s21 =	sadd.s32 $0x40, s9;
	v2 =	vsel vm2, $0x4E81, v2;
	s24 =	simm.s32 $0x1400;
	v3 =	vsel vm2, $0x4F01, v3;
	v4 =	vsel vm2, $0x4F81, v4  }
0x11: {  	s25 =	simm.s32 $0x4F80;
	s6 =	simm.s32 $0x19F80;
	s9 =	simm.s32 $0x400;
	v0 =	vsel vm7, $0x4E02, v0;
	v2 =	vsel vm7, $0x4E82, v2;
	v3 =	vsel vm7, $0x4F02, v3  }
0x12: {  	s10 =	simm.s32 $0x1F380;
	s4 =	sshrl.u32 s3, $0x1;
	s23 =	smul.u32 $0x13, s1;
	v4 =	vsel vm7, $0x4F82, v4;
	v0 =	vsel vm6, $0x4E03, v0;
	v2 =	vsel vm6, $0x4E83, v2  }
0x13: {  	s26 =	smin.u32 s1, $0x11;
	p0 =	slt.u32 s1, $0x11;
	s3 =	ssub.s32 s3, s4;
	v3 =	vsel vm6, $0x4F03, v3;
	v4 =	vsel vm6, $0x4F83, v4;
	v1 =	vsel vm3, $0x4E04, v0  }
0x14: {  	s17 =	simm.s32 @!p0 $0x13;
	s16 =	sadd.s32 s26, s23;
	v0 =	vlaneseq.u32;
	s3 =	smax.u32 s3, $0x1;
	v2 =	vsel vm3, $0x4E84, v2;
	v3 =	vsel vm3, $0x4F04, v3  }
0x15: {  	p0 =	sne.s32 s1, $0x0;
	v4 =	vsel vm3, $0x4F84, v4;
	v1 =	vsel vm1, $0x4E05, v1;
	s4 =	sshll.u32 s16, $0x4;
	[dreg:$0x10] =	wrdreg s3;
	v2 =	vsel vm1, $0x4E85, v2  }
0x16: {  	s26 =	simm.s32 $0x2800;
	v3 =	vsel vm1, $0x4F05, v3;
	v4 =	vsel vm1, $0x4F85, v4;
	v1 =	vsel vm4, $0x4E06, v1;
	[dreg:$0xe] =	wrdreg s4;
	s4 =	sadd.s32 $0x2800, s4  }
0x17: {  	s3 =	simm.s32 $0x200;
	v2 =	vsel vm4, $0x4E86, v2;
	v3 =	vsel vm4, $0x4F06, v3;
	v4 =	vsel vm4, $0x4F86, v4;
	[dreg:$0xf] =	wrdreg s4;
	s4 =	simm.s32 $0x0  }
.LBB2_1:
0x18: {  	[dreg:$0x11] =	wrdreg s4  }
0x19: {  	s1 =	rddreg [dreg:$0x7]  }
0x1a: {  	[tilespmem:s7], [sflag:$0x6] =	stream.linear.gather [hbm4b:s1+s7], $0x9E0, $0x38;
	[tilespmem:$0x1F580] =	vst v63  }
0x1b: {  	_ =	swait.ge [sflag:s15], $0x9E0  }
0x1c: {  	[sflag:s15] =	ssyncset.done $0x0  }
0x1d: {  	[sflag:s15] =	ssyncadd.s32 $0xFFFFF620  }
0x1e: {  	s4 =	simm.s32 $0xA00;
	s29 =	rddreg [dreg:$0x2]  }
0x1f: {  	[tilespmem:s4], [sflag:$0x6] =	stream.linear.gather [hbm4b:s29+s7], $0x9E0, $0x38;
	[tilespmem:$0x1F580] =	vst v63  }
0x20: {  	_ =	swait.ge [sflag:s15], $0x9E0  }
0x21: {  	[sflag:s15] =	ssyncset.done $0x0  }
0x22: {  	[sflag:s15] =	ssyncadd.s32 $0xFFFFF620  }
0x23: {  	v8 =	vld [tilespmem:s7+$0x0];
	_ =	sdelay $0x4  }
0x24: {  	vm1 =	vlt.s32 v8, $0x1388;
	_ =	sdelay $0x1  }
0x25: {  	v9 =	vld [tilespmem:s4+$0x0];
	v6 =	vand.u32 $0xFFFFFFFC, v8  }
0x26: {  	v6 =	vadd.s32 v8, v6;
	_ =	sdelay $0x1  }
0x27: {  	v7 =	vor.u32 s7, v0  }
0x28: {  	[tilespmem:v8+s24+$0x0] =	vst.idx.msk vm1, v7  }
0x29: {  	s5 =	simm.s32 $0x10;
	s14 =	simm.s32 $0x0;
	[tilespmem:v8+s25+$0x0] =	vst.idx.msk vm1, v9  }
.LBB2_2:
0x2a: {  	p1 =	sne.s32 s5, $0x9D0;
	[tilespmem:v6+s26+$0x0] =	vst.idx.msk vm1, v7;
	s14 =	sadd.s32 $0x10, s14;
	s4 =	sadd.s32 $0x10, s4  }
0x2b: {  	s1 =	smov.u32 s5;
	s5 =	sadd.s32 $0x10, s5;
	v8 =	vld [tilespmem:s14+$0x0];
	_ =	sdelay $0x4  }
0x2c: {  	vm1 =	vlt.s32 v8, $0x1388;
	v6 =	vand.u32 $0xFFFFFFFC, v8  }
0x2d: {  	v6 =	vadd.s32 v8, v6  }
0x2e: {  	v9 =	vld [tilespmem:s4+$0x0]  }
.Ltmp0:
0x2f: {  	(pc) =	sbr.rel @p1 .LBB2_2-.Ltmp0, $4  }
0x30: {  	_ = 	snop  }
0x31: {  	v7 =	vor.u32 s1, v0  }
0x32: {  	[tilespmem:v8+s24+$0x0] =	vst.idx.msk vm1, v7  }
0x33: {  	[tilespmem:v8+s25+$0x0] =	vst.idx.msk vm1, v9  }
0x34: {  	_ =	sdelay $0x4  }
0x35: {  	[tilespmem:v6+s26+$0x0] =	vst.idx.msk vm1, v7;
	s4 =	simm.s32 $0x0;
	s1 =	rddreg [dreg:$0x8]  }
0x36: {  	[tilespmem:s4], [sflag:$0x6] =	stream.linear.gather [hbm4b:s1+s4], $0x9E0, $0x38;
	[tilespmem:$0x1F580] =	vst v63  }
0x37: {  	_ =	swait.ge [sflag:s15], $0x9E0  }
0x38: {  	[sflag:s15] =	ssyncset.done $0x0  }
0x39: {  	s5 =	simm.s32 $0xA00;
	s23 =	rddreg [dreg:$0x9];
	[sflag:s15] =	ssyncadd.s32 $0xFFFFF620  }
0x3a: {  	[tilespmem:s5], [sflag:$0x6] =	stream.linear.gather [hbm4b:s23+s4], $0x9E0, $0x38;
	[tilespmem:$0x1F580] =	vst v63  }
0x3b: {  	_ =	swait.ge [sflag:s15], $0x9E0  }
0x3c: {  	[sflag:s15] =	ssyncset.done $0x0  }
0x3d: {  	[sflag:s15] =	ssyncadd.s32 $0xFFFFF620  }
0x3e: {  	v8 =	vld [tilespmem:s4+$0x0];
	_ =	sdelay $0x4  }
0x3f: {  	vm1 =	vlt.s32 v8, $0x1388;
	_ =	sdelay $0x1  }
0x40: {  	v9 =	vld [tilespmem:s5+$0x0];
	v6 =	vand.u32 $0xFFFFFFFC, v8  }
0x41: {  	v6 =	vadd.s32 v8, v6  }
0x42: {  	s29 =	simm.s32 $0x9E0  }
0x43: {  	v7 =	vor.u32 s29, v0  }
0x44: {  	[tilespmem:v8+s24+$0x0] =	vst.idx.msk vm1, v7  }
0x45: {  	s14 =	simm.s32 $0x9F0;
	[tilespmem:v8+s25+$0x0] =	vst.idx.msk vm1, v9  }
.LBB2_4:
0x46: {  	p1 =	sne.s32 s14, $0x13B0;
	[tilespmem:v6+s26+$0x0] =	vst.idx.msk vm1, v7;
	s4 =	sadd.s32 $0x10, s4;
	s5 =	sadd.s32 $0x10, s5  }
0x47: {  	s1 =	smov.u32 s14;
	s14 =	sadd.s32 $0x10, s14;
	v8 =	vld [tilespmem:s4+$0x0];
	_ =	sdelay $0x4  }
0x48: {  	vm1 =	vlt.s32 v8, $0x1388;
	v6 =	vand.u32 $0xFFFFFFFC, v8  }
0x49: {  	v6 =	vadd.s32 v8, v6  }
0x4a: {  	v9 =	vld [tilespmem:s5+$0x0]  }
.Ltmp1:
0x4b: {  	(pc) =	sbr.rel @p1 .LBB2_4-.Ltmp1, $4  }
0x4c: {  	_ = 	snop  }
0x4d: {  	v7 =	vor.u32 s1, v0  }
0x4e: {  	[tilespmem:v8+s24+$0x0] =	vst.idx.msk vm1, v7  }
0x4f: {  	[tilespmem:v8+s25+$0x0] =	vst.idx.msk vm1, v9  }
0x50: {  	_ =	sdelay $0x4  }
0x51: {  	[tilespmem:v6+s26+$0x0] =	vst.idx.msk vm1, v7;
	s4 =	simm.s32 $0x0;
	s1 =	rddreg [dreg:$0xa]  }
0x52: {  	[tilespmem:s4], [sflag:$0x6] =	stream.linear.gather [hbm4b:s1+s4], $0x9E0, $0x38;
	[tilespmem:$0x1F580] =	vst v63  }
0x53: {  	_ =	swait.ge [sflag:s15], $0x9E0  }
0x54: {  	[sflag:s15] =	ssyncset.done $0x0  }
0x55: {  	s5 =	simm.s32 $0xA00;
	s23 =	rddreg [dreg:$0xb];
	[sflag:s15] =	ssyncadd.s32 $0xFFFFF620  }
0x56: {  	[tilespmem:s5], [sflag:$0x6] =	stream.linear.gather [hbm4b:s23+s4], $0x9E0, $0x38;
	[tilespmem:$0x1F580] =	vst v63  }
0x57: {  	_ =	swait.ge [sflag:s15], $0x9E0  }
0x58: {  	[sflag:s15] =	ssyncset.done $0x0  }
0x59: {  	[sflag:s15] =	ssyncadd.s32 $0xFFFFF620  }
0x5a: {  	v8 =	vld [tilespmem:s4+$0x0];
	_ =	sdelay $0x4  }
0x5b: {  	vm1 =	vlt.s32 v8, $0x1388;
	_ =	sdelay $0x1  }
0x5c: {  	v9 =	vld [tilespmem:s5+$0x0];
	v6 =	vand.u32 $0xFFFFFFFC, v8  }
0x5d: {  	v6 =	vadd.s32 v8, v6  }
0x5e: {  	s29 =	simm.s32 $0x13C0  }
0x5f: {  	v7 =	vor.u32 s29, v0  }
0x60: {  	[tilespmem:v8+s24+$0x0] =	vst.idx.msk vm1, v7  }
0x61: {  	s14 =	simm.s32 $0x13D0;
	[tilespmem:v8+s25+$0x0] =	vst.idx.msk vm1, v9  }
.LBB2_6:
0x62: {  	p1 =	sne.s32 s14, $0x1D90;
	[tilespmem:v6+s26+$0x0] =	vst.idx.msk vm1, v7;
	s4 =	sadd.s32 $0x10, s4;
	s5 =	sadd.s32 $0x10, s5  }
0x63: {  	s1 =	smov.u32 s14;
	s14 =	sadd.s32 $0x10, s14;
	v8 =	vld [tilespmem:s4+$0x0];
	_ =	sdelay $0x4  }
0x64: {  	vm1 =	vlt.s32 v8, $0x1388;
	v6 =	vand.u32 $0xFFFFFFFC, v8  }
0x65: {  	v6 =	vadd.s32 v8, v6  }
0x66: {  	v9 =	vld [tilespmem:s5+$0x0]  }
.Ltmp2:
0x67: {  	(pc) =	sbr.rel @p1 .LBB2_6-.Ltmp2, $4  }
0x68: {  	_ = 	snop  }
0x69: {  	v7 =	vor.u32 s1, v0  }
0x6a: {  	[tilespmem:v8+s24+$0x0] =	vst.idx.msk vm1, v7  }
0x6b: {  	[tilespmem:v8+s25+$0x0] =	vst.idx.msk vm1, v9  }
0x6c: {  	_ =	sdelay $0x4  }
0x6d: {  	[tilespmem:v6+s26+$0x0] =	vst.idx.msk vm1, v7;
	s4 =	simm.s32 $0x0;
	s1 =	rddreg [dreg:$0xc]  }
0x6e: {  	[tilespmem:s4], [sflag:$0x6] =	stream.linear.gather [hbm4b:s1+s4], $0x9E0, $0x38;
	[tilespmem:$0x1F580] =	vst v63  }
0x6f: {  	_ =	swait.ge [sflag:s15], $0x9E0  }
0x70: {  	[sflag:s15] =	ssyncset.done $0x0  }
0x71: {  	s5 =	simm.s32 $0xA00;
	s23 =	rddreg [dreg:$0xd];
	[sflag:s15] =	ssyncadd.s32 $0xFFFFF620  }
0x72: {  	[tilespmem:s5], [sflag:$0x6] =	stream.linear.gather [hbm4b:s23+s4], $0x9E0, $0x38;
	[tilespmem:$0x1F580] =	vst v63  }
0x73: {  	_ =	swait.ge [sflag:s15], $0x9E0  }
0x74: {  	[sflag:s15] =	ssyncset.done $0x0  }
0x75: {  	[sflag:s15] =	ssyncadd.s32 $0xFFFFF620  }
0x76: {  	v8 =	vld [tilespmem:s4+$0x0];
	_ =	sdelay $0x4  }
0x77: {  	vm1 =	vlt.s32 v8, $0x1388;
	_ =	sdelay $0x1  }
0x78: {  	v9 =	vld [tilespmem:s5+$0x0];
	v6 =	vand.u32 $0xFFFFFFFC, v8  }
0x79: {  	v6 =	vadd.s32 v8, v6  }
0x7a: {  	s29 =	simm.s32 $0x1DA0  }
0x7b: {  	v7 =	vor.u32 s29, v0  }
0x7c: {  	[tilespmem:v8+s24+$0x0] =	vst.idx.msk vm1, v7  }
0x7d: {  	s14 =	simm.s32 $0x1DB0;
	[tilespmem:v8+s25+$0x0] =	vst.idx.msk vm1, v9  }
.LBB2_8:
0x7e: {  	p1 =	sne.s32 s14, $0x2770;
	[tilespmem:v6+s26+$0x0] =	vst.idx.msk vm1, v7;
	s4 =	sadd.s32 $0x10, s4;
	s5 =	sadd.s32 $0x10, s5  }
0x7f: {  	s1 =	smov.u32 s14;
	s14 =	sadd.s32 $0x10, s14;
	v8 =	vld [tilespmem:s4+$0x0];
	_ =	sdelay $0x4  }
0x80: {  	vm1 =	vlt.s32 v8, $0x1388;
	v6 =	vand.u32 $0xFFFFFFFC, v8  }
0x81: {  	v6 =	vadd.s32 v8, v6  }
0x82: {  	v9 =	vld [tilespmem:s5+$0x0]  }
.Ltmp3:
0x83: {  	(pc) =	sbr.rel @p1 .LBB2_8-.Ltmp3, $4  }
0x84: {  	_ = 	snop  }
0x85: {  	v7 =	vor.u32 s1, v0  }
0x86: {  	[tilespmem:v8+s24+$0x0] =	vst.idx.msk vm1, v7  }
0x87: {  	[tilespmem:v8+s25+$0x0] =	vst.idx.msk vm1, v9  }
0x88: {  	_ =	sdelay $0x4  }
0x89: {  	[tilespmem:v6+s26+$0x0] =	vst.idx.msk vm1, v7  }
0x8a: {  	v6 =	vld [tilespmem:$0x2780];
	_ =	sdelay $0x4  }
0x8b: {  	v6 =	vnsel vm0, $0x0, v6  }
0x8c: {  	s1 =	simm.s32 @!p0 $0x0;
	s4 =	simm.s32 @!p0 $0x1400;
	s5 =	rddreg [dreg:$0x5];
	[tilespmem:$0x2780] =	vst v6  }
0x8d: {  	[hbm4b:s5+s1] =	stream.linear.scatter @!p0 [tilespmem:s4], [sflag:$0x6], $0x1388, $0x38;
	[tilespmem:$0x1F580] =	vst v63  }
0x8e: {  	s1 =	simm.s32 @!p0 $0x6  }
0x8f: {  	_ =	swait.ge @!p0 [sflag:s1], $0x1388  }
0x90: {  	[sflag:s1] =	ssyncset.done @!p0 $0x0  }
0x91: {  	s22 =	rddreg [dreg:$0xe];
	[sflag:s1] =	ssyncadd.s32 @!p0 $0xFFFFEC78  }
0x92: {  	v6 =	vld [tilespmem:s22+$0x2800];
	_ =	sdelay $0x4  }
0x93: {  	(v2sf) =	vpush v6, $0x0;
	_ =	sdelay $0xe  }
0x94: {  	s23 =	spop (v2sf)  }
0x95: {  	s29 =	sshrl.u32 s23, $0x3  }
0x96: {  	s1 =	sshll.u32 s23, $0x7;
	s4 =	smul.u32 $0x13C00, s29  }
0x97: {  	s1 =	sand.u32 $0x380, s1  }
0x98: {  	s1 =	sor.u32 s1, s4  }
0x99: {  	s1 =	sshrl.u32 s1, $0x3  }
0x9a: {  	s14 =	simm.s32 $0x80;
	s4 =	sadd.s32 s0, s1  }
0x9b: {  	s15 =	simm.s32 $0x6580;
	s5 =	simm.s32 $0x6380;
	s1 =	sadd.s32 $0x0, s4  }
.LBB2_10:
0x9c: {  	[tilespmem:s5], [sflag:$0x1] =	stream.linear.gather [hbm4b:s1+s7], $0x80, $0x38;
	[tilespmem:$0x1F580] =	vst v63  }
0x9d: {  	s1 =	smov.u32 s14;
	s5 =	smov.u32 s15;
	p1 =	sne.s32 s14, $0x2700  }
.Ltmp4:
0x9e: {  	s14 =	sadd.s32 $0x80, s14;
	(pc) =	sbr.rel @p1 .LBB2_10-.Ltmp4, $2  }
0x9f: {  	_ =	sdelay $0x2  }
0xa0: {  	s15 =	sadd.s32 $0x200, s15;
	s1 =	sadd.s32 s1, s4  }
0xa1: {  	(v2sf) =	vpush v6, $0x1;
	_ =	sdelay $0xd  }
0xa2: {  	[tilespmem:s5], [sflag:$0x1] =	stream.linear.gather [hbm4b:s1+s7], $0x80, $0x38;
	[tilespmem:$0x1F580] =	vst v63  }
0xa3: {  	s29 =	spop (v2sf)  }
0xa4: {  	s4 =	sshrl.u32 s29, $0x3  }
0xa5: {  	s1 =	sshll.u32 s29, $0x7;
	s4 =	smul.u32 $0x13C00, s4  }
0xa6: {  	s1 =	sand.u32 $0x380, s1  }
0xa7: {  	s1 =	sor.u32 s1, s4  }
0xa8: {  	s1 =	sshrl.u32 s1, $0x3  }
0xa9: {  	s5 =	simm.s32 $0x6400;
	s4 =	sadd.s32 s0, s1  }
0xaa: {  	s14 =	simm.s32 $0x80;
	s15 =	simm.s32 $0x6600;
	s1 =	sadd.s32 $0x0, s4  }
.LBB2_12:
0xab: {  	[tilespmem:s5], [sflag:$0x1] =	stream.linear.gather [hbm4b:s1+s7], $0x80, $0x38;
	[tilespmem:$0x1F580] =	vst v63  }
0xac: {  	s1 =	smov.u32 s14;
	s5 =	smov.u32 s15;
	p1 =	sne.s32 s14, $0x2700  }
.Ltmp5:
0xad: {  	s14 =	sadd.s32 $0x80, s14;
	(pc) =	sbr.rel @p1 .LBB2_12-.Ltmp5, $2  }
0xae: {  	_ =	sdelay $0x2  }
0xaf: {  	s15 =	sadd.s32 $0x200, s15;
	s1 =	sadd.s32 s1, s4  }
0xb0: {  	(v2sf) =	vpush v6, $0x2;
	_ =	sdelay $0xd  }
0xb1: {  	[tilespmem:s5], [sflag:$0x1] =	stream.linear.gather [hbm4b:s1+s7], $0x80, $0x38;
	[tilespmem:$0x1F580] =	vst v63  }
0xb2: {  	s29 =	spop (v2sf)  }
0xb3: {  	s4 =	sshrl.u32 s29, $0x3  }
0xb4: {  	s1 =	sshll.u32 s29, $0x7;
	s4 =	smul.u32 $0x13C00, s4  }
0xb5: {  	s1 =	sand.u32 $0x380, s1  }
0xb6: {  	s1 =	sor.u32 s1, s4  }
0xb7: {  	s1 =	sshrl.u32 s1, $0x3  }
0xb8: {  	s5 =	simm.s32 $0x6480;
	s4 =	sadd.s32 s0, s1  }
0xb9: {  	s14 =	simm.s32 $0x80;
	s15 =	simm.s32 $0x6680;
	s1 =	sadd.s32 $0x0, s4  }
.LBB2_14:
0xba: {  	[tilespmem:s5], [sflag:$0x1] =	stream.linear.gather [hbm4b:s1+s7], $0x80, $0x38;
	[tilespmem:$0x1F580] =	vst v63  }
0xbb: {  	s1 =	smov.u32 s14;
	s5 =	smov.u32 s15;
	p1 =	sne.s32 s14, $0x2700  }
.Ltmp6:
0xbc: {  	s14 =	sadd.s32 $0x80, s14;
	(pc) =	sbr.rel @p1 .LBB2_14-.Ltmp6, $2  }
0xbd: {  	_ =	sdelay $0x2  }
0xbe: {  	s15 =	sadd.s32 $0x200, s15;
	s1 =	sadd.s32 s1, s4  }
0xbf: {  	(v2sf) =	vpush v6, $0x3;
	_ =	sdelay $0xd  }
0xc0: {  	[tilespmem:s5], [sflag:$0x1] =	stream.linear.gather [hbm4b:s1+s7], $0x80, $0x38;
	[tilespmem:$0x1F580] =	vst v63  }
0xc1: {  	s29 =	spop (v2sf)  }
0xc2: {  	s4 =	sshrl.u32 s29, $0x3  }
0xc3: {  	s1 =	sshll.u32 s29, $0x7;
	s4 =	smul.u32 $0x13C00, s4  }
0xc4: {  	s1 =	sand.u32 $0x380, s1  }
0xc5: {  	s1 =	sor.u32 s1, s4  }
0xc6: {  	s1 =	sshrl.u32 s1, $0x3  }
0xc7: {  	s5 =	simm.s32 $0x6500;
	s4 =	sadd.s32 s0, s1  }
0xc8: {  	s14 =	simm.s32 $0x80;
	s15 =	simm.s32 $0x6700;
	s1 =	sadd.s32 $0x0, s4  }
.LBB2_16:
0xc9: {  	[tilespmem:s5], [sflag:$0x1] =	stream.linear.gather [hbm4b:s1+s7], $0x80, $0x38;
	[tilespmem:$0x1F580] =	vst v63  }
0xca: {  	s1 =	smov.u32 s14;
	s5 =	smov.u32 s15;
	p1 =	sne.s32 s14, $0x2700  }
.Ltmp7:
0xcb: {  	s14 =	sadd.s32 $0x80, s14;
	(pc) =	sbr.rel @p1 .LBB2_16-.Ltmp7, $2  }
0xcc: {  	_ =	sdelay $0x2  }
0xcd: {  	s15 =	sadd.s32 $0x200, s15;
	s1 =	sadd.s32 s1, s4  }
0xce: {  	[tilespmem:s5], [sflag:$0x1] =	stream.linear.gather [hbm4b:s1+s7], $0x80, $0x38;
	[tilespmem:$0x1F580] =	vst v63  }
0xcf: {  	s29 =	rddreg [dreg:$0xf];
	s4 =	simm.s32 $0x1EF80;
	s15 =	simm.s32 $0x0  }
0xd0: {  	[tilespmem:s4], [sflag:$0x3] =	stream.indirect.gather [hbm4b:s2+s28], $0x80, s29, s28, $0xb8;
	[tilespmem:$0x1F580] =	vst v63  }
.LBB2_18:
0xd1: {  	_ =	swait.ge [sflag:s30], $0x2780  }
0xd2: {  	[sflag:s30] =	ssyncset.done $0x0  }
0xd3: {  	[sflag:s30] =	ssyncadd.s32 $0xFFFFD880  }
0xd4: {  	_ =	swait.ge [sflag:s30], $0x2780  }
0xd5: {  	[sflag:s30] =	ssyncset.done $0x0  }
0xd6: {  	[sflag:s30] =	ssyncadd.s32 $0xFFFFD880  }
0xd7: {  	_ =	swait.ge [sflag:s30], $0x2780  }
0xd8: {  	[sflag:s30] =	ssyncset.done $0x0  }
0xd9: {  	[sflag:s30] =	ssyncadd.s32 $0xFFFFD880  }
0xda: {  	s22 =	sadd.s32 s16, s15;
	_ =	swait.ge [sflag:s30], $0x2780  }
0xdb: {  	s19 =	sshllo.u32 s22, $0x1;
	[sflag:s30] =	ssyncset.done $0x0  }
0xdc: {  	p1 =	slt.s32 s19, $0x4E1;
	s1 =	smov.u32 s19;
	[sflag:s30] =	ssyncadd.s32 $0xFFFFD880  }
0xdd: {  	s1 =	simm.s32 @!p1 $0x4E1;
	_ =	swait.ge [sflag:s31], $0x200  }
0xde: {  	s1 =	sshll.u32 s1, $0x5;
	[sflag:s31] =	ssyncset.done $0x0  }
0xdf: {  	s1 =	sshra.s32 s1, $0x2;
	[sflag:s31] =	ssyncadd.s32 $0xFFFFFE00  }
0xe0: {  	v6 =	vld [tilespmem:s1+$0x2800];
	_ =	sdelay $0x4  }
0xe1: {  	(v2sf) =	vpush v6, $0x0;
	_ =	sdelay $0xe  }
0xe2: {  	s4 =	spop (v2sf)  }
0xe3: {  	s5 =	sshrl.u32 s4, $0x3  }
0xe4: {  	s4 =	sshll.u32 s4, $0x7;
	s5 =	smul.u32 $0x13C00, s5  }
0xe5: {  	s4 =	sand.u32 $0x380, s4  }
0xe6: {  	s4 =	sor.u32 s4, s5  }
0xe7: {  	s14 =	simm.s32 $0x10180;
	s5 =	sshrl.u32 s4, $0x3  }
0xe8: {  	s23 =	simm.s32 $0x80;
	s18 =	sshll.u32 s22, $0x1;
	s5 =	sadd.s32 s0, s5  }
0xe9: {  	s4 =	sadd.s32 $0x2800, s1;
	s1 =	simm.s32 $0x10380;
	s29 =	sadd.s32 $0x0, s5  }
.LBB2_19:
0xea: {  	[tilespmem:s14], [sflag:$0x2] =	stream.linear.gather [hbm4b:s29+s7], $0x80, $0x38;
	[tilespmem:$0x1F580] =	vst v63  }
0xeb: {  	s29 =	smov.u32 s23;
	s14 =	smov.u32 s1;
	p1 =	sne.s32 s23, $0x2700  }
.Ltmp8:
0xec: {  	s23 =	sadd.s32 $0x80, s23;
	(pc) =	sbr.rel @p1 .LBB2_19-.Ltmp8, $2  }
0xed: {  	_ =	sdelay $0x2  }
0xee: {  	s1 =	sadd.s32 $0x200, s1;
	s29 =	sadd.s32 s29, s5  }
0xef: {  	(v2sf) =	vpush v6, $0x1;
	_ =	sdelay $0xd  }
0xf0: {  	[tilespmem:s14], [sflag:$0x2] =	stream.linear.gather [hbm4b:s29+s7], $0x80, $0x38;
	[tilespmem:$0x1F580] =	vst v63  }
0xf1: {  	s1 =	spop (v2sf)  }
0xf2: {  	s5 =	sshrl.u32 s1, $0x3  }
0xf3: {  	s1 =	sshll.u32 s1, $0x7;
	s5 =	smul.u32 $0x13C00, s5  }
0xf4: {  	s1 =	sand.u32 $0x380, s1  }
0xf5: {  	s1 =	sor.u32 s1, s5  }
0xf6: {  	s1 =	sshrl.u32 s1, $0x3  }
0xf7: {  	s14 =	simm.s32 $0x10200;
	s5 =	sadd.s32 s0, s1  }
0xf8: {  	s23 =	simm.s32 $0x80;
	s1 =	simm.s32 $0x10400;
	s29 =	sadd.s32 $0x0, s5  }
.LBB2_21:
0xf9: {  	[tilespmem:s14], [sflag:$0x2] =	stream.linear.gather [hbm4b:s29+s7], $0x80, $0x38;
	[tilespmem:$0x1F580] =	vst v63  }
0xfa: {  	s29 =	smov.u32 s23;
	s14 =	smov.u32 s1;
	p1 =	sne.s32 s23, $0x2700  }
.Ltmp9:
0xfb: {  	s23 =	sadd.s32 $0x80, s23;
	(pc) =	sbr.rel @p1 .LBB2_21-.Ltmp9, $2  }
0xfc: {  	_ =	sdelay $0x2  }
0xfd: {  	s1 =	sadd.s32 $0x200, s1;
	s29 =	sadd.s32 s29, s5  }
0xfe: {  	(v2sf) =	vpush v6, $0x2;
	_ =	sdelay $0xd  }
0xff: {  	[tilespmem:s14], [sflag:$0x2] =	stream.linear.gather [hbm4b:s29+s7], $0x80, $0x38;
	[tilespmem:$0x1F580] =	vst v63  }
0x100: {  	s1 =	spop (v2sf)  }
0x101: {  	s5 =	sshrl.u32 s1, $0x3  }
0x102: {  	s1 =	sshll.u32 s1, $0x7;
	s5 =	smul.u32 $0x13C00, s5  }
0x103: {  	s1 =	sand.u32 $0x380, s1  }
0x104: {  	s1 =	sor.u32 s1, s5  }
0x105: {  	s1 =	sshrl.u32 s1, $0x3  }
0x106: {  	s14 =	simm.s32 $0x10280;
	s5 =	sadd.s32 s0, s1  }
0x107: {  	s23 =	simm.s32 $0x80;
	s1 =	simm.s32 $0x10480;
	s29 =	sadd.s32 $0x0, s5  }
.LBB2_23:
0x108: {  	[tilespmem:s14], [sflag:$0x2] =	stream.linear.gather [hbm4b:s29+s7], $0x80, $0x38;
	[tilespmem:$0x1F580] =	vst v63  }
0x109: {  	s29 =	smov.u32 s23;
	s14 =	smov.u32 s1;
	p1 =	sne.s32 s23, $0x2700  }
.Ltmp10:
0x10a: {  	s23 =	sadd.s32 $0x80, s23;
	(pc) =	sbr.rel @p1 .LBB2_23-.Ltmp10, $2  }
0x10b: {  	_ =	sdelay $0x2  }
0x10c: {  	s1 =	sadd.s32 $0x200, s1;
	s29 =	sadd.s32 s29, s5  }
0x10d: {  	(v2sf) =	vpush v6, $0x3;
	_ =	sdelay $0xd  }
0x10e: {  	[tilespmem:s14], [sflag:$0x2] =	stream.linear.gather [hbm4b:s29+s7], $0x80, $0x38;
	[tilespmem:$0x1F580] =	vst v63  }
0x10f: {  	s1 =	spop (v2sf)  }
0x110: {  	s5 =	sshrl.u32 s1, $0x3  }
0x111: {  	s1 =	sshll.u32 s1, $0x7;
	s5 =	smul.u32 $0x13C00, s5  }
0x112: {  	s1 =	sand.u32 $0x380, s1  }
0x113: {  	s1 =	sor.u32 s1, s5  }
0x114: {  	s1 =	sshrl.u32 s1, $0x3  }
0x115: {  	s14 =	simm.s32 $0x10300;
	s5 =	sadd.s32 s0, s1  }
0x116: {  	s23 =	simm.s32 $0x80;
	s1 =	simm.s32 $0x10500;
	s29 =	sadd.s32 $0x0, s5  }
.LBB2_25:
0x117: {  	[tilespmem:s14], [sflag:$0x2] =	stream.linear.gather [hbm4b:s29+s7], $0x80, $0x38;
	[tilespmem:$0x1F580] =	vst v63  }
0x118: {  	s29 =	smov.u32 s23;
	s14 =	smov.u32 s1;
	p1 =	sne.s32 s23, $0x2700  }
.Ltmp11:
0x119: {  	s23 =	sadd.s32 $0x80, s23;
	(pc) =	sbr.rel @p1 .LBB2_25-.Ltmp11, $2  }
0x11a: {  	_ =	sdelay $0x2  }
0x11b: {  	s1 =	sadd.s32 $0x200, s1;
	s29 =	sadd.s32 s29, s5  }
0x11c: {  	[tilespmem:s14], [sflag:$0x2] =	stream.linear.gather [hbm4b:s29+s7], $0x80, $0x38;
	[tilespmem:$0x1F580] =	vst v63  }
0x11d: {  	s1 =	simm.s32 $0x1F180;
	p1 =	seq.s32 s15, $0x0  }
0x11e: {  	[tilespmem:s1], [sflag:$0x4] =	stream.indirect.gather [hbm4b:s2+s28], $0x80, s4, s28, $0xb8;
	[tilespmem:$0x1F580] =	vst v63  }
0x11f: {  	s1 =	simm.s32 @!p1 $0x5  }
0x120: {  	_ =	swait.ge @!p1 [sflag:s1], $0x5000  }
0x121: {  	[sflag:s1] =	ssyncset.done @!p1 $0x0  }
0x122: {  	[sflag:s1] =	ssyncadd.s32 @!p1 $0xFFFFB000  }
0x123: {  	_ =	swait.ge @!p1 [sflag:s1], $0x200  }
0x124: {  	[sflag:s1] =	ssyncset.done @!p1 $0x0  }
0x125: {  	s29 =	simm.s32 $0x1440;
	[sflag:s1] =	ssyncadd.s32 @!p1 $0xFFFFFE00  }
0x126: {  	v6 =	vld [tilespmem:s29+$0xFFFFFFC0]  }
0x127: {  	v7 =	vld [tilespmem:s29+$0x10]  }
0x128: {  	v9 =	vld [tilespmem:s29+$0xFFFFFFE0]  }
0x129: {  	v8 =	vld [tilespmem:s29+$0x0];
	_ =	sdelay $0x1  }
0x12a: {  	v12 =	vld [tilespmem:s29+$0x20]  }
0x12b: {  	v13 =	vld [tilespmem:s29+$0xFFFFFFF0];
	v10 =	vshll.u32 v6, $0x2;
	v6 =	vand.u32 $0x7F, v6;
	v11 =	vshll.u32 v7, $0x2  }
0x12c: {  	v7 =	vand.u32 $0x7F, v7;
	v15 =	vshll.u32 v9, $0x2;
	v10 =	vand.u32 $0xFFFFFE00, v10  }
0x12d: {  	v14 =	vld [tilespmem:s29+$0xFFFFFFD0];
	v9 =	vand.u32 $0x7F, v9;
	v10 =	vor.u32 v6, v10;
	v6 =	vshll.u32 v8, $0x2  }
0x12e: {  	v11 =	vand.u32 $0xFFFFFE00, v11;
	v8 =	vand.u32 $0x7F, v8;
	v6 =	vand.u32 $0xFFFFFE00, v6  }
0x12f: {  	v11 =	vor.u32 v7, v11;
	v6 =	vor.u32 v8, v6;
	v8 =	vand.u32 $0xFFFFFE00, v15;
	v15 =	vld [tilespmem:s29+$0x30]  }
0x130: {  	v17 =	vand.u32 $0x7F, v13;
	v8 =	vor.u32 v9, v8;
	v9 =	vshll.u32 v12, $0x2  }
0x131: {  	v7 =	vand.u32 $0x7F, v12;
	v18 =	vor.u32 $0x80, v10;
	v9 =	vand.u32 $0xFFFFFE00, v9  }
0x132: {  	v12 =	vshll.u32 v13, $0x2;
	v16 =	vld.idx.msk [tilespmem:v10+s8+$0x0], $0xffff;
	v7 =	vor.u32 v7, v9;
	v9 =	vshll.u32 v14, $0x2  }
0x133: {  	v12 =	vand.u32 $0xFFFFFE00, v12;
	v14 =	vand.u32 $0x7F, v14;
	v9 =	vand.u32 $0xFFFFFE00, v9  }
0x134: {  	v12 =	vor.u32 v17, v12;
	v23 =	vld.idx.msk [tilespmem:v11+s8+$0x0], $0xffff;
	v13 =	vor.u32 v14, v9;
	v9 =	vshll.u32 v15, $0x2  }
0x135: {  	v19 =	vld.idx.msk [tilespmem:v6+s8+$0x0], $0xffff;
	v14 =	vand.u32 $0x7F, v15;
	v9 =	vand.u32 $0xFFFFFE00, v9  }
0x136: {  	s14 =	simm.s32 $0x1A080;
	v17 =	vld.idx.msk [tilespmem:v8+s8+$0x0], $0xffff;
	v9 =	vor.u32 v14, v9  }
0x137: {  	v26 =	vor.u32 $0x80, v6;
	[tilespmem:s14+$0xFFFFFF00] =	vst v16;
	v16 =	vld.idx.msk [tilespmem:v7+s8+$0x0], $0xffff  }
0x138: {  	v24 =	vld.idx.msk [tilespmem:v18+s8+$0x0], $0xffff;
	v18 =	vor.u32 $0x80, v11  }
0x139: {  	v21 =	vor.u32 $0x80, v8;
	v22 =	vld.idx.msk [tilespmem:v12+s8+$0x0], $0xffff  }
0x13a: {  	s23 =	simm.s32 $0x0;
	s5 =	simm.s32 $0x1A080;
	s4 =	simm.s32 $0x14C0;
	v15 =	vor.u32 $0x80, v7;
	v20 =	vor.u32 $0x80, v13;
	v14 =	vor.u32 $0x80, v9;
	v25 =	vld.idx.msk [tilespmem:v13+s8+$0x0], $0xffff  }
.LBB2_27:
0x13b: {  	s23 =	sadd.s32 $0x8, s23;
	[tilespmem:s14+$0xFFFFFF40] =	vst v19;
	v19 =	vld.idx.msk [tilespmem:v9+s8+$0x0], $0xffff;
	s5 =	sadd.s32 $0x200, s5  }
0x13c: {  	p1 =	slt.u32 s23, $0x130;
	v26 =	vld.idx.msk [tilespmem:v26+s8+$0x0], $0xffff;
	[tilespmem:s14+$0xFFFFFF50] =	vst v23  }
0x13d: {  	v23 =	vor.u32 $0x100, v10;
	v18 =	vld.idx.msk [tilespmem:v18+s8+$0x0], $0xffff  }
0x13e: {  	v27 =	vld [tilespmem:s4+$0x10];
	[tilespmem:s14+$0xFFFFFF80] =	vst v24  }
0x13f: {  	v24 =	vld [tilespmem:s4+$0xFFFFFFE0];
	[tilespmem:s14+$0xFFFFFF10] =	vst v25;
	v25 =	vor.u32 $0x80, v12  }
0x140: {  	v20 =	vld.idx.msk [tilespmem:v20+s8+$0x0], $0xffff;
	[tilespmem:s14+$0xFFFFFF20] =	vst v17  }
0x141: {  	v17 =	vld.idx.msk [tilespmem:v21+s8+$0x0], $0xffff;
	[tilespmem:s14+$0xFFFFFF70] =	vst v19  }
0x142: {  	v19 =	vld.idx.msk [tilespmem:v23+s8+$0x0], $0xffff;
	[tilespmem:s14+$0xFFFFFFC0] =	vst v26  }
0x143: {  	v21 =	vld [tilespmem:s4+$0xFFFFFFF0];
	[tilespmem:s14+$0xFFFFFF30] =	vst v22  }
0x144: {  	v22 =	vld.idx.msk [tilespmem:v25+s8+$0x0], $0xffff;
	[tilespmem:s14+$0xFFFFFFD0] =	vst v18  }
0x145: {  	v18 =	vld [tilespmem:s4+$0xFFFFFFC0];
	[tilespmem:s14+$0xFFFFFF60] =	vst v16  }
0x146: {  	[tilespmem:s14+$0xFFFFFF90] =	vst v20;
	v14 =	vld.idx.msk [tilespmem:v14+s8+$0x0], $0xffff  }
0x147: {  	v16 =	vld [tilespmem:s4+$0x20];
	[tilespmem:s14+$0xFFFFFFA0] =	vst v17;
	v17 =	vor.u32 $0x100, v11  }
0x148: {  	v20 =	vld [tilespmem:s4+$0x30];
	[tilespmem:s14+$0x0] =	vst v19;
	v19 =	vor.u32 $0x100, v13  }
0x149: {  	v25 =	vor.u32 $0x100, v12;
	v23 =	vld [tilespmem:s4+$0xFFFFFFD0]  }
0x14a: {  	v26 =	vor.u32 $0x180, v10;
	[tilespmem:s14+$0xFFFFFFB0] =	vst v22;
	v15 =	vld.idx.msk [tilespmem:v15+s8+$0x0], $0xffff  }
0x14b: {  	v28 =	vor.u32 $0x100, v8;
	v29 =	vor.u32 $0x180, v11;
	v11 =	vor.u32 $0x100, v7;
	v22 =	vld [tilespmem:s4+$0x0]  }
0x14c: {  	v30 =	vor.u32 $0x100, v6;
	v10 =	vshll.u32 v18, $0x2;
	v17 =	vld.idx.msk [tilespmem:v17+s8+$0x0], $0xffff;
	[tilespmem:s14+$0xFFFFFFF0] =	vst v14;
	v14 =	vor.u32 $0x100, v9  }
0x14d: {  	v10 =	vand.u32 $0xFFFFFE00, v10;
	v31 =	vand.u32 $0x7F, v20;
	v20 =	vshll.u32 v20, $0x2;
	v19 =	vld.idx.msk [tilespmem:v19+s8+$0x0], $0xffff  }
0x14e: {  	v12 =	vor.u32 $0x180, v12;
	v18 =	vand.u32 $0x7F, v18;
	v20 =	vand.u32 $0xFFFFFE00, v20;
	v25 =	vld.idx.msk [tilespmem:v25+s8+$0x0], $0xffff  }
0x14f: {  	v13 =	vor.u32 $0x180, v13;
	v10 =	vor.u32 v18, v10;
	v18 =	vshll.u32 v27, $0x2;
	v26 =	vld.idx.msk [tilespmem:v26+s8+$0x0], $0xffff  }
0x150: {  	v32 =	vshll.u32 v21, $0x2;
	v20 =	vor.u32 v31, v20;
	v33 =	vshll.u32 v22, $0x2;
	v28 =	vld.idx.msk [tilespmem:v28+s8+$0x0], $0xffff;
	[tilespmem:s14+$0xFFFFFFE0] =	vst v15  }
0x151: {  	v27 =	vand.u32 $0x7F, v27;
	v15 =	vand.u32 $0xFFFFFE00, v32;
	v22 =	vand.u32 $0x7F, v22;
	v31 =	vld.idx.msk [tilespmem:v11+s8+$0x0], $0xffff  }
0x152: {  	v18 =	vand.u32 $0xFFFFFE00, v18;
	v32 =	vor.u32 $0x180, v8;
	v11 =	vand.u32 $0xFFFFFE00, v33;
	[tilespmem:s14+$0x50] =	vst v17;
	v14 =	vld.idx.msk [tilespmem:v14+s8+$0x0], $0xffff  }
0x153: {  	v8 =	vshll.u32 v24, $0x2;
	v17 =	vor.u32 v22, v11;
	v11 =	vor.u32 v27, v18;
	[tilespmem:s14+$0x10] =	vst v19;
	v18 =	vld.idx.msk [tilespmem:v30+s8+$0x0], $0xffff  }
0x154: {  	v8 =	vand.u32 $0xFFFFFE00, v8;
	v19 =	vor.u32 $0x180, v9;
	v9 =	vmov v20;
	v13 =	vld.idx.msk [tilespmem:v13+s8+$0x0], $0xffff;
	[tilespmem:s14+$0x30] =	vst v25  }
0x155: {  	v20 =	vand.u32 $0x7F, v24;
	v24 =	vor.u32 $0x180, v6;
	v6 =	vmovc v17;
	v25 =	vor.u32 $0x180, v7;
	[tilespmem:s14+$0x80] =	vst v26;
	v22 =	vld.idx.msk [tilespmem:v12+s8+$0x0], $0xffff  }
0x156: {  	v27 =	vor.u32 $0x80, v10;
	v8 =	vor.u32 v20, v8;
	v7 =	vand.u32 $0x7F, v21;
	[tilespmem:s14+$0x20] =	vst v28;
	v17 =	vld.idx.msk [tilespmem:v29+s8+$0x0], $0xffff  }
0x157: {  	v12 =	vor.u32 v7, v15;
	v7 =	vshll.u32 v16, $0x2;
	v15 =	vld.idx.msk [tilespmem:v32+s8+$0x0], $0xffff;
	[tilespmem:s14+$0x60] =	vst v31  }
0x158: {  	v16 =	vand.u32 $0x7F, v16;
	v7 =	vand.u32 $0xFFFFFE00, v7;
	v21 =	vld.idx.msk [tilespmem:v10+s8+$0x0], $0xffff;
	[tilespmem:s14+$0x70] =	vst v14  }
0x159: {  	v7 =	vor.u32 v16, v7;
	[tilespmem:s14+$0x40] =	vst v18;
	v28 =	vld.idx.msk [tilespmem:v19+s8+$0x0], $0xffff  }
0x15a: {  	v14 =	vshll.u32 v23, $0x2;
	v18 =	vor.u32 $0x80, v11;
	v19 =	vld.idx.msk [tilespmem:v6+s8+$0x0], $0xffff;
	[tilespmem:s14+$0x90] =	vst v13  }
0x15b: {  	v16 =	vand.u32 $0xFFFFFE00, v14;
	v14 =	vor.u32 $0x80, v9;
	v13 =	vand.u32 $0x7F, v23;
	[tilespmem:s14+$0xB0] =	vst v22;
	v22 =	vld.idx.msk [tilespmem:v24+s8+$0x0], $0xffff  }
0x15c: {  	v13 =	vor.u32 v13, v16;
	[tilespmem:s14+$0xD0] =	vst v17;
	v29 =	vld.idx.msk [tilespmem:v25+s8+$0x0], $0xffff  }
0x15d: {  	v20 =	vor.u32 $0x80, v13;
	v17 =	vld.idx.msk [tilespmem:v8+s8+$0x0], $0xffff  }
.Ltmp12:
0x15e: {  	[tilespmem:s5+$0xFFFFFF00] =	vst v21;
	v21 =	vor.u32 $0x80, v8;
	v23 =	vld.idx.msk [tilespmem:v11+s8+$0x0], $0xffff;
	(pc) =	sbr.rel @p1 .LBB2_27-.Ltmp12, $4  }
0x15f: {  	v26 =	vor.u32 $0x80, v6;
	v16 =	vld.idx.msk [tilespmem:v7+s8+$0x0], $0xffff;
	[tilespmem:s14+$0xF0] =	vst v28  }
0x160: {  	v24 =	vld.idx.msk [tilespmem:v27+s8+$0x0], $0xffff;
	[tilespmem:s14+$0xA0] =	vst v15  }
0x161: {  	v25 =	vld.idx.msk [tilespmem:v13+s8+$0x0], $0xffff;
	[tilespmem:s14+$0xC0] =	vst v22  }
0x162: {  	s4 =	sadd.s32 $0x80, s4;
	v15 =	vor.u32 $0x80, v7;
	v22 =	vld.idx.msk [tilespmem:v12+s8+$0x0], $0xffff;
	[tilespmem:s14+$0xE0] =	vst v29;
	s14 =	smov.u32 s5  }
0x163: {  	_ =	sdelay $0x1  }
0x164: {  	[tilespmem:s14+$0xFFFFFF40] =	vst v19  }
0x165: {  	[tilespmem:s14+$0xFFFFFF50] =	vst v23  }
0x166: {  	v49 =	vld.idx.msk [tilespmem:v9+s8+$0x0], $0xffff;
	[tilespmem:s14+$0xFFFFFF20] =	vst v17  }
0x167: {  	v51 =	vor.u32 $0x80, v12;
	v50 =	vld.idx.msk [tilespmem:v26+s8+$0x0], $0xffff;
	[tilespmem:s14+$0xFFFFFF60] =	vst v16  }
0x168: {  	v52 =	vor.u32 $0x100, v10;
	v18 =	vld.idx.msk [tilespmem:v18+s8+$0x0], $0xffff;
	[tilespmem:s14+$0xFFFFFF80] =	vst v24  }
0x169: {  	v54 =	vld.idx.msk [tilespmem:v21+s8+$0x0], $0xffff;
	[tilespmem:s14+$0xFFFFFF10] =	vst v25  }
0x16a: {  	v55 =	vor.u32 $0x100, v11;
	v15 =	vld.idx.msk [tilespmem:v15+s8+$0x0], $0xffff;
	[tilespmem:s14+$0xFFFFFF30] =	vst v22  }
0x16b: {  	v61 =	vor.u32 $0x100, v8;
	v53 =	vld.idx.msk [tilespmem:v20+s8+$0x0], $0xffff;
	[tilespmem:s14+$0xFFFFFF70] =	vst v49  }
0x16c: {  	v26 =	vor.u32 $0x100, v6;
	v56 =	vld.idx.msk [tilespmem:v51+s8+$0x0], $0xffff;
	[tilespmem:s14+$0xFFFFFFC0] =	vst v50  }
0x16d: {  	v24 =	vor.u32 $0x100, v7;
	v58 =	vld.idx.msk [tilespmem:v52+s8+$0x0], $0xffff;
	[tilespmem:s14+$0xFFFFFFD0] =	vst v18  }
0x16e: {  	v57 =	vor.u32 $0x100, v13;
	v14 =	vld.idx.msk [tilespmem:v14+s8+$0x0], $0xffff;
	[tilespmem:s14+$0xFFFFFFA0] =	vst v54  }
0x16f: {  	v59 =	vor.u32 $0x100, v12;
	v62 =	vld.idx.msk [tilespmem:v55+s8+$0x0], $0xffff;
	[tilespmem:s14+$0xFFFFFFE0] =	vst v15  }
0x170: {  	v60 =	vor.u32 $0x180, v10;
	v29 =	vld.idx.msk [tilespmem:v61+s8+$0x0], $0xffff;
	[tilespmem:s14+$0xFFFFFF90] =	vst v53  }
0x171: {  	v63 =	vor.u32 $0x100, v9;
	v34 =	vld.idx.msk [tilespmem:v26+s8+$0x0], $0xffff;
	[tilespmem:s14+$0xFFFFFFB0] =	vst v56  }
0x172: {  	v30 =	vor.u32 $0x180, v11;
	v32 =	vld.idx.msk [tilespmem:v24+s8+$0x0], $0xffff;
	[tilespmem:s14+$0x0] =	vst v58  }
0x173: {  	v8 =	vor.u32 $0x180, v8;
	v25 =	vld.idx.msk [tilespmem:v57+s8+$0x0], $0xffff;
	[tilespmem:s14+$0xFFFFFFF0] =	vst v14  }
0x174: {  	v6 =	vor.u32 $0x180, v6;
	v18 =	vld.idx.msk [tilespmem:v59+s8+$0x0], $0xffff;
	[tilespmem:s14+$0x50] =	vst v62  }
0x175: {  	v7 =	vor.u32 $0x180, v7;
	v10 =	vld.idx.msk [tilespmem:v60+s8+$0x0], $0xffff;
	[tilespmem:s14+$0x20] =	vst v29  }
0x176: {  	v27 =	vor.u32 $0x180, v13;
	v31 =	vld.idx.msk [tilespmem:v63+s8+$0x0], $0xffff;
	[tilespmem:s14+$0x40] =	vst v34  }
0x177: {  	v28 =	vor.u32 $0x180, v12;
	v11 =	vld.idx.msk [tilespmem:v30+s8+$0x0], $0xffff;
	[tilespmem:s14+$0x60] =	vst v32  }
0x178: {  	v33 =	vor.u32 $0x180, v9;
	v8 =	vld.idx.msk [tilespmem:v8+s8+$0x0], $0xffff;
	[tilespmem:s14+$0x10] =	vst v25  }
0x179: {  	v6 =	vld.idx.msk [tilespmem:v6+s8+$0x0], $0xffff;
	[tilespmem:s14+$0x30] =	vst v18  }
0x17a: {  	v7 =	vld.idx.msk [tilespmem:v7+s8+$0x0], $0xffff;
	[tilespmem:s14+$0x80] =	vst v10  }
0x17b: {  	v13 =	vld.idx.msk [tilespmem:v27+s8+$0x0], $0xffff;
	[tilespmem:s14+$0x70] =	vst v31  }
0x17c: {  	v35 =	vld.idx.msk [tilespmem:v28+s8+$0x0], $0xffff;
	[tilespmem:s14+$0xD0] =	vst v11  }
0x17d: {  	v9 =	vld.idx.msk [tilespmem:v33+s8+$0x0], $0xffff;
	[tilespmem:s14+$0xA0] =	vst v8  }
0x17e: {  	[tilespmem:s14+$0xC0] =	vst v6  }
0x17f: {  	[tilespmem:s14+$0xE0] =	vst v7  }
0x180: {  	[tilespmem:s14+$0x90] =	vst v13  }
0x181: {  	[tilespmem:s14+$0xB0] =	vst v35  }
0x182: {  	[tilespmem:s14+$0xF0] =	vst v9  }
0x183: {  	v6 =	vld [tilespmem:$0x2780];
	_ =	sdelay $0x4  }
0x184: {  	v7 =	vshll.u32 v6, $0x2  }
0x185: {  	v6 =	vand.u32 $0x7F, v6;
	v7 =	vand.u32 $0xFFFFFE00, v7  }
0x186: {  	v6 =	vor.u32 v6, v7;
	_ =	sdelay $0x3  }
0x187: {  	s14 =	simm.s32 $0x6380  }
0x188: {  	v7 =	vld.idx.msk [tilespmem:v6+s14+$0x0], $0xffff  }
0x189: {  	v8 =	vor.u32 $0x80, v6;
	_ =	sdelay $0x3  }
0x18a: {  	[tilespmem:v1+s6+$0x0] =	vst.idx.msk $0xff, v7  }
0x18b: {  	v7 =	vld.idx.msk [tilespmem:v8+s14+$0x0], $0xffff  }
0x18c: {  	v8 =	vor.u32 $0x100, v6;
	_ =	sdelay $0x3  }
0x18d: {  	[tilespmem:v2+s6+$0x0] =	vst.idx.msk $0xff, v7  }
0x18e: {  	v7 =	vld.idx.msk [tilespmem:v8+s14+$0x0], $0xffff  }
0x18f: {  	v6 =	vor.u32 $0x180, v6;
	_ =	sdelay $0x1  }
0x190: {  	s4 =	sshll.u32 s22, $0x3  }
0x191: {  	v8 =	vmov s4  }
0x192: {  	[tilespmem:v3+s6+$0x0] =	vst.idx.msk $0xff, v7;
	v7 =	vshll.u32 v8, $0x2  }
0x193: {  	v36 =	vand.u32 $0x78, v8;
	v6 =	vld.idx.msk [tilespmem:v6+s14+$0x0], $0xffff;
	v7 =	vand.u32 $0xFFFFFE00, v7  }
0x194: {  	v7 =	vor.u32 v36, v7;
	_ =	sdelay $0x3  }
0x195: {  	[tilespmem:v4+s6+$0x0] =	vst.idx.msk $0xff, v6  }
0x196: {  	[tilespmem:v7+s6+$0x0] =	vst.idx.add.f32.msk $0x1, v5  }
0x197: {  	v6 =	vld.idx.msk [tilespmem:v8+s25+$0x0], $0xffff  }
0x198: {  	v7 =	vld [tilespmem:$0x1EF80]  }
0x199: {  	v8 =	vld [tilespmem:$0x1EF90]  }
0x19a: {  	v37 =	vld [tilespmem:$0x1EFA0]  }
0x19b: {  	v10 =	vld [tilespmem:$0x1EFB0]  }
0x19c: {  	v11 =	vld [tilespmem:$0x1EFC0]  }
0x19d: {  	s1 =	sor.u32 $0x1, s4;
	v38 =	vld [tilespmem:$0x1EFD0];
	v7 =	vmul.f32 v7, v6  }
0x19e: {  	v39 =	vmov s1;
	v13 =	vld [tilespmem:$0x1EFE0];
	v8 =	vmul.f32 v8, v6  }
0x19f: {  	v41 =	vshll.u32 v39, $0x2;
	v40 =	vld [tilespmem:$0x1EFF0];
	[tilespmem:$0x1F380] =	vst v7;
	v7 =	vmul.f32 v37, v6  }
0x1a0: {  	v42 =	vand.u32 $0x79, v39;
	v15 =	vand.u32 $0xFFFFFE00, v41;
	[tilespmem:$0x1F390] =	vst v8;
	v8 =	vmul.f32 v10, v6  }
0x1a1: {  	v10 =	vor.u32 v15, v42;
	[tilespmem:$0x1F3A0] =	vst v7;
	v7 =	vmul.f32 v11, v6  }
0x1a2: {  	v10 =	vor.u32 $0x80, v10;
	[tilespmem:$0x1F3B0] =	vst v8;
	v8 =	vmul.f32 v38, v6  }
0x1a3: {  	[tilespmem:$0x1F3C0] =	vst v7;
	v7 =	vmul.f32 v13, v6  }
0x1a4: {  	[tilespmem:$0x1F3D0] =	vst v8;
	v6 =	vmul.f32 v40, v6  }
0x1a5: {  	[tilespmem:$0x1F3E0] =	vst v7  }
0x1a6: {  	[tilespmem:$0x1F3F0] =	vst v6  }
0x1a7: {  	[tilespmem:v10+s6+$0x0] =	vst.idx.add.f32.msk $0x1, v5  }
0x1a8: {  	v6 =	vld.idx.msk [tilespmem:v39+s25+$0x0], $0xffff  }
0x1a9: {  	v7 =	vld [tilespmem:$0x1F000]  }
0x1aa: {  	v8 =	vld [tilespmem:$0x1F010]  }
0x1ab: {  	v43 =	vld [tilespmem:$0x1F020]  }
0x1ac: {  	v10 =	vld [tilespmem:$0x1F030]  }
0x1ad: {  	v44 =	vld [tilespmem:$0x1F040]  }
0x1ae: {  	s29 =	sor.u32 $0x2, s4;
	v45 =	vld [tilespmem:$0x1F050];
	v7 =	vmul.f32 v7, v6  }
0x1af: {  	v47 =	vmov s29;
	v46 =	vld [tilespmem:$0x1F060];
	v8 =	vmul.f32 v8, v6  }
0x1b0: {  	v49 =	vshll.u32 v47, $0x2;
	v48 =	vld [tilespmem:$0x1F070];
	[tilespmem:$0x1F400] =	vst v7;
	v7 =	vmul.f32 v43, v6  }
0x1b1: {  	v50 =	vand.u32 $0x7A, v47;
	v15 =	vand.u32 $0xFFFFFE00, v49;
	[tilespmem:$0x1F410] =	vst v8;
	v8 =	vmul.f32 v10, v6  }
0x1b2: {  	v10 =	vor.u32 v15, v50;
	[tilespmem:$0x1F420] =	vst v7;
	v7 =	vmul.f32 v44, v6  }
0x1b3: {  	v10 =	vor.u32 $0x100, v10;
	[tilespmem:$0x1F430] =	vst v8;
	v8 =	vmul.f32 v45, v6  }
0x1b4: {  	[tilespmem:$0x1F440] =	vst v7;
	v7 =	vmul.f32 v46, v6  }
0x1b5: {  	[tilespmem:$0x1F450] =	vst v8;
	v6 =	vmul.f32 v48, v6  }
0x1b6: {  	[tilespmem:$0x1F460] =	vst v7  }
0x1b7: {  	[tilespmem:$0x1F470] =	vst v6  }
0x1b8: {  	[tilespmem:v10+s6+$0x0] =	vst.idx.add.f32.msk $0x1, v5  }
0x1b9: {  	v6 =	vld.idx.msk [tilespmem:v47+s25+$0x0], $0xffff  }
0x1ba: {  	v7 =	vld [tilespmem:$0x1F080]  }
0x1bb: {  	v8 =	vld [tilespmem:$0x1F090]  }
0x1bc: {  	v51 =	vld [tilespmem:$0x1F0A0]  }
0x1bd: {  	v10 =	vld [tilespmem:$0x1F0B0]  }
0x1be: {  	v52 =	vld [tilespmem:$0x1F0C0]  }
0x1bf: {  	s5 =	sor.u32 $0x3, s4;
	v53 =	vld [tilespmem:$0x1F0D0];
	v7 =	vmul.f32 v7, v6  }
0x1c0: {  	v55 =	vmov s5;
	v54 =	vld [tilespmem:$0x1F0E0];
	v8 =	vmul.f32 v8, v6  }
0x1c1: {  	v57 =	vshll.u32 v55, $0x2;
	v56 =	vld [tilespmem:$0x1F0F0];
	[tilespmem:$0x1F480] =	vst v7;
	v7 =	vmul.f32 v51, v6  }
0x1c2: {  	v58 =	vand.u32 $0x7B, v55;
	v15 =	vand.u32 $0xFFFFFE00, v57;
	[tilespmem:$0x1F490] =	vst v8;
	v8 =	vmul.f32 v10, v6  }
0x1c3: {  	v10 =	vor.u32 v15, v58;
	[tilespmem:$0x1F4A0] =	vst v7;
	v7 =	vmul.f32 v52, v6  }
0x1c4: {  	v10 =	vor.u32 $0x180, v10;
	[tilespmem:$0x1F4B0] =	vst v8;
	v8 =	vmul.f32 v53, v6  }
0x1c5: {  	[tilespmem:$0x1F4C0] =	vst v7;
	v7 =	vmul.f32 v54, v6  }
0x1c6: {  	[tilespmem:$0x1F4D0] =	vst v8;
	v6 =	vmul.f32 v56, v6  }
0x1c7: {  	[tilespmem:$0x1F4E0] =	vst v7  }
0x1c8: {  	[tilespmem:$0x1F4F0] =	vst v6  }
0x1c9: {  	[tilespmem:v10+s6+$0x0] =	vst.idx.add.f32.msk $0x1, v5  }
0x1ca: {  	v6 =	vld.idx.msk [tilespmem:v55+s25+$0x0], $0xffff  }
0x1cb: {  	v7 =	vld [tilespmem:$0x1F100]  }
0x1cc: {  	v8 =	vld [tilespmem:$0x1F110]  }
0x1cd: {  	v59 =	vld [tilespmem:$0x1F120]  }
0x1ce: {  	v10 =	vld [tilespmem:$0x1F130]  }
0x1cf: {  	v60 =	vld [tilespmem:$0x1F140]  }
0x1d0: {  	v61 =	vld [tilespmem:$0x1F150];
	v7 =	vmul.f32 v7, v6  }
0x1d1: {  	v62 =	vld [tilespmem:$0x1F160];
	v8 =	vmul.f32 v8, v6  }
0x1d2: {  	v63 =	vld [tilespmem:$0x1F170];
	[tilespmem:$0x1F500] =	vst v7;
	v7 =	vmul.f32 v59, v6  }
0x1d3: {  	[tilespmem:$0x1F510] =	vst v8;
	v8 =	vmul.f32 v10, v6  }
0x1d4: {  	[tilespmem:$0x1F520] =	vst v7;
	v7 =	vmul.f32 v60, v6  }
0x1d5: {  	[tilespmem:$0x1F530] =	vst v8;
	v8 =	vmul.f32 v61, v6  }
0x1d6: {  	[tilespmem:$0x1F540] =	vst v7;
	v7 =	vmul.f32 v62, v6  }
0x1d7: {  	s23 =	smul.u32 $0x1400, s22;
	[tilespmem:$0x1F550] =	vst v8;
	v6 =	vmul.f32 v63, v6  }
0x1d8: {  	s29 =	rddreg [dreg:$0x3];
	[tilespmem:$0x1F560] =	vst v7  }
0x1d9: {  	s1 =	sadd.s32 s29, s23;
	s4 =	sshll.u32 s22, $0x7;
	[tilespmem:$0x1F570] =	vst v6  }
0x1da: {  	[hbm4b:s1+s3] =	stream.strided.scatter [tilespmem:s6], [sflag:$0x5], $0x5000, s9, s3, $0x38;
	[tilespmem:$0x1F580] =	vst v63  }
0x1db: {  	s5 =	rddreg [dreg:$0x4];
	s1 =	sand.u32 $0x1FFFFF80, s4  }
0x1dc: {  	s22 =	simm.s32 $0x0;
	s1 =	sadd.s32 s5, s1  }
0x1dd: {  	[hbm4b:s1+s22] =	stream.linear.scatter [tilespmem:s10], [sflag:$0x5], $0x200, $0x38;
	[tilespmem:$0x1F580] =	vst v63  }
0x1de: {  	_ =	swait.ge [sflag:s11], $0x2780  }
0x1df: {  	[sflag:s11] =	ssyncset.done $0x0  }
0x1e0: {  	[sflag:s11] =	ssyncadd.s32 $0xFFFFD880  }
0x1e1: {  	_ =	swait.ge [sflag:s11], $0x2780  }
0x1e2: {  	[sflag:s11] =	ssyncset.done $0x0  }
0x1e3: {  	[sflag:s11] =	ssyncadd.s32 $0xFFFFD880  }
0x1e4: {  	_ =	swait.ge [sflag:s11], $0x2780  }
0x1e5: {  	[sflag:s11] =	ssyncset.done $0x0  }
0x1e6: {  	[sflag:s11] =	ssyncadd.s32 $0xFFFFD880  }
0x1e7: {  	_ =	swait.ge [sflag:s11], $0x2780  }
0x1e8: {  	[sflag:s11] =	ssyncset.done $0x0  }
0x1e9: {  	p1 =	slt.s32 s18, $0x4DF;
	[sflag:s11] =	ssyncadd.s32 $0xFFFFD880  }
0x1ea: {  	s18 =	simm.s32 @!p1 $0x4DF;
	_ =	swait.ge [sflag:s28], $0x200  }
0x1eb: {  	s23 =	sshll.u32 s18, $0x5;
	[sflag:s28] =	ssyncset.done $0x0  }
0x1ec: {  	s1 =	sshra.s32 s23, $0x2;
	[sflag:s28] =	ssyncadd.s32 $0xFFFFFE00  }
0x1ed: {  	v6 =	vld [tilespmem:s1+$0x2810];
	_ =	sdelay $0x4  }
0x1ee: {  	(v2sf) =	vpush v6, $0x0;
	_ =	sdelay $0xe  }
0x1ef: {  	s29 =	spop (v2sf)  }
0x1f0: {  	s5 =	sshrl.u32 s29, $0x3  }
0x1f1: {  	s4 =	sshll.u32 s29, $0x7;
	s5 =	smul.u32 $0x13C00, s5  }
0x1f2: {  	s4 =	sand.u32 $0x380, s4  }
0x1f3: {  	s4 =	sor.u32 s4, s5  }
0x1f4: {  	s5 =	sshrl.u32 s4, $0x3  }
0x1f5: {  	s18 =	simm.s32 $0x80;
	s5 =	sadd.s32 s0, s5  }
0x1f6: {  	s4 =	sadd.s32 $0x2810, s1;
	s1 =	simm.s32 $0x6580;
	s22 =	sadd.s32 $0x0, s5  }
.LBB2_29:
0x1f7: {  	[tilespmem:s14], [sflag:$0x1] =	stream.linear.gather [hbm4b:s22+s7], $0x80, $0x38;
	[tilespmem:$0x1F580] =	vst v63  }
0x1f8: {  	s22 =	smov.u32 s18;
	s14 =	smov.u32 s1;
	p1 =	sne.s32 s18, $0x2700  }
.Ltmp13:
0x1f9: {  	s18 =	sadd.s32 $0x80, s18;
	(pc) =	sbr.rel @p1 .LBB2_29-.Ltmp13, $2  }
0x1fa: {  	_ =	sdelay $0x2  }
0x1fb: {  	s1 =	sadd.s32 $0x200, s1;
	s22 =	sadd.s32 s22, s5  }
0x1fc: {  	(v2sf) =	vpush v6, $0x1;
	_ =	sdelay $0xd  }
0x1fd: {  	[tilespmem:s14], [sflag:$0x1] =	stream.linear.gather [hbm4b:s22+s7], $0x80, $0x38;
	[tilespmem:$0x1F580] =	vst v63  }
0x1fe: {  	s1 =	spop (v2sf)  }
0x1ff: {  	s5 =	sshrl.u32 s1, $0x3  }
0x200: {  	s1 =	sshll.u32 s1, $0x7;
	s5 =	smul.u32 $0x13C00, s5  }
0x201: {  	s1 =	sand.u32 $0x380, s1  }
0x202: {  	s1 =	sor.u32 s1, s5  }
0x203: {  	s1 =	sshrl.u32 s1, $0x3  }
0x204: {  	s14 =	simm.s32 $0x6400;
	s5 =	sadd.s32 s0, s1  }
0x205: {  	s18 =	simm.s32 $0x80;
	s1 =	simm.s32 $0x6600;
	s22 =	sadd.s32 $0x0, s5  }
.LBB2_31:
0x206: {  	[tilespmem:s14], [sflag:$0x1] =	stream.linear.gather [hbm4b:s22+s7], $0x80, $0x38;
	[tilespmem:$0x1F580] =	vst v63  }
0x207: {  	s22 =	smov.u32 s18;
	s14 =	smov.u32 s1;
	p1 =	sne.s32 s18, $0x2700  }
.Ltmp14:
0x208: {  	s18 =	sadd.s32 $0x80, s18;
	(pc) =	sbr.rel @p1 .LBB2_31-.Ltmp14, $2  }
0x209: {  	_ =	sdelay $0x2  }
0x20a: {  	s1 =	sadd.s32 $0x200, s1;
	s22 =	sadd.s32 s22, s5  }
0x20b: {  	(v2sf) =	vpush v6, $0x2;
	_ =	sdelay $0xd  }
0x20c: {  	[tilespmem:s14], [sflag:$0x1] =	stream.linear.gather [hbm4b:s22+s7], $0x80, $0x38;
	[tilespmem:$0x1F580] =	vst v63  }
0x20d: {  	s1 =	spop (v2sf)  }
0x20e: {  	s5 =	sshrl.u32 s1, $0x3  }
0x20f: {  	s1 =	sshll.u32 s1, $0x7;
	s5 =	smul.u32 $0x13C00, s5  }
0x210: {  	s1 =	sand.u32 $0x380, s1  }
0x211: {  	s1 =	sor.u32 s1, s5  }
0x212: {  	s1 =	sshrl.u32 s1, $0x3  }
0x213: {  	s14 =	simm.s32 $0x6480;
	s5 =	sadd.s32 s0, s1  }
0x214: {  	s18 =	simm.s32 $0x80;
	s1 =	simm.s32 $0x6680;
	s22 =	sadd.s32 $0x0, s5  }
.LBB2_33:
0x215: {  	[tilespmem:s14], [sflag:$0x1] =	stream.linear.gather [hbm4b:s22+s7], $0x80, $0x38;
	[tilespmem:$0x1F580] =	vst v63  }
0x216: {  	s22 =	smov.u32 s18;
	s14 =	smov.u32 s1;
	p1 =	sne.s32 s18, $0x2700  }
.Ltmp15:
0x217: {  	s18 =	sadd.s32 $0x80, s18;
	(pc) =	sbr.rel @p1 .LBB2_33-.Ltmp15, $2  }
0x218: {  	_ =	sdelay $0x2  }
0x219: {  	s1 =	sadd.s32 $0x200, s1;
	s22 =	sadd.s32 s22, s5  }
0x21a: {  	(v2sf) =	vpush v6, $0x3;
	_ =	sdelay $0xd  }
0x21b: {  	[tilespmem:s14], [sflag:$0x1] =	stream.linear.gather [hbm4b:s22+s7], $0x80, $0x38;
	[tilespmem:$0x1F580] =	vst v63  }
0x21c: {  	s1 =	spop (v2sf)  }
0x21d: {  	s5 =	sshrl.u32 s1, $0x3  }
0x21e: {  	s1 =	sshll.u32 s1, $0x7;
	s5 =	smul.u32 $0x13C00, s5  }
0x21f: {  	s1 =	sand.u32 $0x380, s1  }
0x220: {  	s1 =	sor.u32 s1, s5  }
0x221: {  	s1 =	sshrl.u32 s1, $0x3  }
0x222: {  	s14 =	simm.s32 $0x6500;
	s5 =	sadd.s32 s0, s1  }
0x223: {  	s18 =	simm.s32 $0x80;
	s1 =	simm.s32 $0x6700;
	s22 =	sadd.s32 $0x0, s5  }
.LBB2_35:
0x224: {  	[tilespmem:s14], [sflag:$0x1] =	stream.linear.gather [hbm4b:s22+s7], $0x80, $0x38;
	[tilespmem:$0x1F580] =	vst v63  }
0x225: {  	s22 =	smov.u32 s18;
	s14 =	smov.u32 s1;
	p1 =	sne.s32 s18, $0x2700  }
.Ltmp16:
0x226: {  	s18 =	sadd.s32 $0x80, s18;
	(pc) =	sbr.rel @p1 .LBB2_35-.Ltmp16, $2  }
0x227: {  	_ =	sdelay $0x2  }
0x228: {  	s1 =	sadd.s32 $0x200, s1;
	s22 =	sadd.s32 s22, s5  }
0x229: {  	[tilespmem:s14], [sflag:$0x1] =	stream.linear.gather [hbm4b:s22+s7], $0x80, $0x38;
	[tilespmem:$0x1F580] =	vst v63  }
0x22a: {  	s1 =	simm.s32 $0x1EF80  }
0x22b: {  	[tilespmem:s1], [sflag:$0x3] =	stream.indirect.gather [hbm4b:s2+s28], $0x80, s4, s28, $0xb8;
	[tilespmem:$0x1F580] =	vst v63  }
0x22c: {  	_ =	swait.ge [sflag:s12], $0x5000  }
0x22d: {  	[sflag:s12] =	ssyncset.done $0x0  }
0x22e: {  	[sflag:s12] =	ssyncadd.s32 $0xFFFFB000  }
0x22f: {  	_ =	swait.ge [sflag:s12], $0x200  }
0x230: {  	[sflag:s12] =	ssyncset.done $0x0  }
0x231: {  	s29 =	simm.s32 $0x1440;
	[sflag:s12] =	ssyncadd.s32 $0xFFFFFE00  }
0x232: {  	v6 =	vld [tilespmem:s29+$0xFFFFFFC0]  }
0x233: {  	v7 =	vld [tilespmem:s29+$0x10]  }
0x234: {  	v9 =	vld [tilespmem:s29+$0xFFFFFFE0]  }
0x235: {  	v8 =	vld [tilespmem:s29+$0x0];
	_ =	sdelay $0x1  }
0x236: {  	v12 =	vld [tilespmem:s29+$0x20]  }
0x237: {  	v13 =	vld [tilespmem:s29+$0xFFFFFFF0];
	v10 =	vshll.u32 v6, $0x2;
	v6 =	vand.u32 $0x7F, v6;
	v11 =	vshll.u32 v7, $0x2  }
0x238: {  	v7 =	vand.u32 $0x7F, v7;
	v15 =	vshll.u32 v9, $0x2;
	v10 =	vand.u32 $0xFFFFFE00, v10  }
0x239: {  	v14 =	vld [tilespmem:s29+$0xFFFFFFD0];
	v9 =	vand.u32 $0x7F, v9;
	v10 =	vor.u32 v6, v10;
	v6 =	vshll.u32 v8, $0x2  }
0x23a: {  	v11 =	vand.u32 $0xFFFFFE00, v11;
	v8 =	vand.u32 $0x7F, v8;
	v6 =	vand.u32 $0xFFFFFE00, v6  }
0x23b: {  	v11 =	vor.u32 v7, v11;
	v6 =	vor.u32 v8, v6;
	v8 =	vand.u32 $0xFFFFFE00, v15;
	v15 =	vld [tilespmem:s29+$0x30]  }
0x23c: {  	v17 =	vand.u32 $0x7F, v13;
	v8 =	vor.u32 v9, v8;
	v9 =	vshll.u32 v12, $0x2  }
0x23d: {  	v7 =	vand.u32 $0x7F, v12;
	v18 =	vor.u32 $0x80, v10;
	v9 =	vand.u32 $0xFFFFFE00, v9  }
0x23e: {  	v12 =	vshll.u32 v13, $0x2;
	v16 =	vld.idx.msk [tilespmem:v10+s13+$0x0], $0xffff;
	v7 =	vor.u32 v7, v9;
	v9 =	vshll.u32 v14, $0x2  }
0x23f: {  	v12 =	vand.u32 $0xFFFFFE00, v12;
	v14 =	vand.u32 $0x7F, v14;
	v9 =	vand.u32 $0xFFFFFE00, v9  }
0x240: {  	v12 =	vor.u32 v17, v12;
	v23 =	vld.idx.msk [tilespmem:v11+s13+$0x0], $0xffff;
	v13 =	vor.u32 v14, v9;
	v9 =	vshll.u32 v15, $0x2  }
0x241: {  	v19 =	vld.idx.msk [tilespmem:v6+s13+$0x0], $0xffff;
	v14 =	vand.u32 $0x7F, v15;
	v9 =	vand.u32 $0xFFFFFE00, v9  }
0x242: {  	s14 =	simm.s32 $0x1A080;
	v17 =	vld.idx.msk [tilespmem:v8+s13+$0x0], $0xffff;
	v9 =	vor.u32 v14, v9  }
0x243: {  	v26 =	vor.u32 $0x80, v6;
	[tilespmem:s14+$0xFFFFFF00] =	vst v16;
	v16 =	vld.idx.msk [tilespmem:v7+s13+$0x0], $0xffff  }
0x244: {  	v24 =	vld.idx.msk [tilespmem:v18+s13+$0x0], $0xffff;
	v18 =	vor.u32 $0x80, v11  }
0x245: {  	v21 =	vor.u32 $0x80, v8;
	v22 =	vld.idx.msk [tilespmem:v12+s13+$0x0], $0xffff  }
0x246: {  	s18 =	simm.s32 $0x0;
	s5 =	simm.s32 $0x1A080;
	s4 =	simm.s32 $0x14C0;
	v15 =	vor.u32 $0x80, v7;
	v20 =	vor.u32 $0x80, v13;
	v14 =	vor.u32 $0x80, v9;
	v25 =	vld.idx.msk [tilespmem:v13+s13+$0x0], $0xffff  }
.LBB2_37:
0x247: {  	s18 =	sadd.s32 $0x8, s18;
	[tilespmem:s14+$0xFFFFFF40] =	vst v19;
	v19 =	vld.idx.msk [tilespmem:v9+s13+$0x0], $0xffff;
	s5 =	sadd.s32 $0x200, s5  }
0x248: {  	p1 =	slt.u32 s18, $0x130;
	v26 =	vld.idx.msk [tilespmem:v26+s13+$0x0], $0xffff;
	[tilespmem:s14+$0xFFFFFF50] =	vst v23  }
0x249: {  	v23 =	vor.u32 $0x100, v10;
	v18 =	vld.idx.msk [tilespmem:v18+s13+$0x0], $0xffff  }
0x24a: {  	v27 =	vld [tilespmem:s4+$0x10];
	[tilespmem:s14+$0xFFFFFF80] =	vst v24  }
0x24b: {  	v24 =	vld [tilespmem:s4+$0xFFFFFFE0];
	[tilespmem:s14+$0xFFFFFF10] =	vst v25;
	v25 =	vor.u32 $0x80, v12  }
0x24c: {  	v20 =	vld.idx.msk [tilespmem:v20+s13+$0x0], $0xffff;
	[tilespmem:s14+$0xFFFFFF20] =	vst v17  }
0x24d: {  	v17 =	vld.idx.msk [tilespmem:v21+s13+$0x0], $0xffff;
	[tilespmem:s14+$0xFFFFFF70] =	vst v19  }
0x24e: {  	v19 =	vld.idx.msk [tilespmem:v23+s13+$0x0], $0xffff;
	[tilespmem:s14+$0xFFFFFFC0] =	vst v26  }
0x24f: {  	v21 =	vld [tilespmem:s4+$0xFFFFFFF0];
	[tilespmem:s14+$0xFFFFFF30] =	vst v22  }
0x250: {  	v22 =	vld.idx.msk [tilespmem:v25+s13+$0x0], $0xffff;
	[tilespmem:s14+$0xFFFFFFD0] =	vst v18  }
0x251: {  	v18 =	vld [tilespmem:s4+$0xFFFFFFC0];
	[tilespmem:s14+$0xFFFFFF60] =	vst v16  }
0x252: {  	[tilespmem:s14+$0xFFFFFF90] =	vst v20;
	v14 =	vld.idx.msk [tilespmem:v14+s13+$0x0], $0xffff  }
0x253: {  	v16 =	vld [tilespmem:s4+$0x20];
	[tilespmem:s14+$0xFFFFFFA0] =	vst v17;
	v17 =	vor.u32 $0x100, v11  }
0x254: {  	v20 =	vld [tilespmem:s4+$0x30];
	[tilespmem:s14+$0x0] =	vst v19;
	v19 =	vor.u32 $0x100, v13  }
0x255: {  	v25 =	vor.u32 $0x100, v12;
	v23 =	vld [tilespmem:s4+$0xFFFFFFD0]  }
0x256: {  	v26 =	vor.u32 $0x180, v10;
	[tilespmem:s14+$0xFFFFFFB0] =	vst v22;
	v15 =	vld.idx.msk [tilespmem:v15+s13+$0x0], $0xffff  }
0x257: {  	v28 =	vor.u32 $0x100, v8;
	v29 =	vor.u32 $0x180, v11;
	v11 =	vor.u32 $0x100, v7;
	v22 =	vld [tilespmem:s4+$0x0]  }
0x258: {  	v30 =	vor.u32 $0x100, v6;
	v10 =	vshll.u32 v18, $0x2;
	v17 =	vld.idx.msk [tilespmem:v17+s13+$0x0], $0xffff;
	[tilespmem:s14+$0xFFFFFFF0] =	vst v14;
	v14 =	vor.u32 $0x100, v9  }
0x259: {  	v10 =	vand.u32 $0xFFFFFE00, v10;
	v31 =	vand.u32 $0x7F, v20;
	v20 =	vshll.u32 v20, $0x2;
	v19 =	vld.idx.msk [tilespmem:v19+s13+$0x0], $0xffff  }
0x25a: {  	v12 =	vor.u32 $0x180, v12;
	v18 =	vand.u32 $0x7F, v18;
	v20 =	vand.u32 $0xFFFFFE00, v20;
	v25 =	vld.idx.msk [tilespmem:v25+s13+$0x0], $0xffff  }
0x25b: {  	v13 =	vor.u32 $0x180, v13;
	v10 =	vor.u32 v18, v10;
	v18 =	vshll.u32 v27, $0x2;
	v26 =	vld.idx.msk [tilespmem:v26+s13+$0x0], $0xffff  }
0x25c: {  	v32 =	vshll.u32 v21, $0x2;
	v20 =	vor.u32 v31, v20;
	v33 =	vshll.u32 v22, $0x2;
	v28 =	vld.idx.msk [tilespmem:v28+s13+$0x0], $0xffff;
	[tilespmem:s14+$0xFFFFFFE0] =	vst v15  }
0x25d: {  	v27 =	vand.u32 $0x7F, v27;
	v15 =	vand.u32 $0xFFFFFE00, v32;
	v22 =	vand.u32 $0x7F, v22;
	v31 =	vld.idx.msk [tilespmem:v11+s13+$0x0], $0xffff  }
0x25e: {  	v18 =	vand.u32 $0xFFFFFE00, v18;
	v32 =	vor.u32 $0x180, v8;
	v11 =	vand.u32 $0xFFFFFE00, v33;
	[tilespmem:s14+$0x50] =	vst v17;
	v14 =	vld.idx.msk [tilespmem:v14+s13+$0x0], $0xffff  }
0x25f: {  	v8 =	vshll.u32 v24, $0x2;
	v17 =	vor.u32 v22, v11;
	v11 =	vor.u32 v27, v18;
	[tilespmem:s14+$0x10] =	vst v19;
	v18 =	vld.idx.msk [tilespmem:v30+s13+$0x0], $0xffff  }
0x260: {  	v8 =	vand.u32 $0xFFFFFE00, v8;
	v19 =	vor.u32 $0x180, v9;
	v9 =	vmov v20;
	v13 =	vld.idx.msk [tilespmem:v13+s13+$0x0], $0xffff;
	[tilespmem:s14+$0x30] =	vst v25  }
0x261: {  	v20 =	vand.u32 $0x7F, v24;
	v24 =	vor.u32 $0x180, v6;
	v6 =	vmovc v17;
	v25 =	vor.u32 $0x180, v7;
	[tilespmem:s14+$0x80] =	vst v26;
	v22 =	vld.idx.msk [tilespmem:v12+s13+$0x0], $0xffff  }
0x262: {  	v27 =	vor.u32 $0x80, v10;
	v8 =	vor.u32 v20, v8;
	v7 =	vand.u32 $0x7F, v21;
	[tilespmem:s14+$0x20] =	vst v28;
	v17 =	vld.idx.msk [tilespmem:v29+s13+$0x0], $0xffff  }
0x263: {  	v12 =	vor.u32 v7, v15;
	v7 =	vshll.u32 v16, $0x2;
	v15 =	vld.idx.msk [tilespmem:v32+s13+$0x0], $0xffff;
	[tilespmem:s14+$0x60] =	vst v31  }
0x264: {  	v16 =	vand.u32 $0x7F, v16;
	v7 =	vand.u32 $0xFFFFFE00, v7;
	v21 =	vld.idx.msk [tilespmem:v10+s13+$0x0], $0xffff;
	[tilespmem:s14+$0x70] =	vst v14  }
0x265: {  	v7 =	vor.u32 v16, v7;
	[tilespmem:s14+$0x40] =	vst v18;
	v28 =	vld.idx.msk [tilespmem:v19+s13+$0x0], $0xffff  }
0x266: {  	v14 =	vshll.u32 v23, $0x2;
	v18 =	vor.u32 $0x80, v11;
	v19 =	vld.idx.msk [tilespmem:v6+s13+$0x0], $0xffff;
	[tilespmem:s14+$0x90] =	vst v13  }
0x267: {  	v16 =	vand.u32 $0xFFFFFE00, v14;
	v14 =	vor.u32 $0x80, v9;
	v13 =	vand.u32 $0x7F, v23;
	[tilespmem:s14+$0xB0] =	vst v22;
	v22 =	vld.idx.msk [tilespmem:v24+s13+$0x0], $0xffff  }
0x268: {  	v13 =	vor.u32 v13, v16;
	[tilespmem:s14+$0xD0] =	vst v17;
	v29 =	vld.idx.msk [tilespmem:v25+s13+$0x0], $0xffff  }
0x269: {  	v20 =	vor.u32 $0x80, v13;
	v17 =	vld.idx.msk [tilespmem:v8+s13+$0x0], $0xffff  }
.Ltmp17:
0x26a: {  	[tilespmem:s5+$0xFFFFFF00] =	vst v21;
	v21 =	vor.u32 $0x80, v8;
	v23 =	vld.idx.msk [tilespmem:v11+s13+$0x0], $0xffff;
	(pc) =	sbr.rel @p1 .LBB2_37-.Ltmp17, $4  }
0x26b: {  	v26 =	vor.u32 $0x80, v6;
	v16 =	vld.idx.msk [tilespmem:v7+s13+$0x0], $0xffff;
	[tilespmem:s14+$0xF0] =	vst v28  }
0x26c: {  	v24 =	vld.idx.msk [tilespmem:v27+s13+$0x0], $0xffff;
	[tilespmem:s14+$0xA0] =	vst v15  }
0x26d: {  	v25 =	vld.idx.msk [tilespmem:v13+s13+$0x0], $0xffff;
	[tilespmem:s14+$0xC0] =	vst v22  }
0x26e: {  	s4 =	sadd.s32 $0x80, s4;
	v15 =	vor.u32 $0x80, v7;
	v22 =	vld.idx.msk [tilespmem:v12+s13+$0x0], $0xffff;
	[tilespmem:s14+$0xE0] =	vst v29;
	s14 =	smov.u32 s5  }
0x26f: {  	_ =	sdelay $0x1  }
0x270: {  	[tilespmem:s14+$0xFFFFFF40] =	vst v19  }
0x271: {  	[tilespmem:s14+$0xFFFFFF50] =	vst v23  }
0x272: {  	v37 =	vld.idx.msk [tilespmem:v9+s13+$0x0], $0xffff;
	[tilespmem:s14+$0xFFFFFF20] =	vst v17  }
0x273: {  	v39 =	vor.u32 $0x80, v12;
	v38 =	vld.idx.msk [tilespmem:v26+s13+$0x0], $0xffff;
	[tilespmem:s14+$0xFFFFFF60] =	vst v16  }
0x274: {  	v40 =	vor.u32 $0x100, v10;
	v18 =	vld.idx.msk [tilespmem:v18+s13+$0x0], $0xffff;
	[tilespmem:s14+$0xFFFFFF80] =	vst v24  }
0x275: {  	v42 =	vld.idx.msk [tilespmem:v21+s13+$0x0], $0xffff;
	[tilespmem:s14+$0xFFFFFF10] =	vst v25  }
0x276: {  	v43 =	vor.u32 $0x100, v11;
	v15 =	vld.idx.msk [tilespmem:v15+s13+$0x0], $0xffff;
	[tilespmem:s14+$0xFFFFFF30] =	vst v22  }
0x277: {  	v49 =	vor.u32 $0x100, v8;
	v41 =	vld.idx.msk [tilespmem:v20+s13+$0x0], $0xffff;
	[tilespmem:s14+$0xFFFFFF70] =	vst v37  }
0x278: {  	v54 =	vor.u32 $0x100, v6;
	v44 =	vld.idx.msk [tilespmem:v39+s13+$0x0], $0xffff;
	[tilespmem:s14+$0xFFFFFFC0] =	vst v38  }
0x279: {  	v52 =	vor.u32 $0x100, v7;
	v46 =	vld.idx.msk [tilespmem:v40+s13+$0x0], $0xffff;
	[tilespmem:s14+$0xFFFFFFD0] =	vst v18  }
0x27a: {  	v45 =	vor.u32 $0x100, v13;
	v14 =	vld.idx.msk [tilespmem:v14+s13+$0x0], $0xffff;
	[tilespmem:s14+$0xFFFFFFA0] =	vst v42  }
0x27b: {  	v47 =	vor.u32 $0x100, v12;
	v50 =	vld.idx.msk [tilespmem:v43+s13+$0x0], $0xffff;
	[tilespmem:s14+$0xFFFFFFE0] =	vst v15  }
0x27c: {  	v48 =	vor.u32 $0x180, v10;
	v57 =	vld.idx.msk [tilespmem:v49+s13+$0x0], $0xffff;
	[tilespmem:s14+$0xFFFFFF90] =	vst v41  }
0x27d: {  	v51 =	vor.u32 $0x100, v9;
	v63 =	vld.idx.msk [tilespmem:v54+s13+$0x0], $0xffff;
	[tilespmem:s14+$0xFFFFFFB0] =	vst v44  }
0x27e: {  	v58 =	vor.u32 $0x180, v11;
	v60 =	vld.idx.msk [tilespmem:v52+s13+$0x0], $0xffff;
	[tilespmem:s14+$0x0] =	vst v46  }
0x27f: {  	v62 =	vor.u32 $0x180, v8;
	v53 =	vld.idx.msk [tilespmem:v45+s13+$0x0], $0xffff;
	[tilespmem:s14+$0xFFFFFFF0] =	vst v14  }
0x280: {  	v6 =	vor.u32 $0x180, v6;
	v18 =	vld.idx.msk [tilespmem:v47+s13+$0x0], $0xffff;
	[tilespmem:s14+$0x50] =	vst v50  }
0x281: {  	v7 =	vor.u32 $0x180, v7;
	v10 =	vld.idx.msk [tilespmem:v48+s13+$0x0], $0xffff;
	[tilespmem:s14+$0x20] =	vst v57  }
0x282: {  	v55 =	vor.u32 $0x180, v13;
	v59 =	vld.idx.msk [tilespmem:v51+s13+$0x0], $0xffff;
	[tilespmem:s14+$0x40] =	vst v63  }
0x283: {  	v56 =	vor.u32 $0x180, v12;
	v11 =	vld.idx.msk [tilespmem:v58+s13+$0x0], $0xffff;
	[tilespmem:s14+$0x60] =	vst v60  }
0x284: {  	v61 =	vor.u32 $0x180, v9;
	v8 =	vld.idx.msk [tilespmem:v62+s13+$0x0], $0xffff;
	[tilespmem:s14+$0x10] =	vst v53  }
0x285: {  	v6 =	vld.idx.msk [tilespmem:v6+s13+$0x0], $0xffff;
	[tilespmem:s14+$0x30] =	vst v18  }
0x286: {  	v7 =	vld.idx.msk [tilespmem:v7+s13+$0x0], $0xffff;
	[tilespmem:s14+$0x80] =	vst v10  }
0x287: {  	v13 =	vld.idx.msk [tilespmem:v55+s13+$0x0], $0xffff;
	[tilespmem:s14+$0x70] =	vst v59  }
0x288: {  	v20 =	vld.idx.msk [tilespmem:v56+s13+$0x0], $0xffff;
	[tilespmem:s14+$0xD0] =	vst v11  }
0x289: {  	v9 =	vld.idx.msk [tilespmem:v61+s13+$0x0], $0xffff;
	[tilespmem:s14+$0xA0] =	vst v8  }
0x28a: {  	[tilespmem:s14+$0xC0] =	vst v6  }
0x28b: {  	[tilespmem:s14+$0xE0] =	vst v7  }
0x28c: {  	[tilespmem:s14+$0x90] =	vst v13  }
0x28d: {  	[tilespmem:s14+$0xB0] =	vst v20  }
0x28e: {  	[tilespmem:s14+$0xF0] =	vst v9  }
0x28f: {  	v6 =	vld [tilespmem:$0x2780];
	_ =	sdelay $0x4  }
0x290: {  	v7 =	vshll.u32 v6, $0x2  }
0x291: {  	v6 =	vand.u32 $0x7F, v6;
	v7 =	vand.u32 $0xFFFFFE00, v7  }
0x292: {  	v6 =	vor.u32 v6, v7;
	_ =	sdelay $0x4  }
0x293: {  	v7 =	vld.idx.msk [tilespmem:v6+s13+$0x0], $0xffff  }
0x294: {  	v21 =	vor.u32 $0x80, v6;
	_ =	sdelay $0x3  }
0x295: {  	[tilespmem:v1+s6+$0x0] =	vst.idx.msk $0xff, v7  }
0x296: {  	v7 =	vld.idx.msk [tilespmem:v21+s13+$0x0], $0xffff  }
0x297: {  	v22 =	vor.u32 $0x100, v6;
	_ =	sdelay $0x3  }
0x298: {  	[tilespmem:v2+s6+$0x0] =	vst.idx.msk $0xff, v7  }
0x299: {  	v7 =	vld.idx.msk [tilespmem:v22+s13+$0x0], $0xffff  }
0x29a: {  	v6 =	vor.u32 $0x180, v6;
	_ =	sdelay $0x1  }
0x29b: {  	s4 =	sshll.u32 s19, $0x2  }
0x29c: {  	v23 =	vmov s4  }
0x29d: {  	[tilespmem:v3+s6+$0x0] =	vst.idx.msk $0xff, v7;
	v7 =	vshll.u32 v23, $0x2  }
0x29e: {  	v24 =	vand.u32 $0x7C, v23;
	v6 =	vld.idx.msk [tilespmem:v6+s13+$0x0], $0xffff;
	v7 =	vand.u32 $0xFFFFFE00, v7  }
0x29f: {  	v7 =	vor.u32 v24, v7;
	_ =	sdelay $0x3  }
0x2a0: {  	[tilespmem:v4+s6+$0x0] =	vst.idx.msk $0xff, v6  }
0x2a1: {  	[tilespmem:v7+s6+$0x0] =	vst.idx.add.f32.msk $0x1, v5  }
0x2a2: {  	v6 =	vld.idx.msk [tilespmem:v23+s25+$0x0], $0xffff  }
0x2a3: {  	v7 =	vld [tilespmem:$0x1F180]  }
0x2a4: {  	v25 =	vld [tilespmem:$0x1F190]  }
0x2a5: {  	v26 =	vld [tilespmem:$0x1F1A0]  }
0x2a6: {  	v10 =	vld [tilespmem:$0x1F1B0]  }
0x2a7: {  	v11 =	vld [tilespmem:$0x1F1C0]  }
0x2a8: {  	s1 =	sor.u32 $0x1, s4;
	v27 =	vld [tilespmem:$0x1F1D0];
	v7 =	vmul.f32 v7, v6  }
0x2a9: {  	v28 =	vmov s1;
	v13 =	vld [tilespmem:$0x1F1E0];
	v8 =	vmul.f32 v25, v6  }
0x2aa: {  	v30 =	vshll.u32 v28, $0x2;
	v29 =	vld [tilespmem:$0x1F1F0];
	[tilespmem:$0x1F380] =	vst v7;
	v7 =	vmul.f32 v26, v6  }
0x2ab: {  	v32 =	vand.u32 $0x7D, v28;
	v15 =	vand.u32 $0xFFFFFE00, v30;
	v31 =	vmul.f32 v10, v6;
	[tilespmem:$0x1F390] =	vst v8  }
0x2ac: {  	v10 =	vor.u32 v15, v32;
	[tilespmem:$0x1F3A0] =	vst v7;
	v7 =	vmul.f32 v11, v6  }
0x2ad: {  	v33 =	vmul.f32 v27, v6;
	v10 =	vor.u32 $0x80, v10;
	[tilespmem:$0x1F3B0] =	vst v31  }
0x2ae: {  	[tilespmem:$0x1F3C0] =	vst v7;
	v7 =	vmul.f32 v13, v6  }
0x2af: {  	[tilespmem:$0x1F3D0] =	vst v33;
	v6 =	vmul.f32 v29, v6  }
0x2b0: {  	[tilespmem:$0x1F3E0] =	vst v7  }
0x2b1: {  	[tilespmem:$0x1F3F0] =	vst v6  }
0x2b2: {  	[tilespmem:v10+s6+$0x0] =	vst.idx.add.f32.msk $0x1, v5  }
0x2b3: {  	v6 =	vld.idx.msk [tilespmem:v28+s25+$0x0], $0xffff  }
0x2b4: {  	v7 =	vld [tilespmem:$0x1F200]  }
0x2b5: {  	v34 =	vld [tilespmem:$0x1F210]  }
0x2b6: {  	v35 =	vld [tilespmem:$0x1F220]  }
0x2b7: {  	v10 =	vld [tilespmem:$0x1F230]  }
0x2b8: {  	v36 =	vld [tilespmem:$0x1F240]  }
0x2b9: {  	s22 =	sor.u32 $0x2, s4;
	v37 =	vld [tilespmem:$0x1F250];
	v7 =	vmul.f32 v7, v6  }
0x2ba: {  	v39 =	vmov s22;
	v38 =	vld [tilespmem:$0x1F260];
	v8 =	vmul.f32 v34, v6  }
0x2bb: {  	v41 =	vshll.u32 v39, $0x2;
	v40 =	vld [tilespmem:$0x1F270];
	[tilespmem:$0x1F400] =	vst v7;
	v7 =	vmul.f32 v35, v6  }
0x2bc: {  	v43 =	vand.u32 $0x7E, v39;
	v15 =	vand.u32 $0xFFFFFE00, v41;
	v42 =	vmul.f32 v10, v6;
	[tilespmem:$0x1F410] =	vst v8  }
0x2bd: {  	v10 =	vor.u32 v15, v43;
	[tilespmem:$0x1F420] =	vst v7;
	v7 =	vmul.f32 v36, v6  }
0x2be: {  	v44 =	vmul.f32 v37, v6;
	v10 =	vor.u32 $0x100, v10;
	[tilespmem:$0x1F430] =	vst v42  }
0x2bf: {  	[tilespmem:$0x1F440] =	vst v7;
	v7 =	vmul.f32 v38, v6  }
0x2c0: {  	[tilespmem:$0x1F450] =	vst v44;
	v6 =	vmul.f32 v40, v6  }
0x2c1: {  	[tilespmem:$0x1F460] =	vst v7  }
0x2c2: {  	[tilespmem:$0x1F470] =	vst v6  }
0x2c3: {  	[tilespmem:v10+s6+$0x0] =	vst.idx.add.f32.msk $0x1, v5  }
0x2c4: {  	v6 =	vld.idx.msk [tilespmem:v39+s25+$0x0], $0xffff  }
0x2c5: {  	v7 =	vld [tilespmem:$0x1F280]  }
0x2c6: {  	v45 =	vld [tilespmem:$0x1F290]  }
0x2c7: {  	v46 =	vld [tilespmem:$0x1F2A0]  }
0x2c8: {  	v10 =	vld [tilespmem:$0x1F2B0]  }
0x2c9: {  	v47 =	vld [tilespmem:$0x1F2C0]  }
0x2ca: {  	s23 =	sshllo.u32 s19, $0x2;
	v48 =	vld [tilespmem:$0x1F2D0];
	v7 =	vmul.f32 v7, v6  }
0x2cb: {  	v50 =	vmov s23;
	v49 =	vld [tilespmem:$0x1F2E0];
	v8 =	vmul.f32 v45, v6  }
0x2cc: {  	v52 =	vshll.u32 v50, $0x2;
	v51 =	vld [tilespmem:$0x1F2F0];
	[tilespmem:$0x1F480] =	vst v7;
	v7 =	vmul.f32 v46, v6  }
0x2cd: {  	v54 =	vand.u32 $0x7F, v50;
	v15 =	vand.u32 $0xFFFFFE00, v52;
	v53 =	vmul.f32 v10, v6;
	[tilespmem:$0x1F490] =	vst v8  }
0x2ce: {  	v10 =	vor.u32 v15, v54;
	[tilespmem:$0x1F4A0] =	vst v7;
	v7 =	vmul.f32 v47, v6  }
0x2cf: {  	v55 =	vmul.f32 v48, v6;
	v10 =	vor.u32 $0x180, v10;
	[tilespmem:$0x1F4B0] =	vst v53  }
0x2d0: {  	[tilespmem:$0x1F4C0] =	vst v7;
	v7 =	vmul.f32 v49, v6  }
0x2d1: {  	[tilespmem:$0x1F4D0] =	vst v55;
	v6 =	vmul.f32 v51, v6  }
0x2d2: {  	[tilespmem:$0x1F4E0] =	vst v7  }
0x2d3: {  	[tilespmem:$0x1F4F0] =	vst v6  }
0x2d4: {  	[tilespmem:v10+s6+$0x0] =	vst.idx.add.f32.msk $0x1, v5  }
0x2d5: {  	v6 =	vld.idx.msk [tilespmem:v50+s25+$0x0], $0xffff  }
0x2d6: {  	v7 =	vld [tilespmem:$0x1F300]  }
0x2d7: {  	v56 =	vld [tilespmem:$0x1F310]  }
0x2d8: {  	v57 =	vld [tilespmem:$0x1F320]  }
0x2d9: {  	v10 =	vld [tilespmem:$0x1F330]  }
0x2da: {  	v58 =	vld [tilespmem:$0x1F340]  }
0x2db: {  	v59 =	vld [tilespmem:$0x1F350];
	v7 =	vmul.f32 v7, v6  }
0x2dc: {  	v60 =	vld [tilespmem:$0x1F360];
	v8 =	vmul.f32 v56, v6  }
0x2dd: {  	v61 =	vld [tilespmem:$0x1F370];
	[tilespmem:$0x1F500] =	vst v7;
	v7 =	vmul.f32 v57, v6  }
0x2de: {  	v62 =	vmul.f32 v10, v6;
	[tilespmem:$0x1F510] =	vst v8  }
0x2df: {  	[tilespmem:$0x1F520] =	vst v7;
	v7 =	vmul.f32 v58, v6  }
0x2e0: {  	v63 =	vmul.f32 v59, v6;
	[tilespmem:$0x1F530] =	vst v62  }
0x2e1: {  	s15 =	sadd.s32 $0x1, s15;
	s29 =	sshrl.u32 s4, $0x3;
	[tilespmem:$0x1F540] =	vst v7;
	v7 =	vmul.f32 v60, v6  }
0x2e2: {  	p1 =	sne.s32 s15, s17;
	s4 =	smul.u32 $0x1400, s29;
	[tilespmem:$0x1F550] =	vst v63;
	v6 =	vmul.f32 v61, v6  }
.Ltmp18:
0x2e3: {  	[tilespmem:$0x1F560] =	vst v7;
	(pc) =	sbr.rel @p1 .LBB2_18-.Ltmp18, $4  }
0x2e4: {  	s1 =	sshll.u32 s29, $0x7;
	s4 =	sadd.s32 s4, s20;
	[tilespmem:$0x1F570] =	vst v6  }
0x2e5: {  	[hbm4b:s4+s3] =	stream.strided.scatter [tilespmem:s6], [sflag:$0x5], $0x5000, s9, s3, $0x38;
	[tilespmem:$0x1F580] =	vst v63  }
0x2e6: {  	s1 =	sadd.s32 s1, s21  }
0x2e7: {  	[hbm4b:s1+s7] =	stream.linear.scatter [tilespmem:s10], [sflag:$0x5], $0x200, $0x38;
	[tilespmem:$0x1F580] =	vst v63  }
0x2e8: {  	_ =	swait.ge [sflag:s30], $0x2780  }
0x2e9: {  	[sflag:s30] =	ssyncset.done $0x0  }
0x2ea: {  	[sflag:s30] =	ssyncadd.s32 $0xFFFFD880  }
0x2eb: {  	_ =	swait.ge [sflag:s30], $0x2780  }
0x2ec: {  	[sflag:s30] =	ssyncset.done $0x0  }
0x2ed: {  	[sflag:s30] =	ssyncadd.s32 $0xFFFFD880  }
0x2ee: {  	_ =	swait.ge [sflag:s30], $0x2780  }
0x2ef: {  	[sflag:s30] =	ssyncset.done $0x0  }
0x2f0: {  	[sflag:s30] =	ssyncadd.s32 $0xFFFFD880  }
0x2f1: {  	_ =	swait.ge [sflag:s30], $0x2780  }
0x2f2: {  	[sflag:s30] =	ssyncset.done $0x0  }
0x2f3: {  	[sflag:s30] =	ssyncadd.s32 $0xFFFFD880  }
0x2f4: {  	_ =	swait.ge [sflag:s31], $0x200  }
0x2f5: {  	[sflag:s31] =	ssyncset.done $0x0  }
0x2f6: {  	[sflag:s31] =	ssyncadd.s32 $0xFFFFFE00  }
0x2f7: {  	_ =	swait.ge [sflag:s12], $0x5000  }
0x2f8: {  	[sflag:s12] =	ssyncset.done $0x0  }
0x2f9: {  	[sflag:s12] =	ssyncadd.s32 $0xFFFFB000  }
0x2fa: {  	_ =	swait.ge [sflag:s12], $0x200  }
0x2fb: {  	s4 =	rddreg [dreg:$0x11]  }
0x2fc: {  	s1 =	rddreg [dreg:$0x10];
	s4 =	sadd.s32 $0x1, s4  }
0x2fd: {  	p1 =	sne.s32 s4, s1  }
.Ltmp19:
0x2fe: {  	_ = 	snop;
	(pc) =	sbr.rel @p1 .LBB2_1-.Ltmp19, $3  }
0x2ff: {  	_ =	sdelay $0x1  }
0x300: {  	[sflag:s12] =	ssyncset.done $0x0  }
0x301: {  	s15 =	simm.s32 $0x6;
	[sflag:s12] =	ssyncadd.s32 $0xFFFFFE00  }
0x302: {  	_ =	sfence.sel $0x180000  }
0x303: {  	[bflag:$0x0] =	sbarrier.arrive $0xFFFF  }
0x304: {  	_ =	strace $0x90000047  }
0x305: {  	s0 =	stileid.u32;
	[bflag:$0x2] =	sbarrier.arrive $0xFFFF  }
0x306: {  	p0 =	sne.s32 s0, $0x0;
	s0 =	rddreg [dreg:$0x6]  }
0x307: {  	s0 =	sadd.s32 @!p0 $0x100000, s0  }
0x308: {  	[sflag:s0] =	ssyncadd.tile.s32 @!p0 $0x1;
	_ =	shalt  }
.Lfunc_end2:
_tile_overlayer_lowered:
.L_overlay_start_2:
0x309: {  	(tag) =	ssettag $0x2  }
0x30a: {  	s0 =	rddreg [dreg:$0x0];
	s2 =	stileid.u32  }
0x30b: {  	s1 =	rddreg [dreg:$0x1];
	p0 =	sne.s32 s2, $0x0  }
0x30c: {  	s3 =	rddreg [dreg:$0x2];
	[bflag:$0x3] =	sbarrier.arrive $0xFFFF;
	s2 =	simm.s32 @!p0 $0x1C06  }
0x30d: {  	[timem:s3], [sflag:s2] =	dma.local @!p0 [hbm:s0], s1  }
0x30e: {  	s0 =	simm.s32 @!p0 $0x6  }
0x30f: {  	_ =	swait.ge @!p0 [sflag:s0], s1  }
0x310: {  	s1 =	ssub.s32 @!p0 $0x0, s1;
	[sflag:s0] =	ssyncset.done @!p0 $0x0  }
0x311: {  	[sflag:s0] =	ssyncadd.s32 @!p0 s1  }
0x312: {  	[bflag:$0x3] =	sbarrier.arrive $0xFFFF  }
0x313: {  	_ =	shalt  }

</sc_bundles>
